<compile_context>
chip_gen: v7x
topology: tpu7x:2x2x1
jax: 0.10.2.dev20260603
libtpu: 0.0.44.dev20260713+nightly
codegen_flags: <defaults>
</compile_context>

<pallas_src>
import functools

import jax
import jax.numpy as jnp
from jax import lax
from jax.experimental import pallas as pl
from jax.experimental.pallas import tpu as pltpu
from jax.experimental.pallas import tpu_sc as plsc

N_PAD = 10240
TILES = 16
NW = 2 * TILES
WIN = N_PAD // TILES
ACC_ROWS = WIN + 8
K = 128
IDXBLK = 2048
SUBV = IDXBLK // 16
STAGE = 272
BLK = 1024
GRID = N_PAD // BLK
H = 128
G = 64

_SC_PARAMS = pltpu.CompilerParams(needs_layout_passes=False)
_MESH = dict(core_axis_name="c", subcore_axis_name="s")


def _sc_route(src1, dst1, ehalf, nblk):
  mesh = plsc.VectorSubcoreMesh(**_MESH)

  @functools.partial(
      pl.kernel,
      mesh=mesh,
      out_type=(
          jax.ShapeDtypeStruct((2 * N_PAD, 16), jnp.float32),
          jax.ShapeDtypeStruct((NW * ehalf,), jnp.int32),
          jax.ShapeDtypeStruct((NW * ehalf,), jnp.int32),
          jax.ShapeDtypeStruct((NW * 16,), jnp.int32),
      ),
      scratch_types=[
          pltpu.VMEM((IDXBLK,), jnp.int32),
          pltpu.VMEM((IDXBLK,), jnp.int32),
          pltpu.VMEM((STAGE,), jnp.int32),
          pltpu.VMEM((STAGE,), jnp.int32),
          pltpu.VMEM((1, K), jnp.int32),
          pltpu.VMEM((1, K), jnp.int32),
          pltpu.VMEM((K, 16), jnp.float32),
          pltpu.VMEM((64, 16), jnp.float32),
          pltpu.VMEM((16,), jnp.int32),
          pltpu.VMEM_SHARED((ACC_ROWS, 16), jnp.float32),
      ],
      compiler_params=_SC_PARAMS,
  )
  def route_kernel(src_hbm, dst_hbm, deg_hbm, slist_hbm, dlist_hbm,
                   counts_hbm, dbig, sbig, stage_d, stage_s, fire_d, fire_s,
                   ones_v, zbuf, cbuf, acc):
    c = lax.axis_index("c")
    s = lax.axis_index("s")
    wid = c * TILES + s
    base = s * WIN
    lbase = wid * ehalf
    zero16 = jnp.zeros((16,), jnp.float32)
    lane = lax.iota(jnp.int32, 16)
    e1 = jnp.where(lane == 0, 1.0, 0.0).astype(jnp.float32)

    def initrow(r, carry):
      zbuf[r, :] = zero16
      return carry

    lax.fori_loop(0, 64, initrow, 0)

    def orow(r, carry):
      ones_v[r, :] = e1
      return carry

    lax.fori_loop(0, K, orow, 0)

    def zacc(i, carry):
      pltpu.sync_copy(zbuf, acc.at[pl.ds(i * 64, 64)])
      return carry

    lax.fori_loop(0, WIN // 64, zacc, 0)

    def fire_copy():
      for k in range(K // 16):
        fire_d[0, pl.ds(k * 16, 16)] = stage_d[pl.ds(k * 16, 16)]
      for k in range(K // 16):
        stage_d[pl.ds(k * 16, 16)] = stage_d[pl.ds(K + k * 16, 16)]
      for k in range(K // 16):
        fire_s[0, pl.ds(k * 16, 16)] = stage_s[pl.ds(k * 16, 16)]
      for k in range(K // 16):
        stage_s[pl.ds(k * 16, 16)] = stage_s[pl.ds(K + k * 16, 16)]

    def fire_out(nf):
      pltpu.sync_copy(ones_v, acc.at[fire_d.at[0]], add=True)
      pltpu.sync_copy(fire_s.at[0], slist_hbm.at[pl.ds(lbase + nf * K, K)])
      pltpu.sync_copy(fire_d.at[0], dlist_hbm.at[pl.ds(lbase + nf * K, K)])

    def blk_body(g, carry):
      off = c * ehalf + g * IDXBLK
      pltpu.sync_copy(dst_hbm.at[pl.ds(off, IDXBLK)], dbig)
      pltpu.sync_copy(src_hbm.at[pl.ds(off, IDXBLK)], sbig)
      base_v = jnp.broadcast_to(base, (16,)).astype(jnp.int32)
      win_v = jnp.full((16,), WIN, jnp.int32)
      zero_v = jnp.zeros((16,), jnp.int32)

      def sub(j, carry):
        cnt, nf = carry
        dv = dbig[pl.ds(j * 16, 16)]
        dl = dv - base_v
        m = (dl >= zero_v) & (dl < win_v)
        n = plsc.all_reduce_population_count(m)[0]
        plsc.store_compressed(stage_d.at[pl.ds(cnt, 16)], dl, mask=m)
        sv = sbig[pl.ds(j * 16, 16)]
        plsc.store_compressed(stage_s.at[pl.ds(cnt, 16)], sv, mask=m)
        cnt = cnt + n

        @pl.when(cnt >= K)
        def _():
          fire_copy()
          fire_out(nf)

        fired = cnt >= K
        cnt = jnp.where(fired, cnt - K, cnt)
        nf = jnp.where(fired, nf + 1, nf)
        return cnt, nf

      return lax.fori_loop(0, SUBV, sub, carry, unroll=4)

    cnt, nf = lax.fori_loop(
        0, nblk, blk_body, (jnp.int32(0), jnp.int32(0)))

    trash = jnp.full((16,), WIN, jnp.int32)
    zeroi = jnp.zeros((16,), jnp.int32)
    for k in range(K // 16):
      stage_d[pl.ds(cnt + k * 16, 16)] = trash
      stage_s[pl.ds(cnt + k * 16, 16)] = zeroi

    @pl.when(cnt > 0)
    def _():
      fire_copy()
      fire_out(nf)

    nf = jnp.where(cnt > 0, nf + 1, nf)

    cbuf[...] = jnp.broadcast_to(nf, (16,)).astype(jnp.int32)
    pltpu.sync_copy(cbuf, counts_hbm.at[pl.ds(wid * 16, 16)])
    pltpu.sync_copy(
        acc.at[pl.ds(0, WIN)],
        deg_hbm.at[pl.ds(c * N_PAD + base, WIN)],
    )

  deg, slist, dlist, counts = route_kernel(src1, dst1)
  return deg.reshape(2, N_PAD, 16), slist, dlist, counts


def _sc_apply(hs, slist, dlist, degflat, ehalf):
  mesh = plsc.VectorSubcoreMesh(**_MESH)

  @functools.partial(
      pl.kernel,
      mesh=mesh,
      out_type=jax.ShapeDtypeStruct((2 * N_PAD, H), jnp.float32),
      scratch_types=[
          pltpu.VMEM((1, K), jnp.int32),
          pltpu.VMEM((1, K), jnp.int32),
          pltpu.VMEM((K, H), jnp.float32),
          pltpu.VMEM((64, H), jnp.float32),
          pltpu.VMEM((WIN, 16), jnp.float32),
          pltpu.VMEM_SHARED((ACC_ROWS, H), jnp.float32),
          pltpu.SemaphoreType.DMA,
      ],
      compiler_params=_SC_PARAMS,
  )
  def apply_kernel(hs_hbm, slist_hbm, dlist_hbm, deg_hbm, out_hbm,
                   fire_s, fire_d, rows, zbuf, degbuf, acc, sem):
    c = lax.axis_index("c")
    s = lax.axis_index("s")
    wid = c * TILES + s
    base = s * WIN
    lbase = wid * ehalf
    zero16 = jnp.zeros((16,), jnp.float32)

    def zrow(r, carry):
      for j in range(H // 16):
        zbuf[r, pl.ds(j * 16, 16)] = zero16
      return carry

    lax.fori_loop(0, 64, zrow, 0)

    def zacc(i, carry):
      pltpu.sync_copy(zbuf, acc.at[pl.ds(i * 64, 64)])
      return carry

    lax.fori_loop(0, WIN // 64, zacc, 0)

    pltpu.sync_copy(deg_hbm.at[pl.ds(c * N_PAD + base, WIN)], degbuf)

    def dsum(r, tv):
      return tv + degbuf[r, :]

    tv = lax.fori_loop(0, WIN, dsum, jnp.zeros((16,), jnp.float32))
    matched = jnp.sum(tv).astype(jnp.int32)
    nf = (matched + K - 1) // K

    def fire(f, carry):
      @pl.when(f < nf)
      def _():
        pltpu.sync_copy(slist_hbm.at[pl.ds(lbase + f * K, K)], fire_s.at[0])
        pltpu.sync_copy(dlist_hbm.at[pl.ds(lbase + f * K, K)], fire_d.at[0])
        pltpu.async_copy(hs_hbm.at[fire_s.at[0]], rows, sem).wait()
        pltpu.sync_copy(rows, acc.at[fire_d.at[0]], add=True)
      return carry

    lax.fori_loop(0, ehalf // K, fire, 0)

    pltpu.sync_copy(
        acc.at[pl.ds(0, WIN)],
        out_hbm.at[pl.ds(c * N_PAD + base, WIN)],
    )

  return apply_kernel(hs, slist, dlist, degflat).reshape(2, N_PAD, H)


def _tc_layer0(x, W, d0, d1):

  def body(x_ref, w_ref, d0_ref, d1_ref, o_ref):
    dinv = lax.rsqrt(d0_ref[:, 0:1] + d1_ref[:, 0:1] + 1.0)
    h = jnp.dot(x_ref[...], w_ref[...], preferred_element_type=jnp.float32)
    o_ref[...] = h * dinv

  return pl.pallas_call(
      body,
      grid=(GRID,),
      in_specs=[
          pl.BlockSpec((BLK, H), lambda i: (i, 0)),
          pl.BlockSpec((H, H), lambda i: (0, 0)),
          pl.BlockSpec((BLK, 16), lambda i: (i, 0)),
          pl.BlockSpec((BLK, 16), lambda i: (i, 0)),
      ],
      out_specs=pl.BlockSpec((BLK, H), lambda i: (i, 0)),
      out_shape=jax.ShapeDtypeStruct((N_PAD, H), jnp.float32),
  )(x, W, d0, d1)


def _tc_layer(p0, p1, hs, d0, d1, b, W):

  def body(p0_ref, p1_ref, hs_ref, d0_ref, d1_ref, b_ref, w_ref, o_ref):
    dinv = lax.rsqrt(d0_ref[:, 0:1] + d1_ref[:, 0:1] + 1.0)
    t = (p0_ref[...] + p1_ref[...] + hs_ref[...]) * dinv + b_ref[...]
    xn = jnp.maximum(t, 0.0)
    h = jnp.dot(xn, w_ref[...], preferred_element_type=jnp.float32)
    o_ref[...] = h * dinv

  return pl.pallas_call(
      body,
      grid=(GRID,),
      in_specs=[
          pl.BlockSpec((BLK, H), lambda i: (i, 0)),
          pl.BlockSpec((BLK, H), lambda i: (i, 0)),
          pl.BlockSpec((BLK, H), lambda i: (i, 0)),
          pl.BlockSpec((BLK, 16), lambda i: (i, 0)),
          pl.BlockSpec((BLK, 16), lambda i: (i, 0)),
          pl.BlockSpec((1, H), lambda i: (0, 0)),
          pl.BlockSpec((H, H), lambda i: (0, 0)),
      ],
      out_specs=pl.BlockSpec((BLK, H), lambda i: (i, 0)),
      out_shape=jax.ShapeDtypeStruct((N_PAD, H), jnp.float32),
  )(p0, p1, hs, d0, d1, b, W)


def _tc_final(p0, p1, hs, d0, d1, b, batf3, Wcp, bcp):

  def body(p0_ref, p1_ref, hs_ref, d0_ref, d1_ref, b_ref, bat_ref, wc_ref,
           bc_ref, o_ref, ssum, cnt):
    i = pl.program_id(0)

    @pl.when(i == 0)
    def _init():
      ssum[...] = jnp.zeros((G, H), jnp.float32)
      cnt[...] = jnp.zeros((G, H), jnp.float32)

    dinv = lax.rsqrt(d0_ref[:, 0:1] + d1_ref[:, 0:1] + 1.0)
    t = (p0_ref[...] + p1_ref[...] + hs_ref[...]) * dinv + b_ref[...]
    x3 = jnp.maximum(t, 0.0)
    bat = bat_ref[...].reshape(1, BLK)
    gid = lax.broadcasted_iota(jnp.int32, (G, BLK), 0).astype(jnp.float32)
    mask = jnp.where(gid == bat, 1.0, 0.0)
    ssum[...] += jnp.dot(mask, x3, preferred_element_type=jnp.float32)
    cnt[...] += jnp.broadcast_to(
        jnp.sum(mask, axis=1, keepdims=True), (G, H))

    @pl.when(i == GRID - 1)
    def _fin():
      pooled = ssum[...] / jnp.maximum(cnt[...], 1.0)
      o_ref[...] = (
          jnp.dot(pooled, wc_ref[...], preferred_element_type=jnp.float32)
          + bc_ref[...])

  return pl.pallas_call(
      body,
      grid=(GRID,),
      in_specs=[
          pl.BlockSpec((BLK, H), lambda i: (i, 0)),
          pl.BlockSpec((BLK, H), lambda i: (i, 0)),
          pl.BlockSpec((BLK, H), lambda i: (i, 0)),
          pl.BlockSpec((BLK, 16), lambda i: (i, 0)),
          pl.BlockSpec((BLK, 16), lambda i: (i, 0)),
          pl.BlockSpec((1, H), lambda i: (0, 0)),
          pl.BlockSpec((1, 1, BLK), lambda i: (i, 0, 0)),
          pl.BlockSpec((H, H), lambda i: (0, 0)),
          pl.BlockSpec((1, H), lambda i: (0, 0)),
      ],
      out_specs=pl.BlockSpec((G, H), lambda i: (0, 0)),
      out_shape=jax.ShapeDtypeStruct((G, H), jnp.float32),
      scratch_shapes=[
          pltpu.VMEM((G, H), jnp.float32),
          pltpu.VMEM((G, H), jnp.float32),
      ],
  )(p0, p1, hs, d0, d1, b, batf3, Wcp, bcp)


def kernel(x, edge_index, batch, W0, b0, W1, b1, W2, b2, Wc, bc):
  N = x.shape[0]
  E = edge_index.shape[1]
  C = Wc.shape[1]
  src = edge_index[0]
  dst = edge_index[1]

  nblk = -(-E // (2 * IDXBLK))
  epad = 2 * IDXBLK * nblk - E
  ehalf = IDXBLK * nblk
  srcp = jnp.concatenate([src, jnp.zeros((epad,), jnp.int32)])
  dstp = jnp.concatenate([dst, jnp.full((epad,), N_PAD, jnp.int32)])

  xp = jnp.pad(x.astype(jnp.float32), ((0, N_PAD - N), (0, 0)))
  batf3 = jnp.pad(
      batch.astype(jnp.float32), (0, N_PAD - N),
      constant_values=1e9).reshape(GRID, 1, BLK)
  b0r = b0.reshape(1, H)
  b1r = b1.reshape(1, H)
  b2r = b2.reshape(1, H)
  Wcp = jnp.pad(Wc, ((0, 0), (0, H - C)))
  bcp = jnp.pad(bc, (0, H - C)).reshape(1, H)

  degp, slist, dlist, counts = _sc_route(srcp, dstp, ehalf, nblk)
  del counts
  degflat = degp.reshape(2 * N_PAD, 16)
  d0, d1 = degp[0], degp[1]

  hs0 = _tc_layer0(xp, W0, d0, d1)
  p = _sc_apply(hs0, slist, dlist, degflat, ehalf)
  hs1 = _tc_layer(p[0], p[1], hs0, d0, d1, b0r, W1)
  p = _sc_apply(hs1, slist, dlist, degflat, ehalf)
  hs2 = _tc_layer(p[0], p[1], hs1, d0, d1, b1r, W2)
  p = _sc_apply(hs2, slist, dlist, degflat, ehalf)
  out = _tc_final(p[0], p[1], hs2, d0, d1, b2r, batf3, Wcp, bcp)
  return out[:, :C]

# --- scband reference (transcript-rebuilt; emitter-appended) ---
"""Pipeline reference for scband-gcn-73005854098237 (READ-ONLY COPY).

The authoritative reference and input builder live on the scoring server;
editing this copy changes nothing except your own understanding.
"""

import jax, jax.numpy as jnp
import numpy as np

N = 10000
E = 320000
D = 128
H = 128
C = 10
G = 64


def setup_inputs(seed: int = 0) -> dict:
    key = jax.random.key(seed)
    ks = jax.random.split(key, 12)
    x = jax.random.normal(ks[0], (N, D), dtype=jnp.float32)
    edge_index = jax.random.randint(ks[1], (2, E), 0, N, dtype=jnp.int32)
    batch = jnp.sort(jax.random.randint(ks[2], (N,), 0, G, dtype=jnp.int32))
    W0 = jax.random.normal(ks[3], (D, H), dtype=jnp.float32) * (1.0 / np.sqrt(D))
    b0 = jnp.zeros((H,), dtype=jnp.float32)
    W1 = jax.random.normal(ks[4], (H, H), dtype=jnp.float32) * (1.0 / np.sqrt(H))
    b1 = jnp.zeros((H,), dtype=jnp.float32)
    W2 = jax.random.normal(ks[5], (H, H), dtype=jnp.float32) * (1.0 / np.sqrt(H))
    b2 = jnp.zeros((H,), dtype=jnp.float32)
    Wc = jax.random.normal(ks[6], (H, C), dtype=jnp.float32) * (1.0 / np.sqrt(H))
    bc = jnp.zeros((C,), dtype=jnp.float32)
    return {"x": x, "edge_index": edge_index, "batch": batch,
            "W0": W0, "b0": b0, "W1": W1, "b1": b1, "W2": W2, "b2": b2,
            "Wc": Wc, "bc": bc}


def _gcn_conv(x, src, dst, W, b):
    n = x.shape[0]
    loop = jnp.arange(n, dtype=src.dtype)
    s = jnp.concatenate([src, loop])
    d = jnp.concatenate([dst, loop])
    deg = jax.ops.segment_sum(jnp.ones_like(s, dtype=x.dtype), d, num_segments=n)
    dinv = jnp.where(deg > 0, 1.0 / jnp.sqrt(deg), 0.0)
    norm = dinv[s] * dinv[d]
    h = x @ W
    msg = h[s] * norm[:, None]
    out = jax.ops.segment_sum(msg, d, num_segments=n) + b
    return out


def reference(x, edge_index, batch, W0, b0, W1, b1, W2, b2, Wc, bc):
    src = edge_index[0]
    dst = edge_index[1]
    h = x.astype(jnp.float32)
    for W, b in ((W0, b0), (W1, b1), (W2, b2)):
        h = _gcn_conv(h, src, dst, W, b)
        h = jax.nn.relu(h)
        # dropout is identity in eval mode
    ssum = jax.ops.segment_sum(h, batch, num_segments=G)
    cnt = jax.ops.segment_sum(jnp.ones((h.shape[0],), h.dtype), batch, num_segments=G)
    pooled = ssum / jnp.maximum(cnt, 1.0)[:, None]
    return pooled @ Wc + bc

if __name__ == "__main__":
    import jax
    _d = setup_inputs()
    print(jax.jit(kernel)(*tuple(_d.values())))

</pallas_src>

<mosaic_0001>
#map = affine_map<(d0, d1) -> (0, 0)>
#map1 = affine_map<(d0, d1) -> (0)>
module attributes {stable_mosaic.version = 14 : i64} {
  func.func @apply_kernel(%arg0: i32, %arg1: i32, %arg2: memref<10240x128xf32, #tpu.memory_space<hbm>>, %arg3: memref<5177344xi32, #tpu.memory_space<hbm>>, %arg4: memref<5177344xi32, #tpu.memory_space<hbm>>, %arg5: memref<20480x16xf32, #tpu.memory_space<hbm>>, %arg6: memref<20480x128xf32, #tpu.memory_space<hbm>>, %arg7: memref<1x128xi32, #tpu.memory_space<vmem>>, %arg8: memref<1x128xi32, #tpu.memory_space<vmem>>, %arg9: memref<128x128xf32, #tpu.memory_space<vmem>>, %arg10: memref<64x128xf32, #tpu.memory_space<vmem>>, %arg11: memref<640x16xf32, #tpu.memory_space<vmem>>, %arg12: memref<648x128xf32, #tpu.memory_space<vmem_shared>>, %arg13: memref<!tpu.dma_semaphore, #tpu.memory_space<semaphore_mem>>) attributes {dimension_semantics = [#tpu.dimension_semantics<core_parallel>, #tpu.dimension_semantics<subcore_parallel>], iteration_bounds = array<i64: 2, 16>, scalar_prefetch = 0 : i64, scratch_operands = 7 : i64, tpu.core_type = #tpu.core_type<sc_vector_subcore>, window_params = [{transform_indices = #map}, {transform_indices = #map1}, {transform_indices = #map1}, {transform_indices = #map}, {transform_indices = #map}]} {
    %mul3A = arith.constant 16 : i32
    %mul3A_0 = arith.muli %arg0, %mul3A : i32
    %add3A = arith.addi %mul3A_0, %arg1 : i32
    %mul3A_1 = arith.constant 640 : i32
    %mul3A_2 = arith.muli %arg1, %mul3A_1 : i32
    %mul3A_3 = arith.constant 161792 : i32
    %mul3A_4 = arith.muli %add3A, %mul3A_3 : i32
    %broadcast_in_dim3A = arith.constant 0.000000e+00 : f32
    %broadcast_in_dim3A_5 = vector.broadcast %broadcast_in_dim3A : f32 to vector<16xf32>
    %scan3A = arith.constant 0 : i32
    %scan3A_6 = arith.constant 0 : i32
    %scan3A_7 = arith.constant 64 : i32
    %scan3A_8 = arith.addi %scan3A_6, %scan3A_7 : i32
    %scan3A_9 = arith.constant 1 : i32
    scf.for %scan3A_60 = %scan3A_6 to %scan3A_8 step %scan3A_9  : i32 {
      %swap3A = arith.index_cast %scan3A_60 : i32 to index
      %swap3A_61 = arith.constant 0 : index
      %swap3A_62 = tpu.vector_load %arg10[%swap3A, %swap3A_61] {strides = array<i32>} : memref<64x128xf32, #tpu.memory_space<vmem>>, vector<16xf32>,
      tpu.vector_store %arg10[%swap3A, %swap3A_61], %broadcast_in_dim3A_5 {strides = array<i32>} : memref<64x128xf32, #tpu.memory_space<vmem>>, vector<16xf32>,
      %swap3A_63 = arith.index_cast %scan3A_60 : i32 to index
      %swap3A_64 = arith.constant 16 : index
      %swap3A_65 = tpu.vector_load %arg10[%swap3A_63, %swap3A_64] {strides = array<i32>} : memref<64x128xf32, #tpu.memory_space<vmem>>, vector<16xf32>,
      tpu.vector_store %arg10[%swap3A_63, %swap3A_64], %broadcast_in_dim3A_5 {strides = array<i32>} : memref<64x128xf32, #tpu.memory_space<vmem>>, vector<16xf32>,
      %swap3A_66 = arith.index_cast %scan3A_60 : i32 to index
      %swap3A_67 = arith.constant 32 : index
      %swap3A_68 = tpu.vector_load %arg10[%swap3A_66, %swap3A_67] {strides = array<i32>} : memref<64x128xf32, #tpu.memory_space<vmem>>, vector<16xf32>,
      tpu.vector_store %arg10[%swap3A_66, %swap3A_67], %broadcast_in_dim3A_5 {strides = array<i32>} : memref<64x128xf32, #tpu.memory_space<vmem>>, vector<16xf32>,
      %swap3A_69 = arith.index_cast %scan3A_60 : i32 to index
      %swap3A_70 = arith.constant 48 : index
      %swap3A_71 = tpu.vector_load %arg10[%swap3A_69, %swap3A_70] {strides = array<i32>} : memref<64x128xf32, #tpu.memory_space<vmem>>, vector<16xf32>,
      tpu.vector_store %arg10[%swap3A_69, %swap3A_70], %broadcast_in_dim3A_5 {strides = array<i32>} : memref<64x128xf32, #tpu.memory_space<vmem>>, vector<16xf32>,
      %swap3A_72 = arith.index_cast %scan3A_60 : i32 to index
      %swap3A_73 = arith.constant 64 : index
      %swap3A_74 = tpu.vector_load %arg10[%swap3A_72, %swap3A_73] {strides = array<i32>} : memref<64x128xf32, #tpu.memory_space<vmem>>, vector<16xf32>,
      tpu.vector_store %arg10[%swap3A_72, %swap3A_73], %broadcast_in_dim3A_5 {strides = array<i32>} : memref<64x128xf32, #tpu.memory_space<vmem>>, vector<16xf32>,
      %swap3A_75 = arith.index_cast %scan3A_60 : i32 to index
      %swap3A_76 = arith.constant 80 : index
      %swap3A_77 = tpu.vector_load %arg10[%swap3A_75, %swap3A_76] {strides = array<i32>} : memref<64x128xf32, #tpu.memory_space<vmem>>, vector<16xf32>,
      tpu.vector_store %arg10[%swap3A_75, %swap3A_76], %broadcast_in_dim3A_5 {strides = array<i32>} : memref<64x128xf32, #tpu.memory_space<vmem>>, vector<16xf32>,
      %swap3A_78 = arith.index_cast %scan3A_60 : i32 to index
      %swap3A_79 = arith.constant 96 : index
      %swap3A_80 = tpu.vector_load %arg10[%swap3A_78, %swap3A_79] {strides = array<i32>} : memref<64x128xf32, #tpu.memory_space<vmem>>, vector<16xf32>,
      tpu.vector_store %arg10[%swap3A_78, %swap3A_79], %broadcast_in_dim3A_5 {strides = array<i32>} : memref<64x128xf32, #tpu.memory_space<vmem>>, vector<16xf32>,
      %swap3A_81 = arith.index_cast %scan3A_60 : i32 to index
      %swap3A_82 = arith.constant 112 : index
      %swap3A_83 = tpu.vector_load %arg10[%swap3A_81, %swap3A_82] {strides = array<i32>} : memref<64x128xf32, #tpu.memory_space<vmem>>, vector<16xf32>,
      tpu.vector_store %arg10[%swap3A_81, %swap3A_82], %broadcast_in_dim3A_5 {strides = array<i32>} : memref<64x128xf32, #tpu.memory_space<vmem>>, vector<16xf32>,
    }
    %scan3A_10 = arith.constant 64 : i32
    %scan3A_11 = arith.constant 0 : i32
    %scan3A_12 = arith.constant 0 : i32
    %scan3A_13 = arith.constant 10 : i32
    %scan3A_14 = arith.addi %scan3A_12, %scan3A_13 : i32
    %scan3A_15 = arith.constant 1 : i32
    scf.for %scan3A_60 = %scan3A_12 to %scan3A_14 step %scan3A_15  : i32 {
      %mul3A_61 = arith.constant 64 : i32
      %mul3A_62 = arith.muli %scan3A_60, %mul3A_61 : i32
      "tpu.region"() ({
        %run_scoped3A = tpu.sem_alloc : memref<!tpu.dma_semaphore, #tpu.memory_space<semaphore_mem>>
        %dma_start3A = arith.constant 0 : i32
        %dma_start3A_63 = tpu.memref_slice %arg12[%mul3A_62, %dma_start3A] : memref<648x128xf32, #tpu.memory_space<vmem_shared>> -> memref<64x128xf32, #tpu.memory_space<vmem_shared>>
        %dma_start3A_64 = arith.constant 0 : i32
        %dma_start3A_65 = tpu.memref_slice %arg12[%mul3A_62, %dma_start3A_64] : memref<648x128xf32, #tpu.memory_space<vmem_shared>> -> memref<64x128xf32, #tpu.memory_space<vmem_shared>>
        tpu.enqueue_dma source(%arg10 : memref<64x128xf32, #tpu.memory_space<vmem>>) target(%dma_start3A_65 : memref<64x128xf32, #tpu.memory_space<vmem_shared>>) target_semaphore(%run_scoped3A : memref<!tpu.dma_semaphore, #tpu.memory_space<semaphore_mem>>)
        %dma_wait3A = arith.constant 0 : i32
        %dma_wait3A_66 = tpu.memref_slice %arg12[%mul3A_62, %dma_wait3A] : memref<648x128xf32, #tpu.memory_space<vmem_shared>> -> memref<64x128xf32, #tpu.memory_space<vmem_shared>>
        %dma_wait3A_67 = arith.constant 0 : i32
        %dma_wait3A_68 = tpu.memref_slice %arg12[%mul3A_62, %dma_wait3A_67] : memref<648x128xf32, #tpu.memory_space<vmem_shared>> -> memref<64x128xf32, #tpu.memory_space<vmem_shared>>
        tpu.wait_dma2 semaphore(%run_scoped3A : memref<!tpu.dma_semaphore, #tpu.memory_space<semaphore_mem>>) src(%arg10 : memref<64x128xf32, #tpu.memory_space<vmem>>) dst(%dma_wait3A_68 : memref<64x128xf32, #tpu.memory_space<vmem_shared>>)
        tpu.yield
      }) : () -> ()
    }
    %scan3A_16 = arith.constant 10 : i32
    %mul3A_17 = arith.constant 10240 : i32
    %mul3A_18 = arith.muli %arg0, %mul3A_17 : i32
    %add3A_19 = arith.addi %mul3A_18, %mul3A_2 : i32
    "tpu.region"() ({
      %run_scoped3A = tpu.sem_alloc : memref<!tpu.dma_semaphore, #tpu.memory_space<semaphore_mem>>
      %dma_start3A = arith.constant 0 : i32
      %dma_start3A_60 = tpu.memref_slice %arg5[%add3A_19, %dma_start3A] : memref<20480x16xf32, #tpu.memory_space<hbm>> -> memref<640x16xf32, #tpu.memory_space<hbm>>
      %dma_start3A_61 = arith.constant 0 : i32
      %dma_start3A_62 = tpu.memref_slice %arg5[%add3A_19, %dma_start3A_61] : memref<20480x16xf32, #tpu.memory_space<hbm>> -> memref<640x16xf32, #tpu.memory_space<hbm>>
      tpu.enqueue_dma source(%dma_start3A_62 : memref<640x16xf32, #tpu.memory_space<hbm>>) target(%arg11 : memref<640x16xf32, #tpu.memory_space<vmem>>) target_semaphore(%run_scoped3A : memref<!tpu.dma_semaphore, #tpu.memory_space<semaphore_mem>>)
      %dma_wait3A = arith.constant 0 : i32
      %dma_wait3A_63 = tpu.memref_slice %arg5[%add3A_19, %dma_wait3A] : memref<20480x16xf32, #tpu.memory_space<hbm>> -> memref<640x16xf32, #tpu.memory_space<hbm>>
      %dma_wait3A_64 = arith.constant 0 : i32
      %dma_wait3A_65 = tpu.memref_slice %arg5[%add3A_19, %dma_wait3A_64] : memref<20480x16xf32, #tpu.memory_space<hbm>> -> memref<640x16xf32, #tpu.memory_space<hbm>>
      tpu.wait_dma2 semaphore(%run_scoped3A : memref<!tpu.dma_semaphore, #tpu.memory_space<semaphore_mem>>) src(%dma_wait3A_65 : memref<640x16xf32, #tpu.memory_space<hbm>>) dst(%arg11 : memref<640x16xf32, #tpu.memory_space<vmem>>)
      tpu.yield
    }) : () -> ()
    %broadcast_in_dim3A_20 = arith.constant 0.000000e+00 : f32
    %broadcast_in_dim3A_21 = vector.broadcast %broadcast_in_dim3A_20 : f32 to vector<16xf32>
    %scan3A_22 = arith.constant 0 : i32
    %scan3A_23 = arith.constant 640 : i32
    %scan3A_24 = arith.addi %scan3A_22, %scan3A_23 : i32
    %scan3A_25 = arith.constant 1 : i32
    %scan3A_26 = scf.for %scan3A_60 = %scan3A_22 to %scan3A_24 step %scan3A_25 iter_args(%scan3A_61 = %broadcast_in_dim3A_21) -> (vector<16xf32>)  : i32 {
      %get3A = arith.index_cast %scan3A_60 : i32 to index
      %get3A_62 = arith.constant 0 : index
      %get3A_63 = tpu.vector_load %arg11[%get3A, %get3A_62] {strides = array<i32>} : memref<640x16xf32, #tpu.memory_space<vmem>>, vector<16xf32>,
      %add3A_64 = arith.addf %scan3A_61, %get3A_63 : vector<16xf32>
      scf.yield %add3A_64 : vector<16xf32>
    }
    %scan3A_27 = arith.constant 640 : i32
    %reduce_sum3A = arith.constant true
    %reduce_sum3A_28 = vector.broadcast %reduce_sum3A : i1 to vector<16xi1>
    %reduce_sum3A_29 = tpu.scan <sum>, %scan3A_26 masked %reduce_sum3A_28 : vector<16xf32>, vector<16xi1> -> vector<16xf32>
    %reduce_sum3A_30 = vector.extract %reduce_sum3A_29[15] : f32 from vector<16xf32>
    %convert_element_type3A = arith.fptosi %reduce_sum3A_30 : f32 to i32
    %add3A_31 = arith.constant 128 : i32
    %add3A_32 = arith.addi %convert_element_type3A, %add3A_31 : i32
    %sub3A = arith.constant 1 : i32
    %sub3A_33 = arith.subi %add3A_32, %sub3A : i32
    %jit3A = arith.constant 128 : i32
    %div3A = arith.divsi %sub3A_33, %jit3A : i32
    %sign3A = arith.constant 0 : i32
    %sign3A_34 = arith.cmpi sgt, %sub3A_33, %sign3A : i32
    %sign3A_35 = arith.extui %sign3A_34 : i1 to i32
    %sign3A_36 = arith.constant 0 : i32
    %sign3A_37 = arith.cmpi slt, %sub3A_33, %sign3A_36 : i32
    %sign3A_38 = arith.extui %sign3A_37 : i1 to i32
    %sign3A_39 = arith.subi %sign3A_35, %sign3A_38 : i32
    %sign3A_40 = arith.constant 0 : i32
    %sign3A_41 = arith.cmpi sgt, %jit3A, %sign3A_40 : i32
    %sign3A_42 = arith.extui %sign3A_41 : i1 to i32
    %sign3A_43 = arith.constant 0 : i32
    %sign3A_44 = arith.cmpi slt, %jit3A, %sign3A_43 : i32
    %sign3A_45 = arith.extui %sign3A_44 : i1 to i32
    %sign3A_46 = arith.subi %sign3A_42, %sign3A_45 : i32
    %ne3A = arith.cmpi ne, %sign3A_39, %sign3A_46 : i32
    %rem3A = arith.remsi %sub3A_33, %jit3A : i32
    %ne3A_47 = arith.constant 0 : i32
    %ne3A_48 = arith.cmpi ne, %rem3A, %ne3A_47 : i32
    %and3A = arith.andi %ne3A, %ne3A_48 : i1
    %sub3A_49 = arith.constant 1 : i32
    %sub3A_50 = arith.subi %div3A, %sub3A_49 : i32
    %select_n3A = arith.select %and3A, %sub3A_50, %div3A : i32
    %scan3A_51 = arith.constant 0 : i32
    %scan3A_52 = arith.constant 0 : i32
    %scan3A_53 = arith.constant 1264 : i32
    %scan3A_54 = arith.addi %scan3A_52, %scan3A_53 : i32
    %scan3A_55 = arith.constant 1 : i32
    scf.for %scan3A_60 = %scan3A_52 to %scan3A_54 step %scan3A_55  : i32 {
      %lt3A = arith.cmpi slt, %scan3A_60, %select_n3A : i32
      %convert_element_type3A_61 = arith.extui %lt3A : i1 to i32
      %cond3A = arith.constant 0 : i32
      %cond3A_62 = arith.cmpi ne, %convert_element_type3A_61, %cond3A : i32
      scf.if %cond3A_62 {
        %mul3A_63 = arith.constant 128 : i32
        %mul3A_64 = arith.muli %scan3A_60, %mul3A_63 : i32
        %add3A_65 = arith.addi %mul3A_4, %mul3A_64 : i32
        %run_scoped3A = arith.constant 0 : i32
        "tpu.region"() ({
          %run_scoped3A_83 = tpu.sem_alloc : memref<!tpu.dma_semaphore, #tpu.memory_space<semaphore_mem>>
          %dma_start3A_84 = arith.constant 0 : i32
          %dma_start3A_85 = tpu.memref_slice %arg7[%run_scoped3A, %dma_start3A_84] : memref<1x128xi32, #tpu.memory_space<vmem>> -> memref<1x128xi32, #tpu.memory_space<vmem>>
          %dma_start3A_86 = tpu.memref_squeeze %dma_start3A_85 : memref<1x128xi32, #tpu.memory_space<vmem>> -> memref<128xi32, #tpu.memory_space<vmem>>
          %dma_start3A_87 = tpu.memref_slice %arg3[%add3A_65] : memref<5177344xi32, #tpu.memory_space<hbm>> -> memref<128xi32, #tpu.memory_space<hbm>>
          %dma_start3A_88 = arith.constant 0 : i32
          %dma_start3A_89 = tpu.memref_slice %arg7[%run_scoped3A, %dma_start3A_88] : memref<1x128xi32, #tpu.memory_space<vmem>> -> memref<1x128xi32, #tpu.memory_space<vmem>>
          %dma_start3A_90 = tpu.memref_squeeze %dma_start3A_89 : memref<1x128xi32, #tpu.memory_space<vmem>> -> memref<128xi32, #tpu.memory_space<vmem>>
          %dma_start3A_91 = tpu.memref_slice %arg3[%add3A_65] : memref<5177344xi32, #tpu.memory_space<hbm>> -> memref<128xi32, #tpu.memory_space<hbm>>
          tpu.enqueue_dma source(%dma_start3A_91 : memref<128xi32, #tpu.memory_space<hbm>>) target(%dma_start3A_90 : memref<128xi32, #tpu.memory_space<vmem>>) target_semaphore(%run_scoped3A_83 : memref<!tpu.dma_semaphore, #tpu.memory_space<semaphore_mem>>)
          %dma_wait3A_92 = arith.constant 0 : i32
          %dma_wait3A_93 = tpu.memref_slice %arg7[%run_scoped3A, %dma_wait3A_92] : memref<1x128xi32, #tpu.memory_space<vmem>> -> memref<1x128xi32, #tpu.memory_space<vmem>>
          %dma_wait3A_94 = tpu.memref_squeeze %dma_wait3A_93 : memref<1x128xi32, #tpu.memory_space<vmem>> -> memref<128xi32, #tpu.memory_space<vmem>>
          %dma_wait3A_95 = tpu.memref_slice %arg3[%add3A_65] : memref<5177344xi32, #tpu.memory_space<hbm>> -> memref<128xi32, #tpu.memory_space<hbm>>
          %dma_wait3A_96 = arith.constant 0 : i32
          %dma_wait3A_97 = tpu.memref_slice %arg7[%run_scoped3A, %dma_wait3A_96] : memref<1x128xi32, #tpu.memory_space<vmem>> -> memref<1x128xi32, #tpu.memory_space<vmem>>
          %dma_wait3A_98 = tpu.memref_squeeze %dma_wait3A_97 : memref<1x128xi32, #tpu.memory_space<vmem>> -> memref<128xi32, #tpu.memory_space<vmem>>
          %dma_wait3A_99 = tpu.memref_slice %arg3[%add3A_65] : memref<5177344xi32, #tpu.memory_space<hbm>> -> memref<128xi32, #tpu.memory_space<hbm>>
          tpu.wait_dma2 semaphore(%run_scoped3A_83 : memref<!tpu.dma_semaphore, #tpu.memory_space<semaphore_mem>>) src(%dma_wait3A_99 : memref<128xi32, #tpu.memory_space<hbm>>) dst(%dma_wait3A_98 : memref<128xi32, #tpu.memory_space<vmem>>)
          tpu.yield
        }) : () -> ()
        %mul3A_66 = arith.constant 128 : i32
        %mul3A_67 = arith.muli %scan3A_60, %mul3A_66 : i32
        %add3A_68 = arith.addi %mul3A_4, %mul3A_67 : i32
        %run_scoped3A_69 = arith.constant 0 : i32
        "tpu.region"() ({
          %run_scoped3A_83 = tpu.sem_alloc : memref<!tpu.dma_semaphore, #tpu.memory_space<semaphore_mem>>
          %dma_start3A_84 = arith.constant 0 : i32
          %dma_start3A_85 = tpu.memref_slice %arg8[%run_scoped3A_69, %dma_start3A_84] : memref<1x128xi32, #tpu.memory_space<vmem>> -> memref<1x128xi32, #tpu.memory_space<vmem>>
          %dma_start3A_86 = tpu.memref_squeeze %dma_start3A_85 : memref<1x128xi32, #tpu.memory_space<vmem>> -> memref<128xi32, #tpu.memory_space<vmem>>
          %dma_start3A_87 = tpu.memref_slice %arg4[%add3A_68] : memref<5177344xi32, #tpu.memory_space<hbm>> -> memref<128xi32, #tpu.memory_space<hbm>>
          %dma_start3A_88 = arith.constant 0 : i32
          %dma_start3A_89 = tpu.memref_slice %arg8[%run_scoped3A_69, %dma_start3A_88] : memref<1x128xi32, #tpu.memory_space<vmem>> -> memref<1x128xi32, #tpu.memory_space<vmem>>
          %dma_start3A_90 = tpu.memref_squeeze %dma_start3A_89 : memref<1x128xi32, #tpu.memory_space<vmem>> -> memref<128xi32, #tpu.memory_space<vmem>>
          %dma_start3A_91 = tpu.memref_slice %arg4[%add3A_68] : memref<5177344xi32, #tpu.memory_space<hbm>> -> memref<128xi32, #tpu.memory_space<hbm>>
          tpu.enqueue_dma source(%dma_start3A_91 : memref<128xi32, #tpu.memory_space<hbm>>) target(%dma_start3A_90 : memref<128xi32, #tpu.memory_space<vmem>>) target_semaphore(%run_scoped3A_83 : memref<!tpu.dma_semaphore, #tpu.memory_space<semaphore_mem>>)
          %dma_wait3A_92 = arith.constant 0 : i32
          %dma_wait3A_93 = tpu.memref_slice %arg8[%run_scoped3A_69, %dma_wait3A_92] : memref<1x128xi32, #tpu.memory_space<vmem>> -> memref<1x128xi32, #tpu.memory_space<vmem>>
          %dma_wait3A_94 = tpu.memref_squeeze %dma_wait3A_93 : memref<1x128xi32, #tpu.memory_space<vmem>> -> memref<128xi32, #tpu.memory_space<vmem>>
          %dma_wait3A_95 = tpu.memref_slice %arg4[%add3A_68] : memref<5177344xi32, #tpu.memory_space<hbm>> -> memref<128xi32, #tpu.memory_space<hbm>>
          %dma_wait3A_96 = arith.constant 0 : i32
          %dma_wait3A_97 = tpu.memref_slice %arg8[%run_scoped3A_69, %dma_wait3A_96] : memref<1x128xi32, #tpu.memory_space<vmem>> -> memref<1x128xi32, #tpu.memory_space<vmem>>
          %dma_wait3A_98 = tpu.memref_squeeze %dma_wait3A_97 : memref<1x128xi32, #tpu.memory_space<vmem>> -> memref<128xi32, #tpu.memory_space<vmem>>
          %dma_wait3A_99 = tpu.memref_slice %arg4[%add3A_68] : memref<5177344xi32, #tpu.memory_space<hbm>> -> memref<128xi32, #tpu.memory_space<hbm>>
          tpu.wait_dma2 semaphore(%run_scoped3A_83 : memref<!tpu.dma_semaphore, #tpu.memory_space<semaphore_mem>>) src(%dma_wait3A_99 : memref<128xi32, #tpu.memory_space<hbm>>) dst(%dma_wait3A_98 : memref<128xi32, #tpu.memory_space<vmem>>)
          tpu.yield
        }) : () -> ()
        %dma_start3A = arith.constant 0 : i32
        %dma_start3A_70 = arith.constant 0 : i32
        %dma_start3A_71 = tpu.memref_slice %arg7[%dma_start3A, %dma_start3A_70] : memref<1x128xi32, #tpu.memory_space<vmem>> -> memref<1x128xi32, #tpu.memory_space<vmem>>
        %dma_start3A_72 = tpu.memref_squeeze %dma_start3A_71 : memref<1x128xi32, #tpu.memory_space<vmem>> -> memref<128xi32, #tpu.memory_space<vmem>>
        %dma_start3A_73 = arith.constant 0 : i32
        %dma_start3A_74 = arith.constant 0 : i32
        %dma_start3A_75 = tpu.memref_slice %arg2[%dma_start3A_73, %dma_start3A_74] : memref<10240x128xf32, #tpu.memory_space<hbm>> -> memref<10240x128xf32, #tpu.memory_space<hbm>>
        tpu.enqueue_indirect_dma source(%dma_start3A_75 : memref<10240x128xf32, #tpu.memory_space<hbm>>) target(%arg9 : memref<128x128xf32, #tpu.memory_space<vmem>>) offsets(%dma_start3A_72 : memref<128xi32, #tpu.memory_space<vmem>>) semaphore(%arg13 : memref<!tpu.dma_semaphore, #tpu.memory_space<semaphore_mem>>)
        %dma_wait3A = arith.constant 0 : i32
        %dma_wait3A_76 = arith.constant 0 : i32
        %dma_wait3A_77 = tpu.memref_slice %arg7[%dma_wait3A, %dma_wait3A_76] : memref<1x128xi32, #tpu.memory_space<vmem>> -> memref<1x128xi32, #tpu.memory_space<vmem>>
        %dma_wait3A_78 = tpu.memref_squeeze %dma_wait3A_77 : memref<1x128xi32, #tpu.memory_space<vmem>> -> memref<128xi32, #tpu.memory_space<vmem>>
        %dma_wait3A_79 = arith.constant 0 : i32
        %dma_wait3A_80 = arith.constant 0 : i32
        %dma_wait3A_81 = tpu.memref_slice %arg2[%dma_wait3A_79, %dma_wait3A_80] : memref<10240x128xf32, #tpu.memory_space<hbm>> -> memref<10240x128xf32, #tpu.memory_space<hbm>>
        tpu.wait_indirect_dma semaphore(%arg13 : memref<!tpu.dma_semaphore, #tpu.memory_space<semaphore_mem>>) src(%dma_wait3A_81 : memref<10240x128xf32, #tpu.memory_space<hbm>>) dst(%arg9 : memref<128x128xf32, #tpu.memory_space<vmem>>)
        %run_scoped3A_82 = arith.constant 0 : i32
        "tpu.region"() ({
          %run_scoped3A_83 = tpu.sem_alloc : memref<!tpu.dma_semaphore, #tpu.memory_space<semaphore_mem>>
          %dma_start3A_84 = arith.constant 0 : i32
          %dma_start3A_85 = tpu.memref_slice %arg8[%run_scoped3A_82, %dma_start3A_84] : memref<1x128xi32, #tpu.memory_space<vmem>> -> memref<1x128xi32, #tpu.memory_space<vmem>>
          %dma_start3A_86 = tpu.memref_squeeze %dma_start3A_85 : memref<1x128xi32, #tpu.memory_space<vmem>> -> memref<128xi32, #tpu.memory_space<vmem>>
          %dma_start3A_87 = arith.constant 0 : i32
          %dma_start3A_88 = arith.constant 0 : i32
          %dma_start3A_89 = tpu.memref_slice %arg12[%dma_start3A_87, %dma_start3A_88] : memref<648x128xf32, #tpu.memory_space<vmem_shared>> -> memref<648x128xf32, #tpu.memory_space<vmem_shared>>
          tpu.enqueue_indirect_dma source(%arg9 : memref<128x128xf32, #tpu.memory_space<vmem>>) target(%dma_start3A_89 : memref<648x128xf32, #tpu.memory_space<vmem_shared>>) offsets(%dma_start3A_86 : memref<128xi32, #tpu.memory_space<vmem>>) semaphore(%run_scoped3A_83 : memref<!tpu.dma_semaphore, #tpu.memory_space<semaphore_mem>>) {add = true}
          %dma_wait3A_90 = arith.constant 0 : i32
          %dma_wait3A_91 = tpu.memref_slice %arg8[%run_scoped3A_82, %dma_wait3A_90] : memref<1x128xi32, #tpu.memory_space<vmem>> -> memref<1x128xi32, #tpu.memory_space<vmem>>
          %dma_wait3A_92 = tpu.memref_squeeze %dma_wait3A_91 : memref<1x128xi32, #tpu.memory_space<vmem>> -> memref<128xi32, #tpu.memory_space<vmem>>
          %dma_wait3A_93 = arith.constant 0 : i32
          %dma_wait3A_94 = arith.constant 0 : i32
          %dma_wait3A_95 = tpu.memref_slice %arg12[%dma_wait3A_93, %dma_wait3A_94] : memref<648x128xf32, #tpu.memory_space<vmem_shared>> -> memref<648x128xf32, #tpu.memory_space<vmem_shared>>
          tpu.wait_indirect_dma semaphore(%run_scoped3A_83 : memref<!tpu.dma_semaphore, #tpu.memory_space<semaphore_mem>>) src(%arg9 : memref<128x128xf32, #tpu.memory_space<vmem>>) dst(%dma_wait3A_95 : memref<648x128xf32, #tpu.memory_space<vmem_shared>>)
          tpu.yield
        }) : () -> ()
      } else {
      }
    }
    %scan3A_56 = arith.constant 1264 : i32
    %mul3A_57 = arith.constant 10240 : i32
    %mul3A_58 = arith.muli %arg0, %mul3A_57 : i32
    %add3A_59 = arith.addi %mul3A_58, %mul3A_2 : i32
    "tpu.region"() ({
      %run_scoped3A = tpu.sem_alloc : memref<!tpu.dma_semaphore, #tpu.memory_space<semaphore_mem>>
      %dma_start3A = arith.constant 0 : i32
      %dma_start3A_60 = tpu.memref_slice %arg6[%add3A_59, %dma_start3A] : memref<20480x128xf32, #tpu.memory_space<hbm>> -> memref<640x128xf32, #tpu.memory_space<hbm>>
      %dma_start3A_61 = arith.constant 0 : i32
      %dma_start3A_62 = arith.constant 0 : i32
      %dma_start3A_63 = tpu.memref_slice %arg12[%dma_start3A_61, %dma_start3A_62] : memref<648x128xf32, #tpu.memory_space<vmem_shared>> -> memref<640x128xf32, #tpu.memory_space<vmem_shared>>
      tpu.enqueue_dma source(%dma_start3A_63 : memref<640x128xf32, #tpu.memory_space<vmem_shared>>) target(%dma_start3A_60 : memref<640x128xf32, #tpu.memory_space<hbm>>) target_semaphore(%run_scoped3A : memref<!tpu.dma_semaphore, #tpu.memory_space<semaphore_mem>>)
      %dma_wait3A = arith.constant 0 : i32
      %dma_wait3A_64 = tpu.memref_slice %arg6[%add3A_59, %dma_wait3A] : memref<20480x128xf32, #tpu.memory_space<hbm>> -> memref<640x128xf32, #tpu.memory_space<hbm>>
      %dma_wait3A_65 = arith.constant 0 : i32
      %dma_wait3A_66 = arith.constant 0 : i32
      %dma_wait3A_67 = tpu.memref_slice %arg12[%dma_wait3A_65, %dma_wait3A_66] : memref<648x128xf32, #tpu.memory_space<vmem_shared>> -> memref<640x128xf32, #tpu.memory_space<vmem_shared>>
      tpu.wait_dma2 semaphore(%run_scoped3A : memref<!tpu.dma_semaphore, #tpu.memory_space<semaphore_mem>>) src(%dma_wait3A_67 : memref<640x128xf32, #tpu.memory_space<vmem_shared>>) dst(%dma_wait3A_64 : memref<640x128xf32, #tpu.memory_space<hbm>>)
      tpu.yield
    }) : () -> ()
    return
  }
}

#map = affine_map<(d0, d1) -> (0)>
#map1 = affine_map<(d0, d1) -> (0, 0)>
module attributes {stable_mosaic.version = 14 : i64} {
  func.func @route_kernel(%arg0: i32, %arg1: i32, %arg2: memref<323584xi32, #tpu.memory_space<hbm>>, %arg3: memref<323584xi32, #tpu.memory_space<hbm>>, %arg4: memref<20480x16xf32, #tpu.memory_space<hbm>>, %arg5: memref<5177344xi32, #tpu.memory_space<hbm>>, %arg6: memref<5177344xi32, #tpu.memory_space<hbm>>, %arg7: memref<512xi32, #tpu.memory_space<hbm>>, %arg8: memref<2048xi32, #tpu.memory_space<vmem>>, %arg9: memref<2048xi32, #tpu.memory_space<vmem>>, %arg10: memref<272xi32, #tpu.memory_space<vmem>>, %arg11: memref<272xi32, #tpu.memory_space<vmem>>, %arg12: memref<1x128xi32, #tpu.memory_space<vmem>>, %arg13: memref<1x128xi32, #tpu.memory_space<vmem>>, %arg14: memref<128x16xf32, #tpu.memory_space<vmem>>, %arg15: memref<64x16xf32, #tpu.memory_space<vmem>>, %arg16: memref<16xi32, #tpu.memory_space<vmem>>, %arg17: memref<648x16xf32, #tpu.memory_space<vmem_shared>>) attributes {dimension_semantics = [#tpu.dimension_semantics<core_parallel>, #tpu.dimension_semantics<subcore_parallel>], iteration_bounds = array<i64: 2, 16>, scalar_prefetch = 0 : i64, scratch_operands = 10 : i64, tpu.core_type = #tpu.core_type<sc_vector_subcore>, window_params = [{transform_indices = #map}, {transform_indices = #map}, {transform_indices = #map1}, {transform_indices = #map}, {transform_indices = #map}, {transform_indices = #map}]} {
    %mul3A = arith.constant 16 : i32
    %mul3A_0 = arith.muli %arg0, %mul3A : i32
    %add3A = arith.addi %mul3A_0, %arg1 : i32
    %mul3A_1 = arith.constant 640 : i32
    %mul3A_2 = arith.muli %arg1, %mul3A_1 : i32
    %mul3A_3 = arith.constant 161792 : i32
    %mul3A_4 = arith.muli %add3A, %mul3A_3 : i32
    %broadcast_in_dim3A = arith.constant 0.000000e+00 : f32
    %broadcast_in_dim3A_5 = vector.broadcast %broadcast_in_dim3A : f32 to vector<16xf32>
    %iota3A = tpu.iota {dimensions = array<i32: 0>} : vector<16xi32>
    %eq3A = arith.constant 0 : i32
    %eq3A_6 = vector.broadcast %eq3A : i32 to vector<16xi32>
    %eq3A_7 = arith.cmpi eq, %iota3A, %eq3A_6 : vector<16xi32>
    %jit3A = arith.constant 1.000000e+00 : f32
    %jit3A_8 = arith.constant 0.000000e+00 : f32
    %broadcast_in_dim3A_9 = vector.broadcast %jit3A : f32 to vector<16xf32>
    %broadcast_in_dim3A_10 = vector.broadcast %jit3A_8 : f32 to vector<16xf32>
    %select_n3A = arith.select %eq3A_7, %broadcast_in_dim3A_9, %broadcast_in_dim3A_10 : vector<16xi1>, vector<16xf32>
    %scan3A = arith.constant 0 : i32
    %scan3A_11 = arith.constant 0 : i32
    %scan3A_12 = arith.constant 64 : i32
    %scan3A_13 = arith.addi %scan3A_11, %scan3A_12 : i32
    %scan3A_14 = arith.constant 1 : i32
    scf.for %scan3A_118 = %scan3A_11 to %scan3A_13 step %scan3A_14  : i32 {
      %swap3A_119 = arith.index_cast %scan3A_118 : i32 to index
      %swap3A_120 = arith.constant 0 : index
      %swap3A_121 = tpu.vector_load %arg15[%swap3A_119, %swap3A_120] {strides = array<i32>} : memref<64x16xf32, #tpu.memory_space<vmem>>, vector<16xf32>,
      tpu.vector_store %arg15[%swap3A_119, %swap3A_120], %broadcast_in_dim3A_5 {strides = array<i32>} : memref<64x16xf32, #tpu.memory_space<vmem>>, vector<16xf32>,
    }
    %scan3A_15 = arith.constant 64 : i32
    %scan3A_16 = arith.constant 0 : i32
    %scan3A_17 = arith.constant 0 : i32
    %scan3A_18 = arith.constant 128 : i32
    %scan3A_19 = arith.addi %scan3A_17, %scan3A_18 : i32
    %scan3A_20 = arith.constant 1 : i32
    scf.for %scan3A_118 = %scan3A_17 to %scan3A_19 step %scan3A_20  : i32 {
      %swap3A_119 = arith.index_cast %scan3A_118 : i32 to index
      %swap3A_120 = arith.constant 0 : index
      %swap3A_121 = tpu.vector_load %arg14[%swap3A_119, %swap3A_120] {strides = array<i32>} : memref<128x16xf32, #tpu.memory_space<vmem>>, vector<16xf32>,
      tpu.vector_store %arg14[%swap3A_119, %swap3A_120], %select_n3A {strides = array<i32>} : memref<128x16xf32, #tpu.memory_space<vmem>>, vector<16xf32>,
    }
    %scan3A_21 = arith.constant 128 : i32
    %scan3A_22 = arith.constant 0 : i32
    %scan3A_23 = arith.constant 0 : i32
    %scan3A_24 = arith.constant 10 : i32
    %scan3A_25 = arith.addi %scan3A_23, %scan3A_24 : i32
    %scan3A_26 = arith.constant 1 : i32
    scf.for %scan3A_118 = %scan3A_23 to %scan3A_25 step %scan3A_26  : i32 {
      %mul3A_119 = arith.constant 64 : i32
      %mul3A_120 = arith.muli %scan3A_118, %mul3A_119 : i32
      "tpu.region"() ({
        %run_scoped3A = tpu.sem_alloc : memref<!tpu.dma_semaphore, #tpu.memory_space<semaphore_mem>>
        %dma_start3A = arith.constant 0 : i32
        %dma_start3A_121 = tpu.memref_slice %arg17[%mul3A_120, %dma_start3A] : memref<648x16xf32, #tpu.memory_space<vmem_shared>> -> memref<64x16xf32, #tpu.memory_space<vmem_shared>>
        %dma_start3A_122 = arith.constant 0 : i32
        %dma_start3A_123 = tpu.memref_slice %arg17[%mul3A_120, %dma_start3A_122] : memref<648x16xf32, #tpu.memory_space<vmem_shared>> -> memref<64x16xf32, #tpu.memory_space<vmem_shared>>
        tpu.enqueue_dma source(%arg15 : memref<64x16xf32, #tpu.memory_space<vmem>>) target(%dma_start3A_123 : memref<64x16xf32, #tpu.memory_space<vmem_shared>>) target_semaphore(%run_scoped3A : memref<!tpu.dma_semaphore, #tpu.memory_space<semaphore_mem>>)
        %dma_wait3A = arith.constant 0 : i32
        %dma_wait3A_124 = tpu.memref_slice %arg17[%mul3A_120, %dma_wait3A] : memref<648x16xf32, #tpu.memory_space<vmem_shared>> -> memref<64x16xf32, #tpu.memory_space<vmem_shared>>
        %dma_wait3A_125 = arith.constant 0 : i32
        %dma_wait3A_126 = tpu.memref_slice %arg17[%mul3A_120, %dma_wait3A_125] : memref<648x16xf32, #tpu.memory_space<vmem_shared>> -> memref<64x16xf32, #tpu.memory_space<vmem_shared>>
        tpu.wait_dma2 semaphore(%run_scoped3A : memref<!tpu.dma_semaphore, #tpu.memory_space<semaphore_mem>>) src(%arg15 : memref<64x16xf32, #tpu.memory_space<vmem>>) dst(%dma_wait3A_126 : memref<64x16xf32, #tpu.memory_space<vmem_shared>>)
        tpu.yield
      }) : () -> ()
    }
    %scan3A_27 = arith.constant 10 : i32
    %scan3A_28 = arith.constant 0 : i32
    %scan3A_29 = arith.constant 0 : i32
    %scan3A_30 = arith.constant 0 : i32
    %scan3A_31 = arith.constant 79 : i32
    %scan3A_32 = arith.addi %scan3A_30, %scan3A_31 : i32
    %scan3A_33 = arith.constant 1 : i32
    %scan3A_34:2 = scf.for %scan3A_118 = %scan3A_30 to %scan3A_32 step %scan3A_33 iter_args(%scan3A_119 = %scan3A_28, %scan3A_120 = %scan3A_29) -> (i32, i32)  : i32 {
      %mul3A_121 = arith.constant 161792 : i32
      %mul3A_122 = arith.muli %arg0, %mul3A_121 : i32
      %mul3A_123 = arith.constant 2048 : i32
      %mul3A_124 = arith.muli %scan3A_118, %mul3A_123 : i32
      %add3A_125 = arith.addi %mul3A_122, %mul3A_124 : i32
      "tpu.region"() ({
        %run_scoped3A = tpu.sem_alloc : memref<!tpu.dma_semaphore, #tpu.memory_space<semaphore_mem>>
        %dma_start3A = tpu.memref_slice %arg3[%add3A_125] : memref<323584xi32, #tpu.memory_space<hbm>> -> memref<2048xi32, #tpu.memory_space<hbm>>
        %dma_start3A_137 = tpu.memref_slice %arg3[%add3A_125] : memref<323584xi32, #tpu.memory_space<hbm>> -> memref<2048xi32, #tpu.memory_space<hbm>>
        tpu.enqueue_dma source(%dma_start3A_137 : memref<2048xi32, #tpu.memory_space<hbm>>) target(%arg8 : memref<2048xi32, #tpu.memory_space<vmem>>) target_semaphore(%run_scoped3A : memref<!tpu.dma_semaphore, #tpu.memory_space<semaphore_mem>>)
        %dma_wait3A = tpu.memref_slice %arg3[%add3A_125] : memref<323584xi32, #tpu.memory_space<hbm>> -> memref<2048xi32, #tpu.memory_space<hbm>>
        %dma_wait3A_138 = tpu.memref_slice %arg3[%add3A_125] : memref<323584xi32, #tpu.memory_space<hbm>> -> memref<2048xi32, #tpu.memory_space<hbm>>
        tpu.wait_dma2 semaphore(%run_scoped3A : memref<!tpu.dma_semaphore, #tpu.memory_space<semaphore_mem>>) src(%dma_wait3A_138 : memref<2048xi32, #tpu.memory_space<hbm>>) dst(%arg8 : memref<2048xi32, #tpu.memory_space<vmem>>)
        tpu.yield
      }) : () -> ()
      "tpu.region"() ({
        %run_scoped3A = tpu.sem_alloc : memref<!tpu.dma_semaphore, #tpu.memory_space<semaphore_mem>>
        %dma_start3A = tpu.memref_slice %arg2[%add3A_125] : memref<323584xi32, #tpu.memory_space<hbm>> -> memref<2048xi32, #tpu.memory_space<hbm>>
        %dma_start3A_137 = tpu.memref_slice %arg2[%add3A_125] : memref<323584xi32, #tpu.memory_space<hbm>> -> memref<2048xi32, #tpu.memory_space<hbm>>
        tpu.enqueue_dma source(%dma_start3A_137 : memref<2048xi32, #tpu.memory_space<hbm>>) target(%arg9 : memref<2048xi32, #tpu.memory_space<vmem>>) target_semaphore(%run_scoped3A : memref<!tpu.dma_semaphore, #tpu.memory_space<semaphore_mem>>)
        %dma_wait3A = tpu.memref_slice %arg2[%add3A_125] : memref<323584xi32, #tpu.memory_space<hbm>> -> memref<2048xi32, #tpu.memory_space<hbm>>
        %dma_wait3A_138 = tpu.memref_slice %arg2[%add3A_125] : memref<323584xi32, #tpu.memory_space<hbm>> -> memref<2048xi32, #tpu.memory_space<hbm>>
        tpu.wait_dma2 semaphore(%run_scoped3A : memref<!tpu.dma_semaphore, #tpu.memory_space<semaphore_mem>>) src(%dma_wait3A_138 : memref<2048xi32, #tpu.memory_space<hbm>>) dst(%arg9 : memref<2048xi32, #tpu.memory_space<vmem>>)
        tpu.yield
      }) : () -> ()
      %broadcast_in_dim3A_126 = vector.broadcast %mul3A_2 : i32 to vector<16xi32>
      %broadcast_in_dim3A_127 = arith.constant 640 : i32
      %broadcast_in_dim3A_128 = vector.broadcast %broadcast_in_dim3A_127 : i32 to vector<16xi32>
      %broadcast_in_dim3A_129 = arith.constant 0 : i32
      %broadcast_in_dim3A_130 = vector.broadcast %broadcast_in_dim3A_129 : i32 to vector<16xi32>
      %scan3A_131 = arith.constant 0 : i32
      %scan3A_132 = arith.constant 128 : i32
      %scan3A_133 = arith.addi %scan3A_131, %scan3A_132 : i32
      %scan3A_134 = arith.constant 4 : i32
      %scan3A_135:2 = scf.for %scan3A_137 = %scan3A_131 to %scan3A_133 step %scan3A_134 iter_args(%scan3A_138 = %scan3A_119, %scan3A_139 = %scan3A_120) -> (i32, i32)  : i32 {
        %mul3A_140 = arith.constant 16 : i32
        %mul3A_141 = arith.muli %scan3A_137, %mul3A_140 : i32
        %get3A = arith.index_cast %mul3A_141 : i32 to index
        %get3A_142 = tpu.vector_load %arg8[%get3A] {strides = array<i32>} : memref<2048xi32, #tpu.memory_space<vmem>>, vector<16xi32>,
        %sub3A = arith.subi %get3A_142, %broadcast_in_dim3A_126 : vector<16xi32>
        %ge3A = arith.cmpi sge, %sub3A, %broadcast_in_dim3A_130 : vector<16xi32>
        %lt3A = arith.cmpi slt, %sub3A, %broadcast_in_dim3A_128 : vector<16xi32>
        %and3A = arith.andi %ge3A, %lt3A : vector<16xi1>
        %all_reduce_population_count3A = tpu.all_reduce %and3A {dim = 0 : i64, kind = #tpu.reduction_kind<sum>} : vector<16xi1> -> vector<16xi32>
        %slice3A = vector.extract_strided_slice %all_reduce_population_count3A {offsets = [0], sizes = [1], strides = [1]} : vector<16xi32> to vector<1xi32>
        %squeeze3A = vector.extract %slice3A[0] : i32 from vector<1xi32>
        %swap3A_143 = arith.index_cast %scan3A_138 : i32 to index
        %swap3A_144 = tpu.vector_load %arg10[%swap3A_143] masked %and3A {strides = array<i32>} : memref<272xi32, #tpu.memory_space<vmem>>, vector<16xi32>, vector<16xi1>
        tpu.vector_store %arg10[%swap3A_143], %sub3A masked %and3A {strides = array<i32>} : memref<272xi32, #tpu.memory_space<vmem>>, vector<16xi32>, vector<16xi1>
        %mul3A_145 = arith.constant 16 : i32
        %mul3A_146 = arith.muli %scan3A_137, %mul3A_145 : i32
        %get3A_147 = arith.index_cast %mul3A_146 : i32 to index
        %get3A_148 = tpu.vector_load %arg9[%get3A_147] {strides = array<i32>} : memref<2048xi32, #tpu.memory_space<vmem>>, vector<16xi32>,
        %swap3A_149 = arith.index_cast %scan3A_138 : i32 to index
        %swap3A_150 = tpu.vector_load %arg11[%swap3A_149] masked %and3A {strides = array<i32>} : memref<272xi32, #tpu.memory_space<vmem>>, vector<16xi32>, vector<16xi1>
        tpu.vector_store %arg11[%swap3A_149], %get3A_148 masked %and3A {strides = array<i32>} : memref<272xi32, #tpu.memory_space<vmem>>, vector<16xi32>, vector<16xi1>
        %add3A_151 = arith.addi %scan3A_138, %squeeze3A : i32
        %ge3A_152 = arith.constant 128 : i32
        %ge3A_153 = arith.cmpi sge, %add3A_151, %ge3A_152 : i32
        %convert_element_type3A_154 = arith.extui %ge3A_153 : i1 to i32
        %cond3A_155 = arith.constant 0 : i32
        %cond3A_156 = arith.cmpi ne, %convert_element_type3A_154, %cond3A_155 : i32
        scf.if %cond3A_156 {
          %get3A_270 = arith.constant 0 : index
          %get3A_271 = tpu.vector_load %arg10[%get3A_270] {strides = array<i32>} : memref<272xi32, #tpu.memory_space<vmem>>, vector<16xi32>,
          %swap3A_272 = arith.constant 0 : i32
          %swap3A_273 = arith.index_cast %swap3A_272 : i32 to index
          %swap3A_274 = arith.constant 0 : index
          %swap3A_275 = tpu.vector_load %arg12[%swap3A_273, %swap3A_274] {strides = array<i32>} : memref<1x128xi32, #tpu.memory_space<vmem>>, vector<16xi32>,
          tpu.vector_store %arg12[%swap3A_273, %swap3A_274], %get3A_271 {strides = array<i32>} : memref<1x128xi32, #tpu.memory_space<vmem>>, vector<16xi32>,
          %get3A_276 = arith.constant 16 : index
          %get3A_277 = tpu.vector_load %arg10[%get3A_276] {strides = array<i32>} : memref<272xi32, #tpu.memory_space<vmem>>, vector<16xi32>,
          %swap3A_278 = arith.constant 0 : i32
          %swap3A_279 = arith.index_cast %swap3A_278 : i32 to index
          %swap3A_280 = arith.constant 16 : index
          %swap3A_281 = tpu.vector_load %arg12[%swap3A_279, %swap3A_280] {strides = array<i32>} : memref<1x128xi32, #tpu.memory_space<vmem>>, vector<16xi32>,
          tpu.vector_store %arg12[%swap3A_279, %swap3A_280], %get3A_277 {strides = array<i32>} : memref<1x128xi32, #tpu.memory_space<vmem>>, vector<16xi32>,
          %get3A_282 = arith.constant 32 : index
          %get3A_283 = tpu.vector_load %arg10[%get3A_282] {strides = array<i32>} : memref<272xi32, #tpu.memory_space<vmem>>, vector<16xi32>,
          %swap3A_284 = arith.constant 0 : i32
          %swap3A_285 = arith.index_cast %swap3A_284 : i32 to index
          %swap3A_286 = arith.constant 32 : index
          %swap3A_287 = tpu.vector_load %arg12[%swap3A_285, %swap3A_286] {strides = array<i32>} : memref<1x128xi32, #tpu.memory_space<vmem>>, vector<16xi32>,
          tpu.vector_store %arg12[%swap3A_285, %swap3A_286], %get3A_283 {strides = array<i32>} : memref<1x128xi32, #tpu.memory_space<vmem>>, vector<16xi32>,
          %get3A_288 = arith.constant 48 : index
          %get3A_289 = tpu.vector_load %arg10[%get3A_288] {strides = array<i32>} : memref<272xi32, #tpu.memory_space<vmem>>, vector<16xi32>,
          %swap3A_290 = arith.constant 0 : i32
          %swap3A_291 = arith.index_cast %swap3A_290 : i32 to index
          %swap3A_292 = arith.constant 48 : index
          %swap3A_293 = tpu.vector_load %arg12[%swap3A_291, %swap3A_292] {strides = array<i32>} : memref<1x128xi32, #tpu.memory_space<vmem>>, vector<16xi32>,
          tpu.vector_store %arg12[%swap3A_291, %swap3A_292], %get3A_289 {strides = array<i32>} : memref<1x128xi32, #tpu.memory_space<vmem>>, vector<16xi32>,
          %get3A_294 = arith.constant 64 : index
          %get3A_295 = tpu.vector_load %arg10[%get3A_294] {strides = array<i32>} : memref<272xi32, #tpu.memory_space<vmem>>, vector<16xi32>,
          %swap3A_296 = arith.constant 0 : i32
          %swap3A_297 = arith.index_cast %swap3A_296 : i32 to index
          %swap3A_298 = arith.constant 64 : index
          %swap3A_299 = tpu.vector_load %arg12[%swap3A_297, %swap3A_298] {strides = array<i32>} : memref<1x128xi32, #tpu.memory_space<vmem>>, vector<16xi32>,
          tpu.vector_store %arg12[%swap3A_297, %swap3A_298], %get3A_295 {strides = array<i32>} : memref<1x128xi32, #tpu.memory_space<vmem>>, vector<16xi32>,
          %get3A_300 = arith.constant 80 : index
          %get3A_301 = tpu.vector_load %arg10[%get3A_300] {strides = array<i32>} : memref<272xi32, #tpu.memory_space<vmem>>, vector<16xi32>,
          %swap3A_302 = arith.constant 0 : i32
          %swap3A_303 = arith.index_cast %swap3A_302 : i32 to index
          %swap3A_304 = arith.constant 80 : index
          %swap3A_305 = tpu.vector_load %arg12[%swap3A_303, %swap3A_304] {strides = array<i32>} : memref<1x128xi32, #tpu.memory_space<vmem>>, vector<16xi32>,
          tpu.vector_store %arg12[%swap3A_303, %swap3A_304], %get3A_301 {strides = array<i32>} : memref<1x128xi32, #tpu.memory_space<vmem>>, vector<16xi32>,
          %get3A_306 = arith.constant 96 : index
          %get3A_307 = tpu.vector_load %arg10[%get3A_306] {strides = array<i32>} : memref<272xi32, #tpu.memory_space<vmem>>, vector<16xi32>,
          %swap3A_308 = arith.constant 0 : i32
          %swap3A_309 = arith.index_cast %swap3A_308 : i32 to index
          %swap3A_310 = arith.constant 96 : index
          %swap3A_311 = tpu.vector_load %arg12[%swap3A_309, %swap3A_310] {strides = array<i32>} : memref<1x128xi32, #tpu.memory_space<vmem>>, vector<16xi32>,
          tpu.vector_store %arg12[%swap3A_309, %swap3A_310], %get3A_307 {strides = array<i32>} : memref<1x128xi32, #tpu.memory_space<vmem>>, vector<16xi32>,
          %get3A_312 = arith.constant 112 : index
          %get3A_313 = tpu.vector_load %arg10[%get3A_312] {strides = array<i32>} : memref<272xi32, #tpu.memory_space<vmem>>, vector<16xi32>,
          %swap3A_314 = arith.constant 0 : i32
          %swap3A_315 = arith.index_cast %swap3A_314 : i32 to index
          %swap3A_316 = arith.constant 112 : index
          %swap3A_317 = tpu.vector_load %arg12[%swap3A_315, %swap3A_316] {strides = array<i32>} : memref<1x128xi32, #tpu.memory_space<vmem>>, vector<16xi32>,
          tpu.vector_store %arg12[%swap3A_315, %swap3A_316], %get3A_313 {strides = array<i32>} : memref<1x128xi32, #tpu.memory_space<vmem>>, vector<16xi32>,
          %get3A_318 = arith.constant 128 : index
          %get3A_319 = tpu.vector_load %arg10[%get3A_318] {strides = array<i32>} : memref<272xi32, #tpu.memory_space<vmem>>, vector<16xi32>,
          %swap3A_320 = arith.constant 0 : index
          %swap3A_321 = tpu.vector_load %arg10[%swap3A_320] {strides = array<i32>} : memref<272xi32, #tpu.memory_space<vmem>>, vector<16xi32>,
          tpu.vector_store %arg10[%swap3A_320], %get3A_319 {strides = array<i32>} : memref<272xi32, #tpu.memory_space<vmem>>, vector<16xi32>,
          %get3A_322 = arith.constant 144 : index
          %get3A_323 = tpu.vector_load %arg10[%get3A_322] {strides = array<i32>} : memref<272xi32, #tpu.memory_space<vmem>>, vector<16xi32>,
          %swap3A_324 = arith.constant 16 : index
          %swap3A_325 = tpu.vector_load %arg10[%swap3A_324] {strides = array<i32>} : memref<272xi32, #tpu.memory_space<vmem>>, vector<16xi32>,
          tpu.vector_store %arg10[%swap3A_324], %get3A_323 {strides = array<i32>} : memref<272xi32, #tpu.memory_space<vmem>>, vector<16xi32>,
          %get3A_326 = arith.constant 160 : index
          %get3A_327 = tpu.vector_load %arg10[%get3A_326] {strides = array<i32>} : memref<272xi32, #tpu.memory_space<vmem>>, vector<16xi32>,
          %swap3A_328 = arith.constant 32 : index
          %swap3A_329 = tpu.vector_load %arg10[%swap3A_328] {strides = array<i32>} : memref<272xi32, #tpu.memory_space<vmem>>, vector<16xi32>,
          tpu.vector_store %arg10[%swap3A_328], %get3A_327 {strides = array<i32>} : memref<272xi32, #tpu.memory_space<vmem>>, vector<16xi32>,
          %get3A_330 = arith.constant 176 : index
          %get3A_331 = tpu.vector_load %arg10[%get3A_330] {strides = array<i32>} : memref<272xi32, #tpu.memory_space<vmem>>, vector<16xi32>,
          %swap3A_332 = arith.constant 48 : index
          %swap3A_333 = tpu.vector_load %arg10[%swap3A_332] {strides = array<i32>} : memref<272xi32, #tpu.memory_space<vmem>>, vector<16xi32>,
          tpu.vector_store %arg10[%swap3A_332], %get3A_331 {strides = array<i32>} : memref<272xi32, #tpu.memory_space<vmem>>, vector<16xi32>,
          %get3A_334 = arith.constant 192 : index
          %get3A_335 = tpu.vector_load %arg10[%get3A_334] {strides = array<i32>} : memref<272xi32, #tpu.memory_space<vmem>>, vector<16xi32>,
          %swap3A_336 = arith.constant 64 : index
          %swap3A_337 = tpu.vector_load %arg10[%swap3A_336] {strides = array<i32>} : memref<272xi32, #tpu.memory_space<vmem>>, vector<16xi32>,
          tpu.vector_store %arg10[%swap3A_336], %get3A_335 {strides = array<i32>} : memref<272xi32, #tpu.memory_space<vmem>>, vector<16xi32>,
          %get3A_338 = arith.constant 208 : index
          %get3A_339 = tpu.vector_load %arg10[%get3A_338] {strides = array<i32>} : memref<272xi32, #tpu.memory_space<vmem>>, vector<16xi32>,
          %swap3A_340 = arith.constant 80 : index
          %swap3A_341 = tpu.vector_load %arg10[%swap3A_340] {strides = array<i32>} : memref<272xi32, #tpu.memory_space<vmem>>, vector<16xi32>,
          tpu.vector_store %arg10[%swap3A_340], %get3A_339 {strides = array<i32>} : memref<272xi32, #tpu.memory_space<vmem>>, vector<16xi32>,
          %get3A_342 = arith.constant 224 : index
          %get3A_343 = tpu.vector_load %arg10[%get3A_342] {strides = array<i32>} : memref<272xi32, #tpu.memory_space<vmem>>, vector<16xi32>,
          %swap3A_344 = arith.constant 96 : index
          %swap3A_345 = tpu.vector_load %arg10[%swap3A_344] {strides = array<i32>} : memref<272xi32, #tpu.memory_space<vmem>>, vector<16xi32>,
          tpu.vector_store %arg10[%swap3A_344], %get3A_343 {strides = array<i32>} : memref<272xi32, #tpu.memory_space<vmem>>, vector<16xi32>,
          %get3A_346 = arith.constant 240 : index
          %get3A_347 = tpu.vector_load %arg10[%get3A_346] {strides = array<i32>} : memref<272xi32, #tpu.memory_space<vmem>>, vector<16xi32>,
          %swap3A_348 = arith.constant 112 : index
          %swap3A_349 = tpu.vector_load %arg10[%swap3A_348] {strides = array<i32>} : memref<272xi32, #tpu.memory_space<vmem>>, vector<16xi32>,
          tpu.vector_store %arg10[%swap3A_348], %get3A_347 {strides = array<i32>} : memref<272xi32, #tpu.memory_space<vmem>>, vector<16xi32>,
          %get3A_350 = arith.constant 0 : index
          %get3A_351 = tpu.vector_load %arg11[%get3A_350] {strides = array<i32>} : memref<272xi32, #tpu.memory_space<vmem>>, vector<16xi32>,
          %swap3A_352 = arith.constant 0 : i32
          %swap3A_353 = arith.index_cast %swap3A_352 : i32 to index
          %swap3A_354 = arith.constant 0 : index
          %swap3A_355 = tpu.vector_load %arg13[%swap3A_353, %swap3A_354] {strides = array<i32>} : memref<1x128xi32, #tpu.memory_space<vmem>>, vector<16xi32>,
          tpu.vector_store %arg13[%swap3A_353, %swap3A_354], %get3A_351 {strides = array<i32>} : memref<1x128xi32, #tpu.memory_space<vmem>>, vector<16xi32>,
          %get3A_356 = arith.constant 16 : index
          %get3A_357 = tpu.vector_load %arg11[%get3A_356] {strides = array<i32>} : memref<272xi32, #tpu.memory_space<vmem>>, vector<16xi32>,
          %swap3A_358 = arith.constant 0 : i32
          %swap3A_359 = arith.index_cast %swap3A_358 : i32 to index
          %swap3A_360 = arith.constant 16 : index
          %swap3A_361 = tpu.vector_load %arg13[%swap3A_359, %swap3A_360] {strides = array<i32>} : memref<1x128xi32, #tpu.memory_space<vmem>>, vector<16xi32>,
          tpu.vector_store %arg13[%swap3A_359, %swap3A_360], %get3A_357 {strides = array<i32>} : memref<1x128xi32, #tpu.memory_space<vmem>>, vector<16xi32>,
          %get3A_362 = arith.constant 32 : index
          %get3A_363 = tpu.vector_load %arg11[%get3A_362] {strides = array<i32>} : memref<272xi32, #tpu.memory_space<vmem>>, vector<16xi32>,
          %swap3A_364 = arith.constant 0 : i32
          %swap3A_365 = arith.index_cast %swap3A_364 : i32 to index
          %swap3A_366 = arith.constant 32 : index
          %swap3A_367 = tpu.vector_load %arg13[%swap3A_365, %swap3A_366] {strides = array<i32>} : memref<1x128xi32, #tpu.memory_space<vmem>>, vector<16xi32>,
          tpu.vector_store %arg13[%swap3A_365, %swap3A_366], %get3A_363 {strides = array<i32>} : memref<1x128xi32, #tpu.memory_space<vmem>>, vector<16xi32>,
          %get3A_368 = arith.constant 48 : index
          %get3A_369 = tpu.vector_load %arg11[%get3A_368] {strides = array<i32>} : memref<272xi32, #tpu.memory_space<vmem>>, vector<16xi32>,
          %swap3A_370 = arith.constant 0 : i32
          %swap3A_371 = arith.index_cast %swap3A_370 : i32 to index
          %swap3A_372 = arith.constant 48 : index
          %swap3A_373 = tpu.vector_load %arg13[%swap3A_371, %swap3A_372] {strides = array<i32>} : memref<1x128xi32, #tpu.memory_space<vmem>>, vector<16xi32>,
          tpu.vector_store %arg13[%swap3A_371, %swap3A_372], %get3A_369 {strides = array<i32>} : memref<1x128xi32, #tpu.memory_space<vmem>>, vector<16xi32>,
          %get3A_374 = arith.constant 64 : index
          %get3A_375 = tpu.vector_load %arg11[%get3A_374] {strides = array<i32>} : memref<272xi32, #tpu.memory_space<vmem>>, vector<16xi32>,
          %swap3A_376 = arith.constant 0 : i32
          %swap3A_377 = arith.index_cast %swap3A_376 : i32 to index
          %swap3A_378 = arith.constant 64 : index
          %swap3A_379 = tpu.vector_load %arg13[%swap3A_377, %swap3A_378] {strides = array<i32>} : memref<1x128xi32, #tpu.memory_space<vmem>>, vector<16xi32>,
          tpu.vector_store %arg13[%swap3A_377, %swap3A_378], %get3A_375 {strides = array<i32>} : memref<1x128xi32, #tpu.memory_space<vmem>>, vector<16xi32>,
          %get3A_380 = arith.constant 80 : index
          %get3A_381 = tpu.vector_load %arg11[%get3A_380] {strides = array<i32>} : memref<272xi32, #tpu.memory_space<vmem>>, vector<16xi32>,
          %swap3A_382 = arith.constant 0 : i32
          %swap3A_383 = arith.index_cast %swap3A_382 : i32 to index
          %swap3A_384 = arith.constant 80 : index
          %swap3A_385 = tpu.vector_load %arg13[%swap3A_383, %swap3A_384] {strides = array<i32>} : memref<1x128xi32, #tpu.memory_space<vmem>>, vector<16xi32>,
          tpu.vector_store %arg13[%swap3A_383, %swap3A_384], %get3A_381 {strides = array<i32>} : memref<1x128xi32, #tpu.memory_space<vmem>>, vector<16xi32>,
          %get3A_386 = arith.constant 96 : index
          %get3A_387 = tpu.vector_load %arg11[%get3A_386] {strides = array<i32>} : memref<272xi32, #tpu.memory_space<vmem>>, vector<16xi32>,
          %swap3A_388 = arith.constant 0 : i32
          %swap3A_389 = arith.index_cast %swap3A_388 : i32 to index
          %swap3A_390 = arith.constant 96 : index
          %swap3A_391 = tpu.vector_load %arg13[%swap3A_389, %swap3A_390] {strides = array<i32>} : memref<1x128xi32, #tpu.memory_space<vmem>>, vector<16xi32>,
          tpu.vector_store %arg13[%swap3A_389, %swap3A_390], %get3A_387 {strides = array<i32>} : memref<1x128xi32, #tpu.memory_space<vmem>>, vector<16xi32>,
          %get3A_392 = arith.constant 112 : index
          %get3A_393 = tpu.vector_load %arg11[%get3A_392] {strides = array<i32>} : memref<272xi32, #tpu.memory_space<vmem>>, vector<16xi32>,
          %swap3A_394 = arith.constant 0 : i32
          %swap3A_395 = arith.index_cast %swap3A_394 : i32 to index
          %swap3A_396 = arith.constant 112 : index
          %swap3A_397 = tpu.vector_load %arg13[%swap3A_395, %swap3A_396] {strides = array<i32>} : memref<1x128xi32, #tpu.memory_space<vmem>>, vector<16xi32>,
          tpu.vector_store %arg13[%swap3A_395, %swap3A_396], %get3A_393 {strides = array<i32>} : memref<1x128xi32, #tpu.memory_space<vmem>>, vector<16xi32>,
          %get3A_398 = arith.constant 128 : index
          %get3A_399 = tpu.vector_load %arg11[%get3A_398] {strides = array<i32>} : memref<272xi32, #tpu.memory_space<vmem>>, vector<16xi32>,
          %swap3A_400 = arith.constant 0 : index
          %swap3A_401 = tpu.vector_load %arg11[%swap3A_400] {strides = array<i32>} : memref<272xi32, #tpu.memory_space<vmem>>, vector<16xi32>,
          tpu.vector_store %arg11[%swap3A_400], %get3A_399 {strides = array<i32>} : memref<272xi32, #tpu.memory_space<vmem>>, vector<16xi32>,
          %get3A_402 = arith.constant 144 : index
          %get3A_403 = tpu.vector_load %arg11[%get3A_402] {strides = array<i32>} : memref<272xi32, #tpu.memory_space<vmem>>, vector<16xi32>,
          %swap3A_404 = arith.constant 16 : index
          %swap3A_405 = tpu.vector_load %arg11[%swap3A_404] {strides = array<i32>} : memref<272xi32, #tpu.memory_space<vmem>>, vector<16xi32>,
          tpu.vector_store %arg11[%swap3A_404], %get3A_403 {strides = array<i32>} : memref<272xi32, #tpu.memory_space<vmem>>, vector<16xi32>,
          %get3A_406 = arith.constant 160 : index
          %get3A_407 = tpu.vector_load %arg11[%get3A_406] {strides = array<i32>} : memref<272xi32, #tpu.memory_space<vmem>>, vector<16xi32>,
          %swap3A_408 = arith.constant 32 : index
          %swap3A_409 = tpu.vector_load %arg11[%swap3A_408] {strides = array<i32>} : memref<272xi32, #tpu.memory_space<vmem>>, vector<16xi32>,
          tpu.vector_store %arg11[%swap3A_408], %get3A_407 {strides = array<i32>} : memref<272xi32, #tpu.memory_space<vmem>>, vector<16xi32>,
          %get3A_410 = arith.constant 176 : index
          %get3A_411 = tpu.vector_load %arg11[%get3A_410] {strides = array<i32>} : memref<272xi32, #tpu.memory_space<vmem>>, vector<16xi32>,
          %swap3A_412 = arith.constant 48 : index
          %swap3A_413 = tpu.vector_load %arg11[%swap3A_412] {strides = array<i32>} : memref<272xi32, #tpu.memory_space<vmem>>, vector<16xi32>,
          tpu.vector_store %arg11[%swap3A_412], %get3A_411 {strides = array<i32>} : memref<272xi32, #tpu.memory_space<vmem>>, vector<16xi32>,
          %get3A_414 = arith.constant 192 : index
          %get3A_415 = tpu.vector_load %arg11[%get3A_414] {strides = array<i32>} : memref<272xi32, #tpu.memory_space<vmem>>, vector<16xi32>,
          %swap3A_416 = arith.constant 64 : index
          %swap3A_417 = tpu.vector_load %arg11[%swap3A_416] {strides = array<i32>} : memref<272xi32, #tpu.memory_space<vmem>>, vector<16xi32>,
          tpu.vector_store %arg11[%swap3A_416], %get3A_415 {strides = array<i32>} : memref<272xi32, #tpu.memory_space<vmem>>, vector<16xi32>,
          %get3A_418 = arith.constant 208 : index
          %get3A_419 = tpu.vector_load %arg11[%get3A_418] {strides = array<i32>} : memref<272xi32, #tpu.memory_space<vmem>>, vector<16xi32>,
          %swap3A_420 = arith.constant 80 : index
          %swap3A_421 = tpu.vector_load %arg11[%swap3A_420] {strides = array<i32>} : memref<272xi32, #tpu.memory_space<vmem>>, vector<16xi32>,
          tpu.vector_store %arg11[%swap3A_420], %get3A_419 {strides = array<i32>} : memref<272xi32, #tpu.memory_space<vmem>>, vector<16xi32>,
          %get3A_422 = arith.constant 224 : index
          %get3A_423 = tpu.vector_load %arg11[%get3A_422] {strides = array<i32>} : memref<272xi32, #tpu.memory_space<vmem>>, vector<16xi32>,
          %swap3A_424 = arith.constant 96 : index
          %swap3A_425 = tpu.vector_load %arg11[%swap3A_424] {strides = array<i32>} : memref<272xi32, #tpu.memory_space<vmem>>, vector<16xi32>,
          tpu.vector_store %arg11[%swap3A_424], %get3A_423 {strides = array<i32>} : memref<272xi32, #tpu.memory_space<vmem>>, vector<16xi32>,
          %get3A_426 = arith.constant 240 : index
          %get3A_427 = tpu.vector_load %arg11[%get3A_426] {strides = array<i32>} : memref<272xi32, #tpu.memory_space<vmem>>, vector<16xi32>,
          %swap3A_428 = arith.constant 112 : index
          %swap3A_429 = tpu.vector_load %arg11[%swap3A_428] {strides = array<i32>} : memref<272xi32, #tpu.memory_space<vmem>>, vector<16xi32>,
          tpu.vector_store %arg11[%swap3A_428], %get3A_427 {strides = array<i32>} : memref<272xi32, #tpu.memory_space<vmem>>, vector<16xi32>,
          %run_scoped3A = arith.constant 0 : i32
          "tpu.region"() ({
            %run_scoped3A_438 = tpu.sem_alloc : memref<!tpu.dma_semaphore, #tpu.memory_space<semaphore_mem>>
            %dma_start3A = arith.constant 0 : i32
            %dma_start3A_439 = tpu.memref_slice %arg12[%run_scoped3A, %dma_start3A] : memref<1x128xi32, #tpu.memory_space<vmem>> -> memref<1x128xi32, #tpu.memory_space<vmem>>
            %dma_start3A_440 = tpu.memref_squeeze %dma_start3A_439 : memref<1x128xi32, #tpu.memory_space<vmem>> -> memref<128xi32, #tpu.memory_space<vmem>>
            %dma_start3A_441 = arith.constant 0 : i32
            %dma_start3A_442 = arith.constant 0 : i32
            %dma_start3A_443 = tpu.memref_slice %arg17[%dma_start3A_441, %dma_start3A_442] : memref<648x16xf32, #tpu.memory_space<vmem_shared>> -> memref<648x16xf32, #tpu.memory_space<vmem_shared>>
            tpu.enqueue_indirect_dma source(%arg14 : memref<128x16xf32, #tpu.memory_space<vmem>>) target(%dma_start3A_443 : memref<648x16xf32, #tpu.memory_space<vmem_shared>>) offsets(%dma_start3A_440 : memref<128xi32, #tpu.memory_space<vmem>>) semaphore(%run_scoped3A_438 : memref<!tpu.dma_semaphore, #tpu.memory_space<semaphore_mem>>) {add = true}
            %dma_wait3A = arith.constant 0 : i32
            %dma_wait3A_444 = tpu.memref_slice %arg12[%run_scoped3A, %dma_wait3A] : memref<1x128xi32, #tpu.memory_space<vmem>> -> memref<1x128xi32, #tpu.memory_space<vmem>>
            %dma_wait3A_445 = tpu.memref_squeeze %dma_wait3A_444 : memref<1x128xi32, #tpu.memory_space<vmem>> -> memref<128xi32, #tpu.memory_space<vmem>>
            %dma_wait3A_446 = arith.constant 0 : i32
            %dma_wait3A_447 = arith.constant 0 : i32
            %dma_wait3A_448 = tpu.memref_slice %arg17[%dma_wait3A_446, %dma_wait3A_447] : memref<648x16xf32, #tpu.memory_space<vmem_shared>> -> memref<648x16xf32, #tpu.memory_space<vmem_shared>>
            tpu.wait_indirect_dma semaphore(%run_scoped3A_438 : memref<!tpu.dma_semaphore, #tpu.memory_space<semaphore_mem>>) src(%arg14 : memref<128x16xf32, #tpu.memory_space<vmem>>) dst(%dma_wait3A_448 : memref<648x16xf32, #tpu.memory_space<vmem_shared>>)
            tpu.yield
          }) : () -> ()
          %mul3A_430 = arith.constant 128 : i32
          %mul3A_431 = arith.muli %scan3A_139, %mul3A_430 : i32
          %add3A_432 = arith.addi %mul3A_4, %mul3A_431 : i32
          %run_scoped3A_433 = arith.constant 0 : i32
          "tpu.region"() ({
            %run_scoped3A_438 = tpu.sem_alloc : memref<!tpu.dma_semaphore, #tpu.memory_space<semaphore_mem>>
            %dma_start3A = arith.constant 0 : i32
            %dma_start3A_439 = tpu.memref_slice %arg13[%run_scoped3A_433, %dma_start3A] : memref<1x128xi32, #tpu.memory_space<vmem>> -> memref<1x128xi32, #tpu.memory_space<vmem>>
            %dma_start3A_440 = tpu.memref_squeeze %dma_start3A_439 : memref<1x128xi32, #tpu.memory_space<vmem>> -> memref<128xi32, #tpu.memory_space<vmem>>
            %dma_start3A_441 = tpu.memref_slice %arg5[%add3A_432] : memref<5177344xi32, #tpu.memory_space<hbm>> -> memref<128xi32, #tpu.memory_space<hbm>>
            %dma_start3A_442 = tpu.memref_slice %arg5[%add3A_432] : memref<5177344xi32, #tpu.memory_space<hbm>> -> memref<128xi32, #tpu.memory_space<hbm>>
            %dma_start3A_443 = arith.constant 0 : i32
            %dma_start3A_444 = tpu.memref_slice %arg13[%run_scoped3A_433, %dma_start3A_443] : memref<1x128xi32, #tpu.memory_space<vmem>> -> memref<1x128xi32, #tpu.memory_space<vmem>>
            %dma_start3A_445 = tpu.memref_squeeze %dma_start3A_444 : memref<1x128xi32, #tpu.memory_space<vmem>> -> memref<128xi32, #tpu.memory_space<vmem>>
            tpu.enqueue_dma source(%dma_start3A_445 : memref<128xi32, #tpu.memory_space<vmem>>) target(%dma_start3A_442 : memref<128xi32, #tpu.memory_space<hbm>>) target_semaphore(%run_scoped3A_438 : memref<!tpu.dma_semaphore, #tpu.memory_space<semaphore_mem>>)
            %dma_wait3A = arith.constant 0 : i32
            %dma_wait3A_446 = tpu.memref_slice %arg13[%run_scoped3A_433, %dma_wait3A] : memref<1x128xi32, #tpu.memory_space<vmem>> -> memref<1x128xi32, #tpu.memory_space<vmem>>
            %dma_wait3A_447 = tpu.memref_squeeze %dma_wait3A_446 : memref<1x128xi32, #tpu.memory_space<vmem>> -> memref<128xi32, #tpu.memory_space<vmem>>
            %dma_wait3A_448 = tpu.memref_slice %arg5[%add3A_432] : memref<5177344xi32, #tpu.memory_space<hbm>> -> memref<128xi32, #tpu.memory_space<hbm>>
            %dma_wait3A_449 = tpu.memref_slice %arg5[%add3A_432] : memref<5177344xi32, #tpu.memory_space<hbm>> -> memref<128xi32, #tpu.memory_space<hbm>>
            %dma_wait3A_450 = arith.constant 0 : i32
            %dma_wait3A_451 = tpu.memref_slice %arg13[%run_scoped3A_433, %dma_wait3A_450] : memref<1x128xi32, #tpu.memory_space<vmem>> -> memref<1x128xi32, #tpu.memory_space<vmem>>
            %dma_wait3A_452 = tpu.memref_squeeze %dma_wait3A_451 : memref<1x128xi32, #tpu.memory_space<vmem>> -> memref<128xi32, #tpu.memory_space<vmem>>
            tpu.wait_dma2 semaphore(%run_scoped3A_438 : memref<!tpu.dma_semaphore, #tpu.memory_space<semaphore_mem>>) src(%dma_wait3A_452 : memref<128xi32, #tpu.memory_space<vmem>>) dst(%dma_wait3A_449 : memref<128xi32, #tpu.memory_space<hbm>>)
            tpu.yield
          }) : () -> ()
          %mul3A_434 = arith.constant 128 : i32
          %mul3A_435 = arith.muli %scan3A_139, %mul3A_434 : i32
          %add3A_436 = arith.addi %mul3A_4, %mul3A_435 : i32
          %run_scoped3A_437 = arith.constant 0 : i32
          "tpu.region"() ({
            %run_scoped3A_438 = tpu.sem_alloc : memref<!tpu.dma_semaphore, #tpu.memory_space<semaphore_mem>>
            %dma_start3A = arith.constant 0 : i32
            %dma_start3A_439 = tpu.memref_slice %arg12[%run_scoped3A_437, %dma_start3A] : memref<1x128xi32, #tpu.memory_space<vmem>> -> memref<1x128xi32, #tpu.memory_space<vmem>>
            %dma_start3A_440 = tpu.memref_squeeze %dma_start3A_439 : memref<1x128xi32, #tpu.memory_space<vmem>> -> memref<128xi32, #tpu.memory_space<vmem>>
            %dma_start3A_441 = tpu.memref_slice %arg6[%add3A_436] : memref<5177344xi32, #tpu.memory_space<hbm>> -> memref<128xi32, #tpu.memory_space<hbm>>
            %dma_start3A_442 = tpu.memref_slice %arg6[%add3A_436] : memref<5177344xi32, #tpu.memory_space<hbm>> -> memref<128xi32, #tpu.memory_space<hbm>>
            %dma_start3A_443 = arith.constant 0 : i32
            %dma_start3A_444 = tpu.memref_slice %arg12[%run_scoped3A_437, %dma_start3A_443] : memref<1x128xi32, #tpu.memory_space<vmem>> -> memref<1x128xi32, #tpu.memory_space<vmem>>
            %dma_start3A_445 = tpu.memref_squeeze %dma_start3A_444 : memref<1x128xi32, #tpu.memory_space<vmem>> -> memref<128xi32, #tpu.memory_space<vmem>>
            tpu.enqueue_dma source(%dma_start3A_445 : memref<128xi32, #tpu.memory_space<vmem>>) target(%dma_start3A_442 : memref<128xi32, #tpu.memory_space<hbm>>) target_semaphore(%run_scoped3A_438 : memref<!tpu.dma_semaphore, #tpu.memory_space<semaphore_mem>>)
            %dma_wait3A = arith.constant 0 : i32
            %dma_wait3A_446 = tpu.memref_slice %arg12[%run_scoped3A_437, %dma_wait3A] : memref<1x128xi32, #tpu.memory_space<vmem>> -> memref<1x128xi32, #tpu.memory_space<vmem>>
            %dma_wait3A_447 = tpu.memref_squeeze %dma_wait3A_446 : memref<1x128xi32, #tpu.memory_space<vmem>> -> memref<128xi32, #tpu.memory_space<vmem>>
            %dma_wait3A_448 = tpu.memref_slice %arg6[%add3A_436] : memref<5177344xi32, #tpu.memory_space<hbm>> -> memref<128xi32, #tpu.memory_space<hbm>>
            %dma_wait3A_449 = tpu.memref_slice %arg6[%add3A_436] : memref<5177344xi32, #tpu.memory_space<hbm>> -> memref<128xi32, #tpu.memory_space<hbm>>
            %dma_wait3A_450 = arith.constant 0 : i32
            %dma_wait3A_451 = tpu.memref_slice %arg12[%run_scoped3A_437, %dma_wait3A_450] : memref<1x128xi32, #tpu.memory_space<vmem>> -> memref<1x128xi32, #tpu.memory_space<vmem>>
            %dma_wait3A_452 = tpu.memref_squeeze %dma_wait3A_451 : memref<1x128xi32, #tpu.memory_space<vmem>> -> memref<128xi32, #tpu.memory_space<vmem>>
            tpu.wait_dma2 semaphore(%run_scoped3A_438 : memref<!tpu.dma_semaphore, #tpu.memory_space<semaphore_mem>>) src(%dma_wait3A_452 : memref<128xi32, #tpu.memory_space<vmem>>) dst(%dma_wait3A_449 : memref<128xi32, #tpu.memory_space<hbm>>)
            tpu.yield
          }) : () -> ()
        } else {
        }
        %ge3A_157 = arith.constant 128 : i32
        %ge3A_158 = arith.cmpi sge, %add3A_151, %ge3A_157 : i32
        %sub3A_159 = arith.constant 128 : i32
        %sub3A_160 = arith.subi %add3A_151, %sub3A_159 : i32
        %select_n3A_161 = arith.select %ge3A_158, %sub3A_160, %add3A_151 : i32
        %add3A_162 = arith.constant 1 : i32
        %add3A_163 = arith.addi %scan3A_139, %add3A_162 : i32
        %select_n3A_164 = arith.select %ge3A_158, %add3A_163, %scan3A_139 : i32
        %scan3A_165 = arith.constant 1 : i32
        %scan3A_166 = arith.addi %scan3A_137, %scan3A_165 : i32
        %mul3A_167 = arith.constant 16 : i32
        %mul3A_168 = arith.muli %scan3A_166, %mul3A_167 : i32
        %get3A_169 = arith.index_cast %mul3A_168 : i32 to index
        %get3A_170 = tpu.vector_load %arg8[%get3A_169] {strides = array<i32>} : memref<2048xi32, #tpu.memory_space<vmem>>, vector<16xi32>,
        %sub3A_171 = arith.subi %get3A_170, %broadcast_in_dim3A_126 : vector<16xi32>
        %ge3A_172 = arith.cmpi sge, %sub3A_171, %broadcast_in_dim3A_130 : vector<16xi32>
        %lt3A_173 = arith.cmpi slt, %sub3A_171, %broadcast_in_dim3A_128 : vector<16xi32>
        %and3A_174 = arith.andi %ge3A_172, %lt3A_173 : vector<16xi1>
        %all_reduce_population_count3A_175 = tpu.all_reduce %and3A_174 {dim = 0 : i64, kind = #tpu.reduction_kind<sum>} : vector<16xi1> -> vector<16xi32>
        %slice3A_176 = vector.extract_strided_slice %all_reduce_population_count3A_175 {offsets = [0], sizes = [1], strides = [1]} : vector<16xi32> to vector<1xi32>
        %squeeze3A_177 = vector.extract %slice3A_176[0] : i32 from vector<1xi32>
        %swap3A_178 = arith.index_cast %select_n3A_161 : i32 to index
        %swap3A_179 = tpu.vector_load %arg10[%swap3A_178] masked %and3A_174 {strides = array<i32>} : memref<272xi32, #tpu.memory_space<vmem>>, vector<16xi32>, vector<16xi1>
        tpu.vector_store %arg10[%swap3A_178], %sub3A_171 masked %and3A_174 {strides = array<i32>} : memref<272xi32, #tpu.memory_space<vmem>>, vector<16xi32>, vector<16xi1>
        %mul3A_180 = arith.constant 16 : i32
        %mul3A_181 = arith.muli %scan3A_166, %mul3A_180 : i32
        %get3A_182 = arith.index_cast %mul3A_181 : i32 to index
        %get3A_183 = tpu.vector_load %arg9[%get3A_182] {strides = array<i32>} : memref<2048xi32, #tpu.memory_space<vmem>>, vector<16xi32>,
        %swap3A_184 = arith.index_cast %select_n3A_161 : i32 to index
        %swap3A_185 = tpu.vector_load %arg11[%swap3A_184] masked %and3A_174 {strides = array<i32>} : memref<272xi32, #tpu.memory_space<vmem>>, vector<16xi32>, vector<16xi1>
        tpu.vector_store %arg11[%swap3A_184], %get3A_183 masked %and3A_174 {strides = array<i32>} : memref<272xi32, #tpu.memory_space<vmem>>, vector<16xi32>, vector<16xi1>
        %add3A_186 = arith.addi %select_n3A_161, %squeeze3A_177 : i32
        %ge3A_187 = arith.constant 128 : i32
        %ge3A_188 = arith.cmpi sge, %add3A_186, %ge3A_187 : i32
        %convert_element_type3A_189 = arith.extui %ge3A_188 : i1 to i32
        %cond3A_190 = arith.constant 0 : i32
        %cond3A_191 = arith.cmpi ne, %convert_element_type3A_189, %cond3A_190 : i32
        scf.if %cond3A_191 {
          %get3A_270 = arith.constant 0 : index
          %get3A_271 = tpu.vector_load %arg10[%get3A_270] {strides = array<i32>} : memref<272xi32, #tpu.memory_space<vmem>>, vector<16xi32>,
          %swap3A_272 = arith.constant 0 : i32
          %swap3A_273 = arith.index_cast %swap3A_272 : i32 to index
          %swap3A_274 = arith.constant 0 : index
          %swap3A_275 = tpu.vector_load %arg12[%swap3A_273, %swap3A_274] {strides = array<i32>} : memref<1x128xi32, #tpu.memory_space<vmem>>, vector<16xi32>,
          tpu.vector_store %arg12[%swap3A_273, %swap3A_274], %get3A_271 {strides = array<i32>} : memref<1x128xi32, #tpu.memory_space<vmem>>, vector<16xi32>,
          %get3A_276 = arith.constant 16 : index
          %get3A_277 = tpu.vector_load %arg10[%get3A_276] {strides = array<i32>} : memref<272xi32, #tpu.memory_space<vmem>>, vector<16xi32>,
          %swap3A_278 = arith.constant 0 : i32
          %swap3A_279 = arith.index_cast %swap3A_278 : i32 to index
          %swap3A_280 = arith.constant 16 : index
          %swap3A_281 = tpu.vector_load %arg12[%swap3A_279, %swap3A_280] {strides = array<i32>} : memref<1x128xi32, #tpu.memory_space<vmem>>, vector<16xi32>,
          tpu.vector_store %arg12[%swap3A_279, %swap3A_280], %get3A_277 {strides = array<i32>} : memref<1x128xi32, #tpu.memory_space<vmem>>, vector<16xi32>,
          %get3A_282 = arith.constant 32 : index
          %get3A_283 = tpu.vector_load %arg10[%get3A_282] {strides = array<i32>} : memref<272xi32, #tpu.memory_space<vmem>>, vector<16xi32>,
          %swap3A_284 = arith.constant 0 : i32
          %swap3A_285 = arith.index_cast %swap3A_284 : i32 to index
          %swap3A_286 = arith.constant 32 : index
          %swap3A_287 = tpu.vector_load %arg12[%swap3A_285, %swap3A_286] {strides = array<i32>} : memref<1x128xi32, #tpu.memory_space<vmem>>, vector<16xi32>,
          tpu.vector_store %arg12[%swap3A_285, %swap3A_286], %get3A_283 {strides = array<i32>} : memref<1x128xi32, #tpu.memory_space<vmem>>, vector<16xi32>,
          %get3A_288 = arith.constant 48 : index
          %get3A_289 = tpu.vector_load %arg10[%get3A_288] {strides = array<i32>} : memref<272xi32, #tpu.memory_space<vmem>>, vector<16xi32>,
          %swap3A_290 = arith.constant 0 : i32
          %swap3A_291 = arith.index_cast %swap3A_290 : i32 to index
          %swap3A_292 = arith.constant 48 : index
          %swap3A_293 = tpu.vector_load %arg12[%swap3A_291, %swap3A_292] {strides = array<i32>} : memref<1x128xi32, #tpu.memory_space<vmem>>, vector<16xi32>,
          tpu.vector_store %arg12[%swap3A_291, %swap3A_292], %get3A_289 {strides = array<i32>} : memref<1x128xi32, #tpu.memory_space<vmem>>, vector<16xi32>,
          %get3A_294 = arith.constant 64 : index
          %get3A_295 = tpu.vector_load %arg10[%get3A_294] {strides = array<i32>} : memref<272xi32, #tpu.memory_space<vmem>>, vector<16xi32>,
          %swap3A_296 = arith.constant 0 : i32
          %swap3A_297 = arith.index_cast %swap3A_296 : i32 to index
          %swap3A_298 = arith.constant 64 : index
          %swap3A_299 = tpu.vector_load %arg12[%swap3A_297, %swap3A_298] {strides = array<i32>} : memref<1x128xi32, #tpu.memory_space<vmem>>, vector<16xi32>,
          tpu.vector_store %arg12[%swap3A_297, %swap3A_298], %get3A_295 {strides = array<i32>} : memref<1x128xi32, #tpu.memory_space<vmem>>, vector<16xi32>,
          %get3A_300 = arith.constant 80 : index
          %get3A_301 = tpu.vector_load %arg10[%get3A_300] {strides = array<i32>} : memref<272xi32, #tpu.memory_space<vmem>>, vector<16xi32>,
          %swap3A_302 = arith.constant 0 : i32
          %swap3A_303 = arith.index_cast %swap3A_302 : i32 to index
          %swap3A_304 = arith.constant 80 : index
          %swap3A_305 = tpu.vector_load %arg12[%swap3A_303, %swap3A_304] {strides = array<i32>} : memref<1x128xi32, #tpu.memory_space<vmem>>, vector<16xi32>,
          tpu.vector_store %arg12[%swap3A_303, %swap3A_304], %get3A_301 {strides = array<i32>} : memref<1x128xi32, #tpu.memory_space<vmem>>, vector<16xi32>,
          %get3A_306 = arith.constant 96 : index
          %get3A_307 = tpu.vector_load %arg10[%get3A_306] {strides = array<i32>} : memref<272xi32, #tpu.memory_space<vmem>>, vector<16xi32>,
          %swap3A_308 = arith.constant 0 : i32
          %swap3A_309 = arith.index_cast %swap3A_308 : i32 to index
          %swap3A_310 = arith.constant 96 : index
          %swap3A_311 = tpu.vector_load %arg12[%swap3A_309, %swap3A_310] {strides = array<i32>} : memref<1x128xi32, #tpu.memory_space<vmem>>, vector<16xi32>,
          tpu.vector_store %arg12[%swap3A_309, %swap3A_310], %get3A_307 {strides = array<i32>} : memref<1x128xi32, #tpu.memory_space<vmem>>, vector<16xi32>,
          %get3A_312 = arith.constant 112 : index
          %get3A_313 = tpu.vector_load %arg10[%get3A_312] {strides = array<i32>} : memref<272xi32, #tpu.memory_space<vmem>>, vector<16xi32>,
          %swap3A_314 = arith.constant 0 : i32
          %swap3A_315 = arith.index_cast %swap3A_314 : i32 to index
          %swap3A_316 = arith.constant 112 : index
          %swap3A_317 = tpu.vector_load %arg12[%swap3A_315, %swap3A_316] {strides = array<i32>} : memref<1x128xi32, #tpu.memory_space<vmem>>, vector<16xi32>,
          tpu.vector_store %arg12[%swap3A_315, %swap3A_316], %get3A_313 {strides = array<i32>} : memref<1x128xi32, #tpu.memory_space<vmem>>, vector<16xi32>,
          %get3A_318 = arith.constant 128 : index
          %get3A_319 = tpu.vector_load %arg10[%get3A_318] {strides = array<i32>} : memref<272xi32, #tpu.memory_space<vmem>>, vector<16xi32>,
          %swap3A_320 = arith.constant 0 : index
          %swap3A_321 = tpu.vector_load %arg10[%swap3A_320] {strides = array<i32>} : memref<272xi32, #tpu.memory_space<vmem>>, vector<16xi32>,
          tpu.vector_store %arg10[%swap3A_320], %get3A_319 {strides = array<i32>} : memref<272xi32, #tpu.memory_space<vmem>>, vector<16xi32>,
          %get3A_322 = arith.constant 144 : index
          %get3A_323 = tpu.vector_load %arg10[%get3A_322] {strides = array<i32>} : memref<272xi32, #tpu.memory_space<vmem>>, vector<16xi32>,
          %swap3A_324 = arith.constant 16 : index
          %swap3A_325 = tpu.vector_load %arg10[%swap3A_324] {strides = array<i32>} : memref<272xi32, #tpu.memory_space<vmem>>, vector<16xi32>,
          tpu.vector_store %arg10[%swap3A_324], %get3A_323 {strides = array<i32>} : memref<272xi32, #tpu.memory_space<vmem>>, vector<16xi32>,
          %get3A_326 = arith.constant 160 : index
          %get3A_327 = tpu.vector_load %arg10[%get3A_326] {strides = array<i32>} : memref<272xi32, #tpu.memory_space<vmem>>, vector<16xi32>,
          %swap3A_328 = arith.constant 32 : index
          %swap3A_329 = tpu.vector_load %arg10[%swap3A_328] {strides = array<i32>} : memref<272xi32, #tpu.memory_space<vmem>>, vector<16xi32>,
          tpu.vector_store %arg10[%swap3A_328], %get3A_327 {strides = array<i32>} : memref<272xi32, #tpu.memory_space<vmem>>, vector<16xi32>,
          %get3A_330 = arith.constant 176 : index
          %get3A_331 = tpu.vector_load %arg10[%get3A_330] {strides = array<i32>} : memref<272xi32, #tpu.memory_space<vmem>>, vector<16xi32>,
          %swap3A_332 = arith.constant 48 : index
          %swap3A_333 = tpu.vector_load %arg10[%swap3A_332] {strides = array<i32>} : memref<272xi32, #tpu.memory_space<vmem>>, vector<16xi32>,
          tpu.vector_store %arg10[%swap3A_332], %get3A_331 {strides = array<i32>} : memref<272xi32, #tpu.memory_space<vmem>>, vector<16xi32>,
          %get3A_334 = arith.constant 192 : index
          %get3A_335 = tpu.vector_load %arg10[%get3A_334] {strides = array<i32>} : memref<272xi32, #tpu.memory_space<vmem>>, vector<16xi32>,
          %swap3A_336 = arith.constant 64 : index
          %swap3A_337 = tpu.vector_load %arg10[%swap3A_336] {strides = array<i32>} : memref<272xi32, #tpu.memory_space<vmem>>, vector<16xi32>,
          tpu.vector_store %arg10[%swap3A_336], %get3A_335 {strides = array<i32>} : memref<272xi32, #tpu.memory_space<vmem>>, vector<16xi32>,
          %get3A_338 = arith.constant 208 : index
          %get3A_339 = tpu.vector_load %arg10[%get3A_338] {strides = array<i32>} : memref<272xi32, #tpu.memory_space<vmem>>, vector<16xi32>,
          %swap3A_340 = arith.constant 80 : index
          %swap3A_341 = tpu.vector_load %arg10[%swap3A_340] {strides = array<i32>} : memref<272xi32, #tpu.memory_space<vmem>>, vector<16xi32>,
          tpu.vector_store %arg10[%swap3A_340], %get3A_339 {strides = array<i32>} : memref<272xi32, #tpu.memory_space<vmem>>, vector<16xi32>,
          %get3A_342 = arith.constant 224 : index
          %get3A_343 = tpu.vector_load %arg10[%get3A_342] {strides = array<i32>} : memref<272xi32, #tpu.memory_space<vmem>>, vector<16xi32>,
          %swap3A_344 = arith.constant 96 : index
          %swap3A_345 = tpu.vector_load %arg10[%swap3A_344] {strides = array<i32>} : memref<272xi32, #tpu.memory_space<vmem>>, vector<16xi32>,
          tpu.vector_store %arg10[%swap3A_344], %get3A_343 {strides = array<i32>} : memref<272xi32, #tpu.memory_space<vmem>>, vector<16xi32>,
          %get3A_346 = arith.constant 240 : index
          %get3A_347 = tpu.vector_load %arg10[%get3A_346] {strides = array<i32>} : memref<272xi32, #tpu.memory_space<vmem>>, vector<16xi32>,
          %swap3A_348 = arith.constant 112 : index
          %swap3A_349 = tpu.vector_load %arg10[%swap3A_348] {strides = array<i32>} : memref<272xi32, #tpu.memory_space<vmem>>, vector<16xi32>,
          tpu.vector_store %arg10[%swap3A_348], %get3A_347 {strides = array<i32>} : memref<272xi32, #tpu.memory_space<vmem>>, vector<16xi32>,
          %get3A_350 = arith.constant 0 : index
          %get3A_351 = tpu.vector_load %arg11[%get3A_350] {strides = array<i32>} : memref<272xi32, #tpu.memory_space<vmem>>, vector<16xi32>,
          %swap3A_352 = arith.constant 0 : i32
          %swap3A_353 = arith.index_cast %swap3A_352 : i32 to index
          %swap3A_354 = arith.constant 0 : index
          %swap3A_355 = tpu.vector_load %arg13[%swap3A_353, %swap3A_354] {strides = array<i32>} : memref<1x128xi32, #tpu.memory_space<vmem>>, vector<16xi32>,
          tpu.vector_store %arg13[%swap3A_353, %swap3A_354], %get3A_351 {strides = array<i32>} : memref<1x128xi32, #tpu.memory_space<vmem>>, vector<16xi32>,
          %get3A_356 = arith.constant 16 : index
          %get3A_357 = tpu.vector_load %arg11[%get3A_356] {strides = array<i32>} : memref<272xi32, #tpu.memory_space<vmem>>, vector<16xi32>,
          %swap3A_358 = arith.constant 0 : i32
          %swap3A_359 = arith.index_cast %swap3A_358 : i32 to index
          %swap3A_360 = arith.constant 16 : index
          %swap3A_361 = tpu.vector_load %arg13[%swap3A_359, %swap3A_360] {strides = array<i32>} : memref<1x128xi32, #tpu.memory_space<vmem>>, vector<16xi32>,
          tpu.vector_store %arg13[%swap3A_359, %swap3A_360], %get3A_357 {strides = array<i32>} : memref<1x128xi32, #tpu.memory_space<vmem>>, vector<16xi32>,
          %get3A_362 = arith.constant 32 : index
          %get3A_363 = tpu.vector_load %arg11[%get3A_362] {strides = array<i32>} : memref<272xi32, #tpu.memory_space<vmem>>, vector<16xi32>,
          %swap3A_364 = arith.constant 0 : i32
          %swap3A_365 = arith.index_cast %swap3A_364 : i32 to index
          %swap3A_366 = arith.constant 32 : index
          %swap3A_367 = tpu.vector_load %arg13[%swap3A_365, %swap3A_366] {strides = array<i32>} : memref<1x128xi32, #tpu.memory_space<vmem>>, vector<16xi32>,
          tpu.vector_store %arg13[%swap3A_365, %swap3A_366], %get3A_363 {strides = array<i32>} : memref<1x128xi32, #tpu.memory_space<vmem>>, vector<16xi32>,
          %get3A_368 = arith.constant 48 : index
          %get3A_369 = tpu.vector_load %arg11[%get3A_368] {strides = array<i32>} : memref<272xi32, #tpu.memory_space<vmem>>, vector<16xi32>,
          %swap3A_370 = arith.constant 0 : i32
          %swap3A_371 = arith.index_cast %swap3A_370 : i32 to index
          %swap3A_372 = arith.constant 48 : index
          %swap3A_373 = tpu.vector_load %arg13[%swap3A_371, %swap3A_372] {strides = array<i32>} : memref<1x128xi32, #tpu.memory_space<vmem>>, vector<16xi32>,
          tpu.vector_store %arg13[%swap3A_371, %swap3A_372], %get3A_369 {strides = array<i32>} : memref<1x128xi32, #tpu.memory_space<vmem>>, vector<16xi32>,
          %get3A_374 = arith.constant 64 : index
          %get3A_375 = tpu.vector_load %arg11[%get3A_374] {strides = array<i32>} : memref<272xi32, #tpu.memory_space<vmem>>, vector<16xi32>,
          %swap3A_376 = arith.constant 0 : i32
          %swap3A_377 = arith.index_cast %swap3A_376 : i32 to index
          %swap3A_378 = arith.constant 64 : index
          %swap3A_379 = tpu.vector_load %arg13[%swap3A_377, %swap3A_378] {strides = array<i32>} : memref<1x128xi32, #tpu.memory_space<vmem>>, vector<16xi32>,
          tpu.vector_store %arg13[%swap3A_377, %swap3A_378], %get3A_375 {strides = array<i32>} : memref<1x128xi32, #tpu.memory_space<vmem>>, vector<16xi32>,
          %get3A_380 = arith.constant 80 : index
          %get3A_381 = tpu.vector_load %arg11[%get3A_380] {strides = array<i32>} : memref<272xi32, #tpu.memory_space<vmem>>, vector<16xi32>,
          %swap3A_382 = arith.constant 0 : i32
          %swap3A_383 = arith.index_cast %swap3A_382 : i32 to index
          %swap3A_384 = arith.constant 80 : index
          %swap3A_385 = tpu.vector_load %arg13[%swap3A_383, %swap3A_384] {strides = array<i32>} : memref<1x128xi32, #tpu.memory_space<vmem>>, vector<16xi32>,
          tpu.vector_store %arg13[%swap3A_383, %swap3A_384], %get3A_381 {strides = array<i32>} : memref<1x128xi32, #tpu.memory_space<vmem>>, vector<16xi32>,
          %get3A_386 = arith.constant 96 : index
          %get3A_387 = tpu.vector_load %arg11[%get3A_386] {strides = array<i32>} : memref<272xi32, #tpu.memory_space<vmem>>, vector<16xi32>,
          %swap3A_388 = arith.constant 0 : i32
          %swap3A_389 = arith.index_cast %swap3A_388 : i32 to index
          %swap3A_390 = arith.constant 96 : index
          %swap3A_391 = tpu.vector_load %arg13[%swap3A_389, %swap3A_390] {strides = array<i32>} : memref<1x128xi32, #tpu.memory_space<vmem>>, vector<16xi32>,
          tpu.vector_store %arg13[%swap3A_389, %swap3A_390], %get3A_387 {strides = array<i32>} : memref<1x128xi32, #tpu.memory_space<vmem>>, vector<16xi32>,
          %get3A_392 = arith.constant 112 : index
          %get3A_393 = tpu.vector_load %arg11[%get3A_392] {strides = array<i32>} : memref<272xi32, #tpu.memory_space<vmem>>, vector<16xi32>,
          %swap3A_394 = arith.constant 0 : i32
          %swap3A_395 = arith.index_cast %swap3A_394 : i32 to index
          %swap3A_396 = arith.constant 112 : index
          %swap3A_397 = tpu.vector_load %arg13[%swap3A_395, %swap3A_396] {strides = array<i32>} : memref<1x128xi32, #tpu.memory_space<vmem>>, vector<16xi32>,
          tpu.vector_store %arg13[%swap3A_395, %swap3A_396], %get3A_393 {strides = array<i32>} : memref<1x128xi32, #tpu.memory_space<vmem>>, vector<16xi32>,
          %get3A_398 = arith.constant 128 : index
          %get3A_399 = tpu.vector_load %arg11[%get3A_398] {strides = array<i32>} : memref<272xi32, #tpu.memory_space<vmem>>, vector<16xi32>,
          %swap3A_400 = arith.constant 0 : index
          %swap3A_401 = tpu.vector_load %arg11[%swap3A_400] {strides = array<i32>} : memref<272xi32, #tpu.memory_space<vmem>>, vector<16xi32>,
          tpu.vector_store %arg11[%swap3A_400], %get3A_399 {strides = array<i32>} : memref<272xi32, #tpu.memory_space<vmem>>, vector<16xi32>,
          %get3A_402 = arith.constant 144 : index
          %get3A_403 = tpu.vector_load %arg11[%get3A_402] {strides = array<i32>} : memref<272xi32, #tpu.memory_space<vmem>>, vector<16xi32>,
          %swap3A_404 = arith.constant 16 : index
          %swap3A_405 = tpu.vector_load %arg11[%swap3A_404] {strides = array<i32>} : memref<272xi32, #tpu.memory_space<vmem>>, vector<16xi32>,
          tpu.vector_store %arg11[%swap3A_404], %get3A_403 {strides = array<i32>} : memref<272xi32, #tpu.memory_space<vmem>>, vector<16xi32>,
          %get3A_406 = arith.constant 160 : index
          %get3A_407 = tpu.vector_load %arg11[%get3A_406] {strides = array<i32>} : memref<272xi32, #tpu.memory_space<vmem>>, vector<16xi32>,
          %swap3A_408 = arith.constant 32 : index
          %swap3A_409 = tpu.vector_load %arg11[%swap3A_408] {strides = array<i32>} : memref<272xi32, #tpu.memory_space<vmem>>, vector<16xi32>,
          tpu.vector_store %arg11[%swap3A_408], %get3A_407 {strides = array<i32>} : memref<272xi32, #tpu.memory_space<vmem>>, vector<16xi32>,
          %get3A_410 = arith.constant 176 : index
          %get3A_411 = tpu.vector_load %arg11[%get3A_410] {strides = array<i32>} : memref<272xi32, #tpu.memory_space<vmem>>, vector<16xi32>,
          %swap3A_412 = arith.constant 48 : index
          %swap3A_413 = tpu.vector_load %arg11[%swap3A_412] {strides = array<i32>} : memref<272xi32, #tpu.memory_space<vmem>>, vector<16xi32>,
          tpu.vector_store %arg11[%swap3A_412], %get3A_411 {strides = array<i32>} : memref<272xi32, #tpu.memory_space<vmem>>, vector<16xi32>,
          %get3A_414 = arith.constant 192 : index
          %get3A_415 = tpu.vector_load %arg11[%get3A_414] {strides = array<i32>} : memref<272xi32, #tpu.memory_space<vmem>>, vector<16xi32>,
          %swap3A_416 = arith.constant 64 : index
          %swap3A_417 = tpu.vector_load %arg11[%swap3A_416] {strides = array<i32>} : memref<272xi32, #tpu.memory_space<vmem>>, vector<16xi32>,
          tpu.vector_store %arg11[%swap3A_416], %get3A_415 {strides = array<i32>} : memref<272xi32, #tpu.memory_space<vmem>>, vector<16xi32>,
          %get3A_418 = arith.constant 208 : index
          %get3A_419 = tpu.vector_load %arg11[%get3A_418] {strides = array<i32>} : memref<272xi32, #tpu.memory_space<vmem>>, vector<16xi32>,
          %swap3A_420 = arith.constant 80 : index
          %swap3A_421 = tpu.vector_load %arg11[%swap3A_420] {strides = array<i32>} : memref<272xi32, #tpu.memory_space<vmem>>, vector<16xi32>,
          tpu.vector_store %arg11[%swap3A_420], %get3A_419 {strides = array<i32>} : memref<272xi32, #tpu.memory_space<vmem>>, vector<16xi32>,
          %get3A_422 = arith.constant 224 : index
          %get3A_423 = tpu.vector_load %arg11[%get3A_422] {strides = array<i32>} : memref<272xi32, #tpu.memory_space<vmem>>, vector<16xi32>,
          %swap3A_424 = arith.constant 96 : index
          %swap3A_425 = tpu.vector_load %arg11[%swap3A_424] {strides = array<i32>} : memref<272xi32, #tpu.memory_space<vmem>>, vector<16xi32>,
          tpu.vector_store %arg11[%swap3A_424], %get3A_423 {strides = array<i32>} : memref<272xi32, #tpu.memory_space<vmem>>, vector<16xi32>,
          %get3A_426 = arith.constant 240 : index
          %get3A_427 = tpu.vector_load %arg11[%get3A_426] {strides = array<i32>} : memref<272xi32, #tpu.memory_space<vmem>>, vector<16xi32>,
          %swap3A_428 = arith.constant 112 : index
          %swap3A_429 = tpu.vector_load %arg11[%swap3A_428] {strides = array<i32>} : memref<272xi32, #tpu.memory_space<vmem>>, vector<16xi32>,
          tpu.vector_store %arg11[%swap3A_428], %get3A_427 {strides = array<i32>} : memref<272xi32, #tpu.memory_space<vmem>>, vector<16xi32>,
          %run_scoped3A = arith.constant 0 : i32
          "tpu.region"() ({
            %run_scoped3A_438 = tpu.sem_alloc : memref<!tpu.dma_semaphore, #tpu.memory_space<semaphore_mem>>
            %dma_start3A = arith.constant 0 : i32
            %dma_start3A_439 = tpu.memref_slice %arg12[%run_scoped3A, %dma_start3A] : memref<1x128xi32, #tpu.memory_space<vmem>> -> memref<1x128xi32, #tpu.memory_space<vmem>>
            %dma_start3A_440 = tpu.memref_squeeze %dma_start3A_439 : memref<1x128xi32, #tpu.memory_space<vmem>> -> memref<128xi32, #tpu.memory_space<vmem>>
            %dma_start3A_441 = arith.constant 0 : i32
            %dma_start3A_442 = arith.constant 0 : i32
            %dma_start3A_443 = tpu.memref_slice %arg17[%dma_start3A_441, %dma_start3A_442] : memref<648x16xf32, #tpu.memory_space<vmem_shared>> -> memref<648x16xf32, #tpu.memory_space<vmem_shared>>
            tpu.enqueue_indirect_dma source(%arg14 : memref<128x16xf32, #tpu.memory_space<vmem>>) target(%dma_start3A_443 : memref<648x16xf32, #tpu.memory_space<vmem_shared>>) offsets(%dma_start3A_440 : memref<128xi32, #tpu.memory_space<vmem>>) semaphore(%run_scoped3A_438 : memref<!tpu.dma_semaphore, #tpu.memory_space<semaphore_mem>>) {add = true}
            %dma_wait3A = arith.constant 0 : i32
            %dma_wait3A_444 = tpu.memref_slice %arg12[%run_scoped3A, %dma_wait3A] : memref<1x128xi32, #tpu.memory_space<vmem>> -> memref<1x128xi32, #tpu.memory_space<vmem>>
            %dma_wait3A_445 = tpu.memref_squeeze %dma_wait3A_444 : memref<1x128xi32, #tpu.memory_space<vmem>> -> memref<128xi32, #tpu.memory_space<vmem>>
            %dma_wait3A_446 = arith.constant 0 : i32
            %dma_wait3A_447 = arith.constant 0 : i32
            %dma_wait3A_448 = tpu.memref_slice %arg17[%dma_wait3A_446, %dma_wait3A_447] : memref<648x16xf32, #tpu.memory_space<vmem_shared>> -> memref<648x16xf32, #tpu.memory_space<vmem_shared>>
            tpu.wait_indirect_dma semaphore(%run_scoped3A_438 : memref<!tpu.dma_semaphore, #tpu.memory_space<semaphore_mem>>) src(%arg14 : memref<128x16xf32, #tpu.memory_space<vmem>>) dst(%dma_wait3A_448 : memref<648x16xf32, #tpu.memory_space<vmem_shared>>)
            tpu.yield
          }) : () -> ()
          %mul3A_430 = arith.constant 128 : i32
          %mul3A_431 = arith.muli %select_n3A_164, %mul3A_430 : i32
          %add3A_432 = arith.addi %mul3A_4, %mul3A_431 : i32
          %run_scoped3A_433 = arith.constant 0 : i32
          "tpu.region"() ({
            %run_scoped3A_438 = tpu.sem_alloc : memref<!tpu.dma_semaphore, #tpu.memory_space<semaphore_mem>>
            %dma_start3A = arith.constant 0 : i32
            %dma_start3A_439 = tpu.memref_slice %arg13[%run_scoped3A_433, %dma_start3A] : memref<1x128xi32, #tpu.memory_space<vmem>> -> memref<1x128xi32, #tpu.memory_space<vmem>>
            %dma_start3A_440 = tpu.memref_squeeze %dma_start3A_439 : memref<1x128xi32, #tpu.memory_space<vmem>> -> memref<128xi32, #tpu.memory_space<vmem>>
            %dma_start3A_441 = tpu.memref_slice %arg5[%add3A_432] : memref<5177344xi32, #tpu.memory_space<hbm>> -> memref<128xi32, #tpu.memory_space<hbm>>
            %dma_start3A_442 = tpu.memref_slice %arg5[%add3A_432] : memref<5177344xi32, #tpu.memory_space<hbm>> -> memref<128xi32, #tpu.memory_space<hbm>>
            %dma_start3A_443 = arith.constant 0 : i32
            %dma_start3A_444 = tpu.memref_slice %arg13[%run_scoped3A_433, %dma_start3A_443] : memref<1x128xi32, #tpu.memory_space<vmem>> -> memref<1x128xi32, #tpu.memory_space<vmem>>
            %dma_start3A_445 = tpu.memref_squeeze %dma_start3A_444 : memref<1x128xi32, #tpu.memory_space<vmem>> -> memref<128xi32, #tpu.memory_space<vmem>>
            tpu.enqueue_dma source(%dma_start3A_445 : memref<128xi32, #tpu.memory_space<vmem>>) target(%dma_start3A_442 : memref<128xi32, #tpu.memory_space<hbm>>) target_semaphore(%run_scoped3A_438 : memref<!tpu.dma_semaphore, #tpu.memory_space<semaphore_mem>>)
            %dma_wait3A = arith.constant 0 : i32
            %dma_wait3A_446 = tpu.memref_slice %arg13[%run_scoped3A_433, %dma_wait3A] : memref<1x128xi32, #tpu.memory_space<vmem>> -> memref<1x128xi32, #tpu.memory_space<vmem>>
            %dma_wait3A_447 = tpu.memref_squeeze %dma_wait3A_446 : memref<1x128xi32, #tpu.memory_space<vmem>> -> memref<128xi32, #tpu.memory_space<vmem>>
            %dma_wait3A_448 = tpu.memref_slice %arg5[%add3A_432] : memref<5177344xi32, #tpu.memory_space<hbm>> -> memref<128xi32, #tpu.memory_space<hbm>>
            %dma_wait3A_449 = tpu.memref_slice %arg5[%add3A_432] : memref<5177344xi32, #tpu.memory_space<hbm>> -> memref<128xi32, #tpu.memory_space<hbm>>
            %dma_wait3A_450 = arith.constant 0 : i32
            %dma_wait3A_451 = tpu.memref_slice %arg13[%run_scoped3A_433, %dma_wait3A_450] : memref<1x128xi32, #tpu.memory_space<vmem>> -> memref<1x128xi32, #tpu.memory_space<vmem>>
            %dma_wait3A_452 = tpu.memref_squeeze %dma_wait3A_451 : memref<1x128xi32, #tpu.memory_space<vmem>> -> memref<128xi32, #tpu.memory_space<vmem>>
            tpu.wait_dma2 semaphore(%run_scoped3A_438 : memref<!tpu.dma_semaphore, #tpu.memory_space<semaphore_mem>>) src(%dma_wait3A_452 : memref<128xi32, #tpu.memory_space<vmem>>) dst(%dma_wait3A_449 : memref<128xi32, #tpu.memory_space<hbm>>)
            tpu.yield
          }) : () -> ()
          %mul3A_434 = arith.constant 128 : i32
          %mul3A_435 = arith.muli %select_n3A_164, %mul3A_434 : i32
          %add3A_436 = arith.addi %mul3A_4, %mul3A_435 : i32
          %run_scoped3A_437 = arith.constant 0 : i32
          "tpu.region"() ({
            %run_scoped3A_438 = tpu.sem_alloc : memref<!tpu.dma_semaphore, #tpu.memory_space<semaphore_mem>>
            %dma_start3A = arith.constant 0 : i32
            %dma_start3A_439 = tpu.memref_slice %arg12[%run_scoped3A_437, %dma_start3A] : memref<1x128xi32, #tpu.memory_space<vmem>> -> memref<1x128xi32, #tpu.memory_space<vmem>>
            %dma_start3A_440 = tpu.memref_squeeze %dma_start3A_439 : memref<1x128xi32, #tpu.memory_space<vmem>> -> memref<128xi32, #tpu.memory_space<vmem>>
            %dma_start3A_441 = tpu.memref_slice %arg6[%add3A_436] : memref<5177344xi32, #tpu.memory_space<hbm>> -> memref<128xi32, #tpu.memory_space<hbm>>
            %dma_start3A_442 = tpu.memref_slice %arg6[%add3A_436] : memref<5177344xi32, #tpu.memory_space<hbm>> -> memref<128xi32, #tpu.memory_space<hbm>>
            %dma_start3A_443 = arith.constant 0 : i32
            %dma_start3A_444 = tpu.memref_slice %arg12[%run_scoped3A_437, %dma_start3A_443] : memref<1x128xi32, #tpu.memory_space<vmem>> -> memref<1x128xi32, #tpu.memory_space<vmem>>
            %dma_start3A_445 = tpu.memref_squeeze %dma_start3A_444 : memref<1x128xi32, #tpu.memory_space<vmem>> -> memref<128xi32, #tpu.memory_space<vmem>>
            tpu.enqueue_dma source(%dma_start3A_445 : memref<128xi32, #tpu.memory_space<vmem>>) target(%dma_start3A_442 : memref<128xi32, #tpu.memory_space<hbm>>) target_semaphore(%run_scoped3A_438 : memref<!tpu.dma_semaphore, #tpu.memory_space<semaphore_mem>>)
            %dma_wait3A = arith.constant 0 : i32
            %dma_wait3A_446 = tpu.memref_slice %arg12[%run_scoped3A_437, %dma_wait3A] : memref<1x128xi32, #tpu.memory_space<vmem>> -> memref<1x128xi32, #tpu.memory_space<vmem>>
            %dma_wait3A_447 = tpu.memref_squeeze %dma_wait3A_446 : memref<1x128xi32, #tpu.memory_space<vmem>> -> memref<128xi32, #tpu.memory_space<vmem>>
            %dma_wait3A_448 = tpu.memref_slice %arg6[%add3A_436] : memref<5177344xi32, #tpu.memory_space<hbm>> -> memref<128xi32, #tpu.memory_space<hbm>>
            %dma_wait3A_449 = tpu.memref_slice %arg6[%add3A_436] : memref<5177344xi32, #tpu.memory_space<hbm>> -> memref<128xi32, #tpu.memory_space<hbm>>
            %dma_wait3A_450 = arith.constant 0 : i32
            %dma_wait3A_451 = tpu.memref_slice %arg12[%run_scoped3A_437, %dma_wait3A_450] : memref<1x128xi32, #tpu.memory_space<vmem>> -> memref<1x128xi32, #tpu.memory_space<vmem>>
            %dma_wait3A_452 = tpu.memref_squeeze %dma_wait3A_451 : memref<1x128xi32, #tpu.memory_space<vmem>> -> memref<128xi32, #tpu.memory_space<vmem>>
            tpu.wait_dma2 semaphore(%run_scoped3A_438 : memref<!tpu.dma_semaphore, #tpu.memory_space<semaphore_mem>>) src(%dma_wait3A_452 : memref<128xi32, #tpu.memory_space<vmem>>) dst(%dma_wait3A_449 : memref<128xi32, #tpu.memory_space<hbm>>)
            tpu.yield
          }) : () -> ()
        } else {
        }
        %ge3A_192 = arith.constant 128 : i32
        %ge3A_193 = arith.cmpi sge, %add3A_186, %ge3A_192 : i32
        %sub3A_194 = arith.constant 128 : i32
        %sub3A_195 = arith.subi %add3A_186, %sub3A_194 : i32
        %select_n3A_196 = arith.select %ge3A_193, %sub3A_195, %add3A_186 : i32
        %add3A_197 = arith.constant 1 : i32
        %add3A_198 = arith.addi %select_n3A_164, %add3A_197 : i32
        %select_n3A_199 = arith.select %ge3A_193, %add3A_198, %select_n3A_164 : i32
        %scan3A_200 = arith.constant 2 : i32
        %scan3A_201 = arith.addi %scan3A_137, %scan3A_200 : i32
        %mul3A_202 = arith.constant 16 : i32
        %mul3A_203 = arith.muli %scan3A_201, %mul3A_202 : i32
        %get3A_204 = arith.index_cast %mul3A_203 : i32 to index
        %get3A_205 = tpu.vector_load %arg8[%get3A_204] {strides = array<i32>} : memref<2048xi32, #tpu.memory_space<vmem>>, vector<16xi32>,
        %sub3A_206 = arith.subi %get3A_205, %broadcast_in_dim3A_126 : vector<16xi32>
        %ge3A_207 = arith.cmpi sge, %sub3A_206, %broadcast_in_dim3A_130 : vector<16xi32>
        %lt3A_208 = arith.cmpi slt, %sub3A_206, %broadcast_in_dim3A_128 : vector<16xi32>
        %and3A_209 = arith.andi %ge3A_207, %lt3A_208 : vector<16xi1>
        %all_reduce_population_count3A_210 = tpu.all_reduce %and3A_209 {dim = 0 : i64, kind = #tpu.reduction_kind<sum>} : vector<16xi1> -> vector<16xi32>
        %slice3A_211 = vector.extract_strided_slice %all_reduce_population_count3A_210 {offsets = [0], sizes = [1], strides = [1]} : vector<16xi32> to vector<1xi32>
        %squeeze3A_212 = vector.extract %slice3A_211[0] : i32 from vector<1xi32>
        %swap3A_213 = arith.index_cast %select_n3A_196 : i32 to index
        %swap3A_214 = tpu.vector_load %arg10[%swap3A_213] masked %and3A_209 {strides = array<i32>} : memref<272xi32, #tpu.memory_space<vmem>>, vector<16xi32>, vector<16xi1>
        tpu.vector_store %arg10[%swap3A_213], %sub3A_206 masked %and3A_209 {strides = array<i32>} : memref<272xi32, #tpu.memory_space<vmem>>, vector<16xi32>, vector<16xi1>
        %mul3A_215 = arith.constant 16 : i32
        %mul3A_216 = arith.muli %scan3A_201, %mul3A_215 : i32
        %get3A_217 = arith.index_cast %mul3A_216 : i32 to index
        %get3A_218 = tpu.vector_load %arg9[%get3A_217] {strides = array<i32>} : memref<2048xi32, #tpu.memory_space<vmem>>, vector<16xi32>,
        %swap3A_219 = arith.index_cast %select_n3A_196 : i32 to index
        %swap3A_220 = tpu.vector_load %arg11[%swap3A_219] masked %and3A_209 {strides = array<i32>} : memref<272xi32, #tpu.memory_space<vmem>>, vector<16xi32>, vector<16xi1>
        tpu.vector_store %arg11[%swap3A_219], %get3A_218 masked %and3A_209 {strides = array<i32>} : memref<272xi32, #tpu.memory_space<vmem>>, vector<16xi32>, vector<16xi1>
        %add3A_221 = arith.addi %select_n3A_196, %squeeze3A_212 : i32
        %ge3A_222 = arith.constant 128 : i32
        %ge3A_223 = arith.cmpi sge, %add3A_221, %ge3A_222 : i32
        %convert_element_type3A_224 = arith.extui %ge3A_223 : i1 to i32
        %cond3A_225 = arith.constant 0 : i32
        %cond3A_226 = arith.cmpi ne, %convert_element_type3A_224, %cond3A_225 : i32
        scf.if %cond3A_226 {
          %get3A_270 = arith.constant 0 : index
          %get3A_271 = tpu.vector_load %arg10[%get3A_270] {strides = array<i32>} : memref<272xi32, #tpu.memory_space<vmem>>, vector<16xi32>,
          %swap3A_272 = arith.constant 0 : i32
          %swap3A_273 = arith.index_cast %swap3A_272 : i32 to index
          %swap3A_274 = arith.constant 0 : index
          %swap3A_275 = tpu.vector_load %arg12[%swap3A_273, %swap3A_274] {strides = array<i32>} : memref<1x128xi32, #tpu.memory_space<vmem>>, vector<16xi32>,
          tpu.vector_store %arg12[%swap3A_273, %swap3A_274], %get3A_271 {strides = array<i32>} : memref<1x128xi32, #tpu.memory_space<vmem>>, vector<16xi32>,
          %get3A_276 = arith.constant 16 : index
          %get3A_277 = tpu.vector_load %arg10[%get3A_276] {strides = array<i32>} : memref<272xi32, #tpu.memory_space<vmem>>, vector<16xi32>,
          %swap3A_278 = arith.constant 0 : i32
          %swap3A_279 = arith.index_cast %swap3A_278 : i32 to index
          %swap3A_280 = arith.constant 16 : index
          %swap3A_281 = tpu.vector_load %arg12[%swap3A_279, %swap3A_280] {strides = array<i32>} : memref<1x128xi32, #tpu.memory_space<vmem>>, vector<16xi32>,
          tpu.vector_store %arg12[%swap3A_279, %swap3A_280], %get3A_277 {strides = array<i32>} : memref<1x128xi32, #tpu.memory_space<vmem>>, vector<16xi32>,
          %get3A_282 = arith.constant 32 : index
          %get3A_283 = tpu.vector_load %arg10[%get3A_282] {strides = array<i32>} : memref<272xi32, #tpu.memory_space<vmem>>, vector<16xi32>,
          %swap3A_284 = arith.constant 0 : i32
          %swap3A_285 = arith.index_cast %swap3A_284 : i32 to index
          %swap3A_286 = arith.constant 32 : index
          %swap3A_287 = tpu.vector_load %arg12[%swap3A_285, %swap3A_286] {strides = array<i32>} : memref<1x128xi32, #tpu.memory_space<vmem>>, vector<16xi32>,
          tpu.vector_store %arg12[%swap3A_285, %swap3A_286], %get3A_283 {strides = array<i32>} : memref<1x128xi32, #tpu.memory_space<vmem>>, vector<16xi32>,
          %get3A_288 = arith.constant 48 : index
          %get3A_289 = tpu.vector_load %arg10[%get3A_288] {strides = array<i32>} : memref<272xi32, #tpu.memory_space<vmem>>, vector<16xi32>,
          %swap3A_290 = arith.constant 0 : i32
          %swap3A_291 = arith.index_cast %swap3A_290 : i32 to index
          %swap3A_292 = arith.constant 48 : index
          %swap3A_293 = tpu.vector_load %arg12[%swap3A_291, %swap3A_292] {strides = array<i32>} : memref<1x128xi32, #tpu.memory_space<vmem>>, vector<16xi32>,
          tpu.vector_store %arg12[%swap3A_291, %swap3A_292], %get3A_289 {strides = array<i32>} : memref<1x128xi32, #tpu.memory_space<vmem>>, vector<16xi32>,
          %get3A_294 = arith.constant 64 : index
          %get3A_295 = tpu.vector_load %arg10[%get3A_294] {strides = array<i32>} : memref<272xi32, #tpu.memory_space<vmem>>, vector<16xi32>,
          %swap3A_296 = arith.constant 0 : i32
          %swap3A_297 = arith.index_cast %swap3A_296 : i32 to index
          %swap3A_298 = arith.constant 64 : index
          %swap3A_299 = tpu.vector_load %arg12[%swap3A_297, %swap3A_298] {strides = array<i32>} : memref<1x128xi32, #tpu.memory_space<vmem>>, vector<16xi32>,
          tpu.vector_store %arg12[%swap3A_297, %swap3A_298], %get3A_295 {strides = array<i32>} : memref<1x128xi32, #tpu.memory_space<vmem>>, vector<16xi32>,
          %get3A_300 = arith.constant 80 : index
          %get3A_301 = tpu.vector_load %arg10[%get3A_300] {strides = array<i32>} : memref<272xi32, #tpu.memory_space<vmem>>, vector<16xi32>,
          %swap3A_302 = arith.constant 0 : i32
          %swap3A_303 = arith.index_cast %swap3A_302 : i32 to index
          %swap3A_304 = arith.constant 80 : index
          %swap3A_305 = tpu.vector_load %arg12[%swap3A_303, %swap3A_304] {strides = array<i32>} : memref<1x128xi32, #tpu.memory_space<vmem>>, vector<16xi32>,
          tpu.vector_store %arg12[%swap3A_303, %swap3A_304], %get3A_301 {strides = array<i32>} : memref<1x128xi32, #tpu.memory_space<vmem>>, vector<16xi32>,
          %get3A_306 = arith.constant 96 : index
          %get3A_307 = tpu.vector_load %arg10[%get3A_306] {strides = array<i32>} : memref<272xi32, #tpu.memory_space<vmem>>, vector<16xi32>,
          %swap3A_308 = arith.constant 0 : i32
          %swap3A_309 = arith.index_cast %swap3A_308 : i32 to index
          %swap3A_310 = arith.constant 96 : index
          %swap3A_311 = tpu.vector_load %arg12[%swap3A_309, %swap3A_310] {strides = array<i32>} : memref<1x128xi32, #tpu.memory_space<vmem>>, vector<16xi32>,
          tpu.vector_store %arg12[%swap3A_309, %swap3A_310], %get3A_307 {strides = array<i32>} : memref<1x128xi32, #tpu.memory_space<vmem>>, vector<16xi32>,
          %get3A_312 = arith.constant 112 : index
          %get3A_313 = tpu.vector_load %arg10[%get3A_312] {strides = array<i32>} : memref<272xi32, #tpu.memory_space<vmem>>, vector<16xi32>,
          %swap3A_314 = arith.constant 0 : i32
          %swap3A_315 = arith.index_cast %swap3A_314 : i32 to index
          %swap3A_316 = arith.constant 112 : index
          %swap3A_317 = tpu.vector_load %arg12[%swap3A_315, %swap3A_316] {strides = array<i32>} : memref<1x128xi32, #tpu.memory_space<vmem>>, vector<16xi32>,
          tpu.vector_store %arg12[%swap3A_315, %swap3A_316], %get3A_313 {strides = array<i32>} : memref<1x128xi32, #tpu.memory_space<vmem>>, vector<16xi32>,
          %get3A_318 = arith.constant 128 : index
          %get3A_319 = tpu.vector_load %arg10[%get3A_318] {strides = array<i32>} : memref<272xi32, #tpu.memory_space<vmem>>, vector<16xi32>,
          %swap3A_320 = arith.constant 0 : index
          %swap3A_321 = tpu.vector_load %arg10[%swap3A_320] {strides = array<i32>} : memref<272xi32, #tpu.memory_space<vmem>>, vector<16xi32>,
          tpu.vector_store %arg10[%swap3A_320], %get3A_319 {strides = array<i32>} : memref<272xi32, #tpu.memory_space<vmem>>, vector<16xi32>,
          %get3A_322 = arith.constant 144 : index
          %get3A_323 = tpu.vector_load %arg10[%get3A_322] {strides = array<i32>} : memref<272xi32, #tpu.memory_space<vmem>>, vector<16xi32>,
          %swap3A_324 = arith.constant 16 : index
          %swap3A_325 = tpu.vector_load %arg10[%swap3A_324] {strides = array<i32>} : memref<272xi32, #tpu.memory_space<vmem>>, vector<16xi32>,
          tpu.vector_store %arg10[%swap3A_324], %get3A_323 {strides = array<i32>} : memref<272xi32, #tpu.memory_space<vmem>>, vector<16xi32>,
          %get3A_326 = arith.constant 160 : index
          %get3A_327 = tpu.vector_load %arg10[%get3A_326] {strides = array<i32>} : memref<272xi32, #tpu.memory_space<vmem>>, vector<16xi32>,
          %swap3A_328 = arith.constant 32 : index
          %swap3A_329 = tpu.vector_load %arg10[%swap3A_328] {strides = array<i32>} : memref<272xi32, #tpu.memory_space<vmem>>, vector<16xi32>,
          tpu.vector_store %arg10[%swap3A_328], %get3A_327 {strides = array<i32>} : memref<272xi32, #tpu.memory_space<vmem>>, vector<16xi32>,
          %get3A_330 = arith.constant 176 : index
          %get3A_331 = tpu.vector_load %arg10[%get3A_330] {strides = array<i32>} : memref<272xi32, #tpu.memory_space<vmem>>, vector<16xi32>,
          %swap3A_332 = arith.constant 48 : index
          %swap3A_333 = tpu.vector_load %arg10[%swap3A_332] {strides = array<i32>} : memref<272xi32, #tpu.memory_space<vmem>>, vector<16xi32>,
          tpu.vector_store %arg10[%swap3A_332], %get3A_331 {strides = array<i32>} : memref<272xi32, #tpu.memory_space<vmem>>, vector<16xi32>,
          %get3A_334 = arith.constant 192 : index
          %get3A_335 = tpu.vector_load %arg10[%get3A_334] {strides = array<i32>} : memref<272xi32, #tpu.memory_space<vmem>>, vector<16xi32>,
          %swap3A_336 = arith.constant 64 : index
          %swap3A_337 = tpu.vector_load %arg10[%swap3A_336] {strides = array<i32>} : memref<272xi32, #tpu.memory_space<vmem>>, vector<16xi32>,
          tpu.vector_store %arg10[%swap3A_336], %get3A_335 {strides = array<i32>} : memref<272xi32, #tpu.memory_space<vmem>>, vector<16xi32>,
          %get3A_338 = arith.constant 208 : index
          %get3A_339 = tpu.vector_load %arg10[%get3A_338] {strides = array<i32>} : memref<272xi32, #tpu.memory_space<vmem>>, vector<16xi32>,
          %swap3A_340 = arith.constant 80 : index
          %swap3A_341 = tpu.vector_load %arg10[%swap3A_340] {strides = array<i32>} : memref<272xi32, #tpu.memory_space<vmem>>, vector<16xi32>,
          tpu.vector_store %arg10[%swap3A_340], %get3A_339 {strides = array<i32>} : memref<272xi32, #tpu.memory_space<vmem>>, vector<16xi32>,
          %get3A_342 = arith.constant 224 : index
          %get3A_343 = tpu.vector_load %arg10[%get3A_342] {strides = array<i32>} : memref<272xi32, #tpu.memory_space<vmem>>, vector<16xi32>,
          %swap3A_344 = arith.constant 96 : index
          %swap3A_345 = tpu.vector_load %arg10[%swap3A_344] {strides = array<i32>} : memref<272xi32, #tpu.memory_space<vmem>>, vector<16xi32>,
          tpu.vector_store %arg10[%swap3A_344], %get3A_343 {strides = array<i32>} : memref<272xi32, #tpu.memory_space<vmem>>, vector<16xi32>,
          %get3A_346 = arith.constant 240 : index
          %get3A_347 = tpu.vector_load %arg10[%get3A_346] {strides = array<i32>} : memref<272xi32, #tpu.memory_space<vmem>>, vector<16xi32>,
          %swap3A_348 = arith.constant 112 : index
          %swap3A_349 = tpu.vector_load %arg10[%swap3A_348] {strides = array<i32>} : memref<272xi32, #tpu.memory_space<vmem>>, vector<16xi32>,
          tpu.vector_store %arg10[%swap3A_348], %get3A_347 {strides = array<i32>} : memref<272xi32, #tpu.memory_space<vmem>>, vector<16xi32>,
          %get3A_350 = arith.constant 0 : index
          %get3A_351 = tpu.vector_load %arg11[%get3A_350] {strides = array<i32>} : memref<272xi32, #tpu.memory_space<vmem>>, vector<16xi32>,
          %swap3A_352 = arith.constant 0 : i32
          %swap3A_353 = arith.index_cast %swap3A_352 : i32 to index
          %swap3A_354 = arith.constant 0 : index
          %swap3A_355 = tpu.vector_load %arg13[%swap3A_353, %swap3A_354] {strides = array<i32>} : memref<1x128xi32, #tpu.memory_space<vmem>>, vector<16xi32>,
          tpu.vector_store %arg13[%swap3A_353, %swap3A_354], %get3A_351 {strides = array<i32>} : memref<1x128xi32, #tpu.memory_space<vmem>>, vector<16xi32>,
          %get3A_356 = arith.constant 16 : index
          %get3A_357 = tpu.vector_load %arg11[%get3A_356] {strides = array<i32>} : memref<272xi32, #tpu.memory_space<vmem>>, vector<16xi32>,
          %swap3A_358 = arith.constant 0 : i32
          %swap3A_359 = arith.index_cast %swap3A_358 : i32 to index
          %swap3A_360 = arith.constant 16 : index
          %swap3A_361 = tpu.vector_load %arg13[%swap3A_359, %swap3A_360] {strides = array<i32>} : memref<1x128xi32, #tpu.memory_space<vmem>>, vector<16xi32>,
          tpu.vector_store %arg13[%swap3A_359, %swap3A_360], %get3A_357 {strides = array<i32>} : memref<1x128xi32, #tpu.memory_space<vmem>>, vector<16xi32>,
          %get3A_362 = arith.constant 32 : index
          %get3A_363 = tpu.vector_load %arg11[%get3A_362] {strides = array<i32>} : memref<272xi32, #tpu.memory_space<vmem>>, vector<16xi32>,
          %swap3A_364 = arith.constant 0 : i32
          %swap3A_365 = arith.index_cast %swap3A_364 : i32 to index
          %swap3A_366 = arith.constant 32 : index
          %swap3A_367 = tpu.vector_load %arg13[%swap3A_365, %swap3A_366] {strides = array<i32>} : memref<1x128xi32, #tpu.memory_space<vmem>>, vector<16xi32>,
          tpu.vector_store %arg13[%swap3A_365, %swap3A_366], %get3A_363 {strides = array<i32>} : memref<1x128xi32, #tpu.memory_space<vmem>>, vector<16xi32>,
          %get3A_368 = arith.constant 48 : index
          %get3A_369 = tpu.vector_load %arg11[%get3A_368] {strides = array<i32>} : memref<272xi32, #tpu.memory_space<vmem>>, vector<16xi32>,
          %swap3A_370 = arith.constant 0 : i32
          %swap3A_371 = arith.index_cast %swap3A_370 : i32 to index
          %swap3A_372 = arith.constant 48 : index
          %swap3A_373 = tpu.vector_load %arg13[%swap3A_371, %swap3A_372] {strides = array<i32>} : memref<1x128xi32, #tpu.memory_space<vmem>>, vector<16xi32>,
          tpu.vector_store %arg13[%swap3A_371, %swap3A_372], %get3A_369 {strides = array<i32>} : memref<1x128xi32, #tpu.memory_space<vmem>>, vector<16xi32>,
          %get3A_374 = arith.constant 64 : index
          %get3A_375 = tpu.vector_load %arg11[%get3A_374] {strides = array<i32>} : memref<272xi32, #tpu.memory_space<vmem>>, vector<16xi32>,
          %swap3A_376 = arith.constant 0 : i32
          %swap3A_377 = arith.index_cast %swap3A_376 : i32 to index
          %swap3A_378 = arith.constant 64 : index
          %swap3A_379 = tpu.vector_load %arg13[%swap3A_377, %swap3A_378] {strides = array<i32>} : memref<1x128xi32, #tpu.memory_space<vmem>>, vector<16xi32>,
          tpu.vector_store %arg13[%swap3A_377, %swap3A_378], %get3A_375 {strides = array<i32>} : memref<1x128xi32, #tpu.memory_space<vmem>>, vector<16xi32>,
          %get3A_380 = arith.constant 80 : index
          %get3A_381 = tpu.vector_load %arg11[%get3A_380] {strides = array<i32>} : memref<272xi32, #tpu.memory_space<vmem>>, vector<16xi32>,
          %swap3A_382 = arith.constant 0 : i32
          %swap3A_383 = arith.index_cast %swap3A_382 : i32 to index
          %swap3A_384 = arith.constant 80 : index
          %swap3A_385 = tpu.vector_load %arg13[%swap3A_383, %swap3A_384] {strides = array<i32>} : memref<1x128xi32, #tpu.memory_space<vmem>>, vector<16xi32>,
          tpu.vector_store %arg13[%swap3A_383, %swap3A_384], %get3A_381 {strides = array<i32>} : memref<1x128xi32, #tpu.memory_space<vmem>>, vector<16xi32>,
          %get3A_386 = arith.constant 96 : index
          %get3A_387 = tpu.vector_load %arg11[%get3A_386] {strides = array<i32>} : memref<272xi32, #tpu.memory_space<vmem>>, vector<16xi32>,
          %swap3A_388 = arith.constant 0 : i32
          %swap3A_389 = arith.index_cast %swap3A_388 : i32 to index
          %swap3A_390 = arith.constant 96 : index
          %swap3A_391 = tpu.vector_load %arg13[%swap3A_389, %swap3A_390] {strides = array<i32>} : memref<1x128xi32, #tpu.memory_space<vmem>>, vector<16xi32>,
          tpu.vector_store %arg13[%swap3A_389, %swap3A_390], %get3A_387 {strides = array<i32>} : memref<1x128xi32, #tpu.memory_space<vmem>>, vector<16xi32>,
          %get3A_392 = arith.constant 112 : index
          %get3A_393 = tpu.vector_load %arg11[%get3A_392] {strides = array<i32>} : memref<272xi32, #tpu.memory_space<vmem>>, vector<16xi32>,
          %swap3A_394 = arith.constant 0 : i32
          %swap3A_395 = arith.index_cast %swap3A_394 : i32 to index
          %swap3A_396 = arith.constant 112 : index
          %swap3A_397 = tpu.vector_load %arg13[%swap3A_395, %swap3A_396] {strides = array<i32>} : memref<1x128xi32, #tpu.memory_space<vmem>>, vector<16xi32>,
          tpu.vector_store %arg13[%swap3A_395, %swap3A_396], %get3A_393 {strides = array<i32>} : memref<1x128xi32, #tpu.memory_space<vmem>>, vector<16xi32>,
          %get3A_398 = arith.constant 128 : index
          %get3A_399 = tpu.vector_load %arg11[%get3A_398] {strides = array<i32>} : memref<272xi32, #tpu.memory_space<vmem>>, vector<16xi32>,
          %swap3A_400 = arith.constant 0 : index
          %swap3A_401 = tpu.vector_load %arg11[%swap3A_400] {strides = array<i32>} : memref<272xi32, #tpu.memory_space<vmem>>, vector<16xi32>,
          tpu.vector_store %arg11[%swap3A_400], %get3A_399 {strides = array<i32>} : memref<272xi32, #tpu.memory_space<vmem>>, vector<16xi32>,
          %get3A_402 = arith.constant 144 : index
          %get3A_403 = tpu.vector_load %arg11[%get3A_402] {strides = array<i32>} : memref<272xi32, #tpu.memory_space<vmem>>, vector<16xi32>,
          %swap3A_404 = arith.constant 16 : index
          %swap3A_405 = tpu.vector_load %arg11[%swap3A_404] {strides = array<i32>} : memref<272xi32, #tpu.memory_space<vmem>>, vector<16xi32>,
          tpu.vector_store %arg11[%swap3A_404], %get3A_403 {strides = array<i32>} : memref<272xi32, #tpu.memory_space<vmem>>, vector<16xi32>,
          %get3A_406 = arith.constant 160 : index
          %get3A_407 = tpu.vector_load %arg11[%get3A_406] {strides = array<i32>} : memref<272xi32, #tpu.memory_space<vmem>>, vector<16xi32>,
          %swap3A_408 = arith.constant 32 : index
          %swap3A_409 = tpu.vector_load %arg11[%swap3A_408] {strides = array<i32>} : memref<272xi32, #tpu.memory_space<vmem>>, vector<16xi32>,
          tpu.vector_store %arg11[%swap3A_408], %get3A_407 {strides = array<i32>} : memref<272xi32, #tpu.memory_space<vmem>>, vector<16xi32>,
          %get3A_410 = arith.constant 176 : index
          %get3A_411 = tpu.vector_load %arg11[%get3A_410] {strides = array<i32>} : memref<272xi32, #tpu.memory_space<vmem>>, vector<16xi32>,
          %swap3A_412 = arith.constant 48 : index
          %swap3A_413 = tpu.vector_load %arg11[%swap3A_412] {strides = array<i32>} : memref<272xi32, #tpu.memory_space<vmem>>, vector<16xi32>,
          tpu.vector_store %arg11[%swap3A_412], %get3A_411 {strides = array<i32>} : memref<272xi32, #tpu.memory_space<vmem>>, vector<16xi32>,
          %get3A_414 = arith.constant 192 : index
          %get3A_415 = tpu.vector_load %arg11[%get3A_414] {strides = array<i32>} : memref<272xi32, #tpu.memory_space<vmem>>, vector<16xi32>,
          %swap3A_416 = arith.constant 64 : index
          %swap3A_417 = tpu.vector_load %arg11[%swap3A_416] {strides = array<i32>} : memref<272xi32, #tpu.memory_space<vmem>>, vector<16xi32>,
          tpu.vector_store %arg11[%swap3A_416], %get3A_415 {strides = array<i32>} : memref<272xi32, #tpu.memory_space<vmem>>, vector<16xi32>,
          %get3A_418 = arith.constant 208 : index
          %get3A_419 = tpu.vector_load %arg11[%get3A_418] {strides = array<i32>} : memref<272xi32, #tpu.memory_space<vmem>>, vector<16xi32>,
          %swap3A_420 = arith.constant 80 : index
          %swap3A_421 = tpu.vector_load %arg11[%swap3A_420] {strides = array<i32>} : memref<272xi32, #tpu.memory_space<vmem>>, vector<16xi32>,
          tpu.vector_store %arg11[%swap3A_420], %get3A_419 {strides = array<i32>} : memref<272xi32, #tpu.memory_space<vmem>>, vector<16xi32>,
          %get3A_422 = arith.constant 224 : index
          %get3A_423 = tpu.vector_load %arg11[%get3A_422] {strides = array<i32>} : memref<272xi32, #tpu.memory_space<vmem>>, vector<16xi32>,
          %swap3A_424 = arith.constant 96 : index
          %swap3A_425 = tpu.vector_load %arg11[%swap3A_424] {strides = array<i32>} : memref<272xi32, #tpu.memory_space<vmem>>, vector<16xi32>,
          tpu.vector_store %arg11[%swap3A_424], %get3A_423 {strides = array<i32>} : memref<272xi32, #tpu.memory_space<vmem>>, vector<16xi32>,
          %get3A_426 = arith.constant 240 : index
          %get3A_427 = tpu.vector_load %arg11[%get3A_426] {strides = array<i32>} : memref<272xi32, #tpu.memory_space<vmem>>, vector<16xi32>,
          %swap3A_428 = arith.constant 112 : index
          %swap3A_429 = tpu.vector_load %arg11[%swap3A_428] {strides = array<i32>} : memref<272xi32, #tpu.memory_space<vmem>>, vector<16xi32>,
          tpu.vector_store %arg11[%swap3A_428], %get3A_427 {strides = array<i32>} : memref<272xi32, #tpu.memory_space<vmem>>, vector<16xi32>,
          %run_scoped3A = arith.constant 0 : i32
          "tpu.region"() ({
            %run_scoped3A_438 = tpu.sem_alloc : memref<!tpu.dma_semaphore, #tpu.memory_space<semaphore_mem>>
            %dma_start3A = arith.constant 0 : i32
            %dma_start3A_439 = tpu.memref_slice %arg12[%run_scoped3A, %dma_start3A] : memref<1x128xi32, #tpu.memory_space<vmem>> -> memref<1x128xi32, #tpu.memory_space<vmem>>
            %dma_start3A_440 = tpu.memref_squeeze %dma_start3A_439 : memref<1x128xi32, #tpu.memory_space<vmem>> -> memref<128xi32, #tpu.memory_space<vmem>>
            %dma_start3A_441 = arith.constant 0 : i32
            %dma_start3A_442 = arith.constant 0 : i32
            %dma_start3A_443 = tpu.memref_slice %arg17[%dma_start3A_441, %dma_start3A_442] : memref<648x16xf32, #tpu.memory_space<vmem_shared>> -> memref<648x16xf32, #tpu.memory_space<vmem_shared>>
            tpu.enqueue_indirect_dma source(%arg14 : memref<128x16xf32, #tpu.memory_space<vmem>>) target(%dma_start3A_443 : memref<648x16xf32, #tpu.memory_space<vmem_shared>>) offsets(%dma_start3A_440 : memref<128xi32, #tpu.memory_space<vmem>>) semaphore(%run_scoped3A_438 : memref<!tpu.dma_semaphore, #tpu.memory_space<semaphore_mem>>) {add = true}
            %dma_wait3A = arith.constant 0 : i32
            %dma_wait3A_444 = tpu.memref_slice %arg12[%run_scoped3A, %dma_wait3A] : memref<1x128xi32, #tpu.memory_space<vmem>> -> memref<1x128xi32, #tpu.memory_space<vmem>>
            %dma_wait3A_445 = tpu.memref_squeeze %dma_wait3A_444 : memref<1x128xi32, #tpu.memory_space<vmem>> -> memref<128xi32, #tpu.memory_space<vmem>>
            %dma_wait3A_446 = arith.constant 0 : i32
            %dma_wait3A_447 = arith.constant 0 : i32
            %dma_wait3A_448 = tpu.memref_slice %arg17[%dma_wait3A_446, %dma_wait3A_447] : memref<648x16xf32, #tpu.memory_space<vmem_shared>> -> memref<648x16xf32, #tpu.memory_space<vmem_shared>>
            tpu.wait_indirect_dma semaphore(%run_scoped3A_438 : memref<!tpu.dma_semaphore, #tpu.memory_space<semaphore_mem>>) src(%arg14 : memref<128x16xf32, #tpu.memory_space<vmem>>) dst(%dma_wait3A_448 : memref<648x16xf32, #tpu.memory_space<vmem_shared>>)
            tpu.yield
          }) : () -> ()
          %mul3A_430 = arith.constant 128 : i32
          %mul3A_431 = arith.muli %select_n3A_199, %mul3A_430 : i32
          %add3A_432 = arith.addi %mul3A_4, %mul3A_431 : i32
          %run_scoped3A_433 = arith.constant 0 : i32
          "tpu.region"() ({
            %run_scoped3A_438 = tpu.sem_alloc : memref<!tpu.dma_semaphore, #tpu.memory_space<semaphore_mem>>
            %dma_start3A = arith.constant 0 : i32
            %dma_start3A_439 = tpu.memref_slice %arg13[%run_scoped3A_433, %dma_start3A] : memref<1x128xi32, #tpu.memory_space<vmem>> -> memref<1x128xi32, #tpu.memory_space<vmem>>
            %dma_start3A_440 = tpu.memref_squeeze %dma_start3A_439 : memref<1x128xi32, #tpu.memory_space<vmem>> -> memref<128xi32, #tpu.memory_space<vmem>>
            %dma_start3A_441 = tpu.memref_slice %arg5[%add3A_432] : memref<5177344xi32, #tpu.memory_space<hbm>> -> memref<128xi32, #tpu.memory_space<hbm>>
            %dma_start3A_442 = tpu.memref_slice %arg5[%add3A_432] : memref<5177344xi32, #tpu.memory_space<hbm>> -> memref<128xi32, #tpu.memory_space<hbm>>
            %dma_start3A_443 = arith.constant 0 : i32
            %dma_start3A_444 = tpu.memref_slice %arg13[%run_scoped3A_433, %dma_start3A_443] : memref<1x128xi32, #tpu.memory_space<vmem>> -> memref<1x128xi32, #tpu.memory_space<vmem>>
            %dma_start3A_445 = tpu.memref_squeeze %dma_start3A_444 : memref<1x128xi32, #tpu.memory_space<vmem>> -> memref<128xi32, #tpu.memory_space<vmem>>
            tpu.enqueue_dma source(%dma_start3A_445 : memref<128xi32, #tpu.memory_space<vmem>>) target(%dma_start3A_442 : memref<128xi32, #tpu.memory_space<hbm>>) target_semaphore(%run_scoped3A_438 : memref<!tpu.dma_semaphore, #tpu.memory_space<semaphore_mem>>)
            %dma_wait3A = arith.constant 0 : i32
            %dma_wait3A_446 = tpu.memref_slice %arg13[%run_scoped3A_433, %dma_wait3A] : memref<1x128xi32, #tpu.memory_space<vmem>> -> memref<1x128xi32, #tpu.memory_space<vmem>>
            %dma_wait3A_447 = tpu.memref_squeeze %dma_wait3A_446 : memref<1x128xi32, #tpu.memory_space<vmem>> -> memref<128xi32, #tpu.memory_space<vmem>>
            %dma_wait3A_448 = tpu.memref_slice %arg5[%add3A_432] : memref<5177344xi32, #tpu.memory_space<hbm>> -> memref<128xi32, #tpu.memory_space<hbm>>
            %dma_wait3A_449 = tpu.memref_slice %arg5[%add3A_432] : memref<5177344xi32, #tpu.memory_space<hbm>> -> memref<128xi32, #tpu.memory_space<hbm>>
            %dma_wait3A_450 = arith.constant 0 : i32
            %dma_wait3A_451 = tpu.memref_slice %arg13[%run_scoped3A_433, %dma_wait3A_450] : memref<1x128xi32, #tpu.memory_space<vmem>> -> memref<1x128xi32, #tpu.memory_space<vmem>>
            %dma_wait3A_452 = tpu.memref_squeeze %dma_wait3A_451 : memref<1x128xi32, #tpu.memory_space<vmem>> -> memref<128xi32, #tpu.memory_space<vmem>>
            tpu.wait_dma2 semaphore(%run_scoped3A_438 : memref<!tpu.dma_semaphore, #tpu.memory_space<semaphore_mem>>) src(%dma_wait3A_452 : memref<128xi32, #tpu.memory_space<vmem>>) dst(%dma_wait3A_449 : memref<128xi32, #tpu.memory_space<hbm>>)
            tpu.yield
          }) : () -> ()
          %mul3A_434 = arith.constant 128 : i32
          %mul3A_435 = arith.muli %select_n3A_199, %mul3A_434 : i32
          %add3A_436 = arith.addi %mul3A_4, %mul3A_435 : i32
          %run_scoped3A_437 = arith.constant 0 : i32
          "tpu.region"() ({
            %run_scoped3A_438 = tpu.sem_alloc : memref<!tpu.dma_semaphore, #tpu.memory_space<semaphore_mem>>
            %dma_start3A = arith.constant 0 : i32
            %dma_start3A_439 = tpu.memref_slice %arg12[%run_scoped3A_437, %dma_start3A] : memref<1x128xi32, #tpu.memory_space<vmem>> -> memref<1x128xi32, #tpu.memory_space<vmem>>
            %dma_start3A_440 = tpu.memref_squeeze %dma_start3A_439 : memref<1x128xi32, #tpu.memory_space<vmem>> -> memref<128xi32, #tpu.memory_space<vmem>>
            %dma_start3A_441 = tpu.memref_slice %arg6[%add3A_436] : memref<5177344xi32, #tpu.memory_space<hbm>> -> memref<128xi32, #tpu.memory_space<hbm>>
            %dma_start3A_442 = tpu.memref_slice %arg6[%add3A_436] : memref<5177344xi32, #tpu.memory_space<hbm>> -> memref<128xi32, #tpu.memory_space<hbm>>
            %dma_start3A_443 = arith.constant 0 : i32
            %dma_start3A_444 = tpu.memref_slice %arg12[%run_scoped3A_437, %dma_start3A_443] : memref<1x128xi32, #tpu.memory_space<vmem>> -> memref<1x128xi32, #tpu.memory_space<vmem>>
            %dma_start3A_445 = tpu.memref_squeeze %dma_start3A_444 : memref<1x128xi32, #tpu.memory_space<vmem>> -> memref<128xi32, #tpu.memory_space<vmem>>
            tpu.enqueue_dma source(%dma_start3A_445 : memref<128xi32, #tpu.memory_space<vmem>>) target(%dma_start3A_442 : memref<128xi32, #tpu.memory_space<hbm>>) target_semaphore(%run_scoped3A_438 : memref<!tpu.dma_semaphore, #tpu.memory_space<semaphore_mem>>)
            %dma_wait3A = arith.constant 0 : i32
            %dma_wait3A_446 = tpu.memref_slice %arg12[%run_scoped3A_437, %dma_wait3A] : memref<1x128xi32, #tpu.memory_space<vmem>> -> memref<1x128xi32, #tpu.memory_space<vmem>>
            %dma_wait3A_447 = tpu.memref_squeeze %dma_wait3A_446 : memref<1x128xi32, #tpu.memory_space<vmem>> -> memref<128xi32, #tpu.memory_space<vmem>>
            %dma_wait3A_448 = tpu.memref_slice %arg6[%add3A_436] : memref<5177344xi32, #tpu.memory_space<hbm>> -> memref<128xi32, #tpu.memory_space<hbm>>
            %dma_wait3A_449 = tpu.memref_slice %arg6[%add3A_436] : memref<5177344xi32, #tpu.memory_space<hbm>> -> memref<128xi32, #tpu.memory_space<hbm>>
            %dma_wait3A_450 = arith.constant 0 : i32
            %dma_wait3A_451 = tpu.memref_slice %arg12[%run_scoped3A_437, %dma_wait3A_450] : memref<1x128xi32, #tpu.memory_space<vmem>> -> memref<1x128xi32, #tpu.memory_space<vmem>>
            %dma_wait3A_452 = tpu.memref_squeeze %dma_wait3A_451 : memref<1x128xi32, #tpu.memory_space<vmem>> -> memref<128xi32, #tpu.memory_space<vmem>>
            tpu.wait_dma2 semaphore(%run_scoped3A_438 : memref<!tpu.dma_semaphore, #tpu.memory_space<semaphore_mem>>) src(%dma_wait3A_452 : memref<128xi32, #tpu.memory_space<vmem>>) dst(%dma_wait3A_449 : memref<128xi32, #tpu.memory_space<hbm>>)
            tpu.yield
          }) : () -> ()
        } else {
        }
        %ge3A_227 = arith.constant 128 : i32
        %ge3A_228 = arith.cmpi sge, %add3A_221, %ge3A_227 : i32
        %sub3A_229 = arith.constant 128 : i32
        %sub3A_230 = arith.subi %add3A_221, %sub3A_229 : i32
        %select_n3A_231 = arith.select %ge3A_228, %sub3A_230, %add3A_221 : i32
        %add3A_232 = arith.constant 1 : i32
        %add3A_233 = arith.addi %select_n3A_199, %add3A_232 : i32
        %select_n3A_234 = arith.select %ge3A_228, %add3A_233, %select_n3A_199 : i32
        %scan3A_235 = arith.constant 3 : i32
        %scan3A_236 = arith.addi %scan3A_137, %scan3A_235 : i32
        %mul3A_237 = arith.constant 16 : i32
        %mul3A_238 = arith.muli %scan3A_236, %mul3A_237 : i32
        %get3A_239 = arith.index_cast %mul3A_238 : i32 to index
        %get3A_240 = tpu.vector_load %arg8[%get3A_239] {strides = array<i32>} : memref<2048xi32, #tpu.memory_space<vmem>>, vector<16xi32>,
        %sub3A_241 = arith.subi %get3A_240, %broadcast_in_dim3A_126 : vector<16xi32>
        %ge3A_242 = arith.cmpi sge, %sub3A_241, %broadcast_in_dim3A_130 : vector<16xi32>
        %lt3A_243 = arith.cmpi slt, %sub3A_241, %broadcast_in_dim3A_128 : vector<16xi32>
        %and3A_244 = arith.andi %ge3A_242, %lt3A_243 : vector<16xi1>
        %all_reduce_population_count3A_245 = tpu.all_reduce %and3A_244 {dim = 0 : i64, kind = #tpu.reduction_kind<sum>} : vector<16xi1> -> vector<16xi32>
        %slice3A_246 = vector.extract_strided_slice %all_reduce_population_count3A_245 {offsets = [0], sizes = [1], strides = [1]} : vector<16xi32> to vector<1xi32>
        %squeeze3A_247 = vector.extract %slice3A_246[0] : i32 from vector<1xi32>
        %swap3A_248 = arith.index_cast %select_n3A_231 : i32 to index
        %swap3A_249 = tpu.vector_load %arg10[%swap3A_248] masked %and3A_244 {strides = array<i32>} : memref<272xi32, #tpu.memory_space<vmem>>, vector<16xi32>, vector<16xi1>
        tpu.vector_store %arg10[%swap3A_248], %sub3A_241 masked %and3A_244 {strides = array<i32>} : memref<272xi32, #tpu.memory_space<vmem>>, vector<16xi32>, vector<16xi1>
        %mul3A_250 = arith.constant 16 : i32
        %mul3A_251 = arith.muli %scan3A_236, %mul3A_250 : i32
        %get3A_252 = arith.index_cast %mul3A_251 : i32 to index
        %get3A_253 = tpu.vector_load %arg9[%get3A_252] {strides = array<i32>} : memref<2048xi32, #tpu.memory_space<vmem>>, vector<16xi32>,
        %swap3A_254 = arith.index_cast %select_n3A_231 : i32 to index
        %swap3A_255 = tpu.vector_load %arg11[%swap3A_254] masked %and3A_244 {strides = array<i32>} : memref<272xi32, #tpu.memory_space<vmem>>, vector<16xi32>, vector<16xi1>
        tpu.vector_store %arg11[%swap3A_254], %get3A_253 masked %and3A_244 {strides = array<i32>} : memref<272xi32, #tpu.memory_space<vmem>>, vector<16xi32>, vector<16xi1>
        %add3A_256 = arith.addi %select_n3A_231, %squeeze3A_247 : i32
        %ge3A_257 = arith.constant 128 : i32
        %ge3A_258 = arith.cmpi sge, %add3A_256, %ge3A_257 : i32
        %convert_element_type3A_259 = arith.extui %ge3A_258 : i1 to i32
        %cond3A_260 = arith.constant 0 : i32
        %cond3A_261 = arith.cmpi ne, %convert_element_type3A_259, %cond3A_260 : i32
        scf.if %cond3A_261 {
          %get3A_270 = arith.constant 0 : index
          %get3A_271 = tpu.vector_load %arg10[%get3A_270] {strides = array<i32>} : memref<272xi32, #tpu.memory_space<vmem>>, vector<16xi32>,
          %swap3A_272 = arith.constant 0 : i32
          %swap3A_273 = arith.index_cast %swap3A_272 : i32 to index
          %swap3A_274 = arith.constant 0 : index
          %swap3A_275 = tpu.vector_load %arg12[%swap3A_273, %swap3A_274] {strides = array<i32>} : memref<1x128xi32, #tpu.memory_space<vmem>>, vector<16xi32>,
          tpu.vector_store %arg12[%swap3A_273, %swap3A_274], %get3A_271 {strides = array<i32>} : memref<1x128xi32, #tpu.memory_space<vmem>>, vector<16xi32>,
          %get3A_276 = arith.constant 16 : index
          %get3A_277 = tpu.vector_load %arg10[%get3A_276] {strides = array<i32>} : memref<272xi32, #tpu.memory_space<vmem>>, vector<16xi32>,
          %swap3A_278 = arith.constant 0 : i32
          %swap3A_279 = arith.index_cast %swap3A_278 : i32 to index
          %swap3A_280 = arith.constant 16 : index
          %swap3A_281 = tpu.vector_load %arg12[%swap3A_279, %swap3A_280] {strides = array<i32>} : memref<1x128xi32, #tpu.memory_space<vmem>>, vector<16xi32>,
          tpu.vector_store %arg12[%swap3A_279, %swap3A_280], %get3A_277 {strides = array<i32>} : memref<1x128xi32, #tpu.memory_space<vmem>>, vector<16xi32>,
          %get3A_282 = arith.constant 32 : index
          %get3A_283 = tpu.vector_load %arg10[%get3A_282] {strides = array<i32>} : memref<272xi32, #tpu.memory_space<vmem>>, vector<16xi32>,
          %swap3A_284 = arith.constant 0 : i32
          %swap3A_285 = arith.index_cast %swap3A_284 : i32 to index
          %swap3A_286 = arith.constant 32 : index
          %swap3A_287 = tpu.vector_load %arg12[%swap3A_285, %swap3A_286] {strides = array<i32>} : memref<1x128xi32, #tpu.memory_space<vmem>>, vector<16xi32>,
          tpu.vector_store %arg12[%swap3A_285, %swap3A_286], %get3A_283 {strides = array<i32>} : memref<1x128xi32, #tpu.memory_space<vmem>>, vector<16xi32>,
          %get3A_288 = arith.constant 48 : index
          %get3A_289 = tpu.vector_load %arg10[%get3A_288] {strides = array<i32>} : memref<272xi32, #tpu.memory_space<vmem>>, vector<16xi32>,
          %swap3A_290 = arith.constant 0 : i32
          %swap3A_291 = arith.index_cast %swap3A_290 : i32 to index
          %swap3A_292 = arith.constant 48 : index
          %swap3A_293 = tpu.vector_load %arg12[%swap3A_291, %swap3A_292] {strides = array<i32>} : memref<1x128xi32, #tpu.memory_space<vmem>>, vector<16xi32>,
          tpu.vector_store %arg12[%swap3A_291, %swap3A_292], %get3A_289 {strides = array<i32>} : memref<1x128xi32, #tpu.memory_space<vmem>>, vector<16xi32>,
          %get3A_294 = arith.constant 64 : index
          %get3A_295 = tpu.vector_load %arg10[%get3A_294] {strides = array<i32>} : memref<272xi32, #tpu.memory_space<vmem>>, vector<16xi32>,
          %swap3A_296 = arith.constant 0 : i32
          %swap3A_297 = arith.index_cast %swap3A_296 : i32 to index
          %swap3A_298 = arith.constant 64 : index
          %swap3A_299 = tpu.vector_load %arg12[%swap3A_297, %swap3A_298] {strides = array<i32>} : memref<1x128xi32, #tpu.memory_space<vmem>>, vector<16xi32>,
          tpu.vector_store %arg12[%swap3A_297, %swap3A_298], %get3A_295 {strides = array<i32>} : memref<1x128xi32, #tpu.memory_space<vmem>>, vector<16xi32>,
          %get3A_300 = arith.constant 80 : index
          %get3A_301 = tpu.vector_load %arg10[%get3A_300] {strides = array<i32>} : memref<272xi32, #tpu.memory_space<vmem>>, vector<16xi32>,
          %swap3A_302 = arith.constant 0 : i32
          %swap3A_303 = arith.index_cast %swap3A_302 : i32 to index
          %swap3A_304 = arith.constant 80 : index
          %swap3A_305 = tpu.vector_load %arg12[%swap3A_303, %swap3A_304] {strides = array<i32>} : memref<1x128xi32, #tpu.memory_space<vmem>>, vector<16xi32>,
          tpu.vector_store %arg12[%swap3A_303, %swap3A_304], %get3A_301 {strides = array<i32>} : memref<1x128xi32, #tpu.memory_space<vmem>>, vector<16xi32>,
          %get3A_306 = arith.constant 96 : index
          %get3A_307 = tpu.vector_load %arg10[%get3A_306] {strides = array<i32>} : memref<272xi32, #tpu.memory_space<vmem>>, vector<16xi32>,
          %swap3A_308 = arith.constant 0 : i32
          %swap3A_309 = arith.index_cast %swap3A_308 : i32 to index
          %swap3A_310 = arith.constant 96 : index
          %swap3A_311 = tpu.vector_load %arg12[%swap3A_309, %swap3A_310] {strides = array<i32>} : memref<1x128xi32, #tpu.memory_space<vmem>>, vector<16xi32>,
          tpu.vector_store %arg12[%swap3A_309, %swap3A_310], %get3A_307 {strides = array<i32>} : memref<1x128xi32, #tpu.memory_space<vmem>>, vector<16xi32>,
          %get3A_312 = arith.constant 112 : index
          %get3A_313 = tpu.vector_load %arg10[%get3A_312] {strides = array<i32>} : memref<272xi32, #tpu.memory_space<vmem>>, vector<16xi32>,
          %swap3A_314 = arith.constant 0 : i32
          %swap3A_315 = arith.index_cast %swap3A_314 : i32 to index
          %swap3A_316 = arith.constant 112 : index
          %swap3A_317 = tpu.vector_load %arg12[%swap3A_315, %swap3A_316] {strides = array<i32>} : memref<1x128xi32, #tpu.memory_space<vmem>>, vector<16xi32>,
          tpu.vector_store %arg12[%swap3A_315, %swap3A_316], %get3A_313 {strides = array<i32>} : memref<1x128xi32, #tpu.memory_space<vmem>>, vector<16xi32>,
          %get3A_318 = arith.constant 128 : index
          %get3A_319 = tpu.vector_load %arg10[%get3A_318] {strides = array<i32>} : memref<272xi32, #tpu.memory_space<vmem>>, vector<16xi32>,
          %swap3A_320 = arith.constant 0 : index
          %swap3A_321 = tpu.vector_load %arg10[%swap3A_320] {strides = array<i32>} : memref<272xi32, #tpu.memory_space<vmem>>, vector<16xi32>,
          tpu.vector_store %arg10[%swap3A_320], %get3A_319 {strides = array<i32>} : memref<272xi32, #tpu.memory_space<vmem>>, vector<16xi32>,
          %get3A_322 = arith.constant 144 : index
          %get3A_323 = tpu.vector_load %arg10[%get3A_322] {strides = array<i32>} : memref<272xi32, #tpu.memory_space<vmem>>, vector<16xi32>,
          %swap3A_324 = arith.constant 16 : index
          %swap3A_325 = tpu.vector_load %arg10[%swap3A_324] {strides = array<i32>} : memref<272xi32, #tpu.memory_space<vmem>>, vector<16xi32>,
          tpu.vector_store %arg10[%swap3A_324], %get3A_323 {strides = array<i32>} : memref<272xi32, #tpu.memory_space<vmem>>, vector<16xi32>,
          %get3A_326 = arith.constant 160 : index
          %get3A_327 = tpu.vector_load %arg10[%get3A_326] {strides = array<i32>} : memref<272xi32, #tpu.memory_space<vmem>>, vector<16xi32>,
          %swap3A_328 = arith.constant 32 : index
          %swap3A_329 = tpu.vector_load %arg10[%swap3A_328] {strides = array<i32>} : memref<272xi32, #tpu.memory_space<vmem>>, vector<16xi32>,
          tpu.vector_store %arg10[%swap3A_328], %get3A_327 {strides = array<i32>} : memref<272xi32, #tpu.memory_space<vmem>>, vector<16xi32>,
          %get3A_330 = arith.constant 176 : index
          %get3A_331 = tpu.vector_load %arg10[%get3A_330] {strides = array<i32>} : memref<272xi32, #tpu.memory_space<vmem>>, vector<16xi32>,
          %swap3A_332 = arith.constant 48 : index
          %swap3A_333 = tpu.vector_load %arg10[%swap3A_332] {strides = array<i32>} : memref<272xi32, #tpu.memory_space<vmem>>, vector<16xi32>,
          tpu.vector_store %arg10[%swap3A_332], %get3A_331 {strides = array<i32>} : memref<272xi32, #tpu.memory_space<vmem>>, vector<16xi32>,
          %get3A_334 = arith.constant 192 : index
          %get3A_335 = tpu.vector_load %arg10[%get3A_334] {strides = array<i32>} : memref<272xi32, #tpu.memory_space<vmem>>, vector<16xi32>,
          %swap3A_336 = arith.constant 64 : index
          %swap3A_337 = tpu.vector_load %arg10[%swap3A_336] {strides = array<i32>} : memref<272xi32, #tpu.memory_space<vmem>>, vector<16xi32>,
          tpu.vector_store %arg10[%swap3A_336], %get3A_335 {strides = array<i32>} : memref<272xi32, #tpu.memory_space<vmem>>, vector<16xi32>,
          %get3A_338 = arith.constant 208 : index
          %get3A_339 = tpu.vector_load %arg10[%get3A_338] {strides = array<i32>} : memref<272xi32, #tpu.memory_space<vmem>>, vector<16xi32>,
          %swap3A_340 = arith.constant 80 : index
          %swap3A_341 = tpu.vector_load %arg10[%swap3A_340] {strides = array<i32>} : memref<272xi32, #tpu.memory_space<vmem>>, vector<16xi32>,
          tpu.vector_store %arg10[%swap3A_340], %get3A_339 {strides = array<i32>} : memref<272xi32, #tpu.memory_space<vmem>>, vector<16xi32>,
          %get3A_342 = arith.constant 224 : index
          %get3A_343 = tpu.vector_load %arg10[%get3A_342] {strides = array<i32>} : memref<272xi32, #tpu.memory_space<vmem>>, vector<16xi32>,
          %swap3A_344 = arith.constant 96 : index
          %swap3A_345 = tpu.vector_load %arg10[%swap3A_344] {strides = array<i32>} : memref<272xi32, #tpu.memory_space<vmem>>, vector<16xi32>,
          tpu.vector_store %arg10[%swap3A_344], %get3A_343 {strides = array<i32>} : memref<272xi32, #tpu.memory_space<vmem>>, vector<16xi32>,
          %get3A_346 = arith.constant 240 : index
          %get3A_347 = tpu.vector_load %arg10[%get3A_346] {strides = array<i32>} : memref<272xi32, #tpu.memory_space<vmem>>, vector<16xi32>,
          %swap3A_348 = arith.constant 112 : index
          %swap3A_349 = tpu.vector_load %arg10[%swap3A_348] {strides = array<i32>} : memref<272xi32, #tpu.memory_space<vmem>>, vector<16xi32>,
          tpu.vector_store %arg10[%swap3A_348], %get3A_347 {strides = array<i32>} : memref<272xi32, #tpu.memory_space<vmem>>, vector<16xi32>,
          %get3A_350 = arith.constant 0 : index
          %get3A_351 = tpu.vector_load %arg11[%get3A_350] {strides = array<i32>} : memref<272xi32, #tpu.memory_space<vmem>>, vector<16xi32>,
          %swap3A_352 = arith.constant 0 : i32
          %swap3A_353 = arith.index_cast %swap3A_352 : i32 to index
          %swap3A_354 = arith.constant 0 : index
          %swap3A_355 = tpu.vector_load %arg13[%swap3A_353, %swap3A_354] {strides = array<i32>} : memref<1x128xi32, #tpu.memory_space<vmem>>, vector<16xi32>,
          tpu.vector_store %arg13[%swap3A_353, %swap3A_354], %get3A_351 {strides = array<i32>} : memref<1x128xi32, #tpu.memory_space<vmem>>, vector<16xi32>,
          %get3A_356 = arith.constant 16 : index
          %get3A_357 = tpu.vector_load %arg11[%get3A_356] {strides = array<i32>} : memref<272xi32, #tpu.memory_space<vmem>>, vector<16xi32>,
          %swap3A_358 = arith.constant 0 : i32
          %swap3A_359 = arith.index_cast %swap3A_358 : i32 to index
          %swap3A_360 = arith.constant 16 : index
          %swap3A_361 = tpu.vector_load %arg13[%swap3A_359, %swap3A_360] {strides = array<i32>} : memref<1x128xi32, #tpu.memory_space<vmem>>, vector<16xi32>,
          tpu.vector_store %arg13[%swap3A_359, %swap3A_360], %get3A_357 {strides = array<i32>} : memref<1x128xi32, #tpu.memory_space<vmem>>, vector<16xi32>,
          %get3A_362 = arith.constant 32 : index
          %get3A_363 = tpu.vector_load %arg11[%get3A_362] {strides = array<i32>} : memref<272xi32, #tpu.memory_space<vmem>>, vector<16xi32>,
          %swap3A_364 = arith.constant 0 : i32
          %swap3A_365 = arith.index_cast %swap3A_364 : i32 to index
          %swap3A_366 = arith.constant 32 : index
          %swap3A_367 = tpu.vector_load %arg13[%swap3A_365, %swap3A_366] {strides = array<i32>} : memref<1x128xi32, #tpu.memory_space<vmem>>, vector<16xi32>,
          tpu.vector_store %arg13[%swap3A_365, %swap3A_366], %get3A_363 {strides = array<i32>} : memref<1x128xi32, #tpu.memory_space<vmem>>, vector<16xi32>,
          %get3A_368 = arith.constant 48 : index
          %get3A_369 = tpu.vector_load %arg11[%get3A_368] {strides = array<i32>} : memref<272xi32, #tpu.memory_space<vmem>>, vector<16xi32>,
          %swap3A_370 = arith.constant 0 : i32
          %swap3A_371 = arith.index_cast %swap3A_370 : i32 to index
          %swap3A_372 = arith.constant 48 : index
          %swap3A_373 = tpu.vector_load %arg13[%swap3A_371, %swap3A_372] {strides = array<i32>} : memref<1x128xi32, #tpu.memory_space<vmem>>, vector<16xi32>,
          tpu.vector_store %arg13[%swap3A_371, %swap3A_372], %get3A_369 {strides = array<i32>} : memref<1x128xi32, #tpu.memory_space<vmem>>, vector<16xi32>,
          %get3A_374 = arith.constant 64 : index
          %get3A_375 = tpu.vector_load %arg11[%get3A_374] {strides = array<i32>} : memref<272xi32, #tpu.memory_space<vmem>>, vector<16xi32>,
          %swap3A_376 = arith.constant 0 : i32
          %swap3A_377 = arith.index_cast %swap3A_376 : i32 to index
          %swap3A_378 = arith.constant 64 : index
          %swap3A_379 = tpu.vector_load %arg13[%swap3A_377, %swap3A_378] {strides = array<i32>} : memref<1x128xi32, #tpu.memory_space<vmem>>, vector<16xi32>,
          tpu.vector_store %arg13[%swap3A_377, %swap3A_378], %get3A_375 {strides = array<i32>} : memref<1x128xi32, #tpu.memory_space<vmem>>, vector<16xi32>,
          %get3A_380 = arith.constant 80 : index
          %get3A_381 = tpu.vector_load %arg11[%get3A_380] {strides = array<i32>} : memref<272xi32, #tpu.memory_space<vmem>>, vector<16xi32>,
          %swap3A_382 = arith.constant 0 : i32
          %swap3A_383 = arith.index_cast %swap3A_382 : i32 to index
          %swap3A_384 = arith.constant 80 : index
          %swap3A_385 = tpu.vector_load %arg13[%swap3A_383, %swap3A_384] {strides = array<i32>} : memref<1x128xi32, #tpu.memory_space<vmem>>, vector<16xi32>,
          tpu.vector_store %arg13[%swap3A_383, %swap3A_384], %get3A_381 {strides = array<i32>} : memref<1x128xi32, #tpu.memory_space<vmem>>, vector<16xi32>,
          %get3A_386 = arith.constant 96 : index
          %get3A_387 = tpu.vector_load %arg11[%get3A_386] {strides = array<i32>} : memref<272xi32, #tpu.memory_space<vmem>>, vector<16xi32>,
          %swap3A_388 = arith.constant 0 : i32
          %swap3A_389 = arith.index_cast %swap3A_388 : i32 to index
          %swap3A_390 = arith.constant 96 : index
          %swap3A_391 = tpu.vector_load %arg13[%swap3A_389, %swap3A_390] {strides = array<i32>} : memref<1x128xi32, #tpu.memory_space<vmem>>, vector<16xi32>,
          tpu.vector_store %arg13[%swap3A_389, %swap3A_390], %get3A_387 {strides = array<i32>} : memref<1x128xi32, #tpu.memory_space<vmem>>, vector<16xi32>,
          %get3A_392 = arith.constant 112 : index
          %get3A_393 = tpu.vector_load %arg11[%get3A_392] {strides = array<i32>} : memref<272xi32, #tpu.memory_space<vmem>>, vector<16xi32>,
          %swap3A_394 = arith.constant 0 : i32
          %swap3A_395 = arith.index_cast %swap3A_394 : i32 to index
          %swap3A_396 = arith.constant 112 : index
          %swap3A_397 = tpu.vector_load %arg13[%swap3A_395, %swap3A_396] {strides = array<i32>} : memref<1x128xi32, #tpu.memory_space<vmem>>, vector<16xi32>,
          tpu.vector_store %arg13[%swap3A_395, %swap3A_396], %get3A_393 {strides = array<i32>} : memref<1x128xi32, #tpu.memory_space<vmem>>, vector<16xi32>,
          %get3A_398 = arith.constant 128 : index
          %get3A_399 = tpu.vector_load %arg11[%get3A_398] {strides = array<i32>} : memref<272xi32, #tpu.memory_space<vmem>>, vector<16xi32>,
          %swap3A_400 = arith.constant 0 : index
          %swap3A_401 = tpu.vector_load %arg11[%swap3A_400] {strides = array<i32>} : memref<272xi32, #tpu.memory_space<vmem>>, vector<16xi32>,
          tpu.vector_store %arg11[%swap3A_400], %get3A_399 {strides = array<i32>} : memref<272xi32, #tpu.memory_space<vmem>>, vector<16xi32>,
          %get3A_402 = arith.constant 144 : index
          %get3A_403 = tpu.vector_load %arg11[%get3A_402] {strides = array<i32>} : memref<272xi32, #tpu.memory_space<vmem>>, vector<16xi32>,
          %swap3A_404 = arith.constant 16 : index
          %swap3A_405 = tpu.vector_load %arg11[%swap3A_404] {strides = array<i32>} : memref<272xi32, #tpu.memory_space<vmem>>, vector<16xi32>,
          tpu.vector_store %arg11[%swap3A_404], %get3A_403 {strides = array<i32>} : memref<272xi32, #tpu.memory_space<vmem>>, vector<16xi32>,
          %get3A_406 = arith.constant 160 : index
          %get3A_407 = tpu.vector_load %arg11[%get3A_406] {strides = array<i32>} : memref<272xi32, #tpu.memory_space<vmem>>, vector<16xi32>,
          %swap3A_408 = arith.constant 32 : index
          %swap3A_409 = tpu.vector_load %arg11[%swap3A_408] {strides = array<i32>} : memref<272xi32, #tpu.memory_space<vmem>>, vector<16xi32>,
          tpu.vector_store %arg11[%swap3A_408], %get3A_407 {strides = array<i32>} : memref<272xi32, #tpu.memory_space<vmem>>, vector<16xi32>,
          %get3A_410 = arith.constant 176 : index
          %get3A_411 = tpu.vector_load %arg11[%get3A_410] {strides = array<i32>} : memref<272xi32, #tpu.memory_space<vmem>>, vector<16xi32>,
          %swap3A_412 = arith.constant 48 : index
          %swap3A_413 = tpu.vector_load %arg11[%swap3A_412] {strides = array<i32>} : memref<272xi32, #tpu.memory_space<vmem>>, vector<16xi32>,
          tpu.vector_store %arg11[%swap3A_412], %get3A_411 {strides = array<i32>} : memref<272xi32, #tpu.memory_space<vmem>>, vector<16xi32>,
          %get3A_414 = arith.constant 192 : index
          %get3A_415 = tpu.vector_load %arg11[%get3A_414] {strides = array<i32>} : memref<272xi32, #tpu.memory_space<vmem>>, vector<16xi32>,
          %swap3A_416 = arith.constant 64 : index
          %swap3A_417 = tpu.vector_load %arg11[%swap3A_416] {strides = array<i32>} : memref<272xi32, #tpu.memory_space<vmem>>, vector<16xi32>,
          tpu.vector_store %arg11[%swap3A_416], %get3A_415 {strides = array<i32>} : memref<272xi32, #tpu.memory_space<vmem>>, vector<16xi32>,
          %get3A_418 = arith.constant 208 : index
          %get3A_419 = tpu.vector_load %arg11[%get3A_418] {strides = array<i32>} : memref<272xi32, #tpu.memory_space<vmem>>, vector<16xi32>,
          %swap3A_420 = arith.constant 80 : index
          %swap3A_421 = tpu.vector_load %arg11[%swap3A_420] {strides = array<i32>} : memref<272xi32, #tpu.memory_space<vmem>>, vector<16xi32>,
          tpu.vector_store %arg11[%swap3A_420], %get3A_419 {strides = array<i32>} : memref<272xi32, #tpu.memory_space<vmem>>, vector<16xi32>,
          %get3A_422 = arith.constant 224 : index
          %get3A_423 = tpu.vector_load %arg11[%get3A_422] {strides = array<i32>} : memref<272xi32, #tpu.memory_space<vmem>>, vector<16xi32>,
          %swap3A_424 = arith.constant 96 : index
          %swap3A_425 = tpu.vector_load %arg11[%swap3A_424] {strides = array<i32>} : memref<272xi32, #tpu.memory_space<vmem>>, vector<16xi32>,
          tpu.vector_store %arg11[%swap3A_424], %get3A_423 {strides = array<i32>} : memref<272xi32, #tpu.memory_space<vmem>>, vector<16xi32>,
          %get3A_426 = arith.constant 240 : index
          %get3A_427 = tpu.vector_load %arg11[%get3A_426] {strides = array<i32>} : memref<272xi32, #tpu.memory_space<vmem>>, vector<16xi32>,
          %swap3A_428 = arith.constant 112 : index
          %swap3A_429 = tpu.vector_load %arg11[%swap3A_428] {strides = array<i32>} : memref<272xi32, #tpu.memory_space<vmem>>, vector<16xi32>,
          tpu.vector_store %arg11[%swap3A_428], %get3A_427 {strides = array<i32>} : memref<272xi32, #tpu.memory_space<vmem>>, vector<16xi32>,
          %run_scoped3A = arith.constant 0 : i32
          "tpu.region"() ({
            %run_scoped3A_438 = tpu.sem_alloc : memref<!tpu.dma_semaphore, #tpu.memory_space<semaphore_mem>>
            %dma_start3A = arith.constant 0 : i32
            %dma_start3A_439 = tpu.memref_slice %arg12[%run_scoped3A, %dma_start3A] : memref<1x128xi32, #tpu.memory_space<vmem>> -> memref<1x128xi32, #tpu.memory_space<vmem>>
            %dma_start3A_440 = tpu.memref_squeeze %dma_start3A_439 : memref<1x128xi32, #tpu.memory_space<vmem>> -> memref<128xi32, #tpu.memory_space<vmem>>
            %dma_start3A_441 = arith.constant 0 : i32
            %dma_start3A_442 = arith.constant 0 : i32
            %dma_start3A_443 = tpu.memref_slice %arg17[%dma_start3A_441, %dma_start3A_442] : memref<648x16xf32, #tpu.memory_space<vmem_shared>> -> memref<648x16xf32, #tpu.memory_space<vmem_shared>>
            tpu.enqueue_indirect_dma source(%arg14 : memref<128x16xf32, #tpu.memory_space<vmem>>) target(%dma_start3A_443 : memref<648x16xf32, #tpu.memory_space<vmem_shared>>) offsets(%dma_start3A_440 : memref<128xi32, #tpu.memory_space<vmem>>) semaphore(%run_scoped3A_438 : memref<!tpu.dma_semaphore, #tpu.memory_space<semaphore_mem>>) {add = true}
            %dma_wait3A = arith.constant 0 : i32
            %dma_wait3A_444 = tpu.memref_slice %arg12[%run_scoped3A, %dma_wait3A] : memref<1x128xi32, #tpu.memory_space<vmem>> -> memref<1x128xi32, #tpu.memory_space<vmem>>
            %dma_wait3A_445 = tpu.memref_squeeze %dma_wait3A_444 : memref<1x128xi32, #tpu.memory_space<vmem>> -> memref<128xi32, #tpu.memory_space<vmem>>
            %dma_wait3A_446 = arith.constant 0 : i32
            %dma_wait3A_447 = arith.constant 0 : i32
            %dma_wait3A_448 = tpu.memref_slice %arg17[%dma_wait3A_446, %dma_wait3A_447] : memref<648x16xf32, #tpu.memory_space<vmem_shared>> -> memref<648x16xf32, #tpu.memory_space<vmem_shared>>
            tpu.wait_indirect_dma semaphore(%run_scoped3A_438 : memref<!tpu.dma_semaphore, #tpu.memory_space<semaphore_mem>>) src(%arg14 : memref<128x16xf32, #tpu.memory_space<vmem>>) dst(%dma_wait3A_448 : memref<648x16xf32, #tpu.memory_space<vmem_shared>>)
            tpu.yield
          }) : () -> ()
          %mul3A_430 = arith.constant 128 : i32
          %mul3A_431 = arith.muli %select_n3A_234, %mul3A_430 : i32
          %add3A_432 = arith.addi %mul3A_4, %mul3A_431 : i32
          %run_scoped3A_433 = arith.constant 0 : i32
          "tpu.region"() ({
            %run_scoped3A_438 = tpu.sem_alloc : memref<!tpu.dma_semaphore, #tpu.memory_space<semaphore_mem>>
            %dma_start3A = arith.constant 0 : i32
            %dma_start3A_439 = tpu.memref_slice %arg13[%run_scoped3A_433, %dma_start3A] : memref<1x128xi32, #tpu.memory_space<vmem>> -> memref<1x128xi32, #tpu.memory_space<vmem>>
            %dma_start3A_440 = tpu.memref_squeeze %dma_start3A_439 : memref<1x128xi32, #tpu.memory_space<vmem>> -> memref<128xi32, #tpu.memory_space<vmem>>
            %dma_start3A_441 = tpu.memref_slice %arg5[%add3A_432] : memref<5177344xi32, #tpu.memory_space<hbm>> -> memref<128xi32, #tpu.memory_space<hbm>>
            %dma_start3A_442 = tpu.memref_slice %arg5[%add3A_432] : memref<5177344xi32, #tpu.memory_space<hbm>> -> memref<128xi32, #tpu.memory_space<hbm>>
            %dma_start3A_443 = arith.constant 0 : i32
            %dma_start3A_444 = tpu.memref_slice %arg13[%run_scoped3A_433, %dma_start3A_443] : memref<1x128xi32, #tpu.memory_space<vmem>> -> memref<1x128xi32, #tpu.memory_space<vmem>>
            %dma_start3A_445 = tpu.memref_squeeze %dma_start3A_444 : memref<1x128xi32, #tpu.memory_space<vmem>> -> memref<128xi32, #tpu.memory_space<vmem>>
            tpu.enqueue_dma source(%dma_start3A_445 : memref<128xi32, #tpu.memory_space<vmem>>) target(%dma_start3A_442 : memref<128xi32, #tpu.memory_space<hbm>>) target_semaphore(%run_scoped3A_438 : memref<!tpu.dma_semaphore, #tpu.memory_space<semaphore_mem>>)
            %dma_wait3A = arith.constant 0 : i32
            %dma_wait3A_446 = tpu.memref_slice %arg13[%run_scoped3A_433, %dma_wait3A] : memref<1x128xi32, #tpu.memory_space<vmem>> -> memref<1x128xi32, #tpu.memory_space<vmem>>
            %dma_wait3A_447 = tpu.memref_squeeze %dma_wait3A_446 : memref<1x128xi32, #tpu.memory_space<vmem>> -> memref<128xi32, #tpu.memory_space<vmem>>
            %dma_wait3A_448 = tpu.memref_slice %arg5[%add3A_432] : memref<5177344xi32, #tpu.memory_space<hbm>> -> memref<128xi32, #tpu.memory_space<hbm>>
            %dma_wait3A_449 = tpu.memref_slice %arg5[%add3A_432] : memref<5177344xi32, #tpu.memory_space<hbm>> -> memref<128xi32, #tpu.memory_space<hbm>>
            %dma_wait3A_450 = arith.constant 0 : i32
            %dma_wait3A_451 = tpu.memref_slice %arg13[%run_scoped3A_433, %dma_wait3A_450] : memref<1x128xi32, #tpu.memory_space<vmem>> -> memref<1x128xi32, #tpu.memory_space<vmem>>
            %dma_wait3A_452 = tpu.memref_squeeze %dma_wait3A_451 : memref<1x128xi32, #tpu.memory_space<vmem>> -> memref<128xi32, #tpu.memory_space<vmem>>
            tpu.wait_dma2 semaphore(%run_scoped3A_438 : memref<!tpu.dma_semaphore, #tpu.memory_space<semaphore_mem>>) src(%dma_wait3A_452 : memref<128xi32, #tpu.memory_space<vmem>>) dst(%dma_wait3A_449 : memref<128xi32, #tpu.memory_space<hbm>>)
            tpu.yield
          }) : () -> ()
          %mul3A_434 = arith.constant 128 : i32
          %mul3A_435 = arith.muli %select_n3A_234, %mul3A_434 : i32
          %add3A_436 = arith.addi %mul3A_4, %mul3A_435 : i32
          %run_scoped3A_437 = arith.constant 0 : i32
          "tpu.region"() ({
            %run_scoped3A_438 = tpu.sem_alloc : memref<!tpu.dma_semaphore, #tpu.memory_space<semaphore_mem>>
            %dma_start3A = arith.constant 0 : i32
            %dma_start3A_439 = tpu.memref_slice %arg12[%run_scoped3A_437, %dma_start3A] : memref<1x128xi32, #tpu.memory_space<vmem>> -> memref<1x128xi32, #tpu.memory_space<vmem>>
            %dma_start3A_440 = tpu.memref_squeeze %dma_start3A_439 : memref<1x128xi32, #tpu.memory_space<vmem>> -> memref<128xi32, #tpu.memory_space<vmem>>
            %dma_start3A_441 = tpu.memref_slice %arg6[%add3A_436] : memref<5177344xi32, #tpu.memory_space<hbm>> -> memref<128xi32, #tpu.memory_space<hbm>>
            %dma_start3A_442 = tpu.memref_slice %arg6[%add3A_436] : memref<5177344xi32, #tpu.memory_space<hbm>> -> memref<128xi32, #tpu.memory_space<hbm>>
            %dma_start3A_443 = arith.constant 0 : i32
            %dma_start3A_444 = tpu.memref_slice %arg12[%run_scoped3A_437, %dma_start3A_443] : memref<1x128xi32, #tpu.memory_space<vmem>> -> memref<1x128xi32, #tpu.memory_space<vmem>>
            %dma_start3A_445 = tpu.memref_squeeze %dma_start3A_444 : memref<1x128xi32, #tpu.memory_space<vmem>> -> memref<128xi32, #tpu.memory_space<vmem>>
            tpu.enqueue_dma source(%dma_start3A_445 : memref<128xi32, #tpu.memory_space<vmem>>) target(%dma_start3A_442 : memref<128xi32, #tpu.memory_space<hbm>>) target_semaphore(%run_scoped3A_438 : memref<!tpu.dma_semaphore, #tpu.memory_space<semaphore_mem>>)
            %dma_wait3A = arith.constant 0 : i32
            %dma_wait3A_446 = tpu.memref_slice %arg12[%run_scoped3A_437, %dma_wait3A] : memref<1x128xi32, #tpu.memory_space<vmem>> -> memref<1x128xi32, #tpu.memory_space<vmem>>
            %dma_wait3A_447 = tpu.memref_squeeze %dma_wait3A_446 : memref<1x128xi32, #tpu.memory_space<vmem>> -> memref<128xi32, #tpu.memory_space<vmem>>
            %dma_wait3A_448 = tpu.memref_slice %arg6[%add3A_436] : memref<5177344xi32, #tpu.memory_space<hbm>> -> memref<128xi32, #tpu.memory_space<hbm>>
            %dma_wait3A_449 = tpu.memref_slice %arg6[%add3A_436] : memref<5177344xi32, #tpu.memory_space<hbm>> -> memref<128xi32, #tpu.memory_space<hbm>>
            %dma_wait3A_450 = arith.constant 0 : i32
            %dma_wait3A_451 = tpu.memref_slice %arg12[%run_scoped3A_437, %dma_wait3A_450] : memref<1x128xi32, #tpu.memory_space<vmem>> -> memref<1x128xi32, #tpu.memory_space<vmem>>
            %dma_wait3A_452 = tpu.memref_squeeze %dma_wait3A_451 : memref<1x128xi32, #tpu.memory_space<vmem>> -> memref<128xi32, #tpu.memory_space<vmem>>
            tpu.wait_dma2 semaphore(%run_scoped3A_438 : memref<!tpu.dma_semaphore, #tpu.memory_space<semaphore_mem>>) src(%dma_wait3A_452 : memref<128xi32, #tpu.memory_space<vmem>>) dst(%dma_wait3A_449 : memref<128xi32, #tpu.memory_space<hbm>>)
            tpu.yield
          }) : () -> ()
        } else {
        }
        %ge3A_262 = arith.constant 128 : i32
        %ge3A_263 = arith.cmpi sge, %add3A_256, %ge3A_262 : i32
        %sub3A_264 = arith.constant 128 : i32
        %sub3A_265 = arith.subi %add3A_256, %sub3A_264 : i32
        %select_n3A_266 = arith.select %ge3A_263, %sub3A_265, %add3A_256 : i32
        %add3A_267 = arith.constant 1 : i32
        %add3A_268 = arith.addi %select_n3A_234, %add3A_267 : i32
        %select_n3A_269 = arith.select %ge3A_263, %add3A_268, %select_n3A_234 : i32
        scf.yield %select_n3A_266, %select_n3A_269 : i32, i32
      }
      %scan3A_136 = arith.constant 128 : i32
      scf.yield %scan3A_135#0, %scan3A_135#1 : i32, i32
    }
    %scan3A_35 = arith.constant 79 : i32
    %broadcast_in_dim3A_36 = arith.constant 640 : i32
    %broadcast_in_dim3A_37 = vector.broadcast %broadcast_in_dim3A_36 : i32 to vector<16xi32>
    %broadcast_in_dim3A_38 = arith.constant 0 : i32
    %broadcast_in_dim3A_39 = vector.broadcast %broadcast_in_dim3A_38 : i32 to vector<16xi32>
    %add3A_40 = arith.constant 0 : i32
    %add3A_41 = arith.addi %scan3A_34#0, %add3A_40 : i32
    %swap3A = arith.index_cast %add3A_41 : i32 to index
    %swap3A_42 = tpu.vector_load %arg10[%swap3A] {strides = array<i32>} : memref<272xi32, #tpu.memory_space<vmem>>, vector<16xi32>,
    tpu.vector_store %arg10[%swap3A], %broadcast_in_dim3A_37 {strides = array<i32>} : memref<272xi32, #tpu.memory_space<vmem>>, vector<16xi32>,
    %add3A_43 = arith.constant 0 : i32
    %add3A_44 = arith.addi %scan3A_34#0, %add3A_43 : i32
    %swap3A_45 = arith.index_cast %add3A_44 : i32 to index
    %swap3A_46 = tpu.vector_load %arg11[%swap3A_45] {strides = array<i32>} : memref<272xi32, #tpu.memory_space<vmem>>, vector<16xi32>,
    tpu.vector_store %arg11[%swap3A_45], %broadcast_in_dim3A_39 {strides = array<i32>} : memref<272xi32, #tpu.memory_space<vmem>>, vector<16xi32>,
    %add3A_47 = arith.constant 16 : i32
    %add3A_48 = arith.addi %scan3A_34#0, %add3A_47 : i32
    %swap3A_49 = arith.index_cast %add3A_48 : i32 to index
    %swap3A_50 = tpu.vector_load %arg10[%swap3A_49] {strides = array<i32>} : memref<272xi32, #tpu.memory_space<vmem>>, vector<16xi32>,
    tpu.vector_store %arg10[%swap3A_49], %broadcast_in_dim3A_37 {strides = array<i32>} : memref<272xi32, #tpu.memory_space<vmem>>, vector<16xi32>,
    %add3A_51 = arith.constant 16 : i32
    %add3A_52 = arith.addi %scan3A_34#0, %add3A_51 : i32
    %swap3A_53 = arith.index_cast %add3A_52 : i32 to index
    %swap3A_54 = tpu.vector_load %arg11[%swap3A_53] {strides = array<i32>} : memref<272xi32, #tpu.memory_space<vmem>>, vector<16xi32>,
    tpu.vector_store %arg11[%swap3A_53], %broadcast_in_dim3A_39 {strides = array<i32>} : memref<272xi32, #tpu.memory_space<vmem>>, vector<16xi32>,
    %add3A_55 = arith.constant 32 : i32
    %add3A_56 = arith.addi %scan3A_34#0, %add3A_55 : i32
    %swap3A_57 = arith.index_cast %add3A_56 : i32 to index
    %swap3A_58 = tpu.vector_load %arg10[%swap3A_57] {strides = array<i32>} : memref<272xi32, #tpu.memory_space<vmem>>, vector<16xi32>,
    tpu.vector_store %arg10[%swap3A_57], %broadcast_in_dim3A_37 {strides = array<i32>} : memref<272xi32, #tpu.memory_space<vmem>>, vector<16xi32>,
    %add3A_59 = arith.constant 32 : i32
    %add3A_60 = arith.addi %scan3A_34#0, %add3A_59 : i32
    %swap3A_61 = arith.index_cast %add3A_60 : i32 to index
    %swap3A_62 = tpu.vector_load %arg11[%swap3A_61] {strides = array<i32>} : memref<272xi32, #tpu.memory_space<vmem>>, vector<16xi32>,
    tpu.vector_store %arg11[%swap3A_61], %broadcast_in_dim3A_39 {strides = array<i32>} : memref<272xi32, #tpu.memory_space<vmem>>, vector<16xi32>,
    %add3A_63 = arith.constant 48 : i32
    %add3A_64 = arith.addi %scan3A_34#0, %add3A_63 : i32
    %swap3A_65 = arith.index_cast %add3A_64 : i32 to index
    %swap3A_66 = tpu.vector_load %arg10[%swap3A_65] {strides = array<i32>} : memref<272xi32, #tpu.memory_space<vmem>>, vector<16xi32>,
    tpu.vector_store %arg10[%swap3A_65], %broadcast_in_dim3A_37 {strides = array<i32>} : memref<272xi32, #tpu.memory_space<vmem>>, vector<16xi32>,
    %add3A_67 = arith.constant 48 : i32
    %add3A_68 = arith.addi %scan3A_34#0, %add3A_67 : i32
    %swap3A_69 = arith.index_cast %add3A_68 : i32 to index
    %swap3A_70 = tpu.vector_load %arg11[%swap3A_69] {strides = array<i32>} : memref<272xi32, #tpu.memory_space<vmem>>, vector<16xi32>,
    tpu.vector_store %arg11[%swap3A_69], %broadcast_in_dim3A_39 {strides = array<i32>} : memref<272xi32, #tpu.memory_space<vmem>>, vector<16xi32>,
    %add3A_71 = arith.constant 64 : i32
    %add3A_72 = arith.addi %scan3A_34#0, %add3A_71 : i32
    %swap3A_73 = arith.index_cast %add3A_72 : i32 to index
    %swap3A_74 = tpu.vector_load %arg10[%swap3A_73] {strides = array<i32>} : memref<272xi32, #tpu.memory_space<vmem>>, vector<16xi32>,
    tpu.vector_store %arg10[%swap3A_73], %broadcast_in_dim3A_37 {strides = array<i32>} : memref<272xi32, #tpu.memory_space<vmem>>, vector<16xi32>,
    %add3A_75 = arith.constant 64 : i32
    %add3A_76 = arith.addi %scan3A_34#0, %add3A_75 : i32
    %swap3A_77 = arith.index_cast %add3A_76 : i32 to index
    %swap3A_78 = tpu.vector_load %arg11[%swap3A_77] {strides = array<i32>} : memref<272xi32, #tpu.memory_space<vmem>>, vector<16xi32>,
    tpu.vector_store %arg11[%swap3A_77], %broadcast_in_dim3A_39 {strides = array<i32>} : memref<272xi32, #tpu.memory_space<vmem>>, vector<16xi32>,
    %add3A_79 = arith.constant 80 : i32
    %add3A_80 = arith.addi %scan3A_34#0, %add3A_79 : i32
    %swap3A_81 = arith.index_cast %add3A_80 : i32 to index
    %swap3A_82 = tpu.vector_load %arg10[%swap3A_81] {strides = array<i32>} : memref<272xi32, #tpu.memory_space<vmem>>, vector<16xi32>,
    tpu.vector_store %arg10[%swap3A_81], %broadcast_in_dim3A_37 {strides = array<i32>} : memref<272xi32, #tpu.memory_space<vmem>>, vector<16xi32>,
    %add3A_83 = arith.constant 80 : i32
    %add3A_84 = arith.addi %scan3A_34#0, %add3A_83 : i32
    %swap3A_85 = arith.index_cast %add3A_84 : i32 to index
    %swap3A_86 = tpu.vector_load %arg11[%swap3A_85] {strides = array<i32>} : memref<272xi32, #tpu.memory_space<vmem>>, vector<16xi32>,
    tpu.vector_store %arg11[%swap3A_85], %broadcast_in_dim3A_39 {strides = array<i32>} : memref<272xi32, #tpu.memory_space<vmem>>, vector<16xi32>,
    %add3A_87 = arith.constant 96 : i32
    %add3A_88 = arith.addi %scan3A_34#0, %add3A_87 : i32
    %swap3A_89 = arith.index_cast %add3A_88 : i32 to index
    %swap3A_90 = tpu.vector_load %arg10[%swap3A_89] {strides = array<i32>} : memref<272xi32, #tpu.memory_space<vmem>>, vector<16xi32>,
    tpu.vector_store %arg10[%swap3A_89], %broadcast_in_dim3A_37 {strides = array<i32>} : memref<272xi32, #tpu.memory_space<vmem>>, vector<16xi32>,
    %add3A_91 = arith.constant 96 : i32
    %add3A_92 = arith.addi %scan3A_34#0, %add3A_91 : i32
    %swap3A_93 = arith.index_cast %add3A_92 : i32 to index
    %swap3A_94 = tpu.vector_load %arg11[%swap3A_93] {strides = array<i32>} : memref<272xi32, #tpu.memory_space<vmem>>, vector<16xi32>,
    tpu.vector_store %arg11[%swap3A_93], %broadcast_in_dim3A_39 {strides = array<i32>} : memref<272xi32, #tpu.memory_space<vmem>>, vector<16xi32>,
    %add3A_95 = arith.constant 112 : i32
    %add3A_96 = arith.addi %scan3A_34#0, %add3A_95 : i32
    %swap3A_97 = arith.index_cast %add3A_96 : i32 to index
    %swap3A_98 = tpu.vector_load %arg10[%swap3A_97] {strides = array<i32>} : memref<272xi32, #tpu.memory_space<vmem>>, vector<16xi32>,
    tpu.vector_store %arg10[%swap3A_97], %broadcast_in_dim3A_37 {strides = array<i32>} : memref<272xi32, #tpu.memory_space<vmem>>, vector<16xi32>,
    %add3A_99 = arith.constant 112 : i32
    %add3A_100 = arith.addi %scan3A_34#0, %add3A_99 : i32
    %swap3A_101 = arith.index_cast %add3A_100 : i32 to index
    %swap3A_102 = tpu.vector_load %arg11[%swap3A_101] {strides = array<i32>} : memref<272xi32, #tpu.memory_space<vmem>>, vector<16xi32>,
    tpu.vector_store %arg11[%swap3A_101], %broadcast_in_dim3A_39 {strides = array<i32>} : memref<272xi32, #tpu.memory_space<vmem>>, vector<16xi32>,
    %gt3A = arith.constant 0 : i32
    %gt3A_103 = arith.cmpi sgt, %scan3A_34#0, %gt3A : i32
    %convert_element_type3A = arith.extui %gt3A_103 : i1 to i32
    %cond3A = arith.constant 0 : i32
    %cond3A_104 = arith.cmpi ne, %convert_element_type3A, %cond3A : i32
    scf.if %cond3A_104 {
      %get3A = arith.constant 0 : index
      %get3A_118 = tpu.vector_load %arg10[%get3A] {strides = array<i32>} : memref<272xi32, #tpu.memory_space<vmem>>, vector<16xi32>,
      %swap3A_119 = arith.constant 0 : i32
      %swap3A_120 = arith.index_cast %swap3A_119 : i32 to index
      %swap3A_121 = arith.constant 0 : index
      %swap3A_122 = tpu.vector_load %arg12[%swap3A_120, %swap3A_121] {strides = array<i32>} : memref<1x128xi32, #tpu.memory_space<vmem>>, vector<16xi32>,
      tpu.vector_store %arg12[%swap3A_120, %swap3A_121], %get3A_118 {strides = array<i32>} : memref<1x128xi32, #tpu.memory_space<vmem>>, vector<16xi32>,
      %get3A_123 = arith.constant 16 : index
      %get3A_124 = tpu.vector_load %arg10[%get3A_123] {strides = array<i32>} : memref<272xi32, #tpu.memory_space<vmem>>, vector<16xi32>,
      %swap3A_125 = arith.constant 0 : i32
      %swap3A_126 = arith.index_cast %swap3A_125 : i32 to index
      %swap3A_127 = arith.constant 16 : index
      %swap3A_128 = tpu.vector_load %arg12[%swap3A_126, %swap3A_127] {strides = array<i32>} : memref<1x128xi32, #tpu.memory_space<vmem>>, vector<16xi32>,
      tpu.vector_store %arg12[%swap3A_126, %swap3A_127], %get3A_124 {strides = array<i32>} : memref<1x128xi32, #tpu.memory_space<vmem>>, vector<16xi32>,
      %get3A_129 = arith.constant 32 : index
      %get3A_130 = tpu.vector_load %arg10[%get3A_129] {strides = array<i32>} : memref<272xi32, #tpu.memory_space<vmem>>, vector<16xi32>,
      %swap3A_131 = arith.constant 0 : i32
      %swap3A_132 = arith.index_cast %swap3A_131 : i32 to index
      %swap3A_133 = arith.constant 32 : index
      %swap3A_134 = tpu.vector_load %arg12[%swap3A_132, %swap3A_133] {strides = array<i32>} : memref<1x128xi32, #tpu.memory_space<vmem>>, vector<16xi32>,
      tpu.vector_store %arg12[%swap3A_132, %swap3A_133], %get3A_130 {strides = array<i32>} : memref<1x128xi32, #tpu.memory_space<vmem>>, vector<16xi32>,
      %get3A_135 = arith.constant 48 : index
      %get3A_136 = tpu.vector_load %arg10[%get3A_135] {strides = array<i32>} : memref<272xi32, #tpu.memory_space<vmem>>, vector<16xi32>,
      %swap3A_137 = arith.constant 0 : i32
      %swap3A_138 = arith.index_cast %swap3A_137 : i32 to index
      %swap3A_139 = arith.constant 48 : index
      %swap3A_140 = tpu.vector_load %arg12[%swap3A_138, %swap3A_139] {strides = array<i32>} : memref<1x128xi32, #tpu.memory_space<vmem>>, vector<16xi32>,
      tpu.vector_store %arg12[%swap3A_138, %swap3A_139], %get3A_136 {strides = array<i32>} : memref<1x128xi32, #tpu.memory_space<vmem>>, vector<16xi32>,
      %get3A_141 = arith.constant 64 : index
      %get3A_142 = tpu.vector_load %arg10[%get3A_141] {strides = array<i32>} : memref<272xi32, #tpu.memory_space<vmem>>, vector<16xi32>,
      %swap3A_143 = arith.constant 0 : i32
      %swap3A_144 = arith.index_cast %swap3A_143 : i32 to index
      %swap3A_145 = arith.constant 64 : index
      %swap3A_146 = tpu.vector_load %arg12[%swap3A_144, %swap3A_145] {strides = array<i32>} : memref<1x128xi32, #tpu.memory_space<vmem>>, vector<16xi32>,
      tpu.vector_store %arg12[%swap3A_144, %swap3A_145], %get3A_142 {strides = array<i32>} : memref<1x128xi32, #tpu.memory_space<vmem>>, vector<16xi32>,
      %get3A_147 = arith.constant 80 : index
      %get3A_148 = tpu.vector_load %arg10[%get3A_147] {strides = array<i32>} : memref<272xi32, #tpu.memory_space<vmem>>, vector<16xi32>,
      %swap3A_149 = arith.constant 0 : i32
      %swap3A_150 = arith.index_cast %swap3A_149 : i32 to index
      %swap3A_151 = arith.constant 80 : index
      %swap3A_152 = tpu.vector_load %arg12[%swap3A_150, %swap3A_151] {strides = array<i32>} : memref<1x128xi32, #tpu.memory_space<vmem>>, vector<16xi32>,
      tpu.vector_store %arg12[%swap3A_150, %swap3A_151], %get3A_148 {strides = array<i32>} : memref<1x128xi32, #tpu.memory_space<vmem>>, vector<16xi32>,
      %get3A_153 = arith.constant 96 : index
      %get3A_154 = tpu.vector_load %arg10[%get3A_153] {strides = array<i32>} : memref<272xi32, #tpu.memory_space<vmem>>, vector<16xi32>,
      %swap3A_155 = arith.constant 0 : i32
      %swap3A_156 = arith.index_cast %swap3A_155 : i32 to index
      %swap3A_157 = arith.constant 96 : index
      %swap3A_158 = tpu.vector_load %arg12[%swap3A_156, %swap3A_157] {strides = array<i32>} : memref<1x128xi32, #tpu.memory_space<vmem>>, vector<16xi32>,
      tpu.vector_store %arg12[%swap3A_156, %swap3A_157], %get3A_154 {strides = array<i32>} : memref<1x128xi32, #tpu.memory_space<vmem>>, vector<16xi32>,
      %get3A_159 = arith.constant 112 : index
      %get3A_160 = tpu.vector_load %arg10[%get3A_159] {strides = array<i32>} : memref<272xi32, #tpu.memory_space<vmem>>, vector<16xi32>,
      %swap3A_161 = arith.constant 0 : i32
      %swap3A_162 = arith.index_cast %swap3A_161 : i32 to index
      %swap3A_163 = arith.constant 112 : index
      %swap3A_164 = tpu.vector_load %arg12[%swap3A_162, %swap3A_163] {strides = array<i32>} : memref<1x128xi32, #tpu.memory_space<vmem>>, vector<16xi32>,
      tpu.vector_store %arg12[%swap3A_162, %swap3A_163], %get3A_160 {strides = array<i32>} : memref<1x128xi32, #tpu.memory_space<vmem>>, vector<16xi32>,
      %get3A_165 = arith.constant 128 : index
      %get3A_166 = tpu.vector_load %arg10[%get3A_165] {strides = array<i32>} : memref<272xi32, #tpu.memory_space<vmem>>, vector<16xi32>,
      %swap3A_167 = arith.constant 0 : index
      %swap3A_168 = tpu.vector_load %arg10[%swap3A_167] {strides = array<i32>} : memref<272xi32, #tpu.memory_space<vmem>>, vector<16xi32>,
      tpu.vector_store %arg10[%swap3A_167], %get3A_166 {strides = array<i32>} : memref<272xi32, #tpu.memory_space<vmem>>, vector<16xi32>,
      %get3A_169 = arith.constant 144 : index
      %get3A_170 = tpu.vector_load %arg10[%get3A_169] {strides = array<i32>} : memref<272xi32, #tpu.memory_space<vmem>>, vector<16xi32>,
      %swap3A_171 = arith.constant 16 : index
      %swap3A_172 = tpu.vector_load %arg10[%swap3A_171] {strides = array<i32>} : memref<272xi32, #tpu.memory_space<vmem>>, vector<16xi32>,
      tpu.vector_store %arg10[%swap3A_171], %get3A_170 {strides = array<i32>} : memref<272xi32, #tpu.memory_space<vmem>>, vector<16xi32>,
      %get3A_173 = arith.constant 160 : index
      %get3A_174 = tpu.vector_load %arg10[%get3A_173] {strides = array<i32>} : memref<272xi32, #tpu.memory_space<vmem>>, vector<16xi32>,
      %swap3A_175 = arith.constant 32 : index
      %swap3A_176 = tpu.vector_load %arg10[%swap3A_175] {strides = array<i32>} : memref<272xi32, #tpu.memory_space<vmem>>, vector<16xi32>,
      tpu.vector_store %arg10[%swap3A_175], %get3A_174 {strides = array<i32>} : memref<272xi32, #tpu.memory_space<vmem>>, vector<16xi32>,
      %get3A_177 = arith.constant 176 : index
      %get3A_178 = tpu.vector_load %arg10[%get3A_177] {strides = array<i32>} : memref<272xi32, #tpu.memory_space<vmem>>, vector<16xi32>,
      %swap3A_179 = arith.constant 48 : index
      %swap3A_180 = tpu.vector_load %arg10[%swap3A_179] {strides = array<i32>} : memref<272xi32, #tpu.memory_space<vmem>>, vector<16xi32>,
      tpu.vector_store %arg10[%swap3A_179], %get3A_178 {strides = array<i32>} : memref<272xi32, #tpu.memory_space<vmem>>, vector<16xi32>,
      %get3A_181 = arith.constant 192 : index
      %get3A_182 = tpu.vector_load %arg10[%get3A_181] {strides = array<i32>} : memref<272xi32, #tpu.memory_space<vmem>>, vector<16xi32>,
      %swap3A_183 = arith.constant 64 : index
      %swap3A_184 = tpu.vector_load %arg10[%swap3A_183] {strides = array<i32>} : memref<272xi32, #tpu.memory_space<vmem>>, vector<16xi32>,
      tpu.vector_store %arg10[%swap3A_183], %get3A_182 {strides = array<i32>} : memref<272xi32, #tpu.memory_space<vmem>>, vector<16xi32>,
      %get3A_185 = arith.constant 208 : index
      %get3A_186 = tpu.vector_load %arg10[%get3A_185] {strides = array<i32>} : memref<272xi32, #tpu.memory_space<vmem>>, vector<16xi32>,
      %swap3A_187 = arith.constant 80 : index
      %swap3A_188 = tpu.vector_load %arg10[%swap3A_187] {strides = array<i32>} : memref<272xi32, #tpu.memory_space<vmem>>, vector<16xi32>,
      tpu.vector_store %arg10[%swap3A_187], %get3A_186 {strides = array<i32>} : memref<272xi32, #tpu.memory_space<vmem>>, vector<16xi32>,
      %get3A_189 = arith.constant 224 : index
      %get3A_190 = tpu.vector_load %arg10[%get3A_189] {strides = array<i32>} : memref<272xi32, #tpu.memory_space<vmem>>, vector<16xi32>,
      %swap3A_191 = arith.constant 96 : index
      %swap3A_192 = tpu.vector_load %arg10[%swap3A_191] {strides = array<i32>} : memref<272xi32, #tpu.memory_space<vmem>>, vector<16xi32>,
      tpu.vector_store %arg10[%swap3A_191], %get3A_190 {strides = array<i32>} : memref<272xi32, #tpu.memory_space<vmem>>, vector<16xi32>,
      %get3A_193 = arith.constant 240 : index
      %get3A_194 = tpu.vector_load %arg10[%get3A_193] {strides = array<i32>} : memref<272xi32, #tpu.memory_space<vmem>>, vector<16xi32>,
      %swap3A_195 = arith.constant 112 : index
      %swap3A_196 = tpu.vector_load %arg10[%swap3A_195] {strides = array<i32>} : memref<272xi32, #tpu.memory_space<vmem>>, vector<16xi32>,
      tpu.vector_store %arg10[%swap3A_195], %get3A_194 {strides = array<i32>} : memref<272xi32, #tpu.memory_space<vmem>>, vector<16xi32>,
      %get3A_197 = arith.constant 0 : index
      %get3A_198 = tpu.vector_load %arg11[%get3A_197] {strides = array<i32>} : memref<272xi32, #tpu.memory_space<vmem>>, vector<16xi32>,
      %swap3A_199 = arith.constant 0 : i32
      %swap3A_200 = arith.index_cast %swap3A_199 : i32 to index
      %swap3A_201 = arith.constant 0 : index
      %swap3A_202 = tpu.vector_load %arg13[%swap3A_200, %swap3A_201] {strides = array<i32>} : memref<1x128xi32, #tpu.memory_space<vmem>>, vector<16xi32>,
      tpu.vector_store %arg13[%swap3A_200, %swap3A_201], %get3A_198 {strides = array<i32>} : memref<1x128xi32, #tpu.memory_space<vmem>>, vector<16xi32>,
      %get3A_203 = arith.constant 16 : index
      %get3A_204 = tpu.vector_load %arg11[%get3A_203] {strides = array<i32>} : memref<272xi32, #tpu.memory_space<vmem>>, vector<16xi32>,
      %swap3A_205 = arith.constant 0 : i32
      %swap3A_206 = arith.index_cast %swap3A_205 : i32 to index
      %swap3A_207 = arith.constant 16 : index
      %swap3A_208 = tpu.vector_load %arg13[%swap3A_206, %swap3A_207] {strides = array<i32>} : memref<1x128xi32, #tpu.memory_space<vmem>>, vector<16xi32>,
      tpu.vector_store %arg13[%swap3A_206, %swap3A_207], %get3A_204 {strides = array<i32>} : memref<1x128xi32, #tpu.memory_space<vmem>>, vector<16xi32>,
      %get3A_209 = arith.constant 32 : index
      %get3A_210 = tpu.vector_load %arg11[%get3A_209] {strides = array<i32>} : memref<272xi32, #tpu.memory_space<vmem>>, vector<16xi32>,
      %swap3A_211 = arith.constant 0 : i32
      %swap3A_212 = arith.index_cast %swap3A_211 : i32 to index
      %swap3A_213 = arith.constant 32 : index
      %swap3A_214 = tpu.vector_load %arg13[%swap3A_212, %swap3A_213] {strides = array<i32>} : memref<1x128xi32, #tpu.memory_space<vmem>>, vector<16xi32>,
      tpu.vector_store %arg13[%swap3A_212, %swap3A_213], %get3A_210 {strides = array<i32>} : memref<1x128xi32, #tpu.memory_space<vmem>>, vector<16xi32>,
      %get3A_215 = arith.constant 48 : index
      %get3A_216 = tpu.vector_load %arg11[%get3A_215] {strides = array<i32>} : memref<272xi32, #tpu.memory_space<vmem>>, vector<16xi32>,
      %swap3A_217 = arith.constant 0 : i32
      %swap3A_218 = arith.index_cast %swap3A_217 : i32 to index
      %swap3A_219 = arith.constant 48 : index
      %swap3A_220 = tpu.vector_load %arg13[%swap3A_218, %swap3A_219] {strides = array<i32>} : memref<1x128xi32, #tpu.memory_space<vmem>>, vector<16xi32>,
      tpu.vector_store %arg13[%swap3A_218, %swap3A_219], %get3A_216 {strides = array<i32>} : memref<1x128xi32, #tpu.memory_space<vmem>>, vector<16xi32>,
      %get3A_221 = arith.constant 64 : index
      %get3A_222 = tpu.vector_load %arg11[%get3A_221] {strides = array<i32>} : memref<272xi32, #tpu.memory_space<vmem>>, vector<16xi32>,
      %swap3A_223 = arith.constant 0 : i32
      %swap3A_224 = arith.index_cast %swap3A_223 : i32 to index
      %swap3A_225 = arith.constant 64 : index
      %swap3A_226 = tpu.vector_load %arg13[%swap3A_224, %swap3A_225] {strides = array<i32>} : memref<1x128xi32, #tpu.memory_space<vmem>>, vector<16xi32>,
      tpu.vector_store %arg13[%swap3A_224, %swap3A_225], %get3A_222 {strides = array<i32>} : memref<1x128xi32, #tpu.memory_space<vmem>>, vector<16xi32>,
      %get3A_227 = arith.constant 80 : index
      %get3A_228 = tpu.vector_load %arg11[%get3A_227] {strides = array<i32>} : memref<272xi32, #tpu.memory_space<vmem>>, vector<16xi32>,
      %swap3A_229 = arith.constant 0 : i32
      %swap3A_230 = arith.index_cast %swap3A_229 : i32 to index
      %swap3A_231 = arith.constant 80 : index
      %swap3A_232 = tpu.vector_load %arg13[%swap3A_230, %swap3A_231] {strides = array<i32>} : memref<1x128xi32, #tpu.memory_space<vmem>>, vector<16xi32>,
      tpu.vector_store %arg13[%swap3A_230, %swap3A_231], %get3A_228 {strides = array<i32>} : memref<1x128xi32, #tpu.memory_space<vmem>>, vector<16xi32>,
      %get3A_233 = arith.constant 96 : index
      %get3A_234 = tpu.vector_load %arg11[%get3A_233] {strides = array<i32>} : memref<272xi32, #tpu.memory_space<vmem>>, vector<16xi32>,
      %swap3A_235 = arith.constant 0 : i32
      %swap3A_236 = arith.index_cast %swap3A_235 : i32 to index
      %swap3A_237 = arith.constant 96 : index
      %swap3A_238 = tpu.vector_load %arg13[%swap3A_236, %swap3A_237] {strides = array<i32>} : memref<1x128xi32, #tpu.memory_space<vmem>>, vector<16xi32>,
      tpu.vector_store %arg13[%swap3A_236, %swap3A_237], %get3A_234 {strides = array<i32>} : memref<1x128xi32, #tpu.memory_space<vmem>>, vector<16xi32>,
      %get3A_239 = arith.constant 112 : index
      %get3A_240 = tpu.vector_load %arg11[%get3A_239] {strides = array<i32>} : memref<272xi32, #tpu.memory_space<vmem>>, vector<16xi32>,
      %swap3A_241 = arith.constant 0 : i32
      %swap3A_242 = arith.index_cast %swap3A_241 : i32 to index
      %swap3A_243 = arith.constant 112 : index
      %swap3A_244 = tpu.vector_load %arg13[%swap3A_242, %swap3A_243] {strides = array<i32>} : memref<1x128xi32, #tpu.memory_space<vmem>>, vector<16xi32>,
      tpu.vector_store %arg13[%swap3A_242, %swap3A_243], %get3A_240 {strides = array<i32>} : memref<1x128xi32, #tpu.memory_space<vmem>>, vector<16xi32>,
      %get3A_245 = arith.constant 128 : index
      %get3A_246 = tpu.vector_load %arg11[%get3A_245] {strides = array<i32>} : memref<272xi32, #tpu.memory_space<vmem>>, vector<16xi32>,
      %swap3A_247 = arith.constant 0 : index
      %swap3A_248 = tpu.vector_load %arg11[%swap3A_247] {strides = array<i32>} : memref<272xi32, #tpu.memory_space<vmem>>, vector<16xi32>,
      tpu.vector_store %arg11[%swap3A_247], %get3A_246 {strides = array<i32>} : memref<272xi32, #tpu.memory_space<vmem>>, vector<16xi32>,
      %get3A_249 = arith.constant 144 : index
      %get3A_250 = tpu.vector_load %arg11[%get3A_249] {strides = array<i32>} : memref<272xi32, #tpu.memory_space<vmem>>, vector<16xi32>,
      %swap3A_251 = arith.constant 16 : index
      %swap3A_252 = tpu.vector_load %arg11[%swap3A_251] {strides = array<i32>} : memref<272xi32, #tpu.memory_space<vmem>>, vector<16xi32>,
      tpu.vector_store %arg11[%swap3A_251], %get3A_250 {strides = array<i32>} : memref<272xi32, #tpu.memory_space<vmem>>, vector<16xi32>,
      %get3A_253 = arith.constant 160 : index
      %get3A_254 = tpu.vector_load %arg11[%get3A_253] {strides = array<i32>} : memref<272xi32, #tpu.memory_space<vmem>>, vector<16xi32>,
      %swap3A_255 = arith.constant 32 : index
      %swap3A_256 = tpu.vector_load %arg11[%swap3A_255] {strides = array<i32>} : memref<272xi32, #tpu.memory_space<vmem>>, vector<16xi32>,
      tpu.vector_store %arg11[%swap3A_255], %get3A_254 {strides = array<i32>} : memref<272xi32, #tpu.memory_space<vmem>>, vector<16xi32>,
      %get3A_257 = arith.constant 176 : index
      %get3A_258 = tpu.vector_load %arg11[%get3A_257] {strides = array<i32>} : memref<272xi32, #tpu.memory_space<vmem>>, vector<16xi32>,
      %swap3A_259 = arith.constant 48 : index
      %swap3A_260 = tpu.vector_load %arg11[%swap3A_259] {strides = array<i32>} : memref<272xi32, #tpu.memory_space<vmem>>, vector<16xi32>,
      tpu.vector_store %arg11[%swap3A_259], %get3A_258 {strides = array<i32>} : memref<272xi32, #tpu.memory_space<vmem>>, vector<16xi32>,
      %get3A_261 = arith.constant 192 : index
      %get3A_262 = tpu.vector_load %arg11[%get3A_261] {strides = array<i32>} : memref<272xi32, #tpu.memory_space<vmem>>, vector<16xi32>,
      %swap3A_263 = arith.constant 64 : index
      %swap3A_264 = tpu.vector_load %arg11[%swap3A_263] {strides = array<i32>} : memref<272xi32, #tpu.memory_space<vmem>>, vector<16xi32>,
      tpu.vector_store %arg11[%swap3A_263], %get3A_262 {strides = array<i32>} : memref<272xi32, #tpu.memory_space<vmem>>, vector<16xi32>,
      %get3A_265 = arith.constant 208 : index
      %get3A_266 = tpu.vector_load %arg11[%get3A_265] {strides = array<i32>} : memref<272xi32, #tpu.memory_space<vmem>>, vector<16xi32>,
      %swap3A_267 = arith.constant 80 : index
      %swap3A_268 = tpu.vector_load %arg11[%swap3A_267] {strides = array<i32>} : memref<272xi32, #tpu.memory_space<vmem>>, vector<16xi32>,
      tpu.vector_store %arg11[%swap3A_267], %get3A_266 {strides = array<i32>} : memref<272xi32, #tpu.memory_space<vmem>>, vector<16xi32>,
      %get3A_269 = arith.constant 224 : index
      %get3A_270 = tpu.vector_load %arg11[%get3A_269] {strides = array<i32>} : memref<272xi32, #tpu.memory_space<vmem>>, vector<16xi32>,
      %swap3A_271 = arith.constant 96 : index
      %swap3A_272 = tpu.vector_load %arg11[%swap3A_271] {strides = array<i32>} : memref<272xi32, #tpu.memory_space<vmem>>, vector<16xi32>,
      tpu.vector_store %arg11[%swap3A_271], %get3A_270 {strides = array<i32>} : memref<272xi32, #tpu.memory_space<vmem>>, vector<16xi32>,
      %get3A_273 = arith.constant 240 : index
      %get3A_274 = tpu.vector_load %arg11[%get3A_273] {strides = array<i32>} : memref<272xi32, #tpu.memory_space<vmem>>, vector<16xi32>,
      %swap3A_275 = arith.constant 112 : index
      %swap3A_276 = tpu.vector_load %arg11[%swap3A_275] {strides = array<i32>} : memref<272xi32, #tpu.memory_space<vmem>>, vector<16xi32>,
      tpu.vector_store %arg11[%swap3A_275], %get3A_274 {strides = array<i32>} : memref<272xi32, #tpu.memory_space<vmem>>, vector<16xi32>,
      %run_scoped3A = arith.constant 0 : i32
      "tpu.region"() ({
        %run_scoped3A_285 = tpu.sem_alloc : memref<!tpu.dma_semaphore, #tpu.memory_space<semaphore_mem>>
        %dma_start3A = arith.constant 0 : i32
        %dma_start3A_286 = tpu.memref_slice %arg12[%run_scoped3A, %dma_start3A] : memref<1x128xi32, #tpu.memory_space<vmem>> -> memref<1x128xi32, #tpu.memory_space<vmem>>
        %dma_start3A_287 = tpu.memref_squeeze %dma_start3A_286 : memref<1x128xi32, #tpu.memory_space<vmem>> -> memref<128xi32, #tpu.memory_space<vmem>>
        %dma_start3A_288 = arith.constant 0 : i32
        %dma_start3A_289 = arith.constant 0 : i32
        %dma_start3A_290 = tpu.memref_slice %arg17[%dma_start3A_288, %dma_start3A_289] : memref<648x16xf32, #tpu.memory_space<vmem_shared>> -> memref<648x16xf32, #tpu.memory_space<vmem_shared>>
        tpu.enqueue_indirect_dma source(%arg14 : memref<128x16xf32, #tpu.memory_space<vmem>>) target(%dma_start3A_290 : memref<648x16xf32, #tpu.memory_space<vmem_shared>>) offsets(%dma_start3A_287 : memref<128xi32, #tpu.memory_space<vmem>>) semaphore(%run_scoped3A_285 : memref<!tpu.dma_semaphore, #tpu.memory_space<semaphore_mem>>) {add = true}
        %dma_wait3A = arith.constant 0 : i32
        %dma_wait3A_291 = tpu.memref_slice %arg12[%run_scoped3A, %dma_wait3A] : memref<1x128xi32, #tpu.memory_space<vmem>> -> memref<1x128xi32, #tpu.memory_space<vmem>>
        %dma_wait3A_292 = tpu.memref_squeeze %dma_wait3A_291 : memref<1x128xi32, #tpu.memory_space<vmem>> -> memref<128xi32, #tpu.memory_space<vmem>>
        %dma_wait3A_293 = arith.constant 0 : i32
        %dma_wait3A_294 = arith.constant 0 : i32
        %dma_wait3A_295 = tpu.memref_slice %arg17[%dma_wait3A_293, %dma_wait3A_294] : memref<648x16xf32, #tpu.memory_space<vmem_shared>> -> memref<648x16xf32, #tpu.memory_space<vmem_shared>>
        tpu.wait_indirect_dma semaphore(%run_scoped3A_285 : memref<!tpu.dma_semaphore, #tpu.memory_space<semaphore_mem>>) src(%arg14 : memref<128x16xf32, #tpu.memory_space<vmem>>) dst(%dma_wait3A_295 : memref<648x16xf32, #tpu.memory_space<vmem_shared>>)
        tpu.yield
      }) : () -> ()
      %mul3A_277 = arith.constant 128 : i32
      %mul3A_278 = arith.muli %scan3A_34#1, %mul3A_277 : i32
      %add3A_279 = arith.addi %mul3A_4, %mul3A_278 : i32
      %run_scoped3A_280 = arith.constant 0 : i32
      "tpu.region"() ({
        %run_scoped3A_285 = tpu.sem_alloc : memref<!tpu.dma_semaphore, #tpu.memory_space<semaphore_mem>>
        %dma_start3A = arith.constant 0 : i32
        %dma_start3A_286 = tpu.memref_slice %arg13[%run_scoped3A_280, %dma_start3A] : memref<1x128xi32, #tpu.memory_space<vmem>> -> memref<1x128xi32, #tpu.memory_space<vmem>>
        %dma_start3A_287 = tpu.memref_squeeze %dma_start3A_286 : memref<1x128xi32, #tpu.memory_space<vmem>> -> memref<128xi32, #tpu.memory_space<vmem>>
        %dma_start3A_288 = tpu.memref_slice %arg5[%add3A_279] : memref<5177344xi32, #tpu.memory_space<hbm>> -> memref<128xi32, #tpu.memory_space<hbm>>
        %dma_start3A_289 = tpu.memref_slice %arg5[%add3A_279] : memref<5177344xi32, #tpu.memory_space<hbm>> -> memref<128xi32, #tpu.memory_space<hbm>>
        %dma_start3A_290 = arith.constant 0 : i32
        %dma_start3A_291 = tpu.memref_slice %arg13[%run_scoped3A_280, %dma_start3A_290] : memref<1x128xi32, #tpu.memory_space<vmem>> -> memref<1x128xi32, #tpu.memory_space<vmem>>
        %dma_start3A_292 = tpu.memref_squeeze %dma_start3A_291 : memref<1x128xi32, #tpu.memory_space<vmem>> -> memref<128xi32, #tpu.memory_space<vmem>>
        tpu.enqueue_dma source(%dma_start3A_292 : memref<128xi32, #tpu.memory_space<vmem>>) target(%dma_start3A_289 : memref<128xi32, #tpu.memory_space<hbm>>) target_semaphore(%run_scoped3A_285 : memref<!tpu.dma_semaphore, #tpu.memory_space<semaphore_mem>>)
        %dma_wait3A = arith.constant 0 : i32
        %dma_wait3A_293 = tpu.memref_slice %arg13[%run_scoped3A_280, %dma_wait3A] : memref<1x128xi32, #tpu.memory_space<vmem>> -> memref<1x128xi32, #tpu.memory_space<vmem>>
        %dma_wait3A_294 = tpu.memref_squeeze %dma_wait3A_293 : memref<1x128xi32, #tpu.memory_space<vmem>> -> memref<128xi32, #tpu.memory_space<vmem>>
        %dma_wait3A_295 = tpu.memref_slice %arg5[%add3A_279] : memref<5177344xi32, #tpu.memory_space<hbm>> -> memref<128xi32, #tpu.memory_space<hbm>>
        %dma_wait3A_296 = tpu.memref_slice %arg5[%add3A_279] : memref<5177344xi32, #tpu.memory_space<hbm>> -> memref<128xi32, #tpu.memory_space<hbm>>
        %dma_wait3A_297 = arith.constant 0 : i32
        %dma_wait3A_298 = tpu.memref_slice %arg13[%run_scoped3A_280, %dma_wait3A_297] : memref<1x128xi32, #tpu.memory_space<vmem>> -> memref<1x128xi32, #tpu.memory_space<vmem>>
        %dma_wait3A_299 = tpu.memref_squeeze %dma_wait3A_298 : memref<1x128xi32, #tpu.memory_space<vmem>> -> memref<128xi32, #tpu.memory_space<vmem>>
        tpu.wait_dma2 semaphore(%run_scoped3A_285 : memref<!tpu.dma_semaphore, #tpu.memory_space<semaphore_mem>>) src(%dma_wait3A_299 : memref<128xi32, #tpu.memory_space<vmem>>) dst(%dma_wait3A_296 : memref<128xi32, #tpu.memory_space<hbm>>)
        tpu.yield
      }) : () -> ()
      %mul3A_281 = arith.constant 128 : i32
      %mul3A_282 = arith.muli %scan3A_34#1, %mul3A_281 : i32
      %add3A_283 = arith.addi %mul3A_4, %mul3A_282 : i32
      %run_scoped3A_284 = arith.constant 0 : i32
      "tpu.region"() ({
        %run_scoped3A_285 = tpu.sem_alloc : memref<!tpu.dma_semaphore, #tpu.memory_space<semaphore_mem>>
        %dma_start3A = arith.constant 0 : i32
        %dma_start3A_286 = tpu.memref_slice %arg12[%run_scoped3A_284, %dma_start3A] : memref<1x128xi32, #tpu.memory_space<vmem>> -> memref<1x128xi32, #tpu.memory_space<vmem>>
        %dma_start3A_287 = tpu.memref_squeeze %dma_start3A_286 : memref<1x128xi32, #tpu.memory_space<vmem>> -> memref<128xi32, #tpu.memory_space<vmem>>
        %dma_start3A_288 = tpu.memref_slice %arg6[%add3A_283] : memref<5177344xi32, #tpu.memory_space<hbm>> -> memref<128xi32, #tpu.memory_space<hbm>>
        %dma_start3A_289 = tpu.memref_slice %arg6[%add3A_283] : memref<5177344xi32, #tpu.memory_space<hbm>> -> memref<128xi32, #tpu.memory_space<hbm>>
        %dma_start3A_290 = arith.constant 0 : i32
        %dma_start3A_291 = tpu.memref_slice %arg12[%run_scoped3A_284, %dma_start3A_290] : memref<1x128xi32, #tpu.memory_space<vmem>> -> memref<1x128xi32, #tpu.memory_space<vmem>>
        %dma_start3A_292 = tpu.memref_squeeze %dma_start3A_291 : memref<1x128xi32, #tpu.memory_space<vmem>> -> memref<128xi32, #tpu.memory_space<vmem>>
        tpu.enqueue_dma source(%dma_start3A_292 : memref<128xi32, #tpu.memory_space<vmem>>) target(%dma_start3A_289 : memref<128xi32, #tpu.memory_space<hbm>>) target_semaphore(%run_scoped3A_285 : memref<!tpu.dma_semaphore, #tpu.memory_space<semaphore_mem>>)
        %dma_wait3A = arith.constant 0 : i32
        %dma_wait3A_293 = tpu.memref_slice %arg12[%run_scoped3A_284, %dma_wait3A] : memref<1x128xi32, #tpu.memory_space<vmem>> -> memref<1x128xi32, #tpu.memory_space<vmem>>
        %dma_wait3A_294 = tpu.memref_squeeze %dma_wait3A_293 : memref<1x128xi32, #tpu.memory_space<vmem>> -> memref<128xi32, #tpu.memory_space<vmem>>
        %dma_wait3A_295 = tpu.memref_slice %arg6[%add3A_283] : memref<5177344xi32, #tpu.memory_space<hbm>> -> memref<128xi32, #tpu.memory_space<hbm>>
        %dma_wait3A_296 = tpu.memref_slice %arg6[%add3A_283] : memref<5177344xi32, #tpu.memory_space<hbm>> -> memref<128xi32, #tpu.memory_space<hbm>>
        %dma_wait3A_297 = arith.constant 0 : i32
        %dma_wait3A_298 = tpu.memref_slice %arg12[%run_scoped3A_284, %dma_wait3A_297] : memref<1x128xi32, #tpu.memory_space<vmem>> -> memref<1x128xi32, #tpu.memory_space<vmem>>
        %dma_wait3A_299 = tpu.memref_squeeze %dma_wait3A_298 : memref<1x128xi32, #tpu.memory_space<vmem>> -> memref<128xi32, #tpu.memory_space<vmem>>
        tpu.wait_dma2 semaphore(%run_scoped3A_285 : memref<!tpu.dma_semaphore, #tpu.memory_space<semaphore_mem>>) src(%dma_wait3A_299 : memref<128xi32, #tpu.memory_space<vmem>>) dst(%dma_wait3A_296 : memref<128xi32, #tpu.memory_space<hbm>>)
        tpu.yield
      }) : () -> ()
    } else {
    }
    %gt3A_105 = arith.constant 0 : i32
    %gt3A_106 = arith.cmpi sgt, %scan3A_34#0, %gt3A_105 : i32
    %add3A_107 = arith.constant 1 : i32
    %add3A_108 = arith.addi %scan3A_34#1, %add3A_107 : i32
    %select_n3A_109 = arith.select %gt3A_106, %add3A_108, %scan3A_34#1 : i32
    %broadcast_in_dim3A_110 = vector.broadcast %select_n3A_109 : i32 to vector<16xi32>
    %swap3A_111 = arith.constant 0 : index
    %swap3A_112 = tpu.vector_load %arg16[%swap3A_111] {strides = array<i32>} : memref<16xi32, #tpu.memory_space<vmem>>, vector<16xi32>,
    tpu.vector_store %arg16[%swap3A_111], %broadcast_in_dim3A_110 {strides = array<i32>} : memref<16xi32, #tpu.memory_space<vmem>>, vector<16xi32>,
    %mul3A_113 = arith.constant 16 : i32
    %mul3A_114 = arith.muli %add3A, %mul3A_113 : i32
    "tpu.region"() ({
      %run_scoped3A = tpu.sem_alloc : memref<!tpu.dma_semaphore, #tpu.memory_space<semaphore_mem>>
      %dma_start3A = tpu.memref_slice %arg7[%mul3A_114] : memref<512xi32, #tpu.memory_space<hbm>> -> memref<16xi32, #tpu.memory_space<hbm>>
      %dma_start3A_118 = tpu.memref_slice %arg7[%mul3A_114] : memref<512xi32, #tpu.memory_space<hbm>> -> memref<16xi32, #tpu.memory_space<hbm>>
      tpu.enqueue_dma source(%arg16 : memref<16xi32, #tpu.memory_space<vmem>>) target(%dma_start3A_118 : memref<16xi32, #tpu.memory_space<hbm>>) target_semaphore(%run_scoped3A : memref<!tpu.dma_semaphore, #tpu.memory_space<semaphore_mem>>)
      %dma_wait3A = tpu.memref_slice %arg7[%mul3A_114] : memref<512xi32, #tpu.memory_space<hbm>> -> memref<16xi32, #tpu.memory_space<hbm>>
      %dma_wait3A_119 = tpu.memref_slice %arg7[%mul3A_114] : memref<512xi32, #tpu.memory_space<hbm>> -> memref<16xi32, #tpu.memory_space<hbm>>
      tpu.wait_dma2 semaphore(%run_scoped3A : memref<!tpu.dma_semaphore, #tpu.memory_space<semaphore_mem>>) src(%arg16 : memref<16xi32, #tpu.memory_space<vmem>>) dst(%dma_wait3A_119 : memref<16xi32, #tpu.memory_space<hbm>>)
      tpu.yield
    }) : () -> ()
    %mul3A_115 = arith.constant 10240 : i32
    %mul3A_116 = arith.muli %arg0, %mul3A_115 : i32
    %add3A_117 = arith.addi %mul3A_116, %mul3A_2 : i32
    "tpu.region"() ({
      %run_scoped3A = tpu.sem_alloc : memref<!tpu.dma_semaphore, #tpu.memory_space<semaphore_mem>>
      %dma_start3A = arith.constant 0 : i32
      %dma_start3A_118 = tpu.memref_slice %arg4[%add3A_117, %dma_start3A] : memref<20480x16xf32, #tpu.memory_space<hbm>> -> memref<640x16xf32, #tpu.memory_space<hbm>>
      %dma_start3A_119 = arith.constant 0 : i32
      %dma_start3A_120 = arith.constant 0 : i32
      %dma_start3A_121 = tpu.memref_slice %arg17[%dma_start3A_119, %dma_start3A_120] : memref<648x16xf32, #tpu.memory_space<vmem_shared>> -> memref<640x16xf32, #tpu.memory_space<vmem_shared>>
      tpu.enqueue_dma source(%dma_start3A_121 : memref<640x16xf32, #tpu.memory_space<vmem_shared>>) target(%dma_start3A_118 : memref<640x16xf32, #tpu.memory_space<hbm>>) target_semaphore(%run_scoped3A : memref<!tpu.dma_semaphore, #tpu.memory_space<semaphore_mem>>)
      %dma_wait3A = arith.constant 0 : i32
      %dma_wait3A_122 = tpu.memref_slice %arg4[%add3A_117, %dma_wait3A] : memref<20480x16xf32, #tpu.memory_space<hbm>> -> memref<640x16xf32, #tpu.memory_space<hbm>>
      %dma_wait3A_123 = arith.constant 0 : i32
      %dma_wait3A_124 = arith.constant 0 : i32
      %dma_wait3A_125 = tpu.memref_slice %arg17[%dma_wait3A_123, %dma_wait3A_124] : memref<648x16xf32, #tpu.memory_space<vmem_shared>> -> memref<640x16xf32, #tpu.memory_space<vmem_shared>>
      tpu.wait_dma2 semaphore(%run_scoped3A : memref<!tpu.dma_semaphore, #tpu.memory_space<semaphore_mem>>) src(%dma_wait3A_125 : memref<640x16xf32, #tpu.memory_space<vmem_shared>>) dst(%dma_wait3A_122 : memref<640x16xf32, #tpu.memory_space<hbm>>)
      tpu.yield
    }) : () -> ()
    return
  }
}

#map = affine_map<(d0, d1) -> (0, 0)>
#map1 = affine_map<(d0, d1) -> (0)>
module attributes {stable_mosaic.version = 14 : i64} {
  func.func @apply_kernel(%arg0: i32, %arg1: i32, %arg2: memref<10240x128xf32, #tpu.memory_space<hbm>>, %arg3: memref<5177344xi32, #tpu.memory_space<hbm>>, %arg4: memref<5177344xi32, #tpu.memory_space<hbm>>, %arg5: memref<20480x16xf32, #tpu.memory_space<hbm>>, %arg6: memref<20480x128xf32, #tpu.memory_space<hbm>>, %arg7: memref<1x128xi32, #tpu.memory_space<vmem>>, %arg8: memref<1x128xi32, #tpu.memory_space<vmem>>, %arg9: memref<128x128xf32, #tpu.memory_space<vmem>>, %arg10: memref<64x128xf32, #tpu.memory_space<vmem>>, %arg11: memref<640x16xf32, #tpu.memory_space<vmem>>, %arg12: memref<648x128xf32, #tpu.memory_space<vmem_shared>>, %arg13: memref<!tpu.dma_semaphore, #tpu.memory_space<semaphore_mem>>) attributes {dimension_semantics = [#tpu.dimension_semantics<core_parallel>, #tpu.dimension_semantics<subcore_parallel>], iteration_bounds = array<i64: 2, 16>, scalar_prefetch = 0 : i64, scratch_operands = 7 : i64, tpu.core_type = #tpu.core_type<sc_vector_subcore>, window_params = [{transform_indices = #map}, {transform_indices = #map1}, {transform_indices = #map1}, {transform_indices = #map}, {transform_indices = #map}]} {
    %mul3A = arith.constant 16 : i32
    %mul3A_0 = arith.muli %arg0, %mul3A : i32
    %add3A = arith.addi %mul3A_0, %arg1 : i32
    %mul3A_1 = arith.constant 640 : i32
    %mul3A_2 = arith.muli %arg1, %mul3A_1 : i32
    %mul3A_3 = arith.constant 161792 : i32
    %mul3A_4 = arith.muli %add3A, %mul3A_3 : i32
    %broadcast_in_dim3A = arith.constant 0.000000e+00 : f32
    %broadcast_in_dim3A_5 = vector.broadcast %broadcast_in_dim3A : f32 to vector<16xf32>
    %scan3A = arith.constant 0 : i32
    %scan3A_6 = arith.constant 0 : i32
    %scan3A_7 = arith.constant 64 : i32
    %scan3A_8 = arith.addi %scan3A_6, %scan3A_7 : i32
    %scan3A_9 = arith.constant 1 : i32
    scf.for %scan3A_60 = %scan3A_6 to %scan3A_8 step %scan3A_9  : i32 {
      %swap3A = arith.index_cast %scan3A_60 : i32 to index
      %swap3A_61 = arith.constant 0 : index
      %swap3A_62 = tpu.vector_load %arg10[%swap3A, %swap3A_61] {strides = array<i32>} : memref<64x128xf32, #tpu.memory_space<vmem>>, vector<16xf32>,
      tpu.vector_store %arg10[%swap3A, %swap3A_61], %broadcast_in_dim3A_5 {strides = array<i32>} : memref<64x128xf32, #tpu.memory_space<vmem>>, vector<16xf32>,
      %swap3A_63 = arith.index_cast %scan3A_60 : i32 to index
      %swap3A_64 = arith.constant 16 : index
      %swap3A_65 = tpu.vector_load %arg10[%swap3A_63, %swap3A_64] {strides = array<i32>} : memref<64x128xf32, #tpu.memory_space<vmem>>, vector<16xf32>,
      tpu.vector_store %arg10[%swap3A_63, %swap3A_64], %broadcast_in_dim3A_5 {strides = array<i32>} : memref<64x128xf32, #tpu.memory_space<vmem>>, vector<16xf32>,
      %swap3A_66 = arith.index_cast %scan3A_60 : i32 to index
      %swap3A_67 = arith.constant 32 : index
      %swap3A_68 = tpu.vector_load %arg10[%swap3A_66, %swap3A_67] {strides = array<i32>} : memref<64x128xf32, #tpu.memory_space<vmem>>, vector<16xf32>,
      tpu.vector_store %arg10[%swap3A_66, %swap3A_67], %broadcast_in_dim3A_5 {strides = array<i32>} : memref<64x128xf32, #tpu.memory_space<vmem>>, vector<16xf32>,
      %swap3A_69 = arith.index_cast %scan3A_60 : i32 to index
      %swap3A_70 = arith.constant 48 : index
      %swap3A_71 = tpu.vector_load %arg10[%swap3A_69, %swap3A_70] {strides = array<i32>} : memref<64x128xf32, #tpu.memory_space<vmem>>, vector<16xf32>,
      tpu.vector_store %arg10[%swap3A_69, %swap3A_70], %broadcast_in_dim3A_5 {strides = array<i32>} : memref<64x128xf32, #tpu.memory_space<vmem>>, vector<16xf32>,
      %swap3A_72 = arith.index_cast %scan3A_60 : i32 to index
      %swap3A_73 = arith.constant 64 : index
      %swap3A_74 = tpu.vector_load %arg10[%swap3A_72, %swap3A_73] {strides = array<i32>} : memref<64x128xf32, #tpu.memory_space<vmem>>, vector<16xf32>,
      tpu.vector_store %arg10[%swap3A_72, %swap3A_73], %broadcast_in_dim3A_5 {strides = array<i32>} : memref<64x128xf32, #tpu.memory_space<vmem>>, vector<16xf32>,
      %swap3A_75 = arith.index_cast %scan3A_60 : i32 to index
      %swap3A_76 = arith.constant 80 : index
      %swap3A_77 = tpu.vector_load %arg10[%swap3A_75, %swap3A_76] {strides = array<i32>} : memref<64x128xf32, #tpu.memory_space<vmem>>, vector<16xf32>,
      tpu.vector_store %arg10[%swap3A_75, %swap3A_76], %broadcast_in_dim3A_5 {strides = array<i32>} : memref<64x128xf32, #tpu.memory_space<vmem>>, vector<16xf32>,
      %swap3A_78 = arith.index_cast %scan3A_60 : i32 to index
      %swap3A_79 = arith.constant 96 : index
      %swap3A_80 = tpu.vector_load %arg10[%swap3A_78, %swap3A_79] {strides = array<i32>} : memref<64x128xf32, #tpu.memory_space<vmem>>, vector<16xf32>,
      tpu.vector_store %arg10[%swap3A_78, %swap3A_79], %broadcast_in_dim3A_5 {strides = array<i32>} : memref<64x128xf32, #tpu.memory_space<vmem>>, vector<16xf32>,
      %swap3A_81 = arith.index_cast %scan3A_60 : i32 to index
      %swap3A_82 = arith.constant 112 : index
      %swap3A_83 = tpu.vector_load %arg10[%swap3A_81, %swap3A_82] {strides = array<i32>} : memref<64x128xf32, #tpu.memory_space<vmem>>, vector<16xf32>,
      tpu.vector_store %arg10[%swap3A_81, %swap3A_82], %broadcast_in_dim3A_5 {strides = array<i32>} : memref<64x128xf32, #tpu.memory_space<vmem>>, vector<16xf32>,
    }
    %scan3A_10 = arith.constant 64 : i32
    %scan3A_11 = arith.constant 0 : i32
    %scan3A_12 = arith.constant 0 : i32
    %scan3A_13 = arith.constant 10 : i32
    %scan3A_14 = arith.addi %scan3A_12, %scan3A_13 : i32
    %scan3A_15 = arith.constant 1 : i32
    scf.for %scan3A_60 = %scan3A_12 to %scan3A_14 step %scan3A_15  : i32 {
      %mul3A_61 = arith.constant 64 : i32
      %mul3A_62 = arith.muli %scan3A_60, %mul3A_61 : i32
      "tpu.region"() ({
        %run_scoped3A = tpu.sem_alloc : memref<!tpu.dma_semaphore, #tpu.memory_space<semaphore_mem>>
        %dma_start3A = arith.constant 0 : i32
        %dma_start3A_63 = tpu.memref_slice %arg12[%mul3A_62, %dma_start3A] : memref<648x128xf32, #tpu.memory_space<vmem_shared>> -> memref<64x128xf32, #tpu.memory_space<vmem_shared>>
        %dma_start3A_64 = arith.constant 0 : i32
        %dma_start3A_65 = tpu.memref_slice %arg12[%mul3A_62, %dma_start3A_64] : memref<648x128xf32, #tpu.memory_space<vmem_shared>> -> memref<64x128xf32, #tpu.memory_space<vmem_shared>>
        tpu.enqueue_dma source(%arg10 : memref<64x128xf32, #tpu.memory_space<vmem>>) target(%dma_start3A_65 : memref<64x128xf32, #tpu.memory_space<vmem_shared>>) target_semaphore(%run_scoped3A : memref<!tpu.dma_semaphore, #tpu.memory_space<semaphore_mem>>)
        %dma_wait3A = arith.constant 0 : i32
        %dma_wait3A_66 = tpu.memref_slice %arg12[%mul3A_62, %dma_wait3A] : memref<648x128xf32, #tpu.memory_space<vmem_shared>> -> memref<64x128xf32, #tpu.memory_space<vmem_shared>>
        %dma_wait3A_67 = arith.constant 0 : i32
        %dma_wait3A_68 = tpu.memref_slice %arg12[%mul3A_62, %dma_wait3A_67] : memref<648x128xf32, #tpu.memory_space<vmem_shared>> -> memref<64x128xf32, #tpu.memory_space<vmem_shared>>
        tpu.wait_dma2 semaphore(%run_scoped3A : memref<!tpu.dma_semaphore, #tpu.memory_space<semaphore_mem>>) src(%arg10 : memref<64x128xf32, #tpu.memory_space<vmem>>) dst(%dma_wait3A_68 : memref<64x128xf32, #tpu.memory_space<vmem_shared>>)
        tpu.yield
      }) : () -> ()
    }
    %scan3A_16 = arith.constant 10 : i32
    %mul3A_17 = arith.constant 10240 : i32
    %mul3A_18 = arith.muli %arg0, %mul3A_17 : i32
    %add3A_19 = arith.addi %mul3A_18, %mul3A_2 : i32
    "tpu.region"() ({
      %run_scoped3A = tpu.sem_alloc : memref<!tpu.dma_semaphore, #tpu.memory_space<semaphore_mem>>
      %dma_start3A = arith.constant 0 : i32
      %dma_start3A_60 = tpu.memref_slice %arg5[%add3A_19, %dma_start3A] : memref<20480x16xf32, #tpu.memory_space<hbm>> -> memref<640x16xf32, #tpu.memory_space<hbm>>
      %dma_start3A_61 = arith.constant 0 : i32
      %dma_start3A_62 = tpu.memref_slice %arg5[%add3A_19, %dma_start3A_61] : memref<20480x16xf32, #tpu.memory_space<hbm>> -> memref<640x16xf32, #tpu.memory_space<hbm>>
      tpu.enqueue_dma source(%dma_start3A_62 : memref<640x16xf32, #tpu.memory_space<hbm>>) target(%arg11 : memref<640x16xf32, #tpu.memory_space<vmem>>) target_semaphore(%run_scoped3A : memref<!tpu.dma_semaphore, #tpu.memory_space<semaphore_mem>>)
      %dma_wait3A = arith.constant 0 : i32
      %dma_wait3A_63 = tpu.memref_slice %arg5[%add3A_19, %dma_wait3A] : memref<20480x16xf32, #tpu.memory_space<hbm>> -> memref<640x16xf32, #tpu.memory_space<hbm>>
      %dma_wait3A_64 = arith.constant 0 : i32
      %dma_wait3A_65 = tpu.memref_slice %arg5[%add3A_19, %dma_wait3A_64] : memref<20480x16xf32, #tpu.memory_space<hbm>> -> memref<640x16xf32, #tpu.memory_space<hbm>>
      tpu.wait_dma2 semaphore(%run_scoped3A : memref<!tpu.dma_semaphore, #tpu.memory_space<semaphore_mem>>) src(%dma_wait3A_65 : memref<640x16xf32, #tpu.memory_space<hbm>>) dst(%arg11 : memref<640x16xf32, #tpu.memory_space<vmem>>)
      tpu.yield
    }) : () -> ()
    %broadcast_in_dim3A_20 = arith.constant 0.000000e+00 : f32
    %broadcast_in_dim3A_21 = vector.broadcast %broadcast_in_dim3A_20 : f32 to vector<16xf32>
    %scan3A_22 = arith.constant 0 : i32
    %scan3A_23 = arith.constant 640 : i32
    %scan3A_24 = arith.addi %scan3A_22, %scan3A_23 : i32
    %scan3A_25 = arith.constant 1 : i32
    %scan3A_26 = scf.for %scan3A_60 = %scan3A_22 to %scan3A_24 step %scan3A_25 iter_args(%scan3A_61 = %broadcast_in_dim3A_21) -> (vector<16xf32>)  : i32 {
      %get3A = arith.index_cast %scan3A_60 : i32 to index
      %get3A_62 = arith.constant 0 : index
      %get3A_63 = tpu.vector_load %arg11[%get3A, %get3A_62] {strides = array<i32>} : memref<640x16xf32, #tpu.memory_space<vmem>>, vector<16xf32>,
      %add3A_64 = arith.addf %scan3A_61, %get3A_63 : vector<16xf32>
      scf.yield %add3A_64 : vector<16xf32>
    }
    %scan3A_27 = arith.constant 640 : i32
    %reduce_sum3A = arith.constant true
    %reduce_sum3A_28 = vector.broadcast %reduce_sum3A : i1 to vector<16xi1>
    %reduce_sum3A_29 = tpu.scan <sum>, %scan3A_26 masked %reduce_sum3A_28 : vector<16xf32>, vector<16xi1> -> vector<16xf32>
    %reduce_sum3A_30 = vector.extract %reduce_sum3A_29[15] : f32 from vector<16xf32>
    %convert_element_type3A = arith.fptosi %reduce_sum3A_30 : f32 to i32
    %add3A_31 = arith.constant 128 : i32
    %add3A_32 = arith.addi %convert_element_type3A, %add3A_31 : i32
    %sub3A = arith.constant 1 : i32
    %sub3A_33 = arith.subi %add3A_32, %sub3A : i32
    %jit3A = arith.constant 128 : i32
    %div3A = arith.divsi %sub3A_33, %jit3A : i32
    %sign3A = arith.constant 0 : i32
    %sign3A_34 = arith.cmpi sgt, %sub3A_33, %sign3A : i32
    %sign3A_35 = arith.extui %sign3A_34 : i1 to i32
    %sign3A_36 = arith.constant 0 : i32
    %sign3A_37 = arith.cmpi slt, %sub3A_33, %sign3A_36 : i32
    %sign3A_38 = arith.extui %sign3A_37 : i1 to i32
    %sign3A_39 = arith.subi %sign3A_35, %sign3A_38 : i32
    %sign3A_40 = arith.constant 0 : i32
    %sign3A_41 = arith.cmpi sgt, %jit3A, %sign3A_40 : i32
    %sign3A_42 = arith.extui %sign3A_41 : i1 to i32
    %sign3A_43 = arith.constant 0 : i32
    %sign3A_44 = arith.cmpi slt, %jit3A, %sign3A_43 : i32
    %sign3A_45 = arith.extui %sign3A_44 : i1 to i32
    %sign3A_46 = arith.subi %sign3A_42, %sign3A_45 : i32
    %ne3A = arith.cmpi ne, %sign3A_39, %sign3A_46 : i32
    %rem3A = arith.remsi %sub3A_33, %jit3A : i32
    %ne3A_47 = arith.constant 0 : i32
    %ne3A_48 = arith.cmpi ne, %rem3A, %ne3A_47 : i32
    %and3A = arith.andi %ne3A, %ne3A_48 : i1
    %sub3A_49 = arith.constant 1 : i32
    %sub3A_50 = arith.subi %div3A, %sub3A_49 : i32
    %select_n3A = arith.select %and3A, %sub3A_50, %div3A : i32
    %scan3A_51 = arith.constant 0 : i32
    %scan3A_52 = arith.constant 0 : i32
    %scan3A_53 = arith.constant 1264 : i32
    %scan3A_54 = arith.addi %scan3A_52, %scan3A_53 : i32
    %scan3A_55 = arith.constant 1 : i32
    scf.for %scan3A_60 = %scan3A_52 to %scan3A_54 step %scan3A_55  : i32 {
      %lt3A = arith.cmpi slt, %scan3A_60, %select_n3A : i32
      %convert_element_type3A_61 = arith.extui %lt3A : i1 to i32
      %cond3A = arith.constant 0 : i32
      %cond3A_62 = arith.cmpi ne, %convert_element_type3A_61, %cond3A : i32
      scf.if %cond3A_62 {
        %mul3A_63 = arith.constant 128 : i32
        %mul3A_64 = arith.muli %scan3A_60, %mul3A_63 : i32
        %add3A_65 = arith.addi %mul3A_4, %mul3A_64 : i32
        %run_scoped3A = arith.constant 0 : i32
        "tpu.region"() ({
          %run_scoped3A_83 = tpu.sem_alloc : memref<!tpu.dma_semaphore, #tpu.memory_space<semaphore_mem>>
          %dma_start3A_84 = arith.constant 0 : i32
          %dma_start3A_85 = tpu.memref_slice %arg7[%run_scoped3A, %dma_start3A_84] : memref<1x128xi32, #tpu.memory_space<vmem>> -> memref<1x128xi32, #tpu.memory_space<vmem>>
          %dma_start3A_86 = tpu.memref_squeeze %dma_start3A_85 : memref<1x128xi32, #tpu.memory_space<vmem>> -> memref<128xi32, #tpu.memory_space<vmem>>
          %dma_start3A_87 = tpu.memref_slice %arg3[%add3A_65] : memref<5177344xi32, #tpu.memory_space<hbm>> -> memref<128xi32, #tpu.memory_space<hbm>>
          %dma_start3A_88 = arith.constant 0 : i32
          %dma_start3A_89 = tpu.memref_slice %arg7[%run_scoped3A, %dma_start3A_88] : memref<1x128xi32, #tpu.memory_space<vmem>> -> memref<1x128xi32, #tpu.memory_space<vmem>>
          %dma_start3A_90 = tpu.memref_squeeze %dma_start3A_89 : memref<1x128xi32, #tpu.memory_space<vmem>> -> memref<128xi32, #tpu.memory_space<vmem>>
          %dma_start3A_91 = tpu.memref_slice %arg3[%add3A_65] : memref<5177344xi32, #tpu.memory_space<hbm>> -> memref<128xi32, #tpu.memory_space<hbm>>
          tpu.enqueue_dma source(%dma_start3A_91 : memref<128xi32, #tpu.memory_space<hbm>>) target(%dma_start3A_90 : memref<128xi32, #tpu.memory_space<vmem>>) target_semaphore(%run_scoped3A_83 : memref<!tpu.dma_semaphore, #tpu.memory_space<semaphore_mem>>)
          %dma_wait3A_92 = arith.constant 0 : i32
          %dma_wait3A_93 = tpu.memref_slice %arg7[%run_scoped3A, %dma_wait3A_92] : memref<1x128xi32, #tpu.memory_space<vmem>> -> memref<1x128xi32, #tpu.memory_space<vmem>>
          %dma_wait3A_94 = tpu.memref_squeeze %dma_wait3A_93 : memref<1x128xi32, #tpu.memory_space<vmem>> -> memref<128xi32, #tpu.memory_space<vmem>>
          %dma_wait3A_95 = tpu.memref_slice %arg3[%add3A_65] : memref<5177344xi32, #tpu.memory_space<hbm>> -> memref<128xi32, #tpu.memory_space<hbm>>
          %dma_wait3A_96 = arith.constant 0 : i32
          %dma_wait3A_97 = tpu.memref_slice %arg7[%run_scoped3A, %dma_wait3A_96] : memref<1x128xi32, #tpu.memory_space<vmem>> -> memref<1x128xi32, #tpu.memory_space<vmem>>
          %dma_wait3A_98 = tpu.memref_squeeze %dma_wait3A_97 : memref<1x128xi32, #tpu.memory_space<vmem>> -> memref<128xi32, #tpu.memory_space<vmem>>
          %dma_wait3A_99 = tpu.memref_slice %arg3[%add3A_65] : memref<5177344xi32, #tpu.memory_space<hbm>> -> memref<128xi32, #tpu.memory_space<hbm>>
          tpu.wait_dma2 semaphore(%run_scoped3A_83 : memref<!tpu.dma_semaphore, #tpu.memory_space<semaphore_mem>>) src(%dma_wait3A_99 : memref<128xi32, #tpu.memory_space<hbm>>) dst(%dma_wait3A_98 : memref<128xi32, #tpu.memory_space<vmem>>)
          tpu.yield
        }) : () -> ()
        %mul3A_66 = arith.constant 128 : i32
        %mul3A_67 = arith.muli %scan3A_60, %mul3A_66 : i32
        %add3A_68 = arith.addi %mul3A_4, %mul3A_67 : i32
        %run_scoped3A_69 = arith.constant 0 : i32
        "tpu.region"() ({
          %run_scoped3A_83 = tpu.sem_alloc : memref<!tpu.dma_semaphore, #tpu.memory_space<semaphore_mem>>
          %dma_start3A_84 = arith.constant 0 : i32
          %dma_start3A_85 = tpu.memref_slice %arg8[%run_scoped3A_69, %dma_start3A_84] : memref<1x128xi32, #tpu.memory_space<vmem>> -> memref<1x128xi32, #tpu.memory_space<vmem>>
          %dma_start3A_86 = tpu.memref_squeeze %dma_start3A_85 : memref<1x128xi32, #tpu.memory_space<vmem>> -> memref<128xi32, #tpu.memory_space<vmem>>
          %dma_start3A_87 = tpu.memref_slice %arg4[%add3A_68] : memref<5177344xi32, #tpu.memory_space<hbm>> -> memref<128xi32, #tpu.memory_space<hbm>>
          %dma_start3A_88 = arith.constant 0 : i32
          %dma_start3A_89 = tpu.memref_slice %arg8[%run_scoped3A_69, %dma_start3A_88] : memref<1x128xi32, #tpu.memory_space<vmem>> -> memref<1x128xi32, #tpu.memory_space<vmem>>
          %dma_start3A_90 = tpu.memref_squeeze %dma_start3A_89 : memref<1x128xi32, #tpu.memory_space<vmem>> -> memref<128xi32, #tpu.memory_space<vmem>>
          %dma_start3A_91 = tpu.memref_slice %arg4[%add3A_68] : memref<5177344xi32, #tpu.memory_space<hbm>> -> memref<128xi32, #tpu.memory_space<hbm>>
          tpu.enqueue_dma source(%dma_start3A_91 : memref<128xi32, #tpu.memory_space<hbm>>) target(%dma_start3A_90 : memref<128xi32, #tpu.memory_space<vmem>>) target_semaphore(%run_scoped3A_83 : memref<!tpu.dma_semaphore, #tpu.memory_space<semaphore_mem>>)
          %dma_wait3A_92 = arith.constant 0 : i32
          %dma_wait3A_93 = tpu.memref_slice %arg8[%run_scoped3A_69, %dma_wait3A_92] : memref<1x128xi32, #tpu.memory_space<vmem>> -> memref<1x128xi32, #tpu.memory_space<vmem>>
          %dma_wait3A_94 = tpu.memref_squeeze %dma_wait3A_93 : memref<1x128xi32, #tpu.memory_space<vmem>> -> memref<128xi32, #tpu.memory_space<vmem>>
          %dma_wait3A_95 = tpu.memref_slice %arg4[%add3A_68] : memref<5177344xi32, #tpu.memory_space<hbm>> -> memref<128xi32, #tpu.memory_space<hbm>>
          %dma_wait3A_96 = arith.constant 0 : i32
          %dma_wait3A_97 = tpu.memref_slice %arg8[%run_scoped3A_69, %dma_wait3A_96] : memref<1x128xi32, #tpu.memory_space<vmem>> -> memref<1x128xi32, #tpu.memory_space<vmem>>
          %dma_wait3A_98 = tpu.memref_squeeze %dma_wait3A_97 : memref<1x128xi32, #tpu.memory_space<vmem>> -> memref<128xi32, #tpu.memory_space<vmem>>
          %dma_wait3A_99 = tpu.memref_slice %arg4[%add3A_68] : memref<5177344xi32, #tpu.memory_space<hbm>> -> memref<128xi32, #tpu.memory_space<hbm>>
          tpu.wait_dma2 semaphore(%run_scoped3A_83 : memref<!tpu.dma_semaphore, #tpu.memory_space<semaphore_mem>>) src(%dma_wait3A_99 : memref<128xi32, #tpu.memory_space<hbm>>) dst(%dma_wait3A_98 : memref<128xi32, #tpu.memory_space<vmem>>)
          tpu.yield
        }) : () -> ()
        %dma_start3A = arith.constant 0 : i32
        %dma_start3A_70 = arith.constant 0 : i32
        %dma_start3A_71 = tpu.memref_slice %arg7[%dma_start3A, %dma_start3A_70] : memref<1x128xi32, #tpu.memory_space<vmem>> -> memref<1x128xi32, #tpu.memory_space<vmem>>
        %dma_start3A_72 = tpu.memref_squeeze %dma_start3A_71 : memref<1x128xi32, #tpu.memory_space<vmem>> -> memref<128xi32, #tpu.memory_space<vmem>>
        %dma_start3A_73 = arith.constant 0 : i32
        %dma_start3A_74 = arith.constant 0 : i32
        %dma_start3A_75 = tpu.memref_slice %arg2[%dma_start3A_73, %dma_start3A_74] : memref<10240x128xf32, #tpu.memory_space<hbm>> -> memref<10240x128xf32, #tpu.memory_space<hbm>>
        tpu.enqueue_indirect_dma source(%dma_start3A_75 : memref<10240x128xf32, #tpu.memory_space<hbm>>) target(%arg9 : memref<128x128xf32, #tpu.memory_space<vmem>>) offsets(%dma_start3A_72 : memref<128xi32, #tpu.memory_space<vmem>>) semaphore(%arg13 : memref<!tpu.dma_semaphore, #tpu.memory_space<semaphore_mem>>)
        %dma_wait3A = arith.constant 0 : i32
        %dma_wait3A_76 = arith.constant 0 : i32
        %dma_wait3A_77 = tpu.memref_slice %arg7[%dma_wait3A, %dma_wait3A_76] : memref<1x128xi32, #tpu.memory_space<vmem>> -> memref<1x128xi32, #tpu.memory_space<vmem>>
        %dma_wait3A_78 = tpu.memref_squeeze %dma_wait3A_77 : memref<1x128xi32, #tpu.memory_space<vmem>> -> memref<128xi32, #tpu.memory_space<vmem>>
        %dma_wait3A_79 = arith.constant 0 : i32
        %dma_wait3A_80 = arith.constant 0 : i32
        %dma_wait3A_81 = tpu.memref_slice %arg2[%dma_wait3A_79, %dma_wait3A_80] : memref<10240x128xf32, #tpu.memory_space<hbm>> -> memref<10240x128xf32, #tpu.memory_space<hbm>>
        tpu.wait_indirect_dma semaphore(%arg13 : memref<!tpu.dma_semaphore, #tpu.memory_space<semaphore_mem>>) src(%dma_wait3A_81 : memref<10240x128xf32, #tpu.memory_space<hbm>>) dst(%arg9 : memref<128x128xf32, #tpu.memory_space<vmem>>)
        %run_scoped3A_82 = arith.constant 0 : i32
        "tpu.region"() ({
          %run_scoped3A_83 = tpu.sem_alloc : memref<!tpu.dma_semaphore, #tpu.memory_space<semaphore_mem>>
          %dma_start3A_84 = arith.constant 0 : i32
          %dma_start3A_85 = tpu.memref_slice %arg8[%run_scoped3A_82, %dma_start3A_84] : memref<1x128xi32, #tpu.memory_space<vmem>> -> memref<1x128xi32, #tpu.memory_space<vmem>>
          %dma_start3A_86 = tpu.memref_squeeze %dma_start3A_85 : memref<1x128xi32, #tpu.memory_space<vmem>> -> memref<128xi32, #tpu.memory_space<vmem>>
          %dma_start3A_87 = arith.constant 0 : i32
          %dma_start3A_88 = arith.constant 0 : i32
          %dma_start3A_89 = tpu.memref_slice %arg12[%dma_start3A_87, %dma_start3A_88] : memref<648x128xf32, #tpu.memory_space<vmem_shared>> -> memref<648x128xf32, #tpu.memory_space<vmem_shared>>
          tpu.enqueue_indirect_dma source(%arg9 : memref<128x128xf32, #tpu.memory_space<vmem>>) target(%dma_start3A_89 : memref<648x128xf32, #tpu.memory_space<vmem_shared>>) offsets(%dma_start3A_86 : memref<128xi32, #tpu.memory_space<vmem>>) semaphore(%run_scoped3A_83 : memref<!tpu.dma_semaphore, #tpu.memory_space<semaphore_mem>>) {add = true}
          %dma_wait3A_90 = arith.constant 0 : i32
          %dma_wait3A_91 = tpu.memref_slice %arg8[%run_scoped3A_82, %dma_wait3A_90] : memref<1x128xi32, #tpu.memory_space<vmem>> -> memref<1x128xi32, #tpu.memory_space<vmem>>
          %dma_wait3A_92 = tpu.memref_squeeze %dma_wait3A_91 : memref<1x128xi32, #tpu.memory_space<vmem>> -> memref<128xi32, #tpu.memory_space<vmem>>
          %dma_wait3A_93 = arith.constant 0 : i32
          %dma_wait3A_94 = arith.constant 0 : i32
          %dma_wait3A_95 = tpu.memref_slice %arg12[%dma_wait3A_93, %dma_wait3A_94] : memref<648x128xf32, #tpu.memory_space<vmem_shared>> -> memref<648x128xf32, #tpu.memory_space<vmem_shared>>
          tpu.wait_indirect_dma semaphore(%run_scoped3A_83 : memref<!tpu.dma_semaphore, #tpu.memory_space<semaphore_mem>>) src(%arg9 : memref<128x128xf32, #tpu.memory_space<vmem>>) dst(%dma_wait3A_95 : memref<648x128xf32, #tpu.memory_space<vmem_shared>>)
          tpu.yield
        }) : () -> ()
      } else {
      }
    }
    %scan3A_56 = arith.constant 1264 : i32
    %mul3A_57 = arith.constant 10240 : i32
    %mul3A_58 = arith.muli %arg0, %mul3A_57 : i32
    %add3A_59 = arith.addi %mul3A_58, %mul3A_2 : i32
    "tpu.region"() ({
      %run_scoped3A = tpu.sem_alloc : memref<!tpu.dma_semaphore, #tpu.memory_space<semaphore_mem>>
      %dma_start3A = arith.constant 0 : i32
      %dma_start3A_60 = tpu.memref_slice %arg6[%add3A_59, %dma_start3A] : memref<20480x128xf32, #tpu.memory_space<hbm>> -> memref<640x128xf32, #tpu.memory_space<hbm>>
      %dma_start3A_61 = arith.constant 0 : i32
      %dma_start3A_62 = arith.constant 0 : i32
      %dma_start3A_63 = tpu.memref_slice %arg12[%dma_start3A_61, %dma_start3A_62] : memref<648x128xf32, #tpu.memory_space<vmem_shared>> -> memref<640x128xf32, #tpu.memory_space<vmem_shared>>
      tpu.enqueue_dma source(%dma_start3A_63 : memref<640x128xf32, #tpu.memory_space<vmem_shared>>) target(%dma_start3A_60 : memref<640x128xf32, #tpu.memory_space<hbm>>) target_semaphore(%run_scoped3A : memref<!tpu.dma_semaphore, #tpu.memory_space<semaphore_mem>>)
      %dma_wait3A = arith.constant 0 : i32
      %dma_wait3A_64 = tpu.memref_slice %arg6[%add3A_59, %dma_wait3A] : memref<20480x128xf32, #tpu.memory_space<hbm>> -> memref<640x128xf32, #tpu.memory_space<hbm>>
      %dma_wait3A_65 = arith.constant 0 : i32
      %dma_wait3A_66 = arith.constant 0 : i32
      %dma_wait3A_67 = tpu.memref_slice %arg12[%dma_wait3A_65, %dma_wait3A_66] : memref<648x128xf32, #tpu.memory_space<vmem_shared>> -> memref<640x128xf32, #tpu.memory_space<vmem_shared>>
      tpu.wait_dma2 semaphore(%run_scoped3A : memref<!tpu.dma_semaphore, #tpu.memory_space<semaphore_mem>>) src(%dma_wait3A_67 : memref<640x128xf32, #tpu.memory_space<vmem_shared>>) dst(%dma_wait3A_64 : memref<640x128xf32, #tpu.memory_space<hbm>>)
      tpu.yield
    }) : () -> ()
    return
  }
}

#map = affine_map<(d0, d1) -> (0, 0)>
#map1 = affine_map<(d0, d1) -> (0)>
module attributes {stable_mosaic.version = 14 : i64} {
  func.func @apply_kernel(%arg0: i32, %arg1: i32, %arg2: memref<10240x128xf32, #tpu.memory_space<hbm>>, %arg3: memref<5177344xi32, #tpu.memory_space<hbm>>, %arg4: memref<5177344xi32, #tpu.memory_space<hbm>>, %arg5: memref<20480x16xf32, #tpu.memory_space<hbm>>, %arg6: memref<20480x128xf32, #tpu.memory_space<hbm>>, %arg7: memref<1x128xi32, #tpu.memory_space<vmem>>, %arg8: memref<1x128xi32, #tpu.memory_space<vmem>>, %arg9: memref<128x128xf32, #tpu.memory_space<vmem>>, %arg10: memref<64x128xf32, #tpu.memory_space<vmem>>, %arg11: memref<640x16xf32, #tpu.memory_space<vmem>>, %arg12: memref<648x128xf32, #tpu.memory_space<vmem_shared>>, %arg13: memref<!tpu.dma_semaphore, #tpu.memory_space<semaphore_mem>>) attributes {dimension_semantics = [#tpu.dimension_semantics<core_parallel>, #tpu.dimension_semantics<subcore_parallel>], iteration_bounds = array<i64: 2, 16>, scalar_prefetch = 0 : i64, scratch_operands = 7 : i64, tpu.core_type = #tpu.core_type<sc_vector_subcore>, window_params = [{transform_indices = #map}, {transform_indices = #map1}, {transform_indices = #map1}, {transform_indices = #map}, {transform_indices = #map}]} {
    %mul3A = arith.constant 16 : i32
    %mul3A_0 = arith.muli %arg0, %mul3A : i32
    %add3A = arith.addi %mul3A_0, %arg1 : i32
    %mul3A_1 = arith.constant 640 : i32
    %mul3A_2 = arith.muli %arg1, %mul3A_1 : i32
    %mul3A_3 = arith.constant 161792 : i32
    %mul3A_4 = arith.muli %add3A, %mul3A_3 : i32
    %broadcast_in_dim3A = arith.constant 0.000000e+00 : f32
    %broadcast_in_dim3A_5 = vector.broadcast %broadcast_in_dim3A : f32 to vector<16xf32>
    %scan3A = arith.constant 0 : i32
    %scan3A_6 = arith.constant 0 : i32
    %scan3A_7 = arith.constant 64 : i32
    %scan3A_8 = arith.addi %scan3A_6, %scan3A_7 : i32
    %scan3A_9 = arith.constant 1 : i32
    scf.for %scan3A_60 = %scan3A_6 to %scan3A_8 step %scan3A_9  : i32 {
      %swap3A = arith.index_cast %scan3A_60 : i32 to index
      %swap3A_61 = arith.constant 0 : index
      %swap3A_62 = tpu.vector_load %arg10[%swap3A, %swap3A_61] {strides = array<i32>} : memref<64x128xf32, #tpu.memory_space<vmem>>, vector<16xf32>,
      tpu.vector_store %arg10[%swap3A, %swap3A_61], %broadcast_in_dim3A_5 {strides = array<i32>} : memref<64x128xf32, #tpu.memory_space<vmem>>, vector<16xf32>,
      %swap3A_63 = arith.index_cast %scan3A_60 : i32 to index
      %swap3A_64 = arith.constant 16 : index
      %swap3A_65 = tpu.vector_load %arg10[%swap3A_63, %swap3A_64] {strides = array<i32>} : memref<64x128xf32, #tpu.memory_space<vmem>>, vector<16xf32>,
      tpu.vector_store %arg10[%swap3A_63, %swap3A_64], %broadcast_in_dim3A_5 {strides = array<i32>} : memref<64x128xf32, #tpu.memory_space<vmem>>, vector<16xf32>,
      %swap3A_66 = arith.index_cast %scan3A_60 : i32 to index
      %swap3A_67 = arith.constant 32 : index
      %swap3A_68 = tpu.vector_load %arg10[%swap3A_66, %swap3A_67] {strides = array<i32>} : memref<64x128xf32, #tpu.memory_space<vmem>>, vector<16xf32>,
      tpu.vector_store %arg10[%swap3A_66, %swap3A_67], %broadcast_in_dim3A_5 {strides = array<i32>} : memref<64x128xf32, #tpu.memory_space<vmem>>, vector<16xf32>,
      %swap3A_69 = arith.index_cast %scan3A_60 : i32 to index
      %swap3A_70 = arith.constant 48 : index
      %swap3A_71 = tpu.vector_load %arg10[%swap3A_69, %swap3A_70] {strides = array<i32>} : memref<64x128xf32, #tpu.memory_space<vmem>>, vector<16xf32>,
      tpu.vector_store %arg10[%swap3A_69, %swap3A_70], %broadcast_in_dim3A_5 {strides = array<i32>} : memref<64x128xf32, #tpu.memory_space<vmem>>, vector<16xf32>,
      %swap3A_72 = arith.index_cast %scan3A_60 : i32 to index
      %swap3A_73 = arith.constant 64 : index
      %swap3A_74 = tpu.vector_load %arg10[%swap3A_72, %swap3A_73] {strides = array<i32>} : memref<64x128xf32, #tpu.memory_space<vmem>>, vector<16xf32>,
      tpu.vector_store %arg10[%swap3A_72, %swap3A_73], %broadcast_in_dim3A_5 {strides = array<i32>} : memref<64x128xf32, #tpu.memory_space<vmem>>, vector<16xf32>,
      %swap3A_75 = arith.index_cast %scan3A_60 : i32 to index
      %swap3A_76 = arith.constant 80 : index
      %swap3A_77 = tpu.vector_load %arg10[%swap3A_75, %swap3A_76] {strides = array<i32>} : memref<64x128xf32, #tpu.memory_space<vmem>>, vector<16xf32>,
      tpu.vector_store %arg10[%swap3A_75, %swap3A_76], %broadcast_in_dim3A_5 {strides = array<i32>} : memref<64x128xf32, #tpu.memory_space<vmem>>, vector<16xf32>,
      %swap3A_78 = arith.index_cast %scan3A_60 : i32 to index
      %swap3A_79 = arith.constant 96 : index
      %swap3A_80 = tpu.vector_load %arg10[%swap3A_78, %swap3A_79] {strides = array<i32>} : memref<64x128xf32, #tpu.memory_space<vmem>>, vector<16xf32>,
      tpu.vector_store %arg10[%swap3A_78, %swap3A_79], %broadcast_in_dim3A_5 {strides = array<i32>} : memref<64x128xf32, #tpu.memory_space<vmem>>, vector<16xf32>,
      %swap3A_81 = arith.index_cast %scan3A_60 : i32 to index
      %swap3A_82 = arith.constant 112 : index
      %swap3A_83 = tpu.vector_load %arg10[%swap3A_81, %swap3A_82] {strides = array<i32>} : memref<64x128xf32, #tpu.memory_space<vmem>>, vector<16xf32>,
      tpu.vector_store %arg10[%swap3A_81, %swap3A_82], %broadcast_in_dim3A_5 {strides = array<i32>} : memref<64x128xf32, #tpu.memory_space<vmem>>, vector<16xf32>,
    }
    %scan3A_10 = arith.constant 64 : i32
    %scan3A_11 = arith.constant 0 : i32
    %scan3A_12 = arith.constant 0 : i32
    %scan3A_13 = arith.constant 10 : i32
    %scan3A_14 = arith.addi %scan3A_12, %scan3A_13 : i32
    %scan3A_15 = arith.constant 1 : i32
    scf.for %scan3A_60 = %scan3A_12 to %scan3A_14 step %scan3A_15  : i32 {
      %mul3A_61 = arith.constant 64 : i32
      %mul3A_62 = arith.muli %scan3A_60, %mul3A_61 : i32
      "tpu.region"() ({
        %run_scoped3A = tpu.sem_alloc : memref<!tpu.dma_semaphore, #tpu.memory_space<semaphore_mem>>
        %dma_start3A = arith.constant 0 : i32
        %dma_start3A_63 = tpu.memref_slice %arg12[%mul3A_62, %dma_start3A] : memref<648x128xf32, #tpu.memory_space<vmem_shared>> -> memref<64x128xf32, #tpu.memory_space<vmem_shared>>
        %dma_start3A_64 = arith.constant 0 : i32
        %dma_start3A_65 = tpu.memref_slice %arg12[%mul3A_62, %dma_start3A_64] : memref<648x128xf32, #tpu.memory_space<vmem_shared>> -> memref<64x128xf32, #tpu.memory_space<vmem_shared>>
        tpu.enqueue_dma source(%arg10 : memref<64x128xf32, #tpu.memory_space<vmem>>) target(%dma_start3A_65 : memref<64x128xf32, #tpu.memory_space<vmem_shared>>) target_semaphore(%run_scoped3A : memref<!tpu.dma_semaphore, #tpu.memory_space<semaphore_mem>>)
        %dma_wait3A = arith.constant 0 : i32
        %dma_wait3A_66 = tpu.memref_slice %arg12[%mul3A_62, %dma_wait3A] : memref<648x128xf32, #tpu.memory_space<vmem_shared>> -> memref<64x128xf32, #tpu.memory_space<vmem_shared>>
        %dma_wait3A_67 = arith.constant 0 : i32
        %dma_wait3A_68 = tpu.memref_slice %arg12[%mul3A_62, %dma_wait3A_67] : memref<648x128xf32, #tpu.memory_space<vmem_shared>> -> memref<64x128xf32, #tpu.memory_space<vmem_shared>>
        tpu.wait_dma2 semaphore(%run_scoped3A : memref<!tpu.dma_semaphore, #tpu.memory_space<semaphore_mem>>) src(%arg10 : memref<64x128xf32, #tpu.memory_space<vmem>>) dst(%dma_wait3A_68 : memref<64x128xf32, #tpu.memory_space<vmem_shared>>)
        tpu.yield
      }) : () -> ()
    }
    %scan3A_16 = arith.constant 10 : i32
    %mul3A_17 = arith.constant 10240 : i32
    %mul3A_18 = arith.muli %arg0, %mul3A_17 : i32
    %add3A_19 = arith.addi %mul3A_18, %mul3A_2 : i32
    "tpu.region"() ({
      %run_scoped3A = tpu.sem_alloc : memref<!tpu.dma_semaphore, #tpu.memory_space<semaphore_mem>>
      %dma_start3A = arith.constant 0 : i32
      %dma_start3A_60 = tpu.memref_slice %arg5[%add3A_19, %dma_start3A] : memref<20480x16xf32, #tpu.memory_space<hbm>> -> memref<640x16xf32, #tpu.memory_space<hbm>>
      %dma_start3A_61 = arith.constant 0 : i32
      %dma_start3A_62 = tpu.memref_slice %arg5[%add3A_19, %dma_start3A_61] : memref<20480x16xf32, #tpu.memory_space<hbm>> -> memref<640x16xf32, #tpu.memory_space<hbm>>
      tpu.enqueue_dma source(%dma_start3A_62 : memref<640x16xf32, #tpu.memory_space<hbm>>) target(%arg11 : memref<640x16xf32, #tpu.memory_space<vmem>>) target_semaphore(%run_scoped3A : memref<!tpu.dma_semaphore, #tpu.memory_space<semaphore_mem>>)
      %dma_wait3A = arith.constant 0 : i32
      %dma_wait3A_63 = tpu.memref_slice %arg5[%add3A_19, %dma_wait3A] : memref<20480x16xf32, #tpu.memory_space<hbm>> -> memref<640x16xf32, #tpu.memory_space<hbm>>
      %dma_wait3A_64 = arith.constant 0 : i32
      %dma_wait3A_65 = tpu.memref_slice %arg5[%add3A_19, %dma_wait3A_64] : memref<20480x16xf32, #tpu.memory_space<hbm>> -> memref<640x16xf32, #tpu.memory_space<hbm>>
      tpu.wait_dma2 semaphore(%run_scoped3A : memref<!tpu.dma_semaphore, #tpu.memory_space<semaphore_mem>>) src(%dma_wait3A_65 : memref<640x16xf32, #tpu.memory_space<hbm>>) dst(%arg11 : memref<640x16xf32, #tpu.memory_space<vmem>>)
      tpu.yield
    }) : () -> ()
    %broadcast_in_dim3A_20 = arith.constant 0.000000e+00 : f32
    %broadcast_in_dim3A_21 = vector.broadcast %broadcast_in_dim3A_20 : f32 to vector<16xf32>
    %scan3A_22 = arith.constant 0 : i32
    %scan3A_23 = arith.constant 640 : i32
    %scan3A_24 = arith.addi %scan3A_22, %scan3A_23 : i32
    %scan3A_25 = arith.constant 1 : i32
    %scan3A_26 = scf.for %scan3A_60 = %scan3A_22 to %scan3A_24 step %scan3A_25 iter_args(%scan3A_61 = %broadcast_in_dim3A_21) -> (vector<16xf32>)  : i32 {
      %get3A = arith.index_cast %scan3A_60 : i32 to index
      %get3A_62 = arith.constant 0 : index
      %get3A_63 = tpu.vector_load %arg11[%get3A, %get3A_62] {strides = array<i32>} : memref<640x16xf32, #tpu.memory_space<vmem>>, vector<16xf32>,
      %add3A_64 = arith.addf %scan3A_61, %get3A_63 : vector<16xf32>
      scf.yield %add3A_64 : vector<16xf32>
    }
    %scan3A_27 = arith.constant 640 : i32
    %reduce_sum3A = arith.constant true
    %reduce_sum3A_28 = vector.broadcast %reduce_sum3A : i1 to vector<16xi1>
    %reduce_sum3A_29 = tpu.scan <sum>, %scan3A_26 masked %reduce_sum3A_28 : vector<16xf32>, vector<16xi1> -> vector<16xf32>
    %reduce_sum3A_30 = vector.extract %reduce_sum3A_29[15] : f32 from vector<16xf32>
    %convert_element_type3A = arith.fptosi %reduce_sum3A_30 : f32 to i32
    %add3A_31 = arith.constant 128 : i32
    %add3A_32 = arith.addi %convert_element_type3A, %add3A_31 : i32
    %sub3A = arith.constant 1 : i32
    %sub3A_33 = arith.subi %add3A_32, %sub3A : i32
    %jit3A = arith.constant 128 : i32
    %div3A = arith.divsi %sub3A_33, %jit3A : i32
    %sign3A = arith.constant 0 : i32
    %sign3A_34 = arith.cmpi sgt, %sub3A_33, %sign3A : i32
    %sign3A_35 = arith.extui %sign3A_34 : i1 to i32
    %sign3A_36 = arith.constant 0 : i32
    %sign3A_37 = arith.cmpi slt, %sub3A_33, %sign3A_36 : i32
    %sign3A_38 = arith.extui %sign3A_37 : i1 to i32
    %sign3A_39 = arith.subi %sign3A_35, %sign3A_38 : i32
    %sign3A_40 = arith.constant 0 : i32
    %sign3A_41 = arith.cmpi sgt, %jit3A, %sign3A_40 : i32
    %sign3A_42 = arith.extui %sign3A_41 : i1 to i32
    %sign3A_43 = arith.constant 0 : i32
    %sign3A_44 = arith.cmpi slt, %jit3A, %sign3A_43 : i32
    %sign3A_45 = arith.extui %sign3A_44 : i1 to i32
    %sign3A_46 = arith.subi %sign3A_42, %sign3A_45 : i32
    %ne3A = arith.cmpi ne, %sign3A_39, %sign3A_46 : i32
    %rem3A = arith.remsi %sub3A_33, %jit3A : i32
    %ne3A_47 = arith.constant 0 : i32
    %ne3A_48 = arith.cmpi ne, %rem3A, %ne3A_47 : i32
    %and3A = arith.andi %ne3A, %ne3A_48 : i1
    %sub3A_49 = arith.constant 1 : i32
    %sub3A_50 = arith.subi %div3A, %sub3A_49 : i32
    %select_n3A = arith.select %and3A, %sub3A_50, %div3A : i32
    %scan3A_51 = arith.constant 0 : i32
    %scan3A_52 = arith.constant 0 : i32
    %scan3A_53 = arith.constant 1264 : i32
    %scan3A_54 = arith.addi %scan3A_52, %scan3A_53 : i32
    %scan3A_55 = arith.constant 1 : i32
    scf.for %scan3A_60 = %scan3A_52 to %scan3A_54 step %scan3A_55  : i32 {
      %lt3A = arith.cmpi slt, %scan3A_60, %select_n3A : i32
      %convert_element_type3A_61 = arith.extui %lt3A : i1 to i32
      %cond3A = arith.constant 0 : i32
      %cond3A_62 = arith.cmpi ne, %convert_element_type3A_61, %cond3A : i32
      scf.if %cond3A_62 {
        %mul3A_63 = arith.constant 128 : i32
        %mul3A_64 = arith.muli %scan3A_60, %mul3A_63 : i32
        %add3A_65 = arith.addi %mul3A_4, %mul3A_64 : i32
        %run_scoped3A = arith.constant 0 : i32
        "tpu.region"() ({
          %run_scoped3A_83 = tpu.sem_alloc : memref<!tpu.dma_semaphore, #tpu.memory_space<semaphore_mem>>
          %dma_start3A_84 = arith.constant 0 : i32
          %dma_start3A_85 = tpu.memref_slice %arg7[%run_scoped3A, %dma_start3A_84] : memref<1x128xi32, #tpu.memory_space<vmem>> -> memref<1x128xi32, #tpu.memory_space<vmem>>
          %dma_start3A_86 = tpu.memref_squeeze %dma_start3A_85 : memref<1x128xi32, #tpu.memory_space<vmem>> -> memref<128xi32, #tpu.memory_space<vmem>>
          %dma_start3A_87 = tpu.memref_slice %arg3[%add3A_65] : memref<5177344xi32, #tpu.memory_space<hbm>> -> memref<128xi32, #tpu.memory_space<hbm>>
          %dma_start3A_88 = arith.constant 0 : i32
          %dma_start3A_89 = tpu.memref_slice %arg7[%run_scoped3A, %dma_start3A_88] : memref<1x128xi32, #tpu.memory_space<vmem>> -> memref<1x128xi32, #tpu.memory_space<vmem>>
          %dma_start3A_90 = tpu.memref_squeeze %dma_start3A_89 : memref<1x128xi32, #tpu.memory_space<vmem>> -> memref<128xi32, #tpu.memory_space<vmem>>
          %dma_start3A_91 = tpu.memref_slice %arg3[%add3A_65] : memref<5177344xi32, #tpu.memory_space<hbm>> -> memref<128xi32, #tpu.memory_space<hbm>>
          tpu.enqueue_dma source(%dma_start3A_91 : memref<128xi32, #tpu.memory_space<hbm>>) target(%dma_start3A_90 : memref<128xi32, #tpu.memory_space<vmem>>) target_semaphore(%run_scoped3A_83 : memref<!tpu.dma_semaphore, #tpu.memory_space<semaphore_mem>>)
          %dma_wait3A_92 = arith.constant 0 : i32
          %dma_wait3A_93 = tpu.memref_slice %arg7[%run_scoped3A, %dma_wait3A_92] : memref<1x128xi32, #tpu.memory_space<vmem>> -> memref<1x128xi32, #tpu.memory_space<vmem>>
          %dma_wait3A_94 = tpu.memref_squeeze %dma_wait3A_93 : memref<1x128xi32, #tpu.memory_space<vmem>> -> memref<128xi32, #tpu.memory_space<vmem>>
          %dma_wait3A_95 = tpu.memref_slice %arg3[%add3A_65] : memref<5177344xi32, #tpu.memory_space<hbm>> -> memref<128xi32, #tpu.memory_space<hbm>>
          %dma_wait3A_96 = arith.constant 0 : i32
          %dma_wait3A_97 = tpu.memref_slice %arg7[%run_scoped3A, %dma_wait3A_96] : memref<1x128xi32, #tpu.memory_space<vmem>> -> memref<1x128xi32, #tpu.memory_space<vmem>>
          %dma_wait3A_98 = tpu.memref_squeeze %dma_wait3A_97 : memref<1x128xi32, #tpu.memory_space<vmem>> -> memref<128xi32, #tpu.memory_space<vmem>>
          %dma_wait3A_99 = tpu.memref_slice %arg3[%add3A_65] : memref<5177344xi32, #tpu.memory_space<hbm>> -> memref<128xi32, #tpu.memory_space<hbm>>
          tpu.wait_dma2 semaphore(%run_scoped3A_83 : memref<!tpu.dma_semaphore, #tpu.memory_space<semaphore_mem>>) src(%dma_wait3A_99 : memref<128xi32, #tpu.memory_space<hbm>>) dst(%dma_wait3A_98 : memref<128xi32, #tpu.memory_space<vmem>>)
          tpu.yield
        }) : () -> ()
        %mul3A_66 = arith.constant 128 : i32
        %mul3A_67 = arith.muli %scan3A_60, %mul3A_66 : i32
        %add3A_68 = arith.addi %mul3A_4, %mul3A_67 : i32
        %run_scoped3A_69 = arith.constant 0 : i32
        "tpu.region"() ({
          %run_scoped3A_83 = tpu.sem_alloc : memref<!tpu.dma_semaphore, #tpu.memory_space<semaphore_mem>>
          %dma_start3A_84 = arith.constant 0 : i32
          %dma_start3A_85 = tpu.memref_slice %arg8[%run_scoped3A_69, %dma_start3A_84] : memref<1x128xi32, #tpu.memory_space<vmem>> -> memref<1x128xi32, #tpu.memory_space<vmem>>
          %dma_start3A_86 = tpu.memref_squeeze %dma_start3A_85 : memref<1x128xi32, #tpu.memory_space<vmem>> -> memref<128xi32, #tpu.memory_space<vmem>>
          %dma_start3A_87 = tpu.memref_slice %arg4[%add3A_68] : memref<5177344xi32, #tpu.memory_space<hbm>> -> memref<128xi32, #tpu.memory_space<hbm>>
          %dma_start3A_88 = arith.constant 0 : i32
          %dma_start3A_89 = tpu.memref_slice %arg8[%run_scoped3A_69, %dma_start3A_88] : memref<1x128xi32, #tpu.memory_space<vmem>> -> memref<1x128xi32, #tpu.memory_space<vmem>>
          %dma_start3A_90 = tpu.memref_squeeze %dma_start3A_89 : memref<1x128xi32, #tpu.memory_space<vmem>> -> memref<128xi32, #tpu.memory_space<vmem>>
          %dma_start3A_91 = tpu.memref_slice %arg4[%add3A_68] : memref<5177344xi32, #tpu.memory_space<hbm>> -> memref<128xi32, #tpu.memory_space<hbm>>
          tpu.enqueue_dma source(%dma_start3A_91 : memref<128xi32, #tpu.memory_space<hbm>>) target(%dma_start3A_90 : memref<128xi32, #tpu.memory_space<vmem>>) target_semaphore(%run_scoped3A_83 : memref<!tpu.dma_semaphore, #tpu.memory_space<semaphore_mem>>)
          %dma_wait3A_92 = arith.constant 0 : i32
          %dma_wait3A_93 = tpu.memref_slice %arg8[%run_scoped3A_69, %dma_wait3A_92] : memref<1x128xi32, #tpu.memory_space<vmem>> -> memref<1x128xi32, #tpu.memory_space<vmem>>
          %dma_wait3A_94 = tpu.memref_squeeze %dma_wait3A_93 : memref<1x128xi32, #tpu.memory_space<vmem>> -> memref<128xi32, #tpu.memory_space<vmem>>
          %dma_wait3A_95 = tpu.memref_slice %arg4[%add3A_68] : memref<5177344xi32, #tpu.memory_space<hbm>> -> memref<128xi32, #tpu.memory_space<hbm>>
          %dma_wait3A_96 = arith.constant 0 : i32
          %dma_wait3A_97 = tpu.memref_slice %arg8[%run_scoped3A_69, %dma_wait3A_96] : memref<1x128xi32, #tpu.memory_space<vmem>> -> memref<1x128xi32, #tpu.memory_space<vmem>>
          %dma_wait3A_98 = tpu.memref_squeeze %dma_wait3A_97 : memref<1x128xi32, #tpu.memory_space<vmem>> -> memref<128xi32, #tpu.memory_space<vmem>>
          %dma_wait3A_99 = tpu.memref_slice %arg4[%add3A_68] : memref<5177344xi32, #tpu.memory_space<hbm>> -> memref<128xi32, #tpu.memory_space<hbm>>
          tpu.wait_dma2 semaphore(%run_scoped3A_83 : memref<!tpu.dma_semaphore, #tpu.memory_space<semaphore_mem>>) src(%dma_wait3A_99 : memref<128xi32, #tpu.memory_space<hbm>>) dst(%dma_wait3A_98 : memref<128xi32, #tpu.memory_space<vmem>>)
          tpu.yield
        }) : () -> ()
        %dma_start3A = arith.constant 0 : i32
        %dma_start3A_70 = arith.constant 0 : i32
        %dma_start3A_71 = tpu.memref_slice %arg7[%dma_start3A, %dma_start3A_70] : memref<1x128xi32, #tpu.memory_space<vmem>> -> memref<1x128xi32, #tpu.memory_space<vmem>>
        %dma_start3A_72 = tpu.memref_squeeze %dma_start3A_71 : memref<1x128xi32, #tpu.memory_space<vmem>> -> memref<128xi32, #tpu.memory_space<vmem>>
        %dma_start3A_73 = arith.constant 0 : i32
        %dma_start3A_74 = arith.constant 0 : i32
        %dma_start3A_75 = tpu.memref_slice %arg2[%dma_start3A_73, %dma_start3A_74] : memref<10240x128xf32, #tpu.memory_space<hbm>> -> memref<10240x128xf32, #tpu.memory_space<hbm>>
        tpu.enqueue_indirect_dma source(%dma_start3A_75 : memref<10240x128xf32, #tpu.memory_space<hbm>>) target(%arg9 : memref<128x128xf32, #tpu.memory_space<vmem>>) offsets(%dma_start3A_72 : memref<128xi32, #tpu.memory_space<vmem>>) semaphore(%arg13 : memref<!tpu.dma_semaphore, #tpu.memory_space<semaphore_mem>>)
        %dma_wait3A = arith.constant 0 : i32
        %dma_wait3A_76 = arith.constant 0 : i32
        %dma_wait3A_77 = tpu.memref_slice %arg7[%dma_wait3A, %dma_wait3A_76] : memref<1x128xi32, #tpu.memory_space<vmem>> -> memref<1x128xi32, #tpu.memory_space<vmem>>
        %dma_wait3A_78 = tpu.memref_squeeze %dma_wait3A_77 : memref<1x128xi32, #tpu.memory_space<vmem>> -> memref<128xi32, #tpu.memory_space<vmem>>
        %dma_wait3A_79 = arith.constant 0 : i32
        %dma_wait3A_80 = arith.constant 0 : i32
        %dma_wait3A_81 = tpu.memref_slice %arg2[%dma_wait3A_79, %dma_wait3A_80] : memref<10240x128xf32, #tpu.memory_space<hbm>> -> memref<10240x128xf32, #tpu.memory_space<hbm>>
        tpu.wait_indirect_dma semaphore(%arg13 : memref<!tpu.dma_semaphore, #tpu.memory_space<semaphore_mem>>) src(%dma_wait3A_81 : memref<10240x128xf32, #tpu.memory_space<hbm>>) dst(%arg9 : memref<128x128xf32, #tpu.memory_space<vmem>>)
        %run_scoped3A_82 = arith.constant 0 : i32
        "tpu.region"() ({
          %run_scoped3A_83 = tpu.sem_alloc : memref<!tpu.dma_semaphore, #tpu.memory_space<semaphore_mem>>
          %dma_start3A_84 = arith.constant 0 : i32
          %dma_start3A_85 = tpu.memref_slice %arg8[%run_scoped3A_82, %dma_start3A_84] : memref<1x128xi32, #tpu.memory_space<vmem>> -> memref<1x128xi32, #tpu.memory_space<vmem>>
          %dma_start3A_86 = tpu.memref_squeeze %dma_start3A_85 : memref<1x128xi32, #tpu.memory_space<vmem>> -> memref<128xi32, #tpu.memory_space<vmem>>
          %dma_start3A_87 = arith.constant 0 : i32
          %dma_start3A_88 = arith.constant 0 : i32
          %dma_start3A_89 = tpu.memref_slice %arg12[%dma_start3A_87, %dma_start3A_88] : memref<648x128xf32, #tpu.memory_space<vmem_shared>> -> memref<648x128xf32, #tpu.memory_space<vmem_shared>>
          tpu.enqueue_indirect_dma source(%arg9 : memref<128x128xf32, #tpu.memory_space<vmem>>) target(%dma_start3A_89 : memref<648x128xf32, #tpu.memory_space<vmem_shared>>) offsets(%dma_start3A_86 : memref<128xi32, #tpu.memory_space<vmem>>) semaphore(%run_scoped3A_83 : memref<!tpu.dma_semaphore, #tpu.memory_space<semaphore_mem>>) {add = true}
          %dma_wait3A_90 = arith.constant 0 : i32
          %dma_wait3A_91 = tpu.memref_slice %arg8[%run_scoped3A_82, %dma_wait3A_90] : memref<1x128xi32, #tpu.memory_space<vmem>> -> memref<1x128xi32, #tpu.memory_space<vmem>>
          %dma_wait3A_92 = tpu.memref_squeeze %dma_wait3A_91 : memref<1x128xi32, #tpu.memory_space<vmem>> -> memref<128xi32, #tpu.memory_space<vmem>>
          %dma_wait3A_93 = arith.constant 0 : i32
          %dma_wait3A_94 = arith.constant 0 : i32
          %dma_wait3A_95 = tpu.memref_slice %arg12[%dma_wait3A_93, %dma_wait3A_94] : memref<648x128xf32, #tpu.memory_space<vmem_shared>> -> memref<648x128xf32, #tpu.memory_space<vmem_shared>>
          tpu.wait_indirect_dma semaphore(%run_scoped3A_83 : memref<!tpu.dma_semaphore, #tpu.memory_space<semaphore_mem>>) src(%arg9 : memref<128x128xf32, #tpu.memory_space<vmem>>) dst(%dma_wait3A_95 : memref<648x128xf32, #tpu.memory_space<vmem_shared>>)
          tpu.yield
        }) : () -> ()
      } else {
      }
    }
    %scan3A_56 = arith.constant 1264 : i32
    %mul3A_57 = arith.constant 10240 : i32
    %mul3A_58 = arith.muli %arg0, %mul3A_57 : i32
    %add3A_59 = arith.addi %mul3A_58, %mul3A_2 : i32
    "tpu.region"() ({
      %run_scoped3A = tpu.sem_alloc : memref<!tpu.dma_semaphore, #tpu.memory_space<semaphore_mem>>
      %dma_start3A = arith.constant 0 : i32
      %dma_start3A_60 = tpu.memref_slice %arg6[%add3A_59, %dma_start3A] : memref<20480x128xf32, #tpu.memory_space<hbm>> -> memref<640x128xf32, #tpu.memory_space<hbm>>
      %dma_start3A_61 = arith.constant 0 : i32
      %dma_start3A_62 = arith.constant 0 : i32
      %dma_start3A_63 = tpu.memref_slice %arg12[%dma_start3A_61, %dma_start3A_62] : memref<648x128xf32, #tpu.memory_space<vmem_shared>> -> memref<640x128xf32, #tpu.memory_space<vmem_shared>>
      tpu.enqueue_dma source(%dma_start3A_63 : memref<640x128xf32, #tpu.memory_space<vmem_shared>>) target(%dma_start3A_60 : memref<640x128xf32, #tpu.memory_space<hbm>>) target_semaphore(%run_scoped3A : memref<!tpu.dma_semaphore, #tpu.memory_space<semaphore_mem>>)
      %dma_wait3A = arith.constant 0 : i32
      %dma_wait3A_64 = tpu.memref_slice %arg6[%add3A_59, %dma_wait3A] : memref<20480x128xf32, #tpu.memory_space<hbm>> -> memref<640x128xf32, #tpu.memory_space<hbm>>
      %dma_wait3A_65 = arith.constant 0 : i32
      %dma_wait3A_66 = arith.constant 0 : i32
      %dma_wait3A_67 = tpu.memref_slice %arg12[%dma_wait3A_65, %dma_wait3A_66] : memref<648x128xf32, #tpu.memory_space<vmem_shared>> -> memref<640x128xf32, #tpu.memory_space<vmem_shared>>
      tpu.wait_dma2 semaphore(%run_scoped3A : memref<!tpu.dma_semaphore, #tpu.memory_space<semaphore_mem>>) src(%dma_wait3A_67 : memref<640x128xf32, #tpu.memory_space<vmem_shared>>) dst(%dma_wait3A_64 : memref<640x128xf32, #tpu.memory_space<hbm>>)
      tpu.yield
    }) : () -> ()
    return
  }
}

module attributes {stable_mosaic.version = 14 : i64} {
  func.func @body(%arg0: i32, %arg1: memref<1024x128xf32, #tpu.memory_space<vmem>>, %arg2: memref<128x128xf32, #tpu.memory_space<vmem>>, %arg3: memref<1024x16xf32, #tpu.memory_space<vmem>>, %arg4: memref<1024x16xf32, #tpu.memory_space<vmem>>, %arg5: memref<1024x128xf32, #tpu.memory_space<vmem>>) attributes {dimension_semantics = [#tpu.dimension_semantics<arbitrary>], iteration_bounds = array<i64: 10>, scalar_prefetch = 0 : i64, scratch_operands = 0 : i64, tpu.core_type = #tpu.core_type<tc>, window_params = [{transform_indices = @transform_0, window_bounds = array<i64: 1024, 128>}, {pipeline_mode = #tpu.pipeline_mode<synchronous>, transform_indices = @transform_1, window_bounds = array<i64: 128, 128>}, {transform_indices = @transform_2, window_bounds = array<i64: 1024, 16>}, {transform_indices = @transform_3, window_bounds = array<i64: 1024, 16>}, {transform_indices = @transform_4, window_bounds = array<i64: 1024, 128>}]} {
    %get3A = arith.constant 0 : index
    %get3A_0 = arith.constant 0 : index
    %get3A_1 = vector.load %arg3[%get3A, %get3A_0] : memref<1024x16xf32, #tpu.memory_space<vmem>>, vector<1024x1xf32>
    %get3A_2 = arith.constant 0 : index
    %get3A_3 = arith.constant 0 : index
    %get3A_4 = vector.load %arg4[%get3A_2, %get3A_3] : memref<1024x16xf32, #tpu.memory_space<vmem>>, vector<1024x1xf32>
    %add3A = arith.addf %get3A_1, %get3A_4 : vector<1024x1xf32>
    %add3A_5 = arith.constant 1.000000e+00 : f32
    %add3A_6 = vector.broadcast %add3A_5 : f32 to vector<1024x1xf32>
    %add3A_7 = arith.addf %add3A, %add3A_6 : vector<1024x1xf32>
    %rsqrt3A = math.rsqrt %add3A_7 : vector<1024x1xf32>
    %get3A_8 = arith.constant 0 : index
    %get3A_9 = arith.constant 0 : index
    %get3A_10 = vector.load %arg1[%get3A_8, %get3A_9] : memref<1024x128xf32, #tpu.memory_space<vmem>>, vector<1024x128xf32>
    %get3A_11 = arith.constant 0 : index
    %get3A_12 = arith.constant 0 : index
    %get3A_13 = vector.load %arg2[%get3A_11, %get3A_12] : memref<128x128xf32, #tpu.memory_space<vmem>>, vector<128x128xf32>
    %dot_general3A = arith.constant dense<0.000000e+00> : vector<1024x128xf32>
    %dot_general3A_14 = tpu.matmul %get3A_10, %get3A_13, %dot_general3A {dimension_numbers = #tpu.dot_dimension_numbers<[1], [0], [0], [1], [0, 0, 1, 1], [], []>, transpose_lhs_hint = false} : vector<1024x128xf32>, vector<128x128xf32>, vector<1024x128xf32> -> vector<1024x128xf32>
    %mul3A = vector.broadcast %rsqrt3A : vector<1024x1xf32> to vector<1024x128xf32>
    %mul3A_15 = arith.mulf %dot_general3A_14, %mul3A : vector<1024x128xf32>
    %swap3A = arith.constant 0 : index
    %swap3A_16 = arith.constant 0 : index
    %swap3A_17 = vector.load %arg5[%swap3A, %swap3A_16] : memref<1024x128xf32, #tpu.memory_space<vmem>>, vector<1024x128xf32>
    tpu.vector_store %arg5[%swap3A, %swap3A_16], %mul3A_15 {strides = array<i32>} : memref<1024x128xf32, #tpu.memory_space<vmem>>, vector<1024x128xf32>,
    return
  }
  func.func @transform_0(%arg0: i32) -> (i32, i32) {
    %c0_i32 = arith.constant 0 : i32
    %c0_i32_0 = arith.constant 0 : i32
    return %arg0, %c0_i32 : i32, i32
  }
  func.func @transform_1(%arg0: i32) -> (i32, i32) {
    %c0_i32 = arith.constant 0 : i32
    %c0_i32_0 = arith.constant 0 : i32
    %c0_i32_1 = arith.constant 0 : i32
    return %c0_i32, %c0_i32_0 : i32, i32
  }
  func.func @transform_2(%arg0: i32) -> (i32, i32) {
    %c0_i32 = arith.constant 0 : i32
    %c0_i32_0 = arith.constant 0 : i32
    return %arg0, %c0_i32 : i32, i32
  }
  func.func @transform_3(%arg0: i32) -> (i32, i32) {
    %c0_i32 = arith.constant 0 : i32
    %c0_i32_0 = arith.constant 0 : i32
    return %arg0, %c0_i32 : i32, i32
  }
  func.func @transform_4(%arg0: i32) -> (i32, i32) {
    %c0_i32 = arith.constant 0 : i32
    %c0_i32_0 = arith.constant 0 : i32
    return %arg0, %c0_i32 : i32, i32
  }
}

module attributes {stable_mosaic.version = 14 : i64} {
  func.func @body(%arg0: i32, %arg1: memref<1024x128xf32, #tpu.memory_space<vmem>>, %arg2: memref<1024x128xf32, #tpu.memory_space<vmem>>, %arg3: memref<1024x128xf32, #tpu.memory_space<vmem>>, %arg4: memref<1024x16xf32, #tpu.memory_space<vmem>>, %arg5: memref<1024x16xf32, #tpu.memory_space<vmem>>, %arg6: memref<1x128xf32, #tpu.memory_space<vmem>>, %arg7: memref<128x128xf32, #tpu.memory_space<vmem>>, %arg8: memref<1024x128xf32, #tpu.memory_space<vmem>>) attributes {dimension_semantics = [#tpu.dimension_semantics<arbitrary>], iteration_bounds = array<i64: 10>, scalar_prefetch = 0 : i64, scratch_operands = 0 : i64, tpu.core_type = #tpu.core_type<tc>, window_params = [{transform_indices = @transform_0, window_bounds = array<i64: 1024, 128>}, {transform_indices = @transform_1, window_bounds = array<i64: 1024, 128>}, {transform_indices = @transform_2, window_bounds = array<i64: 1024, 128>}, {transform_indices = @transform_3, window_bounds = array<i64: 1024, 16>}, {transform_indices = @transform_4, window_bounds = array<i64: 1024, 16>}, {pipeline_mode = #tpu.pipeline_mode<synchronous>, transform_indices = @transform_5, window_bounds = array<i64: 1, 128>}, {pipeline_mode = #tpu.pipeline_mode<synchronous>, transform_indices = @transform_6, window_bounds = array<i64: 128, 128>}, {transform_indices = @transform_7, window_bounds = array<i64: 1024, 128>}]} {
    %get3A = arith.constant 0 : index
    %get3A_0 = arith.constant 0 : index
    %get3A_1 = vector.load %arg4[%get3A, %get3A_0] : memref<1024x16xf32, #tpu.memory_space<vmem>>, vector<1024x1xf32>
    %get3A_2 = arith.constant 0 : index
    %get3A_3 = arith.constant 0 : index
    %get3A_4 = vector.load %arg5[%get3A_2, %get3A_3] : memref<1024x16xf32, #tpu.memory_space<vmem>>, vector<1024x1xf32>
    %add3A = arith.addf %get3A_1, %get3A_4 : vector<1024x1xf32>
    %add3A_5 = arith.constant 1.000000e+00 : f32
    %add3A_6 = vector.broadcast %add3A_5 : f32 to vector<1024x1xf32>
    %add3A_7 = arith.addf %add3A, %add3A_6 : vector<1024x1xf32>
    %rsqrt3A = math.rsqrt %add3A_7 : vector<1024x1xf32>
    %get3A_8 = arith.constant 0 : index
    %get3A_9 = arith.constant 0 : index
    %get3A_10 = vector.load %arg1[%get3A_8, %get3A_9] : memref<1024x128xf32, #tpu.memory_space<vmem>>, vector<1024x128xf32>
    %get3A_11 = arith.constant 0 : index
    %get3A_12 = arith.constant 0 : index
    %get3A_13 = vector.load %arg2[%get3A_11, %get3A_12] : memref<1024x128xf32, #tpu.memory_space<vmem>>, vector<1024x128xf32>
    %add3A_14 = arith.addf %get3A_10, %get3A_13 : vector<1024x128xf32>
    %get3A_15 = arith.constant 0 : index
    %get3A_16 = arith.constant 0 : index
    %get3A_17 = vector.load %arg3[%get3A_15, %get3A_16] : memref<1024x128xf32, #tpu.memory_space<vmem>>, vector<1024x128xf32>
    %add3A_18 = arith.addf %add3A_14, %get3A_17 : vector<1024x128xf32>
    %mul3A = vector.broadcast %rsqrt3A : vector<1024x1xf32> to vector<1024x128xf32>
    %mul3A_19 = arith.mulf %add3A_18, %mul3A : vector<1024x128xf32>
    %get3A_20 = arith.constant 0 : index
    %get3A_21 = arith.constant 0 : index
    %get3A_22 = vector.load %arg6[%get3A_20, %get3A_21] : memref<1x128xf32, #tpu.memory_space<vmem>>, vector<1x128xf32>
    %add3A_23 = vector.broadcast %get3A_22 : vector<1x128xf32> to vector<1024x128xf32>
    %add3A_24 = arith.addf %mul3A_19, %add3A_23 : vector<1024x128xf32>
    %max3A = arith.constant 0.000000e+00 : f32
    %max3A_25 = vector.broadcast %max3A : f32 to vector<1024x128xf32>
    %max3A_26 = arith.maximumf %add3A_24, %max3A_25 : vector<1024x128xf32>
    %get3A_27 = arith.constant 0 : index
    %get3A_28 = arith.constant 0 : index
    %get3A_29 = vector.load %arg7[%get3A_27, %get3A_28] : memref<128x128xf32, #tpu.memory_space<vmem>>, vector<128x128xf32>
    %dot_general3A = arith.constant dense<0.000000e+00> : vector<1024x128xf32>
    %dot_general3A_30 = tpu.matmul %max3A_26, %get3A_29, %dot_general3A {dimension_numbers = #tpu.dot_dimension_numbers<[1], [0], [0], [1], [0, 0, 1, 1], [], []>, transpose_lhs_hint = false} : vector<1024x128xf32>, vector<128x128xf32>, vector<1024x128xf32> -> vector<1024x128xf32>
    %mul3A_31 = vector.broadcast %rsqrt3A : vector<1024x1xf32> to vector<1024x128xf32>
    %mul3A_32 = arith.mulf %dot_general3A_30, %mul3A_31 : vector<1024x128xf32>
    %swap3A = arith.constant 0 : index
    %swap3A_33 = arith.constant 0 : index
    %swap3A_34 = vector.load %arg8[%swap3A, %swap3A_33] : memref<1024x128xf32, #tpu.memory_space<vmem>>, vector<1024x128xf32>
    tpu.vector_store %arg8[%swap3A, %swap3A_33], %mul3A_32 {strides = array<i32>} : memref<1024x128xf32, #tpu.memory_space<vmem>>, vector<1024x128xf32>,
    return
  }
  func.func @transform_0(%arg0: i32) -> (i32, i32) {
    %c0_i32 = arith.constant 0 : i32
    %c0_i32_0 = arith.constant 0 : i32
    return %arg0, %c0_i32 : i32, i32
  }
  func.func @transform_1(%arg0: i32) -> (i32, i32) {
    %c0_i32 = arith.constant 0 : i32
    %c0_i32_0 = arith.constant 0 : i32
    return %arg0, %c0_i32 : i32, i32
  }
  func.func @transform_2(%arg0: i32) -> (i32, i32) {
    %c0_i32 = arith.constant 0 : i32
    %c0_i32_0 = arith.constant 0 : i32
    return %arg0, %c0_i32 : i32, i32
  }
  func.func @transform_3(%arg0: i32) -> (i32, i32) {
    %c0_i32 = arith.constant 0 : i32
    %c0_i32_0 = arith.constant 0 : i32
    return %arg0, %c0_i32 : i32, i32
  }
  func.func @transform_4(%arg0: i32) -> (i32, i32) {
    %c0_i32 = arith.constant 0 : i32
    %c0_i32_0 = arith.constant 0 : i32
    return %arg0, %c0_i32 : i32, i32
  }
  func.func @transform_5(%arg0: i32) -> (i32, i32) {
    %c0_i32 = arith.constant 0 : i32
    %c0_i32_0 = arith.constant 0 : i32
    %c0_i32_1 = arith.constant 0 : i32
    return %c0_i32, %c0_i32_0 : i32, i32
  }
  func.func @transform_6(%arg0: i32) -> (i32, i32) {
    %c0_i32 = arith.constant 0 : i32
    %c0_i32_0 = arith.constant 0 : i32
    %c0_i32_1 = arith.constant 0 : i32
    return %c0_i32, %c0_i32_0 : i32, i32
  }
  func.func @transform_7(%arg0: i32) -> (i32, i32) {
    %c0_i32 = arith.constant 0 : i32
    %c0_i32_0 = arith.constant 0 : i32
    return %arg0, %c0_i32 : i32, i32
  }
}

module attributes {stable_mosaic.version = 14 : i64} {
  func.func @body(%arg0: i32, %arg1: memref<1024x128xf32, #tpu.memory_space<vmem>>, %arg2: memref<1024x128xf32, #tpu.memory_space<vmem>>, %arg3: memref<1024x128xf32, #tpu.memory_space<vmem>>, %arg4: memref<1024x16xf32, #tpu.memory_space<vmem>>, %arg5: memref<1024x16xf32, #tpu.memory_space<vmem>>, %arg6: memref<1x128xf32, #tpu.memory_space<vmem>>, %arg7: memref<1x1x1024xf32, #tpu.memory_space<vmem>>, %arg8: memref<128x128xf32, #tpu.memory_space<vmem>>, %arg9: memref<1x128xf32, #tpu.memory_space<vmem>>, %arg10: memref<64x128xf32, #tpu.memory_space<vmem>>, %arg11: memref<64x128xf32, #tpu.memory_space<vmem>>, %arg12: memref<64x128xf32, #tpu.memory_space<vmem>>) attributes {dimension_semantics = [#tpu.dimension_semantics<arbitrary>], iteration_bounds = array<i64: 10>, scalar_prefetch = 0 : i64, scratch_operands = 2 : i64, tpu.core_type = #tpu.core_type<tc>, window_params = [{transform_indices = @transform_0, window_bounds = array<i64: 1024, 128>}, {transform_indices = @transform_1, window_bounds = array<i64: 1024, 128>}, {transform_indices = @transform_2, window_bounds = array<i64: 1024, 128>}, {transform_indices = @transform_3, window_bounds = array<i64: 1024, 16>}, {transform_indices = @transform_4, window_bounds = array<i64: 1024, 16>}, {pipeline_mode = #tpu.pipeline_mode<synchronous>, transform_indices = @transform_5, window_bounds = array<i64: 1, 128>}, {transform_indices = @transform_6, window_bounds = array<i64: 1, 1, 1024>}, {pipeline_mode = #tpu.pipeline_mode<synchronous>, transform_indices = @transform_7, window_bounds = array<i64: 128, 128>}, {pipeline_mode = #tpu.pipeline_mode<synchronous>, transform_indices = @transform_8, window_bounds = array<i64: 1, 128>}, {pipeline_mode = #tpu.pipeline_mode<synchronous>, transform_indices = @transform_9, window_bounds = array<i64: 64, 128>}]} {
    %eq3A = arith.constant 0 : i32
    %eq3A_0 = arith.cmpi eq, %arg0, %eq3A : i32
    %convert_element_type3A = arith.extui %eq3A_0 : i1 to i32
    %cond3A = arith.constant 0 : i32
    %cond3A_1 = arith.cmpi ne, %convert_element_type3A, %cond3A : i32
    scf.if %cond3A_1 {
      %broadcast_in_dim3A_61 = arith.constant 0.000000e+00 : f32
      %broadcast_in_dim3A_62 = vector.broadcast %broadcast_in_dim3A_61 : f32 to vector<64x128xf32>
      %swap3A_63 = arith.constant 0 : index
      %swap3A_64 = arith.constant 0 : index
      %swap3A_65 = vector.load %arg11[%swap3A_63, %swap3A_64] : memref<64x128xf32, #tpu.memory_space<vmem>>, vector<64x128xf32>
      tpu.vector_store %arg11[%swap3A_63, %swap3A_64], %broadcast_in_dim3A_62 {strides = array<i32>} : memref<64x128xf32, #tpu.memory_space<vmem>>, vector<64x128xf32>,
      %broadcast_in_dim3A_66 = arith.constant 0.000000e+00 : f32
      %broadcast_in_dim3A_67 = vector.broadcast %broadcast_in_dim3A_66 : f32 to vector<64x128xf32>
      %swap3A_68 = arith.constant 0 : index
      %swap3A_69 = arith.constant 0 : index
      %swap3A_70 = vector.load %arg12[%swap3A_68, %swap3A_69] : memref<64x128xf32, #tpu.memory_space<vmem>>, vector<64x128xf32>
      tpu.vector_store %arg12[%swap3A_68, %swap3A_69], %broadcast_in_dim3A_67 {strides = array<i32>} : memref<64x128xf32, #tpu.memory_space<vmem>>, vector<64x128xf32>,
    } else {
    }
    %get3A = arith.constant 0 : index
    %get3A_2 = arith.constant 0 : index
    %get3A_3 = vector.load %arg4[%get3A, %get3A_2] : memref<1024x16xf32, #tpu.memory_space<vmem>>, vector<1024x1xf32>
    %get3A_4 = arith.constant 0 : index
    %get3A_5 = arith.constant 0 : index
    %get3A_6 = vector.load %arg5[%get3A_4, %get3A_5] : memref<1024x16xf32, #tpu.memory_space<vmem>>, vector<1024x1xf32>
    %add3A = arith.addf %get3A_3, %get3A_6 : vector<1024x1xf32>
    %add3A_7 = arith.constant 1.000000e+00 : f32
    %add3A_8 = vector.broadcast %add3A_7 : f32 to vector<1024x1xf32>
    %add3A_9 = arith.addf %add3A, %add3A_8 : vector<1024x1xf32>
    %rsqrt3A = math.rsqrt %add3A_9 : vector<1024x1xf32>
    %get3A_10 = arith.constant 0 : index
    %get3A_11 = arith.constant 0 : index
    %get3A_12 = vector.load %arg1[%get3A_10, %get3A_11] : memref<1024x128xf32, #tpu.memory_space<vmem>>, vector<1024x128xf32>
    %get3A_13 = arith.constant 0 : index
    %get3A_14 = arith.constant 0 : index
    %get3A_15 = vector.load %arg2[%get3A_13, %get3A_14] : memref<1024x128xf32, #tpu.memory_space<vmem>>, vector<1024x128xf32>
    %add3A_16 = arith.addf %get3A_12, %get3A_15 : vector<1024x128xf32>
    %get3A_17 = arith.constant 0 : index
    %get3A_18 = arith.constant 0 : index
    %get3A_19 = vector.load %arg3[%get3A_17, %get3A_18] : memref<1024x128xf32, #tpu.memory_space<vmem>>, vector<1024x128xf32>
    %add3A_20 = arith.addf %add3A_16, %get3A_19 : vector<1024x128xf32>
    %mul3A = vector.broadcast %rsqrt3A : vector<1024x1xf32> to vector<1024x128xf32>
    %mul3A_21 = arith.mulf %add3A_20, %mul3A : vector<1024x128xf32>
    %get3A_22 = arith.constant 0 : index
    %get3A_23 = arith.constant 0 : index
    %get3A_24 = vector.load %arg6[%get3A_22, %get3A_23] : memref<1x128xf32, #tpu.memory_space<vmem>>, vector<1x128xf32>
    %add3A_25 = vector.broadcast %get3A_24 : vector<1x128xf32> to vector<1024x128xf32>
    %add3A_26 = arith.addf %mul3A_21, %add3A_25 : vector<1024x128xf32>
    %max3A = arith.constant 0.000000e+00 : f32
    %max3A_27 = vector.broadcast %max3A : f32 to vector<1024x128xf32>
    %max3A_28 = arith.maximumf %add3A_26, %max3A_27 : vector<1024x128xf32>
    %get3A_29 = arith.constant 0 : index
    %get3A_30 = arith.constant 0 : index
    %get3A_31 = arith.constant 0 : index
    %get3A_32 = vector.load %arg7[%get3A_29, %get3A_30, %get3A_31] : memref<1x1x1024xf32, #tpu.memory_space<vmem>>, vector<1x1x1024xf32>
    %reshape3A = vector.shape_cast %get3A_32 : vector<1x1x1024xf32> to vector<1x1024xf32>
    %iota3A = tpu.iota {dimensions = array<i32: 0>} : vector<64x1024xi32>
    %convert_element_type3A_33 = arith.sitofp %iota3A : vector<64x1024xi32> to vector<64x1024xf32>
    %eq3A_34 = vector.broadcast %reshape3A : vector<1x1024xf32> to vector<64x1024xf32>
    %eq3A_35 = arith.cmpf oeq, %convert_element_type3A_33, %eq3A_34 : vector<64x1024xf32>
    %jit3A = arith.constant 1.000000e+00 : f32
    %jit3A_36 = arith.constant 0.000000e+00 : f32
    %broadcast_in_dim3A = vector.broadcast %jit3A : f32 to vector<64x1024xf32>
    %broadcast_in_dim3A_37 = vector.broadcast %jit3A_36 : f32 to vector<64x1024xf32>
    %select_n3A = arith.select %eq3A_35, %broadcast_in_dim3A, %broadcast_in_dim3A_37 : vector<64x1024xi1>, vector<64x1024xf32>
    %get3A_38 = arith.constant 0 : index
    %get3A_39 = arith.constant 0 : index
    %get3A_40 = vector.load %arg11[%get3A_38, %get3A_39] : memref<64x128xf32, #tpu.memory_space<vmem>>, vector<64x128xf32>
    %dot_general3A = arith.constant dense<0.000000e+00> : vector<64x128xf32>
    %dot_general3A_41 = tpu.matmul %select_n3A, %max3A_28, %dot_general3A {dimension_numbers = #tpu.dot_dimension_numbers<[1], [0], [0], [1], [0, 0, 1, 1], [], []>, transpose_lhs_hint = false} : vector<64x1024xf32>, vector<1024x128xf32>, vector<64x128xf32> -> vector<64x128xf32>
    %add3A_42 = arith.addf %get3A_40, %dot_general3A_41 : vector<64x128xf32>
    %swap3A = arith.constant 0 : index
    %swap3A_43 = arith.constant 0 : index
    %swap3A_44 = vector.load %arg11[%swap3A, %swap3A_43] : memref<64x128xf32, #tpu.memory_space<vmem>>, vector<64x128xf32>
    tpu.vector_store %arg11[%swap3A, %swap3A_43], %add3A_42 {strides = array<i32>} : memref<64x128xf32, #tpu.memory_space<vmem>>, vector<64x128xf32>,
    %get3A_45 = arith.constant 0 : index
    %get3A_46 = arith.constant 0 : index
    %get3A_47 = vector.load %arg12[%get3A_45, %get3A_46] : memref<64x128xf32, #tpu.memory_space<vmem>>, vector<64x128xf32>
    %reduce_sum3A = arith.constant dense<0.000000e+00> : vector<64xf32>
    %reduce_sum3A_48 = vector.multi_reduction <add>, %select_n3A, %reduce_sum3A [1] : vector<64x1024xf32> to vector<64xf32>
    %broadcast_in_dim3A_49 = vector.shape_cast %reduce_sum3A_48 : vector<64xf32> to vector<64x1xf32>
    %broadcast_in_dim3A_50 = vector.shape_cast %broadcast_in_dim3A_49 : vector<64x1xf32> to vector<64x1xf32>
    %broadcast_in_dim3A_51 = vector.broadcast %broadcast_in_dim3A_50 : vector<64x1xf32> to vector<64x128xf32>
    %add3A_52 = arith.addf %get3A_47, %broadcast_in_dim3A_51 : vector<64x128xf32>
    %swap3A_53 = arith.constant 0 : index
    %swap3A_54 = arith.constant 0 : index
    %swap3A_55 = vector.load %arg12[%swap3A_53, %swap3A_54] : memref<64x128xf32, #tpu.memory_space<vmem>>, vector<64x128xf32>
    tpu.vector_store %arg12[%swap3A_53, %swap3A_54], %add3A_52 {strides = array<i32>} : memref<64x128xf32, #tpu.memory_space<vmem>>, vector<64x128xf32>,
    %eq3A_56 = arith.constant 9 : i32
    %eq3A_57 = arith.cmpi eq, %arg0, %eq3A_56 : i32
    %convert_element_type3A_58 = arith.extui %eq3A_57 : i1 to i32
    %cond3A_59 = arith.constant 0 : i32
    %cond3A_60 = arith.cmpi ne, %convert_element_type3A_58, %cond3A_59 : i32
    scf.if %cond3A_60 {
      %get3A_61 = arith.constant 0 : index
      %get3A_62 = arith.constant 0 : index
      %get3A_63 = vector.load %arg11[%get3A_61, %get3A_62] : memref<64x128xf32, #tpu.memory_space<vmem>>, vector<64x128xf32>
      %get3A_64 = arith.constant 0 : index
      %get3A_65 = arith.constant 0 : index
      %get3A_66 = vector.load %arg12[%get3A_64, %get3A_65] : memref<64x128xf32, #tpu.memory_space<vmem>>, vector<64x128xf32>
      %max3A_67 = arith.constant 1.000000e+00 : f32
      %max3A_68 = vector.broadcast %max3A_67 : f32 to vector<64x128xf32>
      %max3A_69 = arith.maximumf %get3A_66, %max3A_68 : vector<64x128xf32>
      %div3A = arith.divf %get3A_63, %max3A_69 : vector<64x128xf32>
      %get3A_70 = arith.constant 0 : index
      %get3A_71 = arith.constant 0 : index
      %get3A_72 = vector.load %arg8[%get3A_70, %get3A_71] : memref<128x128xf32, #tpu.memory_space<vmem>>, vector<128x128xf32>
      %dot_general3A_73 = arith.constant dense<0.000000e+00> : vector<64x128xf32>
      %dot_general3A_74 = tpu.matmul %div3A, %get3A_72, %dot_general3A_73 {dimension_numbers = #tpu.dot_dimension_numbers<[1], [0], [0], [1], [0, 0, 1, 1], [], []>, transpose_lhs_hint = false} : vector<64x128xf32>, vector<128x128xf32>, vector<64x128xf32> -> vector<64x128xf32>
      %get3A_75 = arith.constant 0 : index
      %get3A_76 = arith.constant 0 : index
      %get3A_77 = vector.load %arg9[%get3A_75, %get3A_76] : memref<1x128xf32, #tpu.memory_space<vmem>>, vector<1x128xf32>
      %add3A_78 = vector.broadcast %get3A_77 : vector<1x128xf32> to vector<64x128xf32>
      %add3A_79 = arith.addf %dot_general3A_74, %add3A_78 : vector<64x128xf32>
      %swap3A_80 = arith.constant 0 : index
      %swap3A_81 = arith.constant 0 : index
      %swap3A_82 = vector.load %arg10[%swap3A_80, %swap3A_81] : memref<64x128xf32, #tpu.memory_space<vmem>>, vector<64x128xf32>
      tpu.vector_store %arg10[%swap3A_80, %swap3A_81], %add3A_79 {strides = array<i32>} : memref<64x128xf32, #tpu.memory_space<vmem>>, vector<64x128xf32>,
    } else {
    }
    return
  }
  func.func @transform_0(%arg0: i32) -> (i32, i32) {
    %c0_i32 = arith.constant 0 : i32
    %c0_i32_0 = arith.constant 0 : i32
    return %arg0, %c0_i32 : i32, i32
  }
  func.func @transform_1(%arg0: i32) -> (i32, i32) {
    %c0_i32 = arith.constant 0 : i32
    %c0_i32_0 = arith.constant 0 : i32
    return %arg0, %c0_i32 : i32, i32
  }
  func.func @transform_2(%arg0: i32) -> (i32, i32) {
    %c0_i32 = arith.constant 0 : i32
    %c0_i32_0 = arith.constant 0 : i32
    return %arg0, %c0_i32 : i32, i32
  }
  func.func @transform_3(%arg0: i32) -> (i32, i32) {
    %c0_i32 = arith.constant 0 : i32
    %c0_i32_0 = arith.constant 0 : i32
    return %arg0, %c0_i32 : i32, i32
  }
  func.func @transform_4(%arg0: i32) -> (i32, i32) {
    %c0_i32 = arith.constant 0 : i32
    %c0_i32_0 = arith.constant 0 : i32
    return %arg0, %c0_i32 : i32, i32
  }
  func.func @transform_5(%arg0: i32) -> (i32, i32) {
    %c0_i32 = arith.constant 0 : i32
    %c0_i32_0 = arith.constant 0 : i32
    %c0_i32_1 = arith.constant 0 : i32
    return %c0_i32, %c0_i32_0 : i32, i32
  }
  func.func @transform_6(%arg0: i32) -> (i32, i32, i32) {
    %c0_i32 = arith.constant 0 : i32
    %c0_i32_0 = arith.constant 0 : i32
    %c0_i32_1 = arith.constant 0 : i32
    return %arg0, %c0_i32, %c0_i32_0 : i32, i32, i32
  }
  func.func @transform_7(%arg0: i32) -> (i32, i32) {
    %c0_i32 = arith.constant 0 : i32
    %c0_i32_0 = arith.constant 0 : i32
    %c0_i32_1 = arith.constant 0 : i32
    return %c0_i32, %c0_i32_0 : i32, i32
  }
  func.func @transform_8(%arg0: i32) -> (i32, i32) {
    %c0_i32 = arith.constant 0 : i32
    %c0_i32_0 = arith.constant 0 : i32
    %c0_i32_1 = arith.constant 0 : i32
    return %c0_i32, %c0_i32_0 : i32, i32
  }
  func.func @transform_9(%arg0: i32) -> (i32, i32) {
    %c0_i32 = arith.constant 0 : i32
    %c0_i32_0 = arith.constant 0 : i32
    %c0_i32_1 = arith.constant 0 : i32
    return %c0_i32, %c0_i32_0 : i32, i32
  }
}

</mosaic_0001>

<sc_bundles>
// kernel: kernel.10.cloned.1.call-start
scs
__scs_entry_jumppad:
0x0: {  	(pc) =	sbr.rel $0x88, $3  }
0x1: {  	(tag) =	ssettag $0x0;
	lr =	simm.s32 $0x1  }
0x2: {  	[smem:$0x3F96] =	sst lr;
	_ =	strace $0xD0000000  }
0x3: {  	_ = 	snop  }
0x4: {  	_ = 	snop  }
0x5: {  	_ = 	snop  }
0x6: {  	_ = 	snop  }
0x7: {  	_ = 	snop  }
__scs_overlays_trampoline_lowered:
0x8: {  	[smem:$0x3FA5] =	sst s0  }
0x9: {  	[smem:$0x3FA6] =	sst s1  }
0xa: {  	[smem:$0x3FA7] =	sst s2  }
0xb: {  	[smem:$0x3FA8] =	sst s3  }
0xc: {  	[smem:$0x3FA9] =	sst s4  }
0xd: {  	[smem:$0x3FAA] =	sst s5  }
0xe: {  	[smem:$0x3FAB] =	sst s6  }
0xf: {  	[smem:$0x3FAC] =	sst s7  }
0x10: {  	[smem:$0x3FAD] =	sst s8  }
0x11: {  	[smem:$0x3FAE] =	sst s9;
	s0 =	simm.s32 @!p0 $0x0  }
0x12: {  	s1 =	sld [smem:$0x3F94];
	s0 =	simm.s32 @p0 $0x1  }
0x13: {  	[smem:$0x3FAF] =	sst s0;
	s0 =	simm.s32 @!p1 $0x0  }
0x14: {  	s2 =	sld [smem:$0x3F93];
	s0 =	simm.s32 @p1 $0x1  }
0x15: {  	[smem:$0x3FB0] =	sst s0;
	s0 =	simm.s32 @!p2 $0x0  }
0x16: {  	s3 =	sld [smem:$0x3FDB];
	s0 =	simm.s32 @p2 $0x1  }
0x17: {  	s4 =	simm.s32 $0x1BF5;
	[smem:$0x3FB2] =	sst s0  }
0x18: {  	s0 =	sld [smem:$0x3F95];
	_ =	swait.ge [sflag:s4], $0x0  }
0x19: {  	s7 =	sld [smem:$0x3F96]  }
0x1a: {  	s8 =	sadd.s32 $0xFFFFE003, lr  }
0x1b: {  	s9 =	sadd.s32 $0xFFFFFEF7, lr;
	s5 =	simm.s32 $0xFFFFFFFF;
	p2 =	slt.u32 s8, $0xFFFFF086  }
0x1c: {  	p1 =	slt.u32 s9, $0xF7A;
	s5 =	simm.s32 @!p2 $0x0  }
0x1d: {  	s5 =	simm.s32 @p1 $0x1;
	p0 =	seq.s32 s7, s2  }
0x1e: {  	s7 =	smul.u32 @!p0 $0xF7A, s2;
	p2 =	seq.s32 @!p0 s5, $0x0  }
0x1f: {  	s9 =	smul.u32 $0xF7A, s1;
	s8 =	simm.s32 @!p0 $0x1BF5;
	p2 =	por !p2, p0  }
0x20: {  	[sflag:s8] =	ssyncset.s32 @!p0 $0xFFFFF086;
	s6 =	sadd.s32 @!p0 s3, s7;
	s7 =	simm.s32 @!p0 $0x108  }
0x21: {  	s3 =	sadd.s32 s3, s9;
	s6 =	sadd.s32 @!p0 $0x88, s6;
	s7 =	simm.s32 @p2 $0x1082  }
0x22: {  	[simem:s7], [sflag:s8] =	dma.local @!p0 [hbm:s6], $0xF7A  }
0x23: {  	s9 =	sor.u32 $0xD0000000, s2;
	s6 =	simm.s32 $0x108;
	_ =	swait.ge @!p0 [sflag:s8], $0x0  }
0x24: {  	s3 =	sadd.s32 $0x88, s3;
	s6 =	simm.s32 @!p1 $0x1082;
	[sflag:s4] =	ssyncset.s32 $0xFFFFF086  }
0x25: {  	[simem:s6], [sflag:s4] =	dma.local [hbm:s3], $0xF7A  }
0x26: {  	[smem:$0x3F96] =	sst s1;
	(tag) =	ssettag s2;
	_ =	strace s9  }
0x27: {  	s1 =	sld [smem:$0x3FA6]  }
0x28: {  	s2 =	sld [smem:$0x3FA7]  }
0x29: {  	s4 =	sld [smem:$0x3FA9]  }
0x2a: {  	p0 =	seq.s32 s5, $0x0;
	s5 =	sld [smem:$0x3FAA]  }
0x2b: {  	s6 =	sld [smem:$0x3FAB]  }
0x2c: {  	s7 =	sld [smem:$0x3FAC]  }
0x2d: {  	s3 =	simm.s32 $0x108;
	s8 =	sld [smem:$0x3FAD]  }
0x2e: {  	s3 =	simm.s32 @!p0 $0x1082;
	s9 =	sld [smem:$0x3FAE]  }
0x2f: {  	lr =	sadd.s32 s0, s3;
	s0 =	sld [smem:$0x3FA5]  }
0x30: {  	s3 =	sld [smem:$0x3FA8]  }
0x31: {  	[smem:$0x3FB1] =	sst s10  }
0x32: {  	s10 =	sld [smem:$0x3FAF];
	_ =	sdelay $0x3  }
0x33: {  	p0 =	seq.s32 s10, $0x1;
	s10 =	sld [smem:$0x3FB1];
	_ =	sdelay $0x3  }
0x34: {  	[smem:$0x3FB1] =	sst s10  }
0x35: {  	s10 =	sld [smem:$0x3FB0];
	_ =	sdelay $0x3  }
0x36: {  	p1 =	seq.s32 s10, $0x1;
	s10 =	sld [smem:$0x3FB1];
	_ =	sdelay $0x3  }
0x37: {  	[smem:$0x3FB1] =	sst s10  }
0x38: {  	s10 =	sld [smem:$0x3FB2]  }
0x39: {  	_ = 	snop;
	(pc) =	sbr.ind lr, $3  }
0x3a: {  	_ = 	snop  }
0x3b: {  	_ = 	snop  }
0x3c: {  	p2 =	seq.s32 s10, $0x1;
	s10 =	sld [smem:$0x3FB1]  }
0x3d: {  	_ =	shalt  }
0x3e: {  	_ =	shalt  }
0x3f: {  	_ =	shalt  }
0x40: {  	_ =	shalt  }
0x41: {  	_ =	shalt  }
0x42: {  	_ =	shalt  }
0x43: {  	_ =	shalt  }
0x44: {  	_ =	shalt  }
0x45: {  	_ =	shalt  }
0x46: {  	_ =	shalt  }
0x47: {  	_ =	shalt  }
0x48: {  	_ =	shalt  }
0x49: {  	_ =	shalt  }
0x4a: {  	_ =	shalt  }
0x4b: {  	_ =	shalt  }
0x4c: {  	_ =	shalt  }
0x4d: {  	_ =	shalt  }
0x4e: {  	_ =	shalt  }
0x4f: {  	_ =	shalt  }
0x50: {  	_ =	shalt  }
0x51: {  	_ =	shalt  }
0x52: {  	_ =	shalt  }
0x53: {  	_ =	shalt  }
0x54: {  	_ =	shalt  }
0x55: {  	_ =	shalt  }
0x56: {  	_ =	shalt  }
0x57: {  	_ =	shalt  }
0x58: {  	_ =	shalt  }
0x59: {  	_ =	shalt  }
0x5a: {  	_ =	shalt  }
0x5b: {  	_ =	shalt  }
0x5c: {  	_ =	shalt  }
0x5d: {  	_ =	shalt  }
0x5e: {  	_ =	shalt  }
0x5f: {  	_ =	shalt  }
0x60: {  	_ =	shalt  }
0x61: {  	_ =	shalt  }
0x62: {  	_ =	shalt  }
0x63: {  	_ =	shalt  }
0x64: {  	_ =	shalt  }
0x65: {  	_ =	shalt  }
0x66: {  	_ =	shalt  }
0x67: {  	_ =	shalt  }
0x68: {  	_ =	shalt  }
0x69: {  	_ =	shalt  }
0x6a: {  	_ =	shalt  }
0x6b: {  	_ =	shalt  }
0x6c: {  	_ =	shalt  }
0x6d: {  	_ =	shalt  }
0x6e: {  	_ =	shalt  }
0x6f: {  	_ =	shalt  }
0x70: {  	_ =	shalt  }
0x71: {  	_ =	shalt  }
0x72: {  	_ =	shalt  }
0x73: {  	_ =	shalt  }
0x74: {  	_ =	shalt  }
0x75: {  	_ =	shalt  }
0x76: {  	_ =	shalt  }
0x77: {  	_ =	shalt  }
0x78: {  	_ =	shalt  }
0x79: {  	_ =	shalt  }
0x7a: {  	_ =	shalt  }
0x7b: {  	_ =	shalt  }
0x7c: {  	_ =	shalt  }
0x7d: {  	_ =	shalt  }
0x7e: {  	_ =	shalt  }
0x7f: {  	_ =	shalt  }
0x80: {  	_ =	shalt  }
0x81: {  	_ =	shalt  }
0x82: {  	_ =	shalt  }
0x83: {  	_ =	shalt  }
0x84: {  	_ =	shalt  }
0x85: {  	_ =	shalt  }
0x86: {  	_ =	shalt  }
0x87: {  	_ =	shalt  }
.Lfunc_end0:
.L_simem_size_0:
called_computation_lowered:
.L_overlay_start_0:
0x88: {  	s2 =	sld [smem:$0x3FD9]  }
0x89: {  	s3 =	sld [smem:$0x3FFE];
	_ =	sdelay $0x1  }
0x8a: {  	s1 =	srdreg.scid  }
0x8b: {  	s0 =	sand.u32 $0x1, s1  }
0x8c: {  	s17 =	sshll.u32 s0, $0xA;
	s2 =	sadd.s32 s3, s2  }
0x8d: {  	s2 =	sadd.s32 s2, s17  }
0x8e: {  	[smem:$0x3FBD] =	sst s2  }
0x8f: {  	_ = 	snop  }
0x90: {  	s2 =	sld [smem:$0x3FD0];
	(tm) =	ssettm $0x1  }
0x91: {  	s18 =	sld [smem:$0x3FFB];
	_ =	sdelay $0x3  }
0x92: {  	_ =	strace s18  }
0x93: {  	s3 =	sld [smem:$0x3FFC];
	_ =	sdelay $0x3  }
0x94: {  	_ =	strace s3  }
0x95: {  	s3 =	sld [smem:$0x3FFD];
	_ =	sdelay $0x3  }
0x96: {  	_ =	strace s3  }
0x97: {  	_ =	strace $0x8FFFFFFF  }
0x98: {  	s19 =	sld [smem:$0x3FDB];
	_ =	sdelay $0x1  }
0x99: {  	s4 =	simm.s32 $_scs_section_size  }
0x9a: {  	s5 =	simm.s32 $_size__tile_overlayer_lowered;
	s6 =	simm.s32 $_tile_overlayer_lowered  }
0x9b: {  	s22 =	simm.s32 $0x1BFF;
	s21 =	sshll.u32 s6, $0x1;
	s3 =	sadd.s32 s4, s19  }
0x9c: {  	s7 =	simm.s32 $0x0;
	s20 =	sshll.u32 s5, $0x1;
	s5 =	sadd.s32 s21, s3  }
0x9d: {  	[timem:s7], [sflag:s22] =	dma.local [hbm:s5], s20  }
0x9e: {  	_ =	swait.ge [sflag:s22], s20  }
0x9f: {  	s4 =	ssub.s32 $0x0, s20;
	[sflag:s22] =	ssyncset.done $0x0  }
0xa0: {  	[sflag:s22] =	ssyncadd.s32 s4;
	_ =	sdelay $0x1  }
0xa1: {  	s23 =	simm.s32 $0x1B8B  }
0xa2: {  	_ =	swait.ge [sflag:s23], $0x1  }
0xa3: {  	[sflag:s23] =	ssyncset.done $0x0  }
0xa4: {  	s25 =	simm.s32 $0x1B8E;
	s24 =	sld [smem:$0x3FFE];
	[sflag:s23] =	ssyncadd.s32 $0xFFFFFFFF  }
0xa5: {  	s26 =	simm.s32 $execute0_lowered;
	[smem:$0x3FD2] =	sst s25  }
0xa6: {  	s5 =	sshll.u32 s26, $0x1;
	_ =	strace $0x80000046;
	[dreg:$0x1] =	wrdreg $0xFFFFFFFF  }
0xa7: {  	s28 =	simm.s32 $_size_execute0_lowered;
	s3 =	sadd.s32 s3, s5;
	[dreg:$0x0] =	wrdreg $0x0  }
0xa8: {  	s5 =	sshll.u32 s28, $0x1;
	[dreg:$0x2] =	wrdreg s3  }
0xa9: {  	[dreg:$0x3] =	wrdreg s5  }
0xaa: {  	[dreg:$0x4] =	wrdreg $0xC0  }
0xab: {  	_ =	task [dreg:s7], $0x5FFFF  }
0xac: {  	[dreg:$0x1] =	wrdreg $0xFFFFFFFF  }
0xad: {  	[dreg:$0x0] =	wrdreg $0x60  }
0xae: {  	[dreg:$0x2] =	wrdreg s24  }
0xaf: {  	[dreg:$0x3] =	wrdreg s2  }
0xb0: {  	[dreg:$0x4] =	wrdreg $0x74800  }
0xb1: {  	[dreg:$0x5] =	wrdreg $0x9  }
0xb2: {  	_ =	task.clear_ibuf [dreg:s7], $0x6FFFF;
	_ =	strace $0x90000046  }
0xb3: {  	s29 =	simm.s32 $0x9;
	_ =	strace $0x80000048  }
0xb4: {  	_ =	swait.ge [sflag:s29], $0x1  }
0xb5: {  	[sflag:s29] =	ssyncadd.s32 $0xFFFFFFFF  }
0xb6: {  	_ =	strace $0x90000048  }
0xb7: {  	_ =	sfence  }
0xb8: {  	s30 =	sld [smem:$0x0];
	_ =	sdelay $0x2  }
0xb9: {  	s31 =	sshll.u32 s1, $0xD;
	s1 =	sshrl.u32 s1, $0x2  }
0xba: {  	s3 =	sand.u32 $0x4000, s31;
	s1 =	sadd.s32 s1, s30  }
0xbb: {  	s0 =	sor.u32 s3, s0;
	s1 =	sshll.u32 s1, $0x11  }
0xbc: {  	s0 =	sor.u32 s1, s0  }
0xbd: {  	s0 =	sadd.s32 $0x8F2B, s0  }
0xbe: {  	[sflag:s0] =	ssyncadd.remote.s32 $0x1  }
0xbf: {  	_ =	sfence.sel $0xFFFF  }
0xc0: {  	[dreg:$0x0] =	wrdreg $0xFFFFFFFF;
	(pc) =	sbr.abs _section_cstart, $3  }
0xc1: {  	[dreg:$0x1] =	wrdreg $0xFFFFFFFF  }
0xc2: {  	_ =	task.clear_ibuf [dreg:s7], $0x2FFFF;
	_ =	strace $0x9FFFFFFF  }
0xc3: {  	(tm) =	ssettm $0x7FFFFFFF  }
tec
execute0_lowered:
.L_overlay_start_1:
0x0: {  	(tag) =	ssettag $0x1  }
0x1: {  	s0 =	rddreg [dreg:$0x0];
	s1 =	srdreg.scid  }
0x2: {  	s8 =	stileid.u32;
	s10 =	rddreg [dreg:$0x1]  }
0x3: {  	s2 =	rddreg [dreg:$0x2];
	s3 =	simm.s32 $0x0;
	s22 =	simm.s32 $0x5400  }
0x4: {  	s28 =	simm.s32 $0x1400;
	s29 =	simm.s32 $0x1380;
	s31 =	simm.s32 $0x0  }
0x5: {  	s1 =	sand.u32 $0x1, s1;
	s11 =	smul.u32 $0x280, s8;
	[smem:$0x7FF] =	sst s3  }
0x6: {  	s26 =	sadd.s32 $0x2000, s2;
	s30 =	sadd.s32 $0x4000, s2;
	s15 =	sadd.s32 $0x6000, s2  }
0x7: {  	s16 =	sadd.s32 $0x8000, s2;
	s17 =	sadd.s32 $0xA000, s2;
	s18 =	sadd.s32 $0xC000, s2  }
0x8: {  	s19 =	sadd.s32 $0xE000, s2;
	s20 =	sadd.s32 $0x10000, s2;
	s21 =	sadd.s32 $0x12000, s2  }
0x9: {  	s4 =	smul.u32 $0x2800, s1;
	_ =	strace $0x80000047;
	[dreg:$0x7] =	wrdreg s26  }
0xa: {  	s7 =	sshll.u32 s1, $0x4;
	s9 =	ssub.s32 $0x2, s1;
	[dreg:$0x8] =	wrdreg s30  }
0xb: {  	s26 =	simm.s32 $0x1300;
	s13 =	sor.u32 s8, s7;
	s7 =	sadd.s32 $0x106E00, s0  }
0xc: {  	s23 =	sshrl.u32 s9, $0x1;
	s5 =	sadd.s32 s11, s4;
	s4 =	sadd.s32 $0x5200, s0  }
0xd: {  	s24 =	sshll.u32 s13, $0x1;
	s6 =	sshll.u32 s5, $0x4;
	s5 =	sadd.s32 $0xF000, s0  }
.Ltmp0:
0xe: {  	s12 =	sadd.s32 s6, s0;
	s6 =	sadd.s32 $0x68E00, s0;
	(pc) =	sbr.rel .LBB2_1-.Ltmp0, $4  }
0xf: {  	s0 =	ssub.s32 s9, s23;
	s9 =	smul.u32 $0x27800, s1;
	s1 =	sadd.s32 s10, s24  }
0x10: {  	s8 =	smul.u32 $0x27800, s13;
	[dreg:$0x4] =	wrdreg s1;
	s25 =	sadd.s32 $0x18E00, s12  }
0x11: {  	v1 =	vimm.f32 $0.0e+00;
	vm0 =	vcmask $0x300;
	v3 =	vimm.s32 $0x280;
	s23 =	simm.s32 $0x1;
	s0 =	smax.u32 s0, $0x1;
	[dreg:$0x5] =	wrdreg s25  }
0x12: {  	v4 =	vimm.s32 $0x0;
	v2 =	vsel vm0, $0x3F800000, v1;
	v0 =	vmov s11;
	s24 =	simm.s32 $0x800;
	[dreg:$0x6] =	wrdreg s0;
	s25 =	simm.s32 $0x80  }
.LBB2_19:
0x13: {  	p0 =	sgt.s32 s12, $0x0;
	s0 =	simm.s32 $0x1  }
0x14: {  	s0 =	simm.s32 @!p0 $0x0  }
0x15: {  	s0 =	sadd.s32 s0, s11  }
0x16: {  	v5 =	vmov s0  }
0x17: {  	s12 =	rddreg [dreg:$0x4];
	s1 =	simm.s32 $0x7400;
	[tilespmem:$0x7400] =	vst v5  }
0x18: {  	[hbm4b:s12+s3] =	stream.linear.scatter [tilespmem:s1], [sflag:$0x1], $0x10, $0x38;
	[tilespmem:$0x7708] =	vst v63  }
0x19: {  	s13 =	stileid.u32;
	_ =	swait.ge [sflag:s23], $0x10  }
0x1a: {  	s14 =	sshrl.u32 s2, $0x3;
	s0 =	sshll.u32 s13, $0x6;
	[sflag:s23] =	ssyncset.done $0x0  }
0x1b: {  	s0 =	sor.u32 $0x1C01, s0;
	s10 =	rddreg [dreg:$0x5];
	[sflag:s23] =	ssyncadd.s32 $0xFFFFFFF0  }
0x1c: {  	[hbm:s10], [sflag:s0] =	dma.local [spmem:s14], $0x2800  }
0x1d: {  	_ =	swait.ge [sflag:s23], $0x2800  }
0x1e: {  	s31 =	sadd.s32 $0x1, s31;
	s30 =	rddreg [dreg:$0x6]  }
0x1f: {  	p0 =	sne.s32 s31, s30  }
.Ltmp1:
0x20: {  	_ = 	snop;
	(pc) =	sbr.rel @!p0 .LBB2_20-.Ltmp1, $3  }
0x21: {  	_ =	sdelay $0x1  }
0x22: {  	[sflag:s23] =	ssyncset.done $0x0  }
0x23: {  	[sflag:s23] =	ssyncadd.s32 $0xFFFFD800  }
.LBB2_1:
0x24: {  	s0 =	simm.s32 $0x0  }
.LBB2_2:
0x25: {  	p0 =	sne.s32 s0, $0x7E00  }
.Ltmp2:
0x26: {  	_ = 	snop;
	(pc) =	sbr.rel @p0 .LBB2_2-.Ltmp2, $3  }
0x27: {  	_ =	sdelay $0x1  }
0x28: {  	s1 =	sshra.s32 s0, $0x2  }
0x29: {  	s0 =	sadd.s32 $0x200, s0;
	[tilespmem:s1+$0x5400] =	vst v1  }
0x2a: {  	s0 =	simm.s32 $0x200;
	s1 =	simm.s32 $0x0  }
.LBB2_4:
0x2b: {  	p0 =	sne.s32 s0, $0xFE00;
	[tilespmem:s1+$0x1400] =	vst v2;
	s1 =	smov.u32 s0;
	s0 =	sadd.s32 $0x200, s0  }
.Ltmp3:
0x2c: {  	(pc) =	sbr.rel @p0 .LBB2_4-.Ltmp3, $2  }
0x2d: {  	_ =	sdelay $0x2  }
0x2e: {  	s1 =	sshra.s32 s1, $0x2  }
0x2f: {  	[tilespmem:s1+$0x1400] =	vst v2  }
0x30: {  	[spmem:s2] =	stream.linear.scatter [tilespmem:s22], [sflag:$0x1], $0x2000, $0x38;
	[tilespmem:$0x7708] =	vst v63  }
0x31: {  	_ =	swait.ge [sflag:s23], $0x2000  }
0x32: {  	[sflag:s23] =	ssyncset.done $0x0  }
0x33: {  	s0 =	rddreg [dreg:$0x7];
	[sflag:s23] =	ssyncadd.s32 $0xFFFFE000  }
0x34: {  	[spmem:s0] =	stream.linear.scatter [tilespmem:s22], [sflag:$0x1], $0x2000, $0x38;
	[tilespmem:$0x7708] =	vst v63  }
0x35: {  	_ =	swait.ge [sflag:s23], $0x2000  }
0x36: {  	[sflag:s23] =	ssyncset.done $0x0  }
0x37: {  	s30 =	rddreg [dreg:$0x8];
	[sflag:s23] =	ssyncadd.s32 $0xFFFFE000  }
0x38: {  	[spmem:s30] =	stream.linear.scatter [tilespmem:s22], [sflag:$0x1], $0x2000, $0x38;
	[tilespmem:$0x7708] =	vst v63  }
0x39: {  	_ =	swait.ge [sflag:s23], $0x2000  }
0x3a: {  	[sflag:s23] =	ssyncset.done $0x0  }
0x3b: {  	[sflag:s23] =	ssyncadd.s32 $0xFFFFE000  }
0x3c: {  	[spmem:s15] =	stream.linear.scatter [tilespmem:s22], [sflag:$0x1], $0x2000, $0x38;
	[tilespmem:$0x7708] =	vst v63  }
0x3d: {  	_ =	swait.ge [sflag:s23], $0x2000  }
0x3e: {  	[sflag:s23] =	ssyncset.done $0x0  }
0x3f: {  	[sflag:s23] =	ssyncadd.s32 $0xFFFFE000  }
0x40: {  	[spmem:s16] =	stream.linear.scatter [tilespmem:s22], [sflag:$0x1], $0x2000, $0x38;
	[tilespmem:$0x7708] =	vst v63  }
0x41: {  	_ =	swait.ge [sflag:s23], $0x2000  }
0x42: {  	[sflag:s23] =	ssyncset.done $0x0  }
0x43: {  	[sflag:s23] =	ssyncadd.s32 $0xFFFFE000  }
0x44: {  	[spmem:s17] =	stream.linear.scatter [tilespmem:s22], [sflag:$0x1], $0x2000, $0x38;
	[tilespmem:$0x7708] =	vst v63  }
0x45: {  	_ =	swait.ge [sflag:s23], $0x2000  }
0x46: {  	[sflag:s23] =	ssyncset.done $0x0  }
0x47: {  	[sflag:s23] =	ssyncadd.s32 $0xFFFFE000  }
0x48: {  	[spmem:s18] =	stream.linear.scatter [tilespmem:s22], [sflag:$0x1], $0x2000, $0x38;
	[tilespmem:$0x7708] =	vst v63  }
0x49: {  	_ =	swait.ge [sflag:s23], $0x2000  }
0x4a: {  	[sflag:s23] =	ssyncset.done $0x0  }
0x4b: {  	[sflag:s23] =	ssyncadd.s32 $0xFFFFE000  }
0x4c: {  	[spmem:s19] =	stream.linear.scatter [tilespmem:s22], [sflag:$0x1], $0x2000, $0x38;
	[tilespmem:$0x7708] =	vst v63  }
0x4d: {  	_ =	swait.ge [sflag:s23], $0x2000  }
0x4e: {  	[sflag:s23] =	ssyncset.done $0x0  }
0x4f: {  	[sflag:s23] =	ssyncadd.s32 $0xFFFFE000  }
0x50: {  	[spmem:s20] =	stream.linear.scatter [tilespmem:s22], [sflag:$0x1], $0x2000, $0x38;
	[tilespmem:$0x7708] =	vst v63  }
0x51: {  	_ =	swait.ge [sflag:s23], $0x2000  }
0x52: {  	[sflag:s23] =	ssyncset.done $0x0  }
.Ltmp4:
0x53: {  	[sflag:s23] =	ssyncadd.s32 $0xFFFFE000;
	(pc) =	sbr.rel .LBB2_6-.Ltmp4, $4  }
0x54: {  	[spmem:s21] =	stream.linear.scatter [tilespmem:s22], [sflag:$0x1], $0x2000, $0x38;
	[tilespmem:$0x7708] =	vst v63  }
0x55: {  	_ =	swait.ge [sflag:s23], $0x2000  }
0x56: {  	s11 =	simm.s32 $0x0;
	[sflag:s23] =	ssyncset.done $0x0  }
0x57: {  	s12 =	simm.s32 $0x0;
	s1 =	simm.s32 $0x0;
	[sflag:s23] =	ssyncadd.s32 $0xFFFFE000  }
.LBB2_16:
0x58: {  	s1 =	sadd.s32 $0x1, s1  }
0x59: {  	p0 =	sne.s32 s1, $0x4F  }
.Ltmp5:
0x5a: {  	_ = 	snop;
	(pc) =	sbr.rel @!p0 .LBB2_17-.Ltmp5, $1  }
0x5b: {  	_ =	sdelay $0x3  }
.LBB2_6:
0x5c: {  	s0 =	sshll.u32 s1, $0xB  }
0x5d: {  	s0 =	sadd.s32 s9, s0  }
0x5e: {  	s0 =	sshrl.u32 s0, $0x3  }
0x5f: {  	s10 =	sadd.s32 s5, s0  }
0x60: {  	[tilespmem:s3], [sflag:$0x1] =	stream.linear.gather [hbm4b:s10+s3], $0x800, $0x38;
	[tilespmem:$0x7708] =	vst v63  }
0x61: {  	_ =	swait.ge [sflag:s23], $0x800  }
0x62: {  	[sflag:s23] =	ssyncset.done $0x0  }
.Ltmp6:
0x63: {  	s0 =	sadd.s32 s4, s0;
	[sflag:s23] =	ssyncadd.s32 $0xFFFFF800;
	(pc) =	sbr.rel .LBB2_7-.Ltmp6, $4  }
0x64: {  	[tilespmem:s24], [sflag:$0x1] =	stream.linear.gather [hbm4b:s0+s3], $0x800, $0x38;
	[tilespmem:$0x7708] =	vst v63  }
0x65: {  	_ =	swait.ge [sflag:s23], $0x800  }
0x66: {  	s30 =	simm.s32 $0xFFFFFFFC;
	[sflag:s23] =	ssyncset.done $0x0  }
0x67: {  	s10 =	simm.s32 $0x20;
	s0 =	simm.s32 $0x820;
	[sflag:s23] =	ssyncadd.s32 $0xFFFFF800  }
.LBB2_15:
0x68: {  	p0 =	sgt.s32 s12, $0x7F  }
0x69: {  	s11 =	sadd.s32 $0xFFFFFF80, s12;
	s14 =	simm.s32 $0x1;
	s30 =	sadd.s32 $0x4, s30  }
0x6a: {  	s12 =	smov.u32 @p0 s11;
	s14 =	simm.s32 @!p0 $0x0;
	p0 =	slt.u32 s30, $0x7C  }
.Ltmp7:
0x6b: {  	_ = 	snop;
	(pc) =	sbr.rel @!p0 .LBB2_16-.Ltmp7, $2  }
0x6c: {  	_ =	sdelay $0x2  }
0x6d: {  	s0 =	sadd.s32 $0x40, s0;
	s10 =	sadd.s32 $0x40, s10;
	s11 =	sadd.s32 s14, s13  }
.LBB2_7:
0x6e: {  	v5 =	vld [tilespmem:s10+$0xFFFFFFE0];
	_ =	sdelay $0x4  }
0x6f: {  	v5 =	vsub.s32 v5, v0  }
0x70: {  	vm0 =	vlt.u32 v5, $0x280  }
0x71: {  	v6 =	vmpcnt.ones.xlane vm0;
	_ =	sdelay $0x1  }
0x72: {  	(v2sf) =	vpush v6, $0x0;
	_ =	sdelay $0xe  }
0x73: {  	s13 =	spop (v2sf)  }
0x74: {  	[tilespmem:s12+$0x1000] =	vst.msk vm0, v5;
	s13 =	sadd.s32 s12, s13  }
0x75: {  	v5 =	vld [tilespmem:s0+$0xFFFFFFE0];
	p0 =	slt.s32 s13, $0x80  }
.Ltmp8:
0x76: {  	_ = 	snop;
	(pc) =	sbr.rel @p0 .LBB2_9-.Ltmp8, $2  }
0x77: {  	_ =	sdelay $0x2  }
0x78: {  	[tilespmem:s12+$0x1180] =	vst.msk vm0, v5  }
0x79: {  	v5 =	vld [tilespmem:$0x1000]  }
0x7a: {  	v6 =	vld [tilespmem:$0x1010]  }
0x7b: {  	v7 =	vld [tilespmem:$0x1020]  }
0x7c: {  	v8 =	vld [tilespmem:$0x1030]  }
0x7d: {  	v9 =	vld [tilespmem:$0x1040]  }
0x7e: {  	[tilespmem:$0x1300] =	vst v5;
	v5 =	vld [tilespmem:$0x1050]  }
0x7f: {  	[tilespmem:$0x1310] =	vst v6;
	v6 =	vld [tilespmem:$0x1060]  }
0x80: {  	v54 =	vld [tilespmem:$0x1080];
	[tilespmem:$0x1320] =	vst v7  }
0x81: {  	v55 =	vld [tilespmem:$0x1090];
	[tilespmem:$0x1330] =	vst v8  }
0x82: {  	v7 =	vld [tilespmem:$0x1070];
	[tilespmem:$0x1340] =	vst v9  }
0x83: {  	[tilespmem:$0x1350] =	vst v5;
	v5 =	vld [tilespmem:$0x10A0]  }
0x84: {  	[tilespmem:$0x1360] =	vst v6;
	v6 =	vld [tilespmem:$0x10B0]  }
0x85: {  	v56 =	vld [tilespmem:$0x10D0];
	[tilespmem:$0x1000] =	vst v54  }
0x86: {  	v57 =	vld [tilespmem:$0x10E0];
	[tilespmem:$0x1010] =	vst v55  }
0x87: {  	[tilespmem:$0x1370] =	vst v7;
	v7 =	vld [tilespmem:$0x10C0]  }
0x88: {  	[tilespmem:$0x1020] =	vst v5;
	v5 =	vld [tilespmem:$0x10F0]  }
0x89: {  	[tilespmem:$0x1030] =	vst v6;
	v6 =	vld [tilespmem:$0x1180]  }
0x8a: {  	v58 =	vld [tilespmem:$0x11A0];
	[tilespmem:$0x1050] =	vst v56  }
0x8b: {  	v59 =	vld [tilespmem:$0x11B0];
	[tilespmem:$0x1060] =	vst v57  }
0x8c: {  	[tilespmem:$0x1040] =	vst v7;
	v7 =	vld [tilespmem:$0x1190]  }
0x8d: {  	[tilespmem:$0x1070] =	vst v5;
	v5 =	vld [tilespmem:$0x11C0]  }
0x8e: {  	[tilespmem:$0x1380] =	vst v6;
	v6 =	vld [tilespmem:$0x11D0]  }
0x8f: {  	v60 =	vld [tilespmem:$0x11F0];
	[tilespmem:$0x13A0] =	vst v58  }
0x90: {  	v61 =	vld [tilespmem:$0x1200];
	[tilespmem:$0x13B0] =	vst v59  }
0x91: {  	[tilespmem:$0x1390] =	vst v7;
	v7 =	vld [tilespmem:$0x11E0]  }
0x92: {  	[tilespmem:$0x13C0] =	vst v5;
	v5 =	vld [tilespmem:$0x1210]  }
0x93: {  	[tilespmem:$0x13D0] =	vst v6;
	v6 =	vld [tilespmem:$0x1220]  }
0x94: {  	v62 =	vld [tilespmem:$0x1240];
	[tilespmem:$0x13F0] =	vst v60  }
0x95: {  	v63 =	vld [tilespmem:$0x1250];
	[tilespmem:$0x1180] =	vst v61  }
0x96: {  	[tilespmem:$0x13E0] =	vst v7;
	v7 =	vld [tilespmem:$0x1230]  }
0x97: {  	[tilespmem:$0x1190] =	vst v5;
	v5 =	vld [tilespmem:$0x1260]  }
0x98: {  	[tilespmem:$0x11A0] =	vst v6;
	v6 =	vld [tilespmem:$0x1270]  }
0x99: {  	[tilespmem:$0x11C0] =	vst v62  }
0x9a: {  	[tilespmem:$0x11D0] =	vst v63  }
0x9b: {  	[tilespmem:$0x11B0] =	vst v7  }
0x9c: {  	[tilespmem:$0x11E0] =	vst v5  }
0x9d: {  	s12 =	sshll.u32 s11, $0x7;
	[tilespmem:$0x11F0] =	vst v6  }
0x9e: {  	[spmem:s2] =	stream.indirect.scatter.add.f32 [tilespmem:s28], [sflag:$0x1], $0x10, s26, s25, $0xb8;
	[tilespmem:$0x7708] =	vst v63  }
0x9f: {  	s12 =	sadd.s32 s8, s12;
	_ =	swait.ge [sflag:s23], $0x800  }
0xa0: {  	s12 =	sshrl.u32 s12, $0x3;
	[sflag:s23] =	ssyncset.done $0x0  }
0xa1: {  	s14 =	sadd.s32 s6, s12;
	[sflag:s23] =	ssyncadd.s32 $0xFFFFF800  }
0xa2: {  	[hbm4b:s14+s3] =	stream.linear.scatter [tilespmem:s29], [sflag:$0x1], $0x80, $0x38;
	[tilespmem:$0x7708] =	vst v63  }
0xa3: {  	_ =	swait.ge [sflag:s23], $0x80  }
0xa4: {  	[sflag:s23] =	ssyncset.done $0x0  }
0xa5: {  	s12 =	sadd.s32 s7, s12;
	[sflag:s23] =	ssyncadd.s32 $0xFFFFFF80  }
0xa6: {  	[hbm4b:s12+s3] =	stream.linear.scatter [tilespmem:s26], [sflag:$0x1], $0x80, $0x38;
	[tilespmem:$0x7708] =	vst v63  }
0xa7: {  	_ =	swait.ge [sflag:s23], $0x80  }
0xa8: {  	[sflag:s23] =	ssyncset.done $0x0  }
0xa9: {  	[sflag:s23] =	ssyncadd.s32 $0xFFFFFF80  }
.LBB2_9:
0xaa: {  	v5 =	vld [tilespmem:s10+$0xFFFFFFF0];
	_ =	sdelay $0x4  }
0xab: {  	v5 =	vsub.s32 v5, v0  }
0xac: {  	vm0 =	vlt.u32 v5, $0x280  }
0xad: {  	v6 =	vmpcnt.ones.xlane vm0;
	_ =	sdelay $0x1  }
0xae: {  	(v2sf) =	vpush v6, $0x0;
	_ =	sdelay $0xd  }
0xaf: {  	p0 =	sgt.s32 s13, $0x7F;
	s12 =	sadd.s32 $0xFFFFFF80, s13  }
0xb0: {  	s13 =	smov.u32 @p0 s12;
	s12 =	spop (v2sf)  }
0xb1: {  	s14 =	simm.s32 $0x1;
	[tilespmem:s13+$0x1000] =	vst.msk vm0, v5;
	s12 =	sadd.s32 s13, s12  }
0xb2: {  	s14 =	simm.s32 @!p0 $0x0;
	v5 =	vld [tilespmem:s0+$0xFFFFFFF0];
	p0 =	slt.s32 s12, $0x80  }
.Ltmp9:
0xb3: {  	_ = 	snop;
	(pc) =	sbr.rel @p0 .LBB2_11-.Ltmp9, $2  }
0xb4: {  	_ =	sdelay $0x2  }
0xb5: {  	s14 =	sadd.s32 s14, s11;
	[tilespmem:s13+$0x1180] =	vst.msk vm0, v5  }
0xb6: {  	v5 =	vld [tilespmem:$0x1000]  }
0xb7: {  	v6 =	vld [tilespmem:$0x1010]  }
0xb8: {  	v7 =	vld [tilespmem:$0x1020]  }
0xb9: {  	v8 =	vld [tilespmem:$0x1030]  }
0xba: {  	v9 =	vld [tilespmem:$0x1040]  }
0xbb: {  	[tilespmem:$0x1300] =	vst v5;
	v5 =	vld [tilespmem:$0x1050]  }
0xbc: {  	[tilespmem:$0x1310] =	vst v6;
	v6 =	vld [tilespmem:$0x1060]  }
0xbd: {  	v54 =	vld [tilespmem:$0x1080];
	[tilespmem:$0x1320] =	vst v7  }
0xbe: {  	v55 =	vld [tilespmem:$0x1090];
	[tilespmem:$0x1330] =	vst v8  }
0xbf: {  	v7 =	vld [tilespmem:$0x1070];
	[tilespmem:$0x1340] =	vst v9  }
0xc0: {  	[tilespmem:$0x1350] =	vst v5;
	v5 =	vld [tilespmem:$0x10A0]  }
0xc1: {  	[tilespmem:$0x1360] =	vst v6;
	v6 =	vld [tilespmem:$0x10B0]  }
0xc2: {  	v56 =	vld [tilespmem:$0x10D0];
	[tilespmem:$0x1000] =	vst v54  }
0xc3: {  	v57 =	vld [tilespmem:$0x10E0];
	[tilespmem:$0x1010] =	vst v55  }
0xc4: {  	[tilespmem:$0x1370] =	vst v7;
	v7 =	vld [tilespmem:$0x10C0]  }
0xc5: {  	[tilespmem:$0x1020] =	vst v5;
	v5 =	vld [tilespmem:$0x10F0]  }
0xc6: {  	[tilespmem:$0x1030] =	vst v6;
	v6 =	vld [tilespmem:$0x1180]  }
0xc7: {  	v58 =	vld [tilespmem:$0x11A0];
	[tilespmem:$0x1050] =	vst v56  }
0xc8: {  	v59 =	vld [tilespmem:$0x11B0];
	[tilespmem:$0x1060] =	vst v57  }
0xc9: {  	[tilespmem:$0x1040] =	vst v7;
	v7 =	vld [tilespmem:$0x1190]  }
0xca: {  	[tilespmem:$0x1070] =	vst v5;
	v5 =	vld [tilespmem:$0x11C0]  }
0xcb: {  	[tilespmem:$0x1380] =	vst v6;
	v6 =	vld [tilespmem:$0x11D0]  }
0xcc: {  	v60 =	vld [tilespmem:$0x11F0];
	[tilespmem:$0x13A0] =	vst v58  }
0xcd: {  	v61 =	vld [tilespmem:$0x1200];
	[tilespmem:$0x13B0] =	vst v59  }
0xce: {  	[tilespmem:$0x1390] =	vst v7;
	v7 =	vld [tilespmem:$0x11E0]  }
0xcf: {  	[tilespmem:$0x13C0] =	vst v5;
	v5 =	vld [tilespmem:$0x1210]  }
0xd0: {  	[tilespmem:$0x13D0] =	vst v6;
	v6 =	vld [tilespmem:$0x1220]  }
0xd1: {  	v62 =	vld [tilespmem:$0x1240];
	[tilespmem:$0x13F0] =	vst v60  }
0xd2: {  	v63 =	vld [tilespmem:$0x1250];
	[tilespmem:$0x1180] =	vst v61  }
0xd3: {  	[tilespmem:$0x13E0] =	vst v7;
	v7 =	vld [tilespmem:$0x1230]  }
0xd4: {  	[tilespmem:$0x1190] =	vst v5;
	v5 =	vld [tilespmem:$0x1260]  }
0xd5: {  	[tilespmem:$0x11A0] =	vst v6;
	v6 =	vld [tilespmem:$0x1270]  }
0xd6: {  	[tilespmem:$0x11C0] =	vst v62  }
0xd7: {  	[tilespmem:$0x11D0] =	vst v63  }
0xd8: {  	[tilespmem:$0x11B0] =	vst v7  }
0xd9: {  	[tilespmem:$0x11E0] =	vst v5  }
0xda: {  	s11 =	sshll.u32 s14, $0x7;
	[tilespmem:$0x11F0] =	vst v6  }
0xdb: {  	[spmem:s2] =	stream.indirect.scatter.add.f32 [tilespmem:s28], [sflag:$0x1], $0x10, s26, s25, $0xb8;
	[tilespmem:$0x7708] =	vst v63  }
0xdc: {  	s11 =	sadd.s32 s8, s11;
	_ =	swait.ge [sflag:s23], $0x800  }
0xdd: {  	s11 =	sshrl.u32 s11, $0x3;
	[sflag:s23] =	ssyncset.done $0x0  }
0xde: {  	s13 =	sadd.s32 s6, s11;
	[sflag:s23] =	ssyncadd.s32 $0xFFFFF800  }
0xdf: {  	[hbm4b:s13+s3] =	stream.linear.scatter [tilespmem:s29], [sflag:$0x1], $0x80, $0x38;
	[tilespmem:$0x7708] =	vst v63  }
0xe0: {  	_ =	swait.ge [sflag:s23], $0x80  }
0xe1: {  	[sflag:s23] =	ssyncset.done $0x0  }
0xe2: {  	s11 =	sadd.s32 s7, s11;
	[sflag:s23] =	ssyncadd.s32 $0xFFFFFF80  }
0xe3: {  	[hbm4b:s11+s3] =	stream.linear.scatter [tilespmem:s26], [sflag:$0x1], $0x80, $0x38;
	[tilespmem:$0x7708] =	vst v63  }
0xe4: {  	_ =	swait.ge [sflag:s23], $0x80  }
0xe5: {  	[sflag:s23] =	ssyncset.done $0x0  }
0xe6: {  	[sflag:s23] =	ssyncadd.s32 $0xFFFFFF80  }
.LBB2_11:
0xe7: {  	v5 =	vld [tilespmem:s10+$0x0];
	_ =	sdelay $0x4  }
0xe8: {  	v5 =	vsub.s32 v5, v0  }
0xe9: {  	vm0 =	vlt.u32 v5, $0x280  }
0xea: {  	v6 =	vmpcnt.ones.xlane vm0;
	_ =	sdelay $0x1  }
0xeb: {  	(v2sf) =	vpush v6, $0x0;
	_ =	sdelay $0xd  }
0xec: {  	p0 =	sgt.s32 s12, $0x7F;
	s11 =	sadd.s32 $0xFFFFFF80, s12  }
0xed: {  	s12 =	smov.u32 @p0 s11;
	s11 =	spop (v2sf)  }
0xee: {  	s13 =	simm.s32 $0x1;
	[tilespmem:s12+$0x1000] =	vst.msk vm0, v5;
	s11 =	sadd.s32 s12, s11  }
0xef: {  	s13 =	simm.s32 @!p0 $0x0;
	v5 =	vld [tilespmem:s0+$0x0];
	p0 =	slt.s32 s11, $0x80  }
.Ltmp10:
0xf0: {  	_ = 	snop;
	(pc) =	sbr.rel @p0 .LBB2_13-.Ltmp10, $2  }
0xf1: {  	_ =	sdelay $0x2  }
0xf2: {  	s13 =	sadd.s32 s13, s14;
	[tilespmem:s12+$0x1180] =	vst.msk vm0, v5  }
0xf3: {  	v5 =	vld [tilespmem:$0x1000]  }
0xf4: {  	v6 =	vld [tilespmem:$0x1010]  }
0xf5: {  	v7 =	vld [tilespmem:$0x1020]  }
0xf6: {  	v8 =	vld [tilespmem:$0x1030]  }
0xf7: {  	v9 =	vld [tilespmem:$0x1040]  }
0xf8: {  	[tilespmem:$0x1300] =	vst v5;
	v5 =	vld [tilespmem:$0x1050]  }
0xf9: {  	[tilespmem:$0x1310] =	vst v6;
	v6 =	vld [tilespmem:$0x1060]  }
0xfa: {  	v54 =	vld [tilespmem:$0x1080];
	[tilespmem:$0x1320] =	vst v7  }
0xfb: {  	v55 =	vld [tilespmem:$0x1090];
	[tilespmem:$0x1330] =	vst v8  }
0xfc: {  	v7 =	vld [tilespmem:$0x1070];
	[tilespmem:$0x1340] =	vst v9  }
0xfd: {  	[tilespmem:$0x1350] =	vst v5;
	v5 =	vld [tilespmem:$0x10A0]  }
0xfe: {  	[tilespmem:$0x1360] =	vst v6;
	v6 =	vld [tilespmem:$0x10B0]  }
0xff: {  	v56 =	vld [tilespmem:$0x10D0];
	[tilespmem:$0x1000] =	vst v54  }
0x100: {  	v57 =	vld [tilespmem:$0x10E0];
	[tilespmem:$0x1010] =	vst v55  }
0x101: {  	[tilespmem:$0x1370] =	vst v7;
	v7 =	vld [tilespmem:$0x10C0]  }
0x102: {  	[tilespmem:$0x1020] =	vst v5;
	v5 =	vld [tilespmem:$0x10F0]  }
0x103: {  	[tilespmem:$0x1030] =	vst v6;
	v6 =	vld [tilespmem:$0x1180]  }
0x104: {  	v58 =	vld [tilespmem:$0x11A0];
	[tilespmem:$0x1050] =	vst v56  }
0x105: {  	v59 =	vld [tilespmem:$0x11B0];
	[tilespmem:$0x1060] =	vst v57  }
0x106: {  	[tilespmem:$0x1040] =	vst v7;
	v7 =	vld [tilespmem:$0x1190]  }
0x107: {  	[tilespmem:$0x1070] =	vst v5;
	v5 =	vld [tilespmem:$0x11C0]  }
0x108: {  	[tilespmem:$0x1380] =	vst v6;
	v6 =	vld [tilespmem:$0x11D0]  }
0x109: {  	v60 =	vld [tilespmem:$0x11F0];
	[tilespmem:$0x13A0] =	vst v58  }
0x10a: {  	v61 =	vld [tilespmem:$0x1200];
	[tilespmem:$0x13B0] =	vst v59  }
0x10b: {  	[tilespmem:$0x1390] =	vst v7;
	v7 =	vld [tilespmem:$0x11E0]  }
0x10c: {  	[tilespmem:$0x13C0] =	vst v5;
	v5 =	vld [tilespmem:$0x1210]  }
0x10d: {  	[tilespmem:$0x13D0] =	vst v6;
	v6 =	vld [tilespmem:$0x1220]  }
0x10e: {  	v62 =	vld [tilespmem:$0x1240];
	[tilespmem:$0x13F0] =	vst v60  }
0x10f: {  	v63 =	vld [tilespmem:$0x1250];
	[tilespmem:$0x1180] =	vst v61  }
0x110: {  	[tilespmem:$0x13E0] =	vst v7;
	v7 =	vld [tilespmem:$0x1230]  }
0x111: {  	[tilespmem:$0x1190] =	vst v5;
	v5 =	vld [tilespmem:$0x1260]  }
0x112: {  	[tilespmem:$0x11A0] =	vst v6;
	v6 =	vld [tilespmem:$0x1270]  }
0x113: {  	[tilespmem:$0x11C0] =	vst v62  }
0x114: {  	[tilespmem:$0x11D0] =	vst v63  }
0x115: {  	[tilespmem:$0x11B0] =	vst v7  }
0x116: {  	[tilespmem:$0x11E0] =	vst v5  }
0x117: {  	s12 =	sshll.u32 s13, $0x7;
	[tilespmem:$0x11F0] =	vst v6  }
0x118: {  	[spmem:s2] =	stream.indirect.scatter.add.f32 [tilespmem:s28], [sflag:$0x1], $0x10, s26, s25, $0xb8;
	[tilespmem:$0x7708] =	vst v63  }
0x119: {  	s12 =	sadd.s32 s8, s12;
	_ =	swait.ge [sflag:s23], $0x800  }
0x11a: {  	s12 =	sshrl.u32 s12, $0x3;
	[sflag:s23] =	ssyncset.done $0x0  }
0x11b: {  	s14 =	sadd.s32 s6, s12;
	[sflag:s23] =	ssyncadd.s32 $0xFFFFF800  }
0x11c: {  	[hbm4b:s14+s3] =	stream.linear.scatter [tilespmem:s29], [sflag:$0x1], $0x80, $0x38;
	[tilespmem:$0x7708] =	vst v63  }
0x11d: {  	_ =	swait.ge [sflag:s23], $0x80  }
0x11e: {  	[sflag:s23] =	ssyncset.done $0x0  }
0x11f: {  	s12 =	sadd.s32 s7, s12;
	[sflag:s23] =	ssyncadd.s32 $0xFFFFFF80  }
0x120: {  	[hbm4b:s12+s3] =	stream.linear.scatter [tilespmem:s26], [sflag:$0x1], $0x80, $0x38;
	[tilespmem:$0x7708] =	vst v63  }
0x121: {  	_ =	swait.ge [sflag:s23], $0x80  }
0x122: {  	[sflag:s23] =	ssyncset.done $0x0  }
0x123: {  	[sflag:s23] =	ssyncadd.s32 $0xFFFFFF80  }
.LBB2_13:
0x124: {  	v5 =	vld [tilespmem:s10+$0x10];
	_ =	sdelay $0x4  }
0x125: {  	v5 =	vsub.s32 v5, v0  }
0x126: {  	vm0 =	vlt.u32 v5, $0x280  }
0x127: {  	v6 =	vmpcnt.ones.xlane vm0;
	_ =	sdelay $0x1  }
0x128: {  	(v2sf) =	vpush v6, $0x0;
	_ =	sdelay $0xd  }
0x129: {  	p0 =	sgt.s32 s11, $0x7F;
	s12 =	sadd.s32 $0xFFFFFF80, s11  }
0x12a: {  	s11 =	smov.u32 @p0 s12;
	s12 =	spop (v2sf)  }
0x12b: {  	s14 =	simm.s32 $0x1;
	[tilespmem:s11+$0x1000] =	vst.msk vm0, v5;
	s12 =	sadd.s32 s11, s12  }
0x12c: {  	s14 =	simm.s32 @!p0 $0x0;
	v5 =	vld [tilespmem:s0+$0x10];
	p0 =	slt.s32 s12, $0x80  }
.Ltmp11:
0x12d: {  	_ = 	snop;
	(pc) =	sbr.rel @p0 .LBB2_15-.Ltmp11, $2  }
0x12e: {  	_ =	sdelay $0x2  }
0x12f: {  	s13 =	sadd.s32 s14, s13;
	[tilespmem:s11+$0x1180] =	vst.msk vm0, v5  }
0x130: {  	v5 =	vld [tilespmem:$0x1000]  }
0x131: {  	v6 =	vld [tilespmem:$0x1010]  }
0x132: {  	v7 =	vld [tilespmem:$0x1020]  }
0x133: {  	v8 =	vld [tilespmem:$0x1030]  }
0x134: {  	v9 =	vld [tilespmem:$0x1040]  }
0x135: {  	[tilespmem:$0x1300] =	vst v5;
	v5 =	vld [tilespmem:$0x1050]  }
0x136: {  	[tilespmem:$0x1310] =	vst v6;
	v6 =	vld [tilespmem:$0x1060]  }
0x137: {  	v54 =	vld [tilespmem:$0x1080];
	[tilespmem:$0x1320] =	vst v7  }
0x138: {  	v55 =	vld [tilespmem:$0x1090];
	[tilespmem:$0x1330] =	vst v8  }
0x139: {  	v7 =	vld [tilespmem:$0x1070];
	[tilespmem:$0x1340] =	vst v9  }
0x13a: {  	[tilespmem:$0x1350] =	vst v5;
	v5 =	vld [tilespmem:$0x10A0]  }
0x13b: {  	[tilespmem:$0x1360] =	vst v6;
	v6 =	vld [tilespmem:$0x10B0]  }
0x13c: {  	v56 =	vld [tilespmem:$0x10D0];
	[tilespmem:$0x1000] =	vst v54  }
0x13d: {  	v57 =	vld [tilespmem:$0x10E0];
	[tilespmem:$0x1010] =	vst v55  }
0x13e: {  	[tilespmem:$0x1370] =	vst v7;
	v7 =	vld [tilespmem:$0x10C0]  }
0x13f: {  	[tilespmem:$0x1020] =	vst v5;
	v5 =	vld [tilespmem:$0x10F0]  }
0x140: {  	[tilespmem:$0x1030] =	vst v6;
	v6 =	vld [tilespmem:$0x1180]  }
0x141: {  	v58 =	vld [tilespmem:$0x11A0];
	[tilespmem:$0x1050] =	vst v56  }
0x142: {  	v59 =	vld [tilespmem:$0x11B0];
	[tilespmem:$0x1060] =	vst v57  }
0x143: {  	[tilespmem:$0x1040] =	vst v7;
	v7 =	vld [tilespmem:$0x1190]  }
0x144: {  	[tilespmem:$0x1070] =	vst v5;
	v5 =	vld [tilespmem:$0x11C0]  }
0x145: {  	[tilespmem:$0x1380] =	vst v6;
	v6 =	vld [tilespmem:$0x11D0]  }
0x146: {  	v60 =	vld [tilespmem:$0x11F0];
	[tilespmem:$0x13A0] =	vst v58  }
0x147: {  	v61 =	vld [tilespmem:$0x1200];
	[tilespmem:$0x13B0] =	vst v59  }
0x148: {  	[tilespmem:$0x1390] =	vst v7;
	v7 =	vld [tilespmem:$0x11E0]  }
0x149: {  	[tilespmem:$0x13C0] =	vst v5;
	v5 =	vld [tilespmem:$0x1210]  }
0x14a: {  	[tilespmem:$0x13D0] =	vst v6;
	v6 =	vld [tilespmem:$0x1220]  }
0x14b: {  	v62 =	vld [tilespmem:$0x1240];
	[tilespmem:$0x13F0] =	vst v60  }
0x14c: {  	v63 =	vld [tilespmem:$0x1250];
	[tilespmem:$0x1180] =	vst v61  }
0x14d: {  	[tilespmem:$0x13E0] =	vst v7;
	v7 =	vld [tilespmem:$0x1230]  }
0x14e: {  	[tilespmem:$0x1190] =	vst v5;
	v5 =	vld [tilespmem:$0x1260]  }
0x14f: {  	[tilespmem:$0x11A0] =	vst v6;
	v6 =	vld [tilespmem:$0x1270]  }
0x150: {  	[tilespmem:$0x11C0] =	vst v62  }
0x151: {  	[tilespmem:$0x11D0] =	vst v63  }
0x152: {  	[tilespmem:$0x11B0] =	vst v7  }
0x153: {  	[tilespmem:$0x11E0] =	vst v5  }
0x154: {  	s11 =	sshll.u32 s13, $0x7;
	[tilespmem:$0x11F0] =	vst v6  }
0x155: {  	[spmem:s2] =	stream.indirect.scatter.add.f32 [tilespmem:s28], [sflag:$0x1], $0x10, s26, s25, $0xb8;
	[tilespmem:$0x7708] =	vst v63  }
0x156: {  	s11 =	sadd.s32 s8, s11;
	_ =	swait.ge [sflag:s23], $0x800  }
0x157: {  	s11 =	sshrl.u32 s11, $0x3;
	[sflag:s23] =	ssyncset.done $0x0  }
0x158: {  	s14 =	sadd.s32 s6, s11;
	[sflag:s23] =	ssyncadd.s32 $0xFFFFF800  }
0x159: {  	[hbm4b:s14+s3] =	stream.linear.scatter [tilespmem:s29], [sflag:$0x1], $0x80, $0x38;
	[tilespmem:$0x7708] =	vst v63  }
0x15a: {  	_ =	swait.ge [sflag:s23], $0x80  }
0x15b: {  	[sflag:s23] =	ssyncset.done $0x0  }
.Ltmp12:
0x15c: {  	s11 =	sadd.s32 s7, s11;
	[sflag:s23] =	ssyncadd.s32 $0xFFFFFF80;
	(pc) =	sbr.rel .LBB2_15-.Ltmp12, $4  }
0x15d: {  	[hbm4b:s11+s3] =	stream.linear.scatter [tilespmem:s26], [sflag:$0x1], $0x80, $0x38;
	[tilespmem:$0x7708] =	vst v63  }
0x15e: {  	_ =	swait.ge [sflag:s23], $0x80  }
0x15f: {  	[sflag:s23] =	ssyncset.done $0x0  }
0x160: {  	[sflag:s23] =	ssyncadd.s32 $0xFFFFFF80  }
.LBB2_17:
0x161: {  	[tilespmem:s12+$0x1000] =	vst v3  }
0x162: {  	[tilespmem:s12+$0x1180] =	vst v4  }
0x163: {  	[tilespmem:s12+$0x1010] =	vst v3  }
0x164: {  	[tilespmem:s12+$0x1190] =	vst v4  }
0x165: {  	[tilespmem:s12+$0x1020] =	vst v3  }
0x166: {  	[tilespmem:s12+$0x11A0] =	vst v4  }
0x167: {  	[tilespmem:s12+$0x1030] =	vst v3  }
0x168: {  	[tilespmem:s12+$0x11B0] =	vst v4  }
0x169: {  	[tilespmem:s12+$0x1040] =	vst v3  }
0x16a: {  	[tilespmem:s12+$0x11C0] =	vst v4  }
0x16b: {  	[tilespmem:s12+$0x1050] =	vst v3;
	p0 =	slt.s32 s12, $0x1  }
.Ltmp13:
0x16c: {  	[tilespmem:s12+$0x11D0] =	vst v4;
	(pc) =	sbr.rel @p0 .LBB2_19-.Ltmp13, $4  }
0x16d: {  	[tilespmem:s12+$0x1060] =	vst v3  }
0x16e: {  	[tilespmem:s12+$0x11E0] =	vst v4  }
0x16f: {  	[tilespmem:s12+$0x1070] =	vst v3  }
0x170: {  	[tilespmem:s12+$0x11F0] =	vst v4  }
0x171: {  	v5 =	vld [tilespmem:$0x1000]  }
0x172: {  	v6 =	vld [tilespmem:$0x1010]  }
0x173: {  	v7 =	vld [tilespmem:$0x1020]  }
0x174: {  	v8 =	vld [tilespmem:$0x1030]  }
0x175: {  	v9 =	vld [tilespmem:$0x1040]  }
0x176: {  	[tilespmem:$0x1300] =	vst v5;
	v5 =	vld [tilespmem:$0x1050]  }
0x177: {  	[tilespmem:$0x1310] =	vst v6;
	v6 =	vld [tilespmem:$0x1060]  }
0x178: {  	v54 =	vld [tilespmem:$0x1080];
	[tilespmem:$0x1320] =	vst v7  }
0x179: {  	v55 =	vld [tilespmem:$0x1090];
	[tilespmem:$0x1330] =	vst v8  }
0x17a: {  	v7 =	vld [tilespmem:$0x1070];
	[tilespmem:$0x1340] =	vst v9  }
0x17b: {  	[tilespmem:$0x1350] =	vst v5;
	v5 =	vld [tilespmem:$0x10A0]  }
0x17c: {  	[tilespmem:$0x1360] =	vst v6;
	v6 =	vld [tilespmem:$0x10B0]  }
0x17d: {  	v56 =	vld [tilespmem:$0x10D0];
	[tilespmem:$0x1000] =	vst v54  }
0x17e: {  	v57 =	vld [tilespmem:$0x10E0];
	[tilespmem:$0x1010] =	vst v55  }
0x17f: {  	[tilespmem:$0x1370] =	vst v7;
	v7 =	vld [tilespmem:$0x10C0]  }
0x180: {  	[tilespmem:$0x1020] =	vst v5;
	v5 =	vld [tilespmem:$0x10F0]  }
0x181: {  	[tilespmem:$0x1030] =	vst v6;
	v6 =	vld [tilespmem:$0x1180]  }
0x182: {  	v58 =	vld [tilespmem:$0x11A0];
	[tilespmem:$0x1050] =	vst v56  }
0x183: {  	v59 =	vld [tilespmem:$0x11B0];
	[tilespmem:$0x1060] =	vst v57  }
0x184: {  	[tilespmem:$0x1040] =	vst v7;
	v7 =	vld [tilespmem:$0x1190]  }
0x185: {  	[tilespmem:$0x1070] =	vst v5;
	v5 =	vld [tilespmem:$0x11C0]  }
0x186: {  	[tilespmem:$0x1380] =	vst v6;
	v6 =	vld [tilespmem:$0x11D0]  }
0x187: {  	v60 =	vld [tilespmem:$0x11F0];
	[tilespmem:$0x13A0] =	vst v58  }
0x188: {  	v61 =	vld [tilespmem:$0x1200];
	[tilespmem:$0x13B0] =	vst v59  }
0x189: {  	[tilespmem:$0x1390] =	vst v7;
	v7 =	vld [tilespmem:$0x11E0]  }
0x18a: {  	[tilespmem:$0x13C0] =	vst v5;
	v5 =	vld [tilespmem:$0x1210]  }
0x18b: {  	[tilespmem:$0x13D0] =	vst v6;
	v6 =	vld [tilespmem:$0x1220]  }
0x18c: {  	v62 =	vld [tilespmem:$0x1240];
	[tilespmem:$0x13F0] =	vst v60  }
0x18d: {  	v63 =	vld [tilespmem:$0x1250];
	[tilespmem:$0x1180] =	vst v61  }
0x18e: {  	[tilespmem:$0x13E0] =	vst v7;
	v7 =	vld [tilespmem:$0x1230]  }
0x18f: {  	[tilespmem:$0x1190] =	vst v5;
	v5 =	vld [tilespmem:$0x1260]  }
0x190: {  	[tilespmem:$0x11A0] =	vst v6;
	v6 =	vld [tilespmem:$0x1270]  }
0x191: {  	[tilespmem:$0x11C0] =	vst v62  }
0x192: {  	[tilespmem:$0x11D0] =	vst v63  }
0x193: {  	[tilespmem:$0x11B0] =	vst v7  }
0x194: {  	[tilespmem:$0x11E0] =	vst v5  }
0x195: {  	s0 =	sshll.u32 s11, $0x7;
	[tilespmem:$0x11F0] =	vst v6  }
0x196: {  	[spmem:s2] =	stream.indirect.scatter.add.f32 [tilespmem:s28], [sflag:$0x1], $0x10, s26, s25, $0xb8;
	[tilespmem:$0x7708] =	vst v63  }
0x197: {  	s0 =	sadd.s32 s8, s0;
	_ =	swait.ge [sflag:s23], $0x800  }
0x198: {  	s0 =	sshrl.u32 s0, $0x3;
	[sflag:s23] =	ssyncset.done $0x0  }
0x199: {  	s1 =	sadd.s32 s6, s0;
	[sflag:s23] =	ssyncadd.s32 $0xFFFFF800  }
0x19a: {  	[hbm4b:s1+s3] =	stream.linear.scatter [tilespmem:s29], [sflag:$0x1], $0x80, $0x38;
	[tilespmem:$0x7708] =	vst v63  }
0x19b: {  	_ =	swait.ge [sflag:s23], $0x80  }
0x19c: {  	[sflag:s23] =	ssyncset.done $0x0  }
.Ltmp14:
0x19d: {  	s0 =	sadd.s32 s7, s0;
	[sflag:s23] =	ssyncadd.s32 $0xFFFFFF80;
	(pc) =	sbr.rel .LBB2_19-.Ltmp14, $4  }
0x19e: {  	[hbm4b:s0+s3] =	stream.linear.scatter [tilespmem:s26], [sflag:$0x1], $0x80, $0x38;
	[tilespmem:$0x7708] =	vst v63  }
0x19f: {  	_ =	swait.ge [sflag:s23], $0x80  }
0x1a0: {  	[sflag:s23] =	ssyncset.done $0x0  }
0x1a1: {  	[sflag:s23] =	ssyncadd.s32 $0xFFFFFF80  }
.LBB2_20:
0x1a2: {  	_ =	sfence.sel $0x180000  }
0x1a3: {  	[bflag:$0x0] =	sbarrier.arrive $0xFFFF  }
0x1a4: {  	_ =	strace $0x90000047  }
0x1a5: {  	s0 =	stileid.u32;
	[bflag:$0x2] =	sbarrier.arrive $0xFFFF  }
0x1a6: {  	p0 =	sne.s32 s0, $0x0;
	s0 =	rddreg [dreg:$0x3]  }
0x1a7: {  	s0 =	sadd.s32 @!p0 $0x100000, s0  }
0x1a8: {  	[sflag:s0] =	ssyncadd.tile.s32 @!p0 $0x1;
	_ =	shalt  }
.Lfunc_end2:
_tile_overlayer_lowered:
.L_overlay_start_2:
0x1a9: {  	(tag) =	ssettag $0x2  }
0x1aa: {  	s0 =	rddreg [dreg:$0x0];
	s2 =	stileid.u32  }
0x1ab: {  	s1 =	rddreg [dreg:$0x1];
	p0 =	sne.s32 s2, $0x0  }
0x1ac: {  	s3 =	rddreg [dreg:$0x2];
	[bflag:$0x3] =	sbarrier.arrive $0xFFFF;
	s2 =	simm.s32 @!p0 $0x1C01  }
0x1ad: {  	[timem:s3], [sflag:s2] =	dma.local @!p0 [hbm:s0], s1  }
0x1ae: {  	s0 =	simm.s32 @!p0 $0x1  }
0x1af: {  	_ =	swait.ge @!p0 [sflag:s0], s1  }
0x1b0: {  	s1 =	ssub.s32 @!p0 $0x0, s1;
	[sflag:s0] =	ssyncset.done @!p0 $0x0  }
0x1b1: {  	[sflag:s0] =	ssyncadd.s32 @!p0 s1  }
0x1b2: {  	[bflag:$0x3] =	sbarrier.arrive $0xFFFF  }
0x1b3: {  	_ =	shalt  }

// kernel: kernel.13.cloned.1.call-start
scs
__scs_entry_jumppad:
0x0: {  	(pc) =	sbr.rel $0x88, $3  }
0x1: {  	(tag) =	ssettag $0x0;
	lr =	simm.s32 $0x1  }
0x2: {  	[smem:$0x3F96] =	sst lr;
	_ =	strace $0xD0000000  }
0x3: {  	_ = 	snop  }
0x4: {  	_ = 	snop  }
0x5: {  	_ = 	snop  }
0x6: {  	_ = 	snop  }
0x7: {  	_ = 	snop  }
__scs_overlays_trampoline_lowered:
0x8: {  	[smem:$0x3FA5] =	sst s0  }
0x9: {  	[smem:$0x3FA6] =	sst s1  }
0xa: {  	[smem:$0x3FA7] =	sst s2  }
0xb: {  	[smem:$0x3FA8] =	sst s3  }
0xc: {  	[smem:$0x3FA9] =	sst s4  }
0xd: {  	[smem:$0x3FAA] =	sst s5  }
0xe: {  	[smem:$0x3FAB] =	sst s6  }
0xf: {  	[smem:$0x3FAC] =	sst s7  }
0x10: {  	[smem:$0x3FAD] =	sst s8  }
0x11: {  	[smem:$0x3FAE] =	sst s9;
	s0 =	simm.s32 @!p0 $0x0  }
0x12: {  	s1 =	sld [smem:$0x3F94];
	s0 =	simm.s32 @p0 $0x1  }
0x13: {  	[smem:$0x3FAF] =	sst s0;
	s0 =	simm.s32 @!p1 $0x0  }
0x14: {  	s2 =	sld [smem:$0x3F93];
	s0 =	simm.s32 @p1 $0x1  }
0x15: {  	[smem:$0x3FB0] =	sst s0;
	s0 =	simm.s32 @!p2 $0x0  }
0x16: {  	s3 =	sld [smem:$0x3FDB];
	s0 =	simm.s32 @p2 $0x1  }
0x17: {  	s4 =	simm.s32 $0x1BF5;
	[smem:$0x3FB2] =	sst s0  }
0x18: {  	s0 =	sld [smem:$0x3F95];
	_ =	swait.ge [sflag:s4], $0x0  }
0x19: {  	s7 =	sld [smem:$0x3F96]  }
0x1a: {  	s8 =	sadd.s32 $0xFFFFE003, lr  }
0x1b: {  	s9 =	sadd.s32 $0xFFFFFEF7, lr;
	s5 =	simm.s32 $0xFFFFFFFF;
	p2 =	slt.u32 s8, $0xFFFFF086  }
0x1c: {  	p1 =	slt.u32 s9, $0xF7A;
	s5 =	simm.s32 @!p2 $0x0  }
0x1d: {  	s5 =	simm.s32 @p1 $0x1;
	p0 =	seq.s32 s7, s2  }
0x1e: {  	s7 =	smul.u32 @!p0 $0xF7A, s2;
	p2 =	seq.s32 @!p0 s5, $0x0  }
0x1f: {  	s9 =	smul.u32 $0xF7A, s1;
	s8 =	simm.s32 @!p0 $0x1BF5;
	p2 =	por !p2, p0  }
0x20: {  	[sflag:s8] =	ssyncset.s32 @!p0 $0xFFFFF086;
	s6 =	sadd.s32 @!p0 s3, s7;
	s7 =	simm.s32 @!p0 $0x108  }
0x21: {  	s3 =	sadd.s32 s3, s9;
	s6 =	sadd.s32 @!p0 $0x88, s6;
	s7 =	simm.s32 @p2 $0x1082  }
0x22: {  	[simem:s7], [sflag:s8] =	dma.local @!p0 [hbm:s6], $0xF7A  }
0x23: {  	s9 =	sor.u32 $0xD0000000, s2;
	s6 =	simm.s32 $0x108;
	_ =	swait.ge @!p0 [sflag:s8], $0x0  }
0x24: {  	s3 =	sadd.s32 $0x88, s3;
	s6 =	simm.s32 @!p1 $0x1082;
	[sflag:s4] =	ssyncset.s32 $0xFFFFF086  }
0x25: {  	[simem:s6], [sflag:s4] =	dma.local [hbm:s3], $0xF7A  }
0x26: {  	[smem:$0x3F96] =	sst s1;
	(tag) =	ssettag s2;
	_ =	strace s9  }
0x27: {  	s1 =	sld [smem:$0x3FA6]  }
0x28: {  	s2 =	sld [smem:$0x3FA7]  }
0x29: {  	s4 =	sld [smem:$0x3FA9]  }
0x2a: {  	p0 =	seq.s32 s5, $0x0;
	s5 =	sld [smem:$0x3FAA]  }
0x2b: {  	s6 =	sld [smem:$0x3FAB]  }
0x2c: {  	s7 =	sld [smem:$0x3FAC]  }
0x2d: {  	s3 =	simm.s32 $0x108;
	s8 =	sld [smem:$0x3FAD]  }
0x2e: {  	s3 =	simm.s32 @!p0 $0x1082;
	s9 =	sld [smem:$0x3FAE]  }
0x2f: {  	lr =	sadd.s32 s0, s3;
	s0 =	sld [smem:$0x3FA5]  }
0x30: {  	s3 =	sld [smem:$0x3FA8]  }
0x31: {  	[smem:$0x3FB1] =	sst s10  }
0x32: {  	s10 =	sld [smem:$0x3FAF];
	_ =	sdelay $0x3  }
0x33: {  	p0 =	seq.s32 s10, $0x1;
	s10 =	sld [smem:$0x3FB1];
	_ =	sdelay $0x3  }
0x34: {  	[smem:$0x3FB1] =	sst s10  }
0x35: {  	s10 =	sld [smem:$0x3FB0];
	_ =	sdelay $0x3  }
0x36: {  	p1 =	seq.s32 s10, $0x1;
	s10 =	sld [smem:$0x3FB1];
	_ =	sdelay $0x3  }
0x37: {  	[smem:$0x3FB1] =	sst s10  }
0x38: {  	s10 =	sld [smem:$0x3FB2]  }
0x39: {  	_ = 	snop;
	(pc) =	sbr.ind lr, $3  }
0x3a: {  	_ = 	snop  }
0x3b: {  	_ = 	snop  }
0x3c: {  	p2 =	seq.s32 s10, $0x1;
	s10 =	sld [smem:$0x3FB1]  }
0x3d: {  	_ =	shalt  }
0x3e: {  	_ =	shalt  }
0x3f: {  	_ =	shalt  }
0x40: {  	_ =	shalt  }
0x41: {  	_ =	shalt  }
0x42: {  	_ =	shalt  }
0x43: {  	_ =	shalt  }
0x44: {  	_ =	shalt  }
0x45: {  	_ =	shalt  }
0x46: {  	_ =	shalt  }
0x47: {  	_ =	shalt  }
0x48: {  	_ =	shalt  }
0x49: {  	_ =	shalt  }
0x4a: {  	_ =	shalt  }
0x4b: {  	_ =	shalt  }
0x4c: {  	_ =	shalt  }
0x4d: {  	_ =	shalt  }
0x4e: {  	_ =	shalt  }
0x4f: {  	_ =	shalt  }
0x50: {  	_ =	shalt  }
0x51: {  	_ =	shalt  }
0x52: {  	_ =	shalt  }
0x53: {  	_ =	shalt  }
0x54: {  	_ =	shalt  }
0x55: {  	_ =	shalt  }
0x56: {  	_ =	shalt  }
0x57: {  	_ =	shalt  }
0x58: {  	_ =	shalt  }
0x59: {  	_ =	shalt  }
0x5a: {  	_ =	shalt  }
0x5b: {  	_ =	shalt  }
0x5c: {  	_ =	shalt  }
0x5d: {  	_ =	shalt  }
0x5e: {  	_ =	shalt  }
0x5f: {  	_ =	shalt  }
0x60: {  	_ =	shalt  }
0x61: {  	_ =	shalt  }
0x62: {  	_ =	shalt  }
0x63: {  	_ =	shalt  }
0x64: {  	_ =	shalt  }
0x65: {  	_ =	shalt  }
0x66: {  	_ =	shalt  }
0x67: {  	_ =	shalt  }
0x68: {  	_ =	shalt  }
0x69: {  	_ =	shalt  }
0x6a: {  	_ =	shalt  }
0x6b: {  	_ =	shalt  }
0x6c: {  	_ =	shalt  }
0x6d: {  	_ =	shalt  }
0x6e: {  	_ =	shalt  }
0x6f: {  	_ =	shalt  }
0x70: {  	_ =	shalt  }
0x71: {  	_ =	shalt  }
0x72: {  	_ =	shalt  }
0x73: {  	_ =	shalt  }
0x74: {  	_ =	shalt  }
0x75: {  	_ =	shalt  }
0x76: {  	_ =	shalt  }
0x77: {  	_ =	shalt  }
0x78: {  	_ =	shalt  }
0x79: {  	_ =	shalt  }
0x7a: {  	_ =	shalt  }
0x7b: {  	_ =	shalt  }
0x7c: {  	_ =	shalt  }
0x7d: {  	_ =	shalt  }
0x7e: {  	_ =	shalt  }
0x7f: {  	_ =	shalt  }
0x80: {  	_ =	shalt  }
0x81: {  	_ =	shalt  }
0x82: {  	_ =	shalt  }
0x83: {  	_ =	shalt  }
0x84: {  	_ =	shalt  }
0x85: {  	_ =	shalt  }
0x86: {  	_ =	shalt  }
0x87: {  	_ =	shalt  }
.Lfunc_end0:
.L_simem_size_0:
called_computation.1_lowered:
.L_overlay_start_0:
0x88: {  	s2 =	sld [smem:$0x3FD9]  }
0x89: {  	s3 =	sld [smem:$0x3FFE];
	_ =	sdelay $0x1  }
0x8a: {  	s1 =	srdreg.scid  }
0x8b: {  	s0 =	sand.u32 $0x1, s1  }
0x8c: {  	s16 =	sshll.u32 s0, $0xA;
	s2 =	sadd.s32 s3, s2  }
0x8d: {  	s2 =	sadd.s32 s2, s16  }
0x8e: {  	[smem:$0x3FBD] =	sst s2  }
0x8f: {  	_ = 	snop  }
0x90: {  	(tm) =	ssettm $0x1  }
0x91: {  	s17 =	sld [smem:$0x3FFB];
	_ =	sdelay $0x3  }
0x92: {  	_ =	strace s17  }
0x93: {  	s2 =	sld [smem:$0x3FFC];
	_ =	sdelay $0x3  }
0x94: {  	_ =	strace s2  }
0x95: {  	s2 =	sld [smem:$0x3FFD];
	_ =	sdelay $0x3  }
0x96: {  	_ =	strace s2  }
0x97: {  	_ =	strace $0x8FFFFFFF  }
0x98: {  	s18 =	sld [smem:$0x3FDB];
	_ =	sdelay $0x1  }
0x99: {  	s19 =	simm.s32 $_scs_section_size  }
0x9a: {  	s4 =	simm.s32 $_size__tile_overlayer_lowered;
	s5 =	simm.s32 $_tile_overlayer_lowered  }
0x9b: {  	s22 =	simm.s32 $0x1BFF;
	s21 =	sshll.u32 s5, $0x1;
	s2 =	sadd.s32 s19, s18  }
0x9c: {  	s6 =	simm.s32 $0x0;
	s20 =	sshll.u32 s4, $0x1;
	s4 =	sadd.s32 s21, s2  }
0x9d: {  	[timem:s6], [sflag:s22] =	dma.local [hbm:s4], s20  }
0x9e: {  	_ =	swait.ge [sflag:s22], s20  }
0x9f: {  	s3 =	ssub.s32 $0x0, s20;
	[sflag:s22] =	ssyncset.done $0x0  }
0xa0: {  	[sflag:s22] =	ssyncadd.s32 s3;
	_ =	sdelay $0x1  }
0xa1: {  	s23 =	simm.s32 $0x1B8B  }
0xa2: {  	_ =	swait.ge [sflag:s23], $0x1  }
0xa3: {  	[sflag:s23] =	ssyncset.done $0x0  }
0xa4: {  	s25 =	simm.s32 $0x1B8E;
	s24 =	sld [smem:$0x3FFE];
	[sflag:s23] =	ssyncadd.s32 $0xFFFFFFFF  }
0xa5: {  	s26 =	simm.s32 $execute0_lowered;
	[smem:$0x3FD2] =	sst s25  }
0xa6: {  	s4 =	sshll.u32 s26, $0x1;
	_ =	strace $0x80000049;
	[dreg:$0x1] =	wrdreg $0xFFFFFFFF  }
0xa7: {  	s28 =	simm.s32 $_size_execute0_lowered;
	s2 =	sadd.s32 s2, s4;
	[dreg:$0x0] =	wrdreg $0x0  }
0xa8: {  	s4 =	sshll.u32 s28, $0x1;
	[dreg:$0x2] =	wrdreg s2  }
0xa9: {  	[dreg:$0x3] =	wrdreg s4  }
0xaa: {  	[dreg:$0x4] =	wrdreg $0xC0  }
0xab: {  	_ =	task [dreg:s6], $0x5FFFF  }
0xac: {  	[dreg:$0x1] =	wrdreg $0xFFFFFFFF  }
0xad: {  	[dreg:$0x0] =	wrdreg $0x60  }
0xae: {  	[dreg:$0x2] =	wrdreg s24  }
0xaf: {  	[dreg:$0x3] =	wrdreg $0x1A1000  }
0xb0: {  	[dreg:$0x4] =	wrdreg $0x9  }
0xb1: {  	_ =	task.clear_ibuf [dreg:s6], $0x5FFFF;
	_ =	strace $0x90000049  }
0xb2: {  	s29 =	simm.s32 $0x9;
	_ =	strace $0x8000004B  }
0xb3: {  	_ =	swait.ge [sflag:s29], $0x1  }
0xb4: {  	[sflag:s29] =	ssyncadd.s32 $0xFFFFFFFF  }
0xb5: {  	_ =	strace $0x9000004B  }
0xb6: {  	_ =	sfence  }
0xb7: {  	s30 =	sld [smem:$0x0];
	_ =	sdelay $0x2  }
0xb8: {  	s31 =	sshll.u32 s1, $0xD;
	s1 =	sshrl.u32 s1, $0x2  }
0xb9: {  	s3 =	sand.u32 $0x4000, s31;
	s1 =	sadd.s32 s1, s30  }
0xba: {  	s0 =	sor.u32 s3, s0;
	s1 =	sshll.u32 s1, $0x11  }
0xbb: {  	s0 =	sor.u32 s1, s0  }
0xbc: {  	s0 =	sadd.s32 $0x8F2B, s0  }
0xbd: {  	[sflag:s0] =	ssyncadd.remote.s32 $0x1  }
0xbe: {  	_ =	sfence.sel $0xFFFF  }
0xbf: {  	[dreg:$0x0] =	wrdreg $0xFFFFFFFF;
	(pc) =	sbr.abs _section_cstart, $3  }
0xc0: {  	[dreg:$0x1] =	wrdreg $0xFFFFFFFF  }
0xc1: {  	_ =	task.clear_ibuf [dreg:s6], $0x2FFFF;
	_ =	strace $0x9FFFFFFF  }
0xc2: {  	(tm) =	ssettm $0x7FFFFFFF  }
0xc3: {  	_ =	shalt  }
tec
execute0_lowered:
.L_overlay_start_1:
0x0: {  	(tag) =	ssettag $0x1  }
0x1: {  	s5 =	rddreg [dreg:$0x0]  }
0x2: {  	s1 =	srdreg.scid;
	s0 =	stileid.u32  }
0x3: {  	s2 =	rddreg [dreg:$0x1];
	s3 =	simm.s32 $0x0;
	s19 =	simm.s32 $0x4100  }
0x4: {  	s20 =	simm.s32 $0x2;
	s4 =	sand.u32 $0x1, s1;
	s1 =	rddreg [dreg:$0x2]  }
0x5: {  	s21 =	simm.s32 $0x6100;
	s6 =	smul.u32 $0x280, s0;
	[smem:$0x7FF] =	sst s3  }
0x6: {  	s10 =	sadd.s32 $0x6000, s2;
	s17 =	smul.u32 $0x4F00, s0;
	s11 =	sadd.s32 $0x8000, s2  }
0x7: {  	s12 =	sadd.s32 $0xA000, s2;
	s13 =	sadd.s32 $0xC000, s2;
	s7 =	smul.u32 $0x2800, s4  }
0x8: {  	s14 =	sadd.s32 $0xE000, s2;
	s15 =	sadd.s32 $0x10000, s2;
	s30 =	smul.u32 $0x4F000, s4  }
0x9: {  	_ =	strace $0x8000004A;
	s8 =	ssub.s32 $0x2, s4;
	s4 =	sadd.s32 $0x1F4E00, s5  }
0xa: {  	s9 =	sshrl.u32 s8, $0x1;
	s6 =	sadd.s32 s6, s7;
	s16 =	sadd.s32 s30, s5  }
0xb: {  	s31 =	ssub.s32 s8, s9;
	s8 =	sadd.s32 $0x2000, s2;
	s9 =	sadd.s32 $0x4000, s2  }
0xc: {  	s6 =	sshll.u32 s6, $0x4;
	s7 =	smax.u32 s31, $0x1;
	s18 =	sadd.s32 s17, s16  }
0xd: {  	s16 =	sadd.s32 $0x12000, s2;
	s6 =	sadd.s32 s6, s5;
	s17 =	sadd.s32 $0x106E00, s18  }
0xe: {  	v0 =	vimm.f32 $0.0e+00;
	s18 =	sadd.s32 $0x68E00, s18;
	s5 =	sadd.s32 $0x18E00, s6;
	s6 =	sadd.s32 $0x21CE00, s6  }
.LBB2_1:
0xf: {  	s22 =	simm.s32 $0x0;
	s23 =	simm.s32 $0x200  }
.LBB2_2:
0x10: {  	p0 =	sne.s32 s23, $0x7E00;
	[tilespmem:s22+$0x4170] =	vst v0  }
0x11: {  	[tilespmem:s22+$0x4100] =	vst v0  }
0x12: {  	[tilespmem:s22+$0x4110] =	vst v0  }
.Ltmp0:
0x13: {  	[tilespmem:s22+$0x4120] =	vst v0;
	(pc) =	sbr.rel @p0 .LBB2_2-.Ltmp0, $4  }
0x14: {  	[tilespmem:s22+$0x4130] =	vst v0  }
0x15: {  	[tilespmem:s22+$0x4140] =	vst v0  }
0x16: {  	[tilespmem:s22+$0x4150] =	vst v0  }
0x17: {  	[tilespmem:s22+$0x4160] =	vst v0;
	s22 =	sshra.s32 s23, $0x2;
	s23 =	sadd.s32 $0x200, s23  }
0x18: {  	[tilespmem:s22+$0x4170] =	vst v0  }
0x19: {  	[tilespmem:s22+$0x4100] =	vst v0  }
0x1a: {  	[tilespmem:s22+$0x4110] =	vst v0  }
0x1b: {  	[tilespmem:s22+$0x4120] =	vst v0  }
0x1c: {  	[tilespmem:s22+$0x4130] =	vst v0  }
0x1d: {  	[tilespmem:s22+$0x4140] =	vst v0  }
0x1e: {  	[tilespmem:s22+$0x4150] =	vst v0  }
0x1f: {  	[tilespmem:s22+$0x4160] =	vst v0  }
0x20: {  	[spmem:s2] =	stream.linear.scatter [tilespmem:s19], [sflag:$0x2], $0x2000, $0x38;
	[tilespmem:$0x1B540] =	vst v63  }
0x21: {  	_ =	swait.ge [sflag:s20], $0x2000  }
0x22: {  	[sflag:s20] =	ssyncset.done $0x0  }
0x23: {  	[sflag:s20] =	ssyncadd.s32 $0xFFFFE000  }
0x24: {  	[spmem:s8] =	stream.linear.scatter [tilespmem:s19], [sflag:$0x2], $0x2000, $0x38;
	[tilespmem:$0x1B540] =	vst v63  }
0x25: {  	_ =	swait.ge [sflag:s20], $0x2000  }
0x26: {  	[sflag:s20] =	ssyncset.done $0x0  }
0x27: {  	[sflag:s20] =	ssyncadd.s32 $0xFFFFE000  }
0x28: {  	[spmem:s9] =	stream.linear.scatter [tilespmem:s19], [sflag:$0x2], $0x2000, $0x38;
	[tilespmem:$0x1B540] =	vst v63  }
0x29: {  	_ =	swait.ge [sflag:s20], $0x2000  }
0x2a: {  	[sflag:s20] =	ssyncset.done $0x0  }
0x2b: {  	[sflag:s20] =	ssyncadd.s32 $0xFFFFE000  }
0x2c: {  	[spmem:s10] =	stream.linear.scatter [tilespmem:s19], [sflag:$0x2], $0x2000, $0x38;
	[tilespmem:$0x1B540] =	vst v63  }
0x2d: {  	_ =	swait.ge [sflag:s20], $0x2000  }
0x2e: {  	[sflag:s20] =	ssyncset.done $0x0  }
0x2f: {  	[sflag:s20] =	ssyncadd.s32 $0xFFFFE000  }
0x30: {  	[spmem:s11] =	stream.linear.scatter [tilespmem:s19], [sflag:$0x2], $0x2000, $0x38;
	[tilespmem:$0x1B540] =	vst v63  }
0x31: {  	_ =	swait.ge [sflag:s20], $0x2000  }
0x32: {  	[sflag:s20] =	ssyncset.done $0x0  }
0x33: {  	[sflag:s20] =	ssyncadd.s32 $0xFFFFE000  }
0x34: {  	[spmem:s12] =	stream.linear.scatter [tilespmem:s19], [sflag:$0x2], $0x2000, $0x38;
	[tilespmem:$0x1B540] =	vst v63  }
0x35: {  	_ =	swait.ge [sflag:s20], $0x2000  }
0x36: {  	[sflag:s20] =	ssyncset.done $0x0  }
0x37: {  	[sflag:s20] =	ssyncadd.s32 $0xFFFFE000  }
0x38: {  	[spmem:s13] =	stream.linear.scatter [tilespmem:s19], [sflag:$0x2], $0x2000, $0x38;
	[tilespmem:$0x1B540] =	vst v63  }
0x39: {  	_ =	swait.ge [sflag:s20], $0x2000  }
0x3a: {  	[sflag:s20] =	ssyncset.done $0x0  }
0x3b: {  	[sflag:s20] =	ssyncadd.s32 $0xFFFFE000  }
0x3c: {  	[spmem:s14] =	stream.linear.scatter [tilespmem:s19], [sflag:$0x2], $0x2000, $0x38;
	[tilespmem:$0x1B540] =	vst v63  }
0x3d: {  	_ =	swait.ge [sflag:s20], $0x2000  }
0x3e: {  	[sflag:s20] =	ssyncset.done $0x0  }
0x3f: {  	[sflag:s20] =	ssyncadd.s32 $0xFFFFE000  }
0x40: {  	[spmem:s15] =	stream.linear.scatter [tilespmem:s19], [sflag:$0x2], $0x2000, $0x38;
	[tilespmem:$0x1B540] =	vst v63  }
0x41: {  	_ =	swait.ge [sflag:s20], $0x2000  }
0x42: {  	[sflag:s20] =	ssyncset.done $0x0  }
0x43: {  	[sflag:s20] =	ssyncadd.s32 $0xFFFFE000  }
0x44: {  	[spmem:s16] =	stream.linear.scatter [tilespmem:s19], [sflag:$0x2], $0x2000, $0x38;
	[tilespmem:$0x1B540] =	vst v63  }
0x45: {  	_ =	swait.ge [sflag:s20], $0x2000  }
0x46: {  	[sflag:s20] =	ssyncset.done $0x0  }
0x47: {  	s31 =	simm.s32 $0x0;
	[sflag:s20] =	ssyncadd.s32 $0xFFFFE000  }
0x48: {  	[tilespmem:s21], [sflag:$0x2] =	stream.linear.gather [hbm4b:s5+s31], $0x14000, $0x38;
	[tilespmem:$0x1B540] =	vst v63  }
0x49: {  	_ =	swait.ge [sflag:s20], $0x14000  }
0x4a: {  	[sflag:s20] =	ssyncset.done $0x0  }
0x4b: {  	s23 =	simm.s32 $0x0;
	[sflag:s20] =	ssyncadd.s32 $0xFFFEC000  }
0x4c: {  	v1 =	vimm.f32 $0.0e+00;
	s22 =	simm.s32 $0x200;
	v2 =	vld [tilespmem:s23+$0x6100]  }
.LBB2_4:
0x4d: {  	p0 =	sne.s32 s22, $0x4FE00  }
.Ltmp1:
0x4e: {  	_ = 	snop;
	(pc) =	sbr.rel @p0 .LBB2_4-.Ltmp1, $3  }
0x4f: {  	_ =	sdelay $0x1  }
0x50: {  	s23 =	sshra.s32 s22, $0x2;
	s22 =	sadd.s32 $0x200, s22;
	v1 =	vadd.f32 v2, v1  }
0x51: {  	v2 =	vld [tilespmem:s23+$0x6100]  }
0x52: {  	_ =	sdelay $0x3  }
0x53: {  	v1 =	vadd.f32 v2, v1;
	_ =	sdelay $0x1  }
0x54: {  	(xrf2) =	vadd.scan.msk.f32 $0xffff, v1;
	_ =	sdelay $0x9  }
0x55: {  	v1, _, _ =	vpop (xrf2)  }
0x56: {  	(v2sf) =	vpush v1, $0xF;
	_ =	sdelay $0xe  }
0x57: {  	s22 =	spop (v2sf)  }
0x58: {  	s22 =	scvt.f32.s32 s22;
	_ =	sdelay $0x1  }
0x59: {  	s22 =	sadd.s32 $0x7F, s22  }
0x5a: {  	s23 =	sand.u32 $0x7F, s22  }
0x5b: {  	s24 =	sshra.s32 s22, $0x1F;
	p0 =	slt.s32 s22, $0x1;
	p1 =	sne.s32 s23, $0x0  }
0x5c: {  	s31 =	sshrl.u32 s24, $0x19;
	p0 =	por !p0, !p1  }
0x5d: {  	s23 =	simm.s32 $0x1;
	s22 =	sadd.s32 s31, s22;
	p0 =	por !p0, !p0  }
0x5e: {  	s22 =	sshra.s32 s22, $0x7;
	s23 =	simm.s32 @!p0 $0x0  }
0x5f: {  	s22 =	ssub.s32 s22, s23  }
0x60: {  	p0 =	sle.s32 s22, $0x0  }
0x61: {  	s23 =	simm.s32 @!p0 $0x0;
	s24 =	simm.s32 @!p0 $0x3  }
0x62: {  	[tilespmem:s23], [sflag:$0x3] =	stream.linear.gather @!p0 [hbm4b:s18+s23], $0x80, $0x38;
	[tilespmem:$0x1B540] =	vst v63  }
0x63: {  	_ =	swait.ge @!p0 [sflag:s24], $0x80  }
0x64: {  	[sflag:s24] =	ssyncset.done @!p0 $0x0;
	p0 =	por p0, p0  }
0x65: {  	[sflag:s24] =	ssyncadd.s32 @!p0 $0xFFFFFF80;
	s25 =	simm.s32 @!p0 $0x80  }
0x66: {  	[tilespmem:s25], [sflag:$0x3] =	stream.linear.gather @!p0 [hbm4b:s17+s23], $0x80, $0x38;
	[tilespmem:$0x1B540] =	vst v63  }
0x67: {  	_ =	swait.ge @!p0 [sflag:s24], $0x80  }
0x68: {  	[sflag:s24] =	ssyncset.done @!p0 $0x0  }
0x69: {  	s26 =	simm.s32 @!p0 $0x1;
	[sflag:s24] =	ssyncadd.s32 @!p0 $0xFFFFFF80;
	s24 =	simm.s32 @!p0 $0x100  }
0x6a: {  	[tilespmem:s24], [sflag:$0x1] =	stream.indirect.gather @!p0 [hbm4b:s4+s25], $0x80, s23, s25, $0xb8;
	[tilespmem:$0x1B540] =	vst v63  }
0x6b: {  	_ =	swait.ge @!p0 [sflag:s26], $0x4000  }
0x6c: {  	[sflag:s26] =	ssyncset.done @!p0 $0x0  }
0x6d: {  	[sflag:s26] =	ssyncadd.s32 @!p0 $0xFFFFC000;
	s26 =	simm.s32 @!p0 $0x2  }
0x6e: {  	[spmem:s2] =	stream.indirect.scatter.add.f32 @!p0 [tilespmem:s24], [sflag:$0x2], $0x80, s25, s25, $0xb8;
	[tilespmem:$0x1B540] =	vst v63  }
0x6f: {  	p2 =	sle.s32 s22, $0x1;
	s23 =	sadd.s32 $0x10, s17;
	_ =	swait.ge @!p0 [sflag:s26], $0x4000  }
0x70: {  	s25 =	simm.s32 $0x2;
	s24 =	sadd.s32 $0x10, s18;
	[sflag:s26] =	ssyncset.done @!p0 $0x0  }
.LBB2_6:
0x71: {  	s28 =	simm.s32 @!p2 $0x0;
	s29 =	simm.s32 @!p2 $0x3;
	[sflag:s26] =	ssyncadd.s32 @!p0 $0xFFFFC000  }
0x72: {  	[tilespmem:s28], [sflag:$0x3] =	stream.linear.gather @!p2 [hbm4b:s24+s28], $0x80, $0x38;
	[tilespmem:$0x1B540] =	vst v63  }
0x73: {  	s30 =	smov.u32 s25;
	s25 =	sadd.s32 $0x1, s25;
	_ =	swait.ge @!p2 [sflag:s29], $0x80  }
0x74: {  	p0 =	por p2, p2;
	p1 =	sne.s32 s25, $0x4F0;
	[sflag:s29] =	ssyncset.done @!p2 $0x0  }
0x75: {  	s31 =	simm.s32 @!p0 $0x80;
	[sflag:s29] =	ssyncadd.s32 @!p0 $0xFFFFFF80  }
0x76: {  	[tilespmem:s31], [sflag:$0x3] =	stream.linear.gather @!p0 [hbm4b:s23+s28], $0x80, $0x38;
	[tilespmem:$0x1B540] =	vst v63  }
0x77: {  	_ =	swait.ge @!p0 [sflag:s29], $0x80  }
0x78: {  	[sflag:s29] =	ssyncset.done @!p0 $0x0  }
0x79: {  	s26 =	simm.s32 @!p0 $0x1;
	[sflag:s29] =	ssyncadd.s32 @!p0 $0xFFFFFF80;
	s29 =	simm.s32 @!p0 $0x100  }
0x7a: {  	[tilespmem:s29], [sflag:$0x1] =	stream.indirect.gather @!p0 [hbm4b:s4+s31], $0x80, s28, s31, $0xb8;
	[tilespmem:$0x1B540] =	vst v63  }
0x7b: {  	_ =	swait.ge @!p0 [sflag:s26], $0x4000  }
.Ltmp2:
0x7c: {  	[sflag:s26] =	ssyncset.done @!p0 $0x0;
	(pc) =	sbr.rel @p1 .LBB2_6-.Ltmp2, $4  }
0x7d: {  	[sflag:s26] =	ssyncadd.s32 @!p0 $0xFFFFC000;
	s26 =	simm.s32 @!p0 $0x2  }
0x7e: {  	[spmem:s2] =	stream.indirect.scatter.add.f32 @!p0 [tilespmem:s29], [sflag:$0x2], $0x80, s31, s31, $0xb8;
	[tilespmem:$0x1B540] =	vst v63  }
0x7f: {  	s24 =	sadd.s32 $0x10, s24;
	_ =	swait.ge @!p0 [sflag:s26], $0x4000  }
0x80: {  	p2 =	sge.s32 s30, s22;
	s23 =	sadd.s32 $0x10, s23;
	[sflag:s26] =	ssyncset.done @!p0 $0x0  }
0x81: {  	s22 =	simm.s32 @!p2 $0x0;
	s25 =	simm.s32 @!p2 $0x3;
	[sflag:s26] =	ssyncadd.s32 @!p0 $0xFFFFC000  }
0x82: {  	[tilespmem:s22], [sflag:$0x3] =	stream.linear.gather @!p2 [hbm4b:s24+s22], $0x80, $0x38;
	[tilespmem:$0x1B540] =	vst v63  }
0x83: {  	_ =	swait.ge @!p2 [sflag:s25], $0x80  }
0x84: {  	p0 =	por p2, p2;
	[sflag:s25] =	ssyncset.done @!p2 $0x0  }
0x85: {  	s24 =	simm.s32 @!p0 $0x80;
	[sflag:s25] =	ssyncadd.s32 @!p0 $0xFFFFFF80  }
0x86: {  	[tilespmem:s24], [sflag:$0x3] =	stream.linear.gather @!p0 [hbm4b:s23+s22], $0x80, $0x38;
	[tilespmem:$0x1B540] =	vst v63  }
0x87: {  	_ =	swait.ge @!p0 [sflag:s25], $0x80  }
0x88: {  	[sflag:s25] =	ssyncset.done @!p0 $0x0  }
0x89: {  	s23 =	simm.s32 @!p0 $0x100;
	[sflag:s25] =	ssyncadd.s32 @!p0 $0xFFFFFF80;
	s25 =	simm.s32 @!p0 $0x1  }
0x8a: {  	[tilespmem:s23], [sflag:$0x1] =	stream.indirect.gather @!p0 [hbm4b:s4+s24], $0x80, s22, s24, $0xb8;
	[tilespmem:$0x1B540] =	vst v63  }
0x8b: {  	_ =	swait.ge @!p0 [sflag:s25], $0x4000  }
0x8c: {  	[sflag:s25] =	ssyncset.done @!p0 $0x0  }
0x8d: {  	s22 =	simm.s32 @!p0 $0x2;
	[sflag:s25] =	ssyncadd.s32 @!p0 $0xFFFFC000  }
0x8e: {  	[spmem:s2] =	stream.indirect.scatter.add.f32 @!p0 [tilespmem:s23], [sflag:$0x2], $0x80, s24, s24, $0xb8;
	[tilespmem:$0x1B540] =	vst v63  }
0x8f: {  	_ =	swait.ge @!p0 [sflag:s22], $0x4000  }
0x90: {  	s3 =	sadd.s32 $0x1, s3;
	[sflag:s22] =	ssyncset.done @!p0 $0x0  }
0x91: {  	s29 =	sshll.u32 s0, $0x6;
	[sflag:s22] =	ssyncadd.s32 @!p0 $0xFFFFC000;
	p0 =	sne.s32 s3, s7  }
.Ltmp3:
0x92: {  	s31 =	sshrl.u32 s2, $0x3;
	s30 =	sor.u32 $0x1C02, s29;
	(pc) =	sbr.rel @p0 .LBB2_1-.Ltmp3, $4  }
0x93: {  	[hbm:s6], [sflag:s30] =	dma.local [spmem:s31], $0x2800  }
0x94: {  	_ =	swait.ge [sflag:s20], $0x2800  }
0x95: {  	[sflag:s20] =	ssyncset.done $0x0  }
0x96: {  	[sflag:s20] =	ssyncadd.s32 $0xFFFFD800  }
0x97: {  	_ =	sfence.sel $0x180000  }
0x98: {  	[bflag:$0x0] =	sbarrier.arrive $0xFFFF  }
0x99: {  	p0 =	sne.s32 s0, $0x0;
	_ =	strace $0x9000004A  }
0x9a: {  	s0 =	sadd.s32 @!p0 $0x100000, s1;
	[bflag:$0x2] =	sbarrier.arrive $0xFFFF  }
0x9b: {  	[sflag:s0] =	ssyncadd.tile.s32 @!p0 $0x1;
	_ =	shalt  }
.Lfunc_end2:
_tile_overlayer_lowered:
.L_overlay_start_2:
0x9c: {  	(tag) =	ssettag $0x2  }
0x9d: {  	s0 =	rddreg [dreg:$0x0];
	s2 =	stileid.u32  }
0x9e: {  	s1 =	rddreg [dreg:$0x1];
	p0 =	sne.s32 s2, $0x0  }
0x9f: {  	s3 =	rddreg [dreg:$0x2];
	[bflag:$0x3] =	sbarrier.arrive $0xFFFF;
	s2 =	simm.s32 @!p0 $0x1C02  }
0xa0: {  	[timem:s3], [sflag:s2] =	dma.local @!p0 [hbm:s0], s1  }
0xa1: {  	s0 =	simm.s32 @!p0 $0x2  }
0xa2: {  	_ =	swait.ge @!p0 [sflag:s0], s1  }
0xa3: {  	s1 =	ssub.s32 @!p0 $0x0, s1;
	[sflag:s0] =	ssyncset.done @!p0 $0x0  }
0xa4: {  	[sflag:s0] =	ssyncadd.s32 @!p0 s1  }
0xa5: {  	[bflag:$0x3] =	sbarrier.arrive $0xFFFF  }
0xa6: {  	_ =	shalt  }

// kernel: kernel.16.cloned.1.call-start
scs
__scs_entry_jumppad:
0x0: {  	(pc) =	sbr.rel $0x88, $3  }
0x1: {  	(tag) =	ssettag $0x0;
	lr =	simm.s32 $0x1  }
0x2: {  	[smem:$0x3F96] =	sst lr;
	_ =	strace $0xD0000000  }
0x3: {  	_ = 	snop  }
0x4: {  	_ = 	snop  }
0x5: {  	_ = 	snop  }
0x6: {  	_ = 	snop  }
0x7: {  	_ = 	snop  }
__scs_overlays_trampoline_lowered:
0x8: {  	[smem:$0x3FA5] =	sst s0  }
0x9: {  	[smem:$0x3FA6] =	sst s1  }
0xa: {  	[smem:$0x3FA7] =	sst s2  }
0xb: {  	[smem:$0x3FA8] =	sst s3  }
0xc: {  	[smem:$0x3FA9] =	sst s4  }
0xd: {  	[smem:$0x3FAA] =	sst s5  }
0xe: {  	[smem:$0x3FAB] =	sst s6  }
0xf: {  	[smem:$0x3FAC] =	sst s7  }
0x10: {  	[smem:$0x3FAD] =	sst s8  }
0x11: {  	[smem:$0x3FAE] =	sst s9;
	s0 =	simm.s32 @!p0 $0x0  }
0x12: {  	s1 =	sld [smem:$0x3F94];
	s0 =	simm.s32 @p0 $0x1  }
0x13: {  	[smem:$0x3FAF] =	sst s0;
	s0 =	simm.s32 @!p1 $0x0  }
0x14: {  	s2 =	sld [smem:$0x3F93];
	s0 =	simm.s32 @p1 $0x1  }
0x15: {  	[smem:$0x3FB0] =	sst s0;
	s0 =	simm.s32 @!p2 $0x0  }
0x16: {  	s3 =	sld [smem:$0x3FDB];
	s0 =	simm.s32 @p2 $0x1  }
0x17: {  	s4 =	simm.s32 $0x1BF5;
	[smem:$0x3FB2] =	sst s0  }
0x18: {  	s0 =	sld [smem:$0x3F95];
	_ =	swait.ge [sflag:s4], $0x0  }
0x19: {  	s7 =	sld [smem:$0x3F96]  }
0x1a: {  	s8 =	sadd.s32 $0xFFFFE003, lr  }
0x1b: {  	s9 =	sadd.s32 $0xFFFFFEF7, lr;
	s5 =	simm.s32 $0xFFFFFFFF;
	p2 =	slt.u32 s8, $0xFFFFF086  }
0x1c: {  	p1 =	slt.u32 s9, $0xF7A;
	s5 =	simm.s32 @!p2 $0x0  }
0x1d: {  	s5 =	simm.s32 @p1 $0x1;
	p0 =	seq.s32 s7, s2  }
0x1e: {  	s7 =	smul.u32 @!p0 $0xF7A, s2;
	p2 =	seq.s32 @!p0 s5, $0x0  }
0x1f: {  	s9 =	smul.u32 $0xF7A, s1;
	s8 =	simm.s32 @!p0 $0x1BF5;
	p2 =	por !p2, p0  }
0x20: {  	[sflag:s8] =	ssyncset.s32 @!p0 $0xFFFFF086;
	s6 =	sadd.s32 @!p0 s3, s7;
	s7 =	simm.s32 @!p0 $0x108  }
0x21: {  	s3 =	sadd.s32 s3, s9;
	s6 =	sadd.s32 @!p0 $0x88, s6;
	s7 =	simm.s32 @p2 $0x1082  }
0x22: {  	[simem:s7], [sflag:s8] =	dma.local @!p0 [hbm:s6], $0xF7A  }
0x23: {  	s9 =	sor.u32 $0xD0000000, s2;
	s6 =	simm.s32 $0x108;
	_ =	swait.ge @!p0 [sflag:s8], $0x0  }
0x24: {  	s3 =	sadd.s32 $0x88, s3;
	s6 =	simm.s32 @!p1 $0x1082;
	[sflag:s4] =	ssyncset.s32 $0xFFFFF086  }
0x25: {  	[simem:s6], [sflag:s4] =	dma.local [hbm:s3], $0xF7A  }
0x26: {  	[smem:$0x3F96] =	sst s1;
	(tag) =	ssettag s2;
	_ =	strace s9  }
0x27: {  	s1 =	sld [smem:$0x3FA6]  }
0x28: {  	s2 =	sld [smem:$0x3FA7]  }
0x29: {  	s4 =	sld [smem:$0x3FA9]  }
0x2a: {  	p0 =	seq.s32 s5, $0x0;
	s5 =	sld [smem:$0x3FAA]  }
0x2b: {  	s6 =	sld [smem:$0x3FAB]  }
0x2c: {  	s7 =	sld [smem:$0x3FAC]  }
0x2d: {  	s3 =	simm.s32 $0x108;
	s8 =	sld [smem:$0x3FAD]  }
0x2e: {  	s3 =	simm.s32 @!p0 $0x1082;
	s9 =	sld [smem:$0x3FAE]  }
0x2f: {  	lr =	sadd.s32 s0, s3;
	s0 =	sld [smem:$0x3FA5]  }
0x30: {  	s3 =	sld [smem:$0x3FA8]  }
0x31: {  	[smem:$0x3FB1] =	sst s10  }
0x32: {  	s10 =	sld [smem:$0x3FAF];
	_ =	sdelay $0x3  }
0x33: {  	p0 =	seq.s32 s10, $0x1;
	s10 =	sld [smem:$0x3FB1];
	_ =	sdelay $0x3  }
0x34: {  	[smem:$0x3FB1] =	sst s10  }
0x35: {  	s10 =	sld [smem:$0x3FB0];
	_ =	sdelay $0x3  }
0x36: {  	p1 =	seq.s32 s10, $0x1;
	s10 =	sld [smem:$0x3FB1];
	_ =	sdelay $0x3  }
0x37: {  	[smem:$0x3FB1] =	sst s10  }
0x38: {  	s10 =	sld [smem:$0x3FB2]  }
0x39: {  	_ = 	snop;
	(pc) =	sbr.ind lr, $3  }
0x3a: {  	_ = 	snop  }
0x3b: {  	_ = 	snop  }
0x3c: {  	p2 =	seq.s32 s10, $0x1;
	s10 =	sld [smem:$0x3FB1]  }
0x3d: {  	_ =	shalt  }
0x3e: {  	_ =	shalt  }
0x3f: {  	_ =	shalt  }
0x40: {  	_ =	shalt  }
0x41: {  	_ =	shalt  }
0x42: {  	_ =	shalt  }
0x43: {  	_ =	shalt  }
0x44: {  	_ =	shalt  }
0x45: {  	_ =	shalt  }
0x46: {  	_ =	shalt  }
0x47: {  	_ =	shalt  }
0x48: {  	_ =	shalt  }
0x49: {  	_ =	shalt  }
0x4a: {  	_ =	shalt  }
0x4b: {  	_ =	shalt  }
0x4c: {  	_ =	shalt  }
0x4d: {  	_ =	shalt  }
0x4e: {  	_ =	shalt  }
0x4f: {  	_ =	shalt  }
0x50: {  	_ =	shalt  }
0x51: {  	_ =	shalt  }
0x52: {  	_ =	shalt  }
0x53: {  	_ =	shalt  }
0x54: {  	_ =	shalt  }
0x55: {  	_ =	shalt  }
0x56: {  	_ =	shalt  }
0x57: {  	_ =	shalt  }
0x58: {  	_ =	shalt  }
0x59: {  	_ =	shalt  }
0x5a: {  	_ =	shalt  }
0x5b: {  	_ =	shalt  }
0x5c: {  	_ =	shalt  }
0x5d: {  	_ =	shalt  }
0x5e: {  	_ =	shalt  }
0x5f: {  	_ =	shalt  }
0x60: {  	_ =	shalt  }
0x61: {  	_ =	shalt  }
0x62: {  	_ =	shalt  }
0x63: {  	_ =	shalt  }
0x64: {  	_ =	shalt  }
0x65: {  	_ =	shalt  }
0x66: {  	_ =	shalt  }
0x67: {  	_ =	shalt  }
0x68: {  	_ =	shalt  }
0x69: {  	_ =	shalt  }
0x6a: {  	_ =	shalt  }
0x6b: {  	_ =	shalt  }
0x6c: {  	_ =	shalt  }
0x6d: {  	_ =	shalt  }
0x6e: {  	_ =	shalt  }
0x6f: {  	_ =	shalt  }
0x70: {  	_ =	shalt  }
0x71: {  	_ =	shalt  }
0x72: {  	_ =	shalt  }
0x73: {  	_ =	shalt  }
0x74: {  	_ =	shalt  }
0x75: {  	_ =	shalt  }
0x76: {  	_ =	shalt  }
0x77: {  	_ =	shalt  }
0x78: {  	_ =	shalt  }
0x79: {  	_ =	shalt  }
0x7a: {  	_ =	shalt  }
0x7b: {  	_ =	shalt  }
0x7c: {  	_ =	shalt  }
0x7d: {  	_ =	shalt  }
0x7e: {  	_ =	shalt  }
0x7f: {  	_ =	shalt  }
0x80: {  	_ =	shalt  }
0x81: {  	_ =	shalt  }
0x82: {  	_ =	shalt  }
0x83: {  	_ =	shalt  }
0x84: {  	_ =	shalt  }
0x85: {  	_ =	shalt  }
0x86: {  	_ =	shalt  }
0x87: {  	_ =	shalt  }
.Lfunc_end0:
.L_simem_size_0:
called_computation.2_lowered:
.L_overlay_start_0:
0x88: {  	s2 =	sld [smem:$0x3FD9]  }
0x89: {  	s3 =	sld [smem:$0x3FFE];
	_ =	sdelay $0x1  }
0x8a: {  	s1 =	srdreg.scid  }
0x8b: {  	s0 =	sand.u32 $0x1, s1  }
0x8c: {  	s16 =	sshll.u32 s0, $0xA;
	s2 =	sadd.s32 s3, s2  }
0x8d: {  	s2 =	sadd.s32 s2, s16  }
0x8e: {  	[smem:$0x3FBD] =	sst s2  }
0x8f: {  	_ = 	snop  }
0x90: {  	(tm) =	ssettm $0x1  }
0x91: {  	s17 =	sld [smem:$0x3FFB];
	_ =	sdelay $0x3  }
0x92: {  	_ =	strace s17  }
0x93: {  	s2 =	sld [smem:$0x3FFC];
	_ =	sdelay $0x3  }
0x94: {  	_ =	strace s2  }
0x95: {  	s2 =	sld [smem:$0x3FFD];
	_ =	sdelay $0x3  }
0x96: {  	_ =	strace s2  }
0x97: {  	_ =	strace $0x8FFFFFFF  }
0x98: {  	s18 =	sld [smem:$0x3FDB];
	_ =	sdelay $0x1  }
0x99: {  	s19 =	simm.s32 $_scs_section_size  }
0x9a: {  	s4 =	simm.s32 $_size__tile_overlayer_lowered;
	s5 =	simm.s32 $_tile_overlayer_lowered  }
0x9b: {  	s22 =	simm.s32 $0x1BFF;
	s21 =	sshll.u32 s5, $0x1;
	s2 =	sadd.s32 s19, s18  }
0x9c: {  	s6 =	simm.s32 $0x0;
	s20 =	sshll.u32 s4, $0x1;
	s4 =	sadd.s32 s21, s2  }
0x9d: {  	[timem:s6], [sflag:s22] =	dma.local [hbm:s4], s20  }
0x9e: {  	_ =	swait.ge [sflag:s22], s20  }
0x9f: {  	s3 =	ssub.s32 $0x0, s20;
	[sflag:s22] =	ssyncset.done $0x0  }
0xa0: {  	[sflag:s22] =	ssyncadd.s32 s3;
	_ =	sdelay $0x1  }
0xa1: {  	s23 =	simm.s32 $0x1B8B  }
0xa2: {  	_ =	swait.ge [sflag:s23], $0x1  }
0xa3: {  	[sflag:s23] =	ssyncset.done $0x0  }
0xa4: {  	s25 =	simm.s32 $0x1B8E;
	s24 =	sld [smem:$0x3FFE];
	[sflag:s23] =	ssyncadd.s32 $0xFFFFFFFF  }
0xa5: {  	s26 =	simm.s32 $execute0_lowered;
	[smem:$0x3FD2] =	sst s25  }
0xa6: {  	s4 =	sshll.u32 s26, $0x1;
	_ =	strace $0x8000004C;
	[dreg:$0x1] =	wrdreg $0xFFFFFFFF  }
0xa7: {  	s28 =	simm.s32 $_size_execute0_lowered;
	s2 =	sadd.s32 s2, s4;
	[dreg:$0x0] =	wrdreg $0x0  }
0xa8: {  	s4 =	sshll.u32 s28, $0x1;
	[dreg:$0x2] =	wrdreg s2  }
0xa9: {  	[dreg:$0x3] =	wrdreg s4  }
0xaa: {  	[dreg:$0x4] =	wrdreg $0xC0  }
0xab: {  	_ =	task [dreg:s6], $0x5FFFF  }
0xac: {  	[dreg:$0x1] =	wrdreg $0xFFFFFFFF  }
0xad: {  	[dreg:$0x0] =	wrdreg $0x60  }
0xae: {  	[dreg:$0x2] =	wrdreg s24  }
0xaf: {  	[dreg:$0x3] =	wrdreg $0x1A1000  }
0xb0: {  	[dreg:$0x4] =	wrdreg $0x9  }
0xb1: {  	_ =	task.clear_ibuf [dreg:s6], $0x5FFFF;
	_ =	strace $0x9000004C  }
0xb2: {  	s29 =	simm.s32 $0x9;
	_ =	strace $0x8000004E  }
0xb3: {  	_ =	swait.ge [sflag:s29], $0x1  }
0xb4: {  	[sflag:s29] =	ssyncadd.s32 $0xFFFFFFFF  }
0xb5: {  	_ =	strace $0x9000004E  }
0xb6: {  	_ =	sfence  }
0xb7: {  	s30 =	sld [smem:$0x0];
	_ =	sdelay $0x2  }
0xb8: {  	s31 =	sshll.u32 s1, $0xD;
	s1 =	sshrl.u32 s1, $0x2  }
0xb9: {  	s3 =	sand.u32 $0x4000, s31;
	s1 =	sadd.s32 s1, s30  }
0xba: {  	s0 =	sor.u32 s3, s0;
	s1 =	sshll.u32 s1, $0x11  }
0xbb: {  	s0 =	sor.u32 s1, s0  }
0xbc: {  	s0 =	sadd.s32 $0x8F2B, s0  }
0xbd: {  	[sflag:s0] =	ssyncadd.remote.s32 $0x1  }
0xbe: {  	_ =	sfence.sel $0xFFFF  }
0xbf: {  	[dreg:$0x0] =	wrdreg $0xFFFFFFFF;
	(pc) =	sbr.abs _section_cstart, $3  }
0xc0: {  	[dreg:$0x1] =	wrdreg $0xFFFFFFFF  }
0xc1: {  	_ =	task.clear_ibuf [dreg:s6], $0x2FFFF;
	_ =	strace $0x9FFFFFFF  }
0xc2: {  	(tm) =	ssettm $0x7FFFFFFF  }
0xc3: {  	_ =	shalt  }
tec
execute0_lowered:
.L_overlay_start_1:
0x0: {  	(tag) =	ssettag $0x1  }
0x1: {  	s5 =	rddreg [dreg:$0x0]  }
0x2: {  	s1 =	srdreg.scid;
	s0 =	stileid.u32  }
0x3: {  	s2 =	rddreg [dreg:$0x1];
	s3 =	simm.s32 $0x0;
	s19 =	simm.s32 $0x4100  }
0x4: {  	s20 =	simm.s32 $0x2;
	s4 =	sand.u32 $0x1, s1;
	s1 =	rddreg [dreg:$0x2]  }
0x5: {  	s21 =	simm.s32 $0x6100;
	s6 =	smul.u32 $0x280, s0;
	[smem:$0x7FF] =	sst s3  }
0x6: {  	s10 =	sadd.s32 $0x6000, s2;
	s17 =	smul.u32 $0x4F00, s0;
	s11 =	sadd.s32 $0x8000, s2  }
0x7: {  	s12 =	sadd.s32 $0xA000, s2;
	s13 =	sadd.s32 $0xC000, s2;
	s7 =	smul.u32 $0x2800, s4  }
0x8: {  	s14 =	sadd.s32 $0xE000, s2;
	s15 =	sadd.s32 $0x10000, s2;
	s30 =	smul.u32 $0x4F000, s4  }
0x9: {  	_ =	strace $0x8000004D;
	s8 =	ssub.s32 $0x2, s4;
	s4 =	sadd.s32 $0x1F4E00, s5  }
0xa: {  	s9 =	sshrl.u32 s8, $0x1;
	s6 =	sadd.s32 s6, s7;
	s16 =	sadd.s32 s30, s5  }
0xb: {  	s31 =	ssub.s32 s8, s9;
	s8 =	sadd.s32 $0x2000, s2;
	s9 =	sadd.s32 $0x4000, s2  }
0xc: {  	s6 =	sshll.u32 s6, $0x4;
	s7 =	smax.u32 s31, $0x1;
	s18 =	sadd.s32 s17, s16  }
0xd: {  	s16 =	sadd.s32 $0x12000, s2;
	s6 =	sadd.s32 s6, s5;
	s17 =	sadd.s32 $0x106E00, s18  }
0xe: {  	v0 =	vimm.f32 $0.0e+00;
	s18 =	sadd.s32 $0x68E00, s18;
	s5 =	sadd.s32 $0x18E00, s6;
	s6 =	sadd.s32 $0x21CE00, s6  }
.LBB2_1:
0xf: {  	s22 =	simm.s32 $0x0;
	s23 =	simm.s32 $0x200  }
.LBB2_2:
0x10: {  	p0 =	sne.s32 s23, $0x7E00;
	[tilespmem:s22+$0x4170] =	vst v0  }
0x11: {  	[tilespmem:s22+$0x4100] =	vst v0  }
0x12: {  	[tilespmem:s22+$0x4110] =	vst v0  }
.Ltmp0:
0x13: {  	[tilespmem:s22+$0x4120] =	vst v0;
	(pc) =	sbr.rel @p0 .LBB2_2-.Ltmp0, $4  }
0x14: {  	[tilespmem:s22+$0x4130] =	vst v0  }
0x15: {  	[tilespmem:s22+$0x4140] =	vst v0  }
0x16: {  	[tilespmem:s22+$0x4150] =	vst v0  }
0x17: {  	[tilespmem:s22+$0x4160] =	vst v0;
	s22 =	sshra.s32 s23, $0x2;
	s23 =	sadd.s32 $0x200, s23  }
0x18: {  	[tilespmem:s22+$0x4170] =	vst v0  }
0x19: {  	[tilespmem:s22+$0x4100] =	vst v0  }
0x1a: {  	[tilespmem:s22+$0x4110] =	vst v0  }
0x1b: {  	[tilespmem:s22+$0x4120] =	vst v0  }
0x1c: {  	[tilespmem:s22+$0x4130] =	vst v0  }
0x1d: {  	[tilespmem:s22+$0x4140] =	vst v0  }
0x1e: {  	[tilespmem:s22+$0x4150] =	vst v0  }
0x1f: {  	[tilespmem:s22+$0x4160] =	vst v0  }
0x20: {  	[spmem:s2] =	stream.linear.scatter [tilespmem:s19], [sflag:$0x2], $0x2000, $0x38;
	[tilespmem:$0x1B540] =	vst v63  }
0x21: {  	_ =	swait.ge [sflag:s20], $0x2000  }
0x22: {  	[sflag:s20] =	ssyncset.done $0x0  }
0x23: {  	[sflag:s20] =	ssyncadd.s32 $0xFFFFE000  }
0x24: {  	[spmem:s8] =	stream.linear.scatter [tilespmem:s19], [sflag:$0x2], $0x2000, $0x38;
	[tilespmem:$0x1B540] =	vst v63  }
0x25: {  	_ =	swait.ge [sflag:s20], $0x2000  }
0x26: {  	[sflag:s20] =	ssyncset.done $0x0  }
0x27: {  	[sflag:s20] =	ssyncadd.s32 $0xFFFFE000  }
0x28: {  	[spmem:s9] =	stream.linear.scatter [tilespmem:s19], [sflag:$0x2], $0x2000, $0x38;
	[tilespmem:$0x1B540] =	vst v63  }
0x29: {  	_ =	swait.ge [sflag:s20], $0x2000  }
0x2a: {  	[sflag:s20] =	ssyncset.done $0x0  }
0x2b: {  	[sflag:s20] =	ssyncadd.s32 $0xFFFFE000  }
0x2c: {  	[spmem:s10] =	stream.linear.scatter [tilespmem:s19], [sflag:$0x2], $0x2000, $0x38;
	[tilespmem:$0x1B540] =	vst v63  }
0x2d: {  	_ =	swait.ge [sflag:s20], $0x2000  }
0x2e: {  	[sflag:s20] =	ssyncset.done $0x0  }
0x2f: {  	[sflag:s20] =	ssyncadd.s32 $0xFFFFE000  }
0x30: {  	[spmem:s11] =	stream.linear.scatter [tilespmem:s19], [sflag:$0x2], $0x2000, $0x38;
	[tilespmem:$0x1B540] =	vst v63  }
0x31: {  	_ =	swait.ge [sflag:s20], $0x2000  }
0x32: {  	[sflag:s20] =	ssyncset.done $0x0  }
0x33: {  	[sflag:s20] =	ssyncadd.s32 $0xFFFFE000  }
0x34: {  	[spmem:s12] =	stream.linear.scatter [tilespmem:s19], [sflag:$0x2], $0x2000, $0x38;
	[tilespmem:$0x1B540] =	vst v63  }
0x35: {  	_ =	swait.ge [sflag:s20], $0x2000  }
0x36: {  	[sflag:s20] =	ssyncset.done $0x0  }
0x37: {  	[sflag:s20] =	ssyncadd.s32 $0xFFFFE000  }
0x38: {  	[spmem:s13] =	stream.linear.scatter [tilespmem:s19], [sflag:$0x2], $0x2000, $0x38;
	[tilespmem:$0x1B540] =	vst v63  }
0x39: {  	_ =	swait.ge [sflag:s20], $0x2000  }
0x3a: {  	[sflag:s20] =	ssyncset.done $0x0  }
0x3b: {  	[sflag:s20] =	ssyncadd.s32 $0xFFFFE000  }
0x3c: {  	[spmem:s14] =	stream.linear.scatter [tilespmem:s19], [sflag:$0x2], $0x2000, $0x38;
	[tilespmem:$0x1B540] =	vst v63  }
0x3d: {  	_ =	swait.ge [sflag:s20], $0x2000  }
0x3e: {  	[sflag:s20] =	ssyncset.done $0x0  }
0x3f: {  	[sflag:s20] =	ssyncadd.s32 $0xFFFFE000  }
0x40: {  	[spmem:s15] =	stream.linear.scatter [tilespmem:s19], [sflag:$0x2], $0x2000, $0x38;
	[tilespmem:$0x1B540] =	vst v63  }
0x41: {  	_ =	swait.ge [sflag:s20], $0x2000  }
0x42: {  	[sflag:s20] =	ssyncset.done $0x0  }
0x43: {  	[sflag:s20] =	ssyncadd.s32 $0xFFFFE000  }
0x44: {  	[spmem:s16] =	stream.linear.scatter [tilespmem:s19], [sflag:$0x2], $0x2000, $0x38;
	[tilespmem:$0x1B540] =	vst v63  }
0x45: {  	_ =	swait.ge [sflag:s20], $0x2000  }
0x46: {  	[sflag:s20] =	ssyncset.done $0x0  }
0x47: {  	s31 =	simm.s32 $0x0;
	[sflag:s20] =	ssyncadd.s32 $0xFFFFE000  }
0x48: {  	[tilespmem:s21], [sflag:$0x2] =	stream.linear.gather [hbm4b:s5+s31], $0x14000, $0x38;
	[tilespmem:$0x1B540] =	vst v63  }
0x49: {  	_ =	swait.ge [sflag:s20], $0x14000  }
0x4a: {  	[sflag:s20] =	ssyncset.done $0x0  }
0x4b: {  	s23 =	simm.s32 $0x0;
	[sflag:s20] =	ssyncadd.s32 $0xFFFEC000  }
0x4c: {  	v1 =	vimm.f32 $0.0e+00;
	s22 =	simm.s32 $0x200;
	v2 =	vld [tilespmem:s23+$0x6100]  }
.LBB2_4:
0x4d: {  	p0 =	sne.s32 s22, $0x4FE00  }
.Ltmp1:
0x4e: {  	_ = 	snop;
	(pc) =	sbr.rel @p0 .LBB2_4-.Ltmp1, $3  }
0x4f: {  	_ =	sdelay $0x1  }
0x50: {  	s23 =	sshra.s32 s22, $0x2;
	s22 =	sadd.s32 $0x200, s22;
	v1 =	vadd.f32 v2, v1  }
0x51: {  	v2 =	vld [tilespmem:s23+$0x6100]  }
0x52: {  	_ =	sdelay $0x3  }
0x53: {  	v1 =	vadd.f32 v2, v1;
	_ =	sdelay $0x1  }
0x54: {  	(xrf2) =	vadd.scan.msk.f32 $0xffff, v1;
	_ =	sdelay $0x9  }
0x55: {  	v1, _, _ =	vpop (xrf2)  }
0x56: {  	(v2sf) =	vpush v1, $0xF;
	_ =	sdelay $0xe  }
0x57: {  	s22 =	spop (v2sf)  }
0x58: {  	s22 =	scvt.f32.s32 s22;
	_ =	sdelay $0x1  }
0x59: {  	s22 =	sadd.s32 $0x7F, s22  }
0x5a: {  	s23 =	sand.u32 $0x7F, s22  }
0x5b: {  	s24 =	sshra.s32 s22, $0x1F;
	p0 =	slt.s32 s22, $0x1;
	p1 =	sne.s32 s23, $0x0  }
0x5c: {  	s31 =	sshrl.u32 s24, $0x19;
	p0 =	por !p0, !p1  }
0x5d: {  	s23 =	simm.s32 $0x1;
	s22 =	sadd.s32 s31, s22;
	p0 =	por !p0, !p0  }
0x5e: {  	s22 =	sshra.s32 s22, $0x7;
	s23 =	simm.s32 @!p0 $0x0  }
0x5f: {  	s22 =	ssub.s32 s22, s23  }
0x60: {  	p0 =	sle.s32 s22, $0x0  }
0x61: {  	s23 =	simm.s32 @!p0 $0x0;
	s24 =	simm.s32 @!p0 $0x3  }
0x62: {  	[tilespmem:s23], [sflag:$0x3] =	stream.linear.gather @!p0 [hbm4b:s18+s23], $0x80, $0x38;
	[tilespmem:$0x1B540] =	vst v63  }
0x63: {  	_ =	swait.ge @!p0 [sflag:s24], $0x80  }
0x64: {  	[sflag:s24] =	ssyncset.done @!p0 $0x0;
	p0 =	por p0, p0  }
0x65: {  	[sflag:s24] =	ssyncadd.s32 @!p0 $0xFFFFFF80;
	s25 =	simm.s32 @!p0 $0x80  }
0x66: {  	[tilespmem:s25], [sflag:$0x3] =	stream.linear.gather @!p0 [hbm4b:s17+s23], $0x80, $0x38;
	[tilespmem:$0x1B540] =	vst v63  }
0x67: {  	_ =	swait.ge @!p0 [sflag:s24], $0x80  }
0x68: {  	[sflag:s24] =	ssyncset.done @!p0 $0x0  }
0x69: {  	s26 =	simm.s32 @!p0 $0x1;
	[sflag:s24] =	ssyncadd.s32 @!p0 $0xFFFFFF80;
	s24 =	simm.s32 @!p0 $0x100  }
0x6a: {  	[tilespmem:s24], [sflag:$0x1] =	stream.indirect.gather @!p0 [hbm4b:s4+s25], $0x80, s23, s25, $0xb8;
	[tilespmem:$0x1B540] =	vst v63  }
0x6b: {  	_ =	swait.ge @!p0 [sflag:s26], $0x4000  }
0x6c: {  	[sflag:s26] =	ssyncset.done @!p0 $0x0  }
0x6d: {  	[sflag:s26] =	ssyncadd.s32 @!p0 $0xFFFFC000;
	s26 =	simm.s32 @!p0 $0x2  }
0x6e: {  	[spmem:s2] =	stream.indirect.scatter.add.f32 @!p0 [tilespmem:s24], [sflag:$0x2], $0x80, s25, s25, $0xb8;
	[tilespmem:$0x1B540] =	vst v63  }
0x6f: {  	p2 =	sle.s32 s22, $0x1;
	s23 =	sadd.s32 $0x10, s17;
	_ =	swait.ge @!p0 [sflag:s26], $0x4000  }
0x70: {  	s25 =	simm.s32 $0x2;
	s24 =	sadd.s32 $0x10, s18;
	[sflag:s26] =	ssyncset.done @!p0 $0x0  }
.LBB2_6:
0x71: {  	s28 =	simm.s32 @!p2 $0x0;
	s29 =	simm.s32 @!p2 $0x3;
	[sflag:s26] =	ssyncadd.s32 @!p0 $0xFFFFC000  }
0x72: {  	[tilespmem:s28], [sflag:$0x3] =	stream.linear.gather @!p2 [hbm4b:s24+s28], $0x80, $0x38;
	[tilespmem:$0x1B540] =	vst v63  }
0x73: {  	s30 =	smov.u32 s25;
	s25 =	sadd.s32 $0x1, s25;
	_ =	swait.ge @!p2 [sflag:s29], $0x80  }
0x74: {  	p0 =	por p2, p2;
	p1 =	sne.s32 s25, $0x4F0;
	[sflag:s29] =	ssyncset.done @!p2 $0x0  }
0x75: {  	s31 =	simm.s32 @!p0 $0x80;
	[sflag:s29] =	ssyncadd.s32 @!p0 $0xFFFFFF80  }
0x76: {  	[tilespmem:s31], [sflag:$0x3] =	stream.linear.gather @!p0 [hbm4b:s23+s28], $0x80, $0x38;
	[tilespmem:$0x1B540] =	vst v63  }
0x77: {  	_ =	swait.ge @!p0 [sflag:s29], $0x80  }
0x78: {  	[sflag:s29] =	ssyncset.done @!p0 $0x0  }
0x79: {  	s26 =	simm.s32 @!p0 $0x1;
	[sflag:s29] =	ssyncadd.s32 @!p0 $0xFFFFFF80;
	s29 =	simm.s32 @!p0 $0x100  }
0x7a: {  	[tilespmem:s29], [sflag:$0x1] =	stream.indirect.gather @!p0 [hbm4b:s4+s31], $0x80, s28, s31, $0xb8;
	[tilespmem:$0x1B540] =	vst v63  }
0x7b: {  	_ =	swait.ge @!p0 [sflag:s26], $0x4000  }
.Ltmp2:
0x7c: {  	[sflag:s26] =	ssyncset.done @!p0 $0x0;
	(pc) =	sbr.rel @p1 .LBB2_6-.Ltmp2, $4  }
0x7d: {  	[sflag:s26] =	ssyncadd.s32 @!p0 $0xFFFFC000;
	s26 =	simm.s32 @!p0 $0x2  }
0x7e: {  	[spmem:s2] =	stream.indirect.scatter.add.f32 @!p0 [tilespmem:s29], [sflag:$0x2], $0x80, s31, s31, $0xb8;
	[tilespmem:$0x1B540] =	vst v63  }
0x7f: {  	s24 =	sadd.s32 $0x10, s24;
	_ =	swait.ge @!p0 [sflag:s26], $0x4000  }
0x80: {  	p2 =	sge.s32 s30, s22;
	s23 =	sadd.s32 $0x10, s23;
	[sflag:s26] =	ssyncset.done @!p0 $0x0  }
0x81: {  	s22 =	simm.s32 @!p2 $0x0;
	s25 =	simm.s32 @!p2 $0x3;
	[sflag:s26] =	ssyncadd.s32 @!p0 $0xFFFFC000  }
0x82: {  	[tilespmem:s22], [sflag:$0x3] =	stream.linear.gather @!p2 [hbm4b:s24+s22], $0x80, $0x38;
	[tilespmem:$0x1B540] =	vst v63  }
0x83: {  	_ =	swait.ge @!p2 [sflag:s25], $0x80  }
0x84: {  	p0 =	por p2, p2;
	[sflag:s25] =	ssyncset.done @!p2 $0x0  }
0x85: {  	s24 =	simm.s32 @!p0 $0x80;
	[sflag:s25] =	ssyncadd.s32 @!p0 $0xFFFFFF80  }
0x86: {  	[tilespmem:s24], [sflag:$0x3] =	stream.linear.gather @!p0 [hbm4b:s23+s22], $0x80, $0x38;
	[tilespmem:$0x1B540] =	vst v63  }
0x87: {  	_ =	swait.ge @!p0 [sflag:s25], $0x80  }
0x88: {  	[sflag:s25] =	ssyncset.done @!p0 $0x0  }
0x89: {  	s23 =	simm.s32 @!p0 $0x100;
	[sflag:s25] =	ssyncadd.s32 @!p0 $0xFFFFFF80;
	s25 =	simm.s32 @!p0 $0x1  }
0x8a: {  	[tilespmem:s23], [sflag:$0x1] =	stream.indirect.gather @!p0 [hbm4b:s4+s24], $0x80, s22, s24, $0xb8;
	[tilespmem:$0x1B540] =	vst v63  }
0x8b: {  	_ =	swait.ge @!p0 [sflag:s25], $0x4000  }
0x8c: {  	[sflag:s25] =	ssyncset.done @!p0 $0x0  }
0x8d: {  	s22 =	simm.s32 @!p0 $0x2;
	[sflag:s25] =	ssyncadd.s32 @!p0 $0xFFFFC000  }
0x8e: {  	[spmem:s2] =	stream.indirect.scatter.add.f32 @!p0 [tilespmem:s23], [sflag:$0x2], $0x80, s24, s24, $0xb8;
	[tilespmem:$0x1B540] =	vst v63  }
0x8f: {  	_ =	swait.ge @!p0 [sflag:s22], $0x4000  }
0x90: {  	s3 =	sadd.s32 $0x1, s3;
	[sflag:s22] =	ssyncset.done @!p0 $0x0  }
0x91: {  	s29 =	sshll.u32 s0, $0x6;
	[sflag:s22] =	ssyncadd.s32 @!p0 $0xFFFFC000;
	p0 =	sne.s32 s3, s7  }
.Ltmp3:
0x92: {  	s31 =	sshrl.u32 s2, $0x3;
	s30 =	sor.u32 $0x1C02, s29;
	(pc) =	sbr.rel @p0 .LBB2_1-.Ltmp3, $4  }
0x93: {  	[hbm:s6], [sflag:s30] =	dma.local [spmem:s31], $0x2800  }
0x94: {  	_ =	swait.ge [sflag:s20], $0x2800  }
0x95: {  	[sflag:s20] =	ssyncset.done $0x0  }
0x96: {  	[sflag:s20] =	ssyncadd.s32 $0xFFFFD800  }
0x97: {  	_ =	sfence.sel $0x180000  }
0x98: {  	[bflag:$0x0] =	sbarrier.arrive $0xFFFF  }
0x99: {  	p0 =	sne.s32 s0, $0x0;
	_ =	strace $0x9000004D  }
0x9a: {  	s0 =	sadd.s32 @!p0 $0x100000, s1;
	[bflag:$0x2] =	sbarrier.arrive $0xFFFF  }
0x9b: {  	[sflag:s0] =	ssyncadd.tile.s32 @!p0 $0x1;
	_ =	shalt  }
.Lfunc_end2:
_tile_overlayer_lowered:
.L_overlay_start_2:
0x9c: {  	(tag) =	ssettag $0x2  }
0x9d: {  	s0 =	rddreg [dreg:$0x0];
	s2 =	stileid.u32  }
0x9e: {  	s1 =	rddreg [dreg:$0x1];
	p0 =	sne.s32 s2, $0x0  }
0x9f: {  	s3 =	rddreg [dreg:$0x2];
	[bflag:$0x3] =	sbarrier.arrive $0xFFFF;
	s2 =	simm.s32 @!p0 $0x1C02  }
0xa0: {  	[timem:s3], [sflag:s2] =	dma.local @!p0 [hbm:s0], s1  }
0xa1: {  	s0 =	simm.s32 @!p0 $0x2  }
0xa2: {  	_ =	swait.ge @!p0 [sflag:s0], s1  }
0xa3: {  	s1 =	ssub.s32 @!p0 $0x0, s1;
	[sflag:s0] =	ssyncset.done @!p0 $0x0  }
0xa4: {  	[sflag:s0] =	ssyncadd.s32 @!p0 s1  }
0xa5: {  	[bflag:$0x3] =	sbarrier.arrive $0xFFFF  }
0xa6: {  	_ =	shalt  }

// kernel: kernel.19.cloned.1.call-start
scs
__scs_entry_jumppad:
0x0: {  	(pc) =	sbr.rel $0x88, $3  }
0x1: {  	(tag) =	ssettag $0x0;
	lr =	simm.s32 $0x1  }
0x2: {  	[smem:$0x3F96] =	sst lr;
	_ =	strace $0xD0000000  }
0x3: {  	_ = 	snop  }
0x4: {  	_ = 	snop  }
0x5: {  	_ = 	snop  }
0x6: {  	_ = 	snop  }
0x7: {  	_ = 	snop  }
__scs_overlays_trampoline_lowered:
0x8: {  	[smem:$0x3FA5] =	sst s0  }
0x9: {  	[smem:$0x3FA6] =	sst s1  }
0xa: {  	[smem:$0x3FA7] =	sst s2  }
0xb: {  	[smem:$0x3FA8] =	sst s3  }
0xc: {  	[smem:$0x3FA9] =	sst s4  }
0xd: {  	[smem:$0x3FAA] =	sst s5  }
0xe: {  	[smem:$0x3FAB] =	sst s6  }
0xf: {  	[smem:$0x3FAC] =	sst s7  }
0x10: {  	[smem:$0x3FAD] =	sst s8  }
0x11: {  	[smem:$0x3FAE] =	sst s9;
	s0 =	simm.s32 @!p0 $0x0  }
0x12: {  	s1 =	sld [smem:$0x3F94];
	s0 =	simm.s32 @p0 $0x1  }
0x13: {  	[smem:$0x3FAF] =	sst s0;
	s0 =	simm.s32 @!p1 $0x0  }
0x14: {  	s2 =	sld [smem:$0x3F93];
	s0 =	simm.s32 @p1 $0x1  }
0x15: {  	[smem:$0x3FB0] =	sst s0;
	s0 =	simm.s32 @!p2 $0x0  }
0x16: {  	s3 =	sld [smem:$0x3FDB];
	s0 =	simm.s32 @p2 $0x1  }
0x17: {  	s4 =	simm.s32 $0x1BF5;
	[smem:$0x3FB2] =	sst s0  }
0x18: {  	s0 =	sld [smem:$0x3F95];
	_ =	swait.ge [sflag:s4], $0x0  }
0x19: {  	s7 =	sld [smem:$0x3F96]  }
0x1a: {  	s8 =	sadd.s32 $0xFFFFE003, lr  }
0x1b: {  	s9 =	sadd.s32 $0xFFFFFEF7, lr;
	s5 =	simm.s32 $0xFFFFFFFF;
	p2 =	slt.u32 s8, $0xFFFFF086  }
0x1c: {  	p1 =	slt.u32 s9, $0xF7A;
	s5 =	simm.s32 @!p2 $0x0  }
0x1d: {  	s5 =	simm.s32 @p1 $0x1;
	p0 =	seq.s32 s7, s2  }
0x1e: {  	s7 =	smul.u32 @!p0 $0xF7A, s2;
	p2 =	seq.s32 @!p0 s5, $0x0  }
0x1f: {  	s9 =	smul.u32 $0xF7A, s1;
	s8 =	simm.s32 @!p0 $0x1BF5;
	p2 =	por !p2, p0  }
0x20: {  	[sflag:s8] =	ssyncset.s32 @!p0 $0xFFFFF086;
	s6 =	sadd.s32 @!p0 s3, s7;
	s7 =	simm.s32 @!p0 $0x108  }
0x21: {  	s3 =	sadd.s32 s3, s9;
	s6 =	sadd.s32 @!p0 $0x88, s6;
	s7 =	simm.s32 @p2 $0x1082  }
0x22: {  	[simem:s7], [sflag:s8] =	dma.local @!p0 [hbm:s6], $0xF7A  }
0x23: {  	s9 =	sor.u32 $0xD0000000, s2;
	s6 =	simm.s32 $0x108;
	_ =	swait.ge @!p0 [sflag:s8], $0x0  }
0x24: {  	s3 =	sadd.s32 $0x88, s3;
	s6 =	simm.s32 @!p1 $0x1082;
	[sflag:s4] =	ssyncset.s32 $0xFFFFF086  }
0x25: {  	[simem:s6], [sflag:s4] =	dma.local [hbm:s3], $0xF7A  }
0x26: {  	[smem:$0x3F96] =	sst s1;
	(tag) =	ssettag s2;
	_ =	strace s9  }
0x27: {  	s1 =	sld [smem:$0x3FA6]  }
0x28: {  	s2 =	sld [smem:$0x3FA7]  }
0x29: {  	s4 =	sld [smem:$0x3FA9]  }
0x2a: {  	p0 =	seq.s32 s5, $0x0;
	s5 =	sld [smem:$0x3FAA]  }
0x2b: {  	s6 =	sld [smem:$0x3FAB]  }
0x2c: {  	s7 =	sld [smem:$0x3FAC]  }
0x2d: {  	s3 =	simm.s32 $0x108;
	s8 =	sld [smem:$0x3FAD]  }
0x2e: {  	s3 =	simm.s32 @!p0 $0x1082;
	s9 =	sld [smem:$0x3FAE]  }
0x2f: {  	lr =	sadd.s32 s0, s3;
	s0 =	sld [smem:$0x3FA5]  }
0x30: {  	s3 =	sld [smem:$0x3FA8]  }
0x31: {  	[smem:$0x3FB1] =	sst s10  }
0x32: {  	s10 =	sld [smem:$0x3FAF];
	_ =	sdelay $0x3  }
0x33: {  	p0 =	seq.s32 s10, $0x1;
	s10 =	sld [smem:$0x3FB1];
	_ =	sdelay $0x3  }
0x34: {  	[smem:$0x3FB1] =	sst s10  }
0x35: {  	s10 =	sld [smem:$0x3FB0];
	_ =	sdelay $0x3  }
0x36: {  	p1 =	seq.s32 s10, $0x1;
	s10 =	sld [smem:$0x3FB1];
	_ =	sdelay $0x3  }
0x37: {  	[smem:$0x3FB1] =	sst s10  }
0x38: {  	s10 =	sld [smem:$0x3FB2]  }
0x39: {  	_ = 	snop;
	(pc) =	sbr.ind lr, $3  }
0x3a: {  	_ = 	snop  }
0x3b: {  	_ = 	snop  }
0x3c: {  	p2 =	seq.s32 s10, $0x1;
	s10 =	sld [smem:$0x3FB1]  }
0x3d: {  	_ =	shalt  }
0x3e: {  	_ =	shalt  }
0x3f: {  	_ =	shalt  }
0x40: {  	_ =	shalt  }
0x41: {  	_ =	shalt  }
0x42: {  	_ =	shalt  }
0x43: {  	_ =	shalt  }
0x44: {  	_ =	shalt  }
0x45: {  	_ =	shalt  }
0x46: {  	_ =	shalt  }
0x47: {  	_ =	shalt  }
0x48: {  	_ =	shalt  }
0x49: {  	_ =	shalt  }
0x4a: {  	_ =	shalt  }
0x4b: {  	_ =	shalt  }
0x4c: {  	_ =	shalt  }
0x4d: {  	_ =	shalt  }
0x4e: {  	_ =	shalt  }
0x4f: {  	_ =	shalt  }
0x50: {  	_ =	shalt  }
0x51: {  	_ =	shalt  }
0x52: {  	_ =	shalt  }
0x53: {  	_ =	shalt  }
0x54: {  	_ =	shalt  }
0x55: {  	_ =	shalt  }
0x56: {  	_ =	shalt  }
0x57: {  	_ =	shalt  }
0x58: {  	_ =	shalt  }
0x59: {  	_ =	shalt  }
0x5a: {  	_ =	shalt  }
0x5b: {  	_ =	shalt  }
0x5c: {  	_ =	shalt  }
0x5d: {  	_ =	shalt  }
0x5e: {  	_ =	shalt  }
0x5f: {  	_ =	shalt  }
0x60: {  	_ =	shalt  }
0x61: {  	_ =	shalt  }
0x62: {  	_ =	shalt  }
0x63: {  	_ =	shalt  }
0x64: {  	_ =	shalt  }
0x65: {  	_ =	shalt  }
0x66: {  	_ =	shalt  }
0x67: {  	_ =	shalt  }
0x68: {  	_ =	shalt  }
0x69: {  	_ =	shalt  }
0x6a: {  	_ =	shalt  }
0x6b: {  	_ =	shalt  }
0x6c: {  	_ =	shalt  }
0x6d: {  	_ =	shalt  }
0x6e: {  	_ =	shalt  }
0x6f: {  	_ =	shalt  }
0x70: {  	_ =	shalt  }
0x71: {  	_ =	shalt  }
0x72: {  	_ =	shalt  }
0x73: {  	_ =	shalt  }
0x74: {  	_ =	shalt  }
0x75: {  	_ =	shalt  }
0x76: {  	_ =	shalt  }
0x77: {  	_ =	shalt  }
0x78: {  	_ =	shalt  }
0x79: {  	_ =	shalt  }
0x7a: {  	_ =	shalt  }
0x7b: {  	_ =	shalt  }
0x7c: {  	_ =	shalt  }
0x7d: {  	_ =	shalt  }
0x7e: {  	_ =	shalt  }
0x7f: {  	_ =	shalt  }
0x80: {  	_ =	shalt  }
0x81: {  	_ =	shalt  }
0x82: {  	_ =	shalt  }
0x83: {  	_ =	shalt  }
0x84: {  	_ =	shalt  }
0x85: {  	_ =	shalt  }
0x86: {  	_ =	shalt  }
0x87: {  	_ =	shalt  }
.Lfunc_end0:
.L_simem_size_0:
called_computation.3_lowered:
.L_overlay_start_0:
0x88: {  	s2 =	sld [smem:$0x3FD9]  }
0x89: {  	s3 =	sld [smem:$0x3FFE];
	_ =	sdelay $0x1  }
0x8a: {  	s1 =	srdreg.scid  }
0x8b: {  	s0 =	sand.u32 $0x1, s1  }
0x8c: {  	s16 =	sshll.u32 s0, $0xA;
	s2 =	sadd.s32 s3, s2  }
0x8d: {  	s2 =	sadd.s32 s2, s16  }
0x8e: {  	[smem:$0x3FBD] =	sst s2  }
0x8f: {  	_ = 	snop  }
0x90: {  	(tm) =	ssettm $0x1  }
0x91: {  	s17 =	sld [smem:$0x3FFB];
	_ =	sdelay $0x3  }
0x92: {  	_ =	strace s17  }
0x93: {  	s2 =	sld [smem:$0x3FFC];
	_ =	sdelay $0x3  }
0x94: {  	_ =	strace s2  }
0x95: {  	s2 =	sld [smem:$0x3FFD];
	_ =	sdelay $0x3  }
0x96: {  	_ =	strace s2  }
0x97: {  	_ =	strace $0x8FFFFFFF  }
0x98: {  	s18 =	sld [smem:$0x3FDB];
	_ =	sdelay $0x1  }
0x99: {  	s19 =	simm.s32 $_scs_section_size  }
0x9a: {  	s4 =	simm.s32 $_size__tile_overlayer_lowered;
	s5 =	simm.s32 $_tile_overlayer_lowered  }
0x9b: {  	s22 =	simm.s32 $0x1BFF;
	s21 =	sshll.u32 s5, $0x1;
	s2 =	sadd.s32 s19, s18  }
0x9c: {  	s6 =	simm.s32 $0x0;
	s20 =	sshll.u32 s4, $0x1;
	s4 =	sadd.s32 s21, s2  }
0x9d: {  	[timem:s6], [sflag:s22] =	dma.local [hbm:s4], s20  }
0x9e: {  	_ =	swait.ge [sflag:s22], s20  }
0x9f: {  	s3 =	ssub.s32 $0x0, s20;
	[sflag:s22] =	ssyncset.done $0x0  }
0xa0: {  	[sflag:s22] =	ssyncadd.s32 s3;
	_ =	sdelay $0x1  }
0xa1: {  	s23 =	simm.s32 $0x1B8B  }
0xa2: {  	_ =	swait.ge [sflag:s23], $0x1  }
0xa3: {  	[sflag:s23] =	ssyncset.done $0x0  }
0xa4: {  	s25 =	simm.s32 $0x1B8E;
	s24 =	sld [smem:$0x3FFE];
	[sflag:s23] =	ssyncadd.s32 $0xFFFFFFFF  }
0xa5: {  	s26 =	simm.s32 $execute0_lowered;
	[smem:$0x3FD2] =	sst s25  }
0xa6: {  	s4 =	sshll.u32 s26, $0x1;
	_ =	strace $0x8000004F;
	[dreg:$0x1] =	wrdreg $0xFFFFFFFF  }
0xa7: {  	s28 =	simm.s32 $_size_execute0_lowered;
	s2 =	sadd.s32 s2, s4;
	[dreg:$0x0] =	wrdreg $0x0  }
0xa8: {  	s4 =	sshll.u32 s28, $0x1;
	[dreg:$0x2] =	wrdreg s2  }
0xa9: {  	[dreg:$0x3] =	wrdreg s4  }
0xaa: {  	[dreg:$0x4] =	wrdreg $0xC0  }
0xab: {  	_ =	task [dreg:s6], $0x5FFFF  }
0xac: {  	[dreg:$0x1] =	wrdreg $0xFFFFFFFF  }
0xad: {  	[dreg:$0x0] =	wrdreg $0x60  }
0xae: {  	[dreg:$0x2] =	wrdreg s24  }
0xaf: {  	[dreg:$0x3] =	wrdreg $0x1A1000  }
0xb0: {  	[dreg:$0x4] =	wrdreg $0x9  }
0xb1: {  	_ =	task.clear_ibuf [dreg:s6], $0x5FFFF;
	_ =	strace $0x9000004F  }
0xb2: {  	s29 =	simm.s32 $0x9;
	_ =	strace $0x80000051  }
0xb3: {  	_ =	swait.ge [sflag:s29], $0x1  }
0xb4: {  	[sflag:s29] =	ssyncadd.s32 $0xFFFFFFFF  }
0xb5: {  	_ =	strace $0x90000051  }
0xb6: {  	_ =	sfence  }
0xb7: {  	s30 =	sld [smem:$0x0];
	_ =	sdelay $0x2  }
0xb8: {  	s31 =	sshll.u32 s1, $0xD;
	s1 =	sshrl.u32 s1, $0x2  }
0xb9: {  	s3 =	sand.u32 $0x4000, s31;
	s1 =	sadd.s32 s1, s30  }
0xba: {  	s0 =	sor.u32 s3, s0;
	s1 =	sshll.u32 s1, $0x11  }
0xbb: {  	s0 =	sor.u32 s1, s0  }
0xbc: {  	s0 =	sadd.s32 $0x8F2B, s0  }
0xbd: {  	[sflag:s0] =	ssyncadd.remote.s32 $0x1  }
0xbe: {  	_ =	sfence.sel $0xFFFF  }
0xbf: {  	[dreg:$0x0] =	wrdreg $0xFFFFFFFF;
	(pc) =	sbr.abs _section_cstart, $3  }
0xc0: {  	[dreg:$0x1] =	wrdreg $0xFFFFFFFF  }
0xc1: {  	_ =	task.clear_ibuf [dreg:s6], $0x2FFFF;
	_ =	strace $0x9FFFFFFF  }
0xc2: {  	(tm) =	ssettm $0x7FFFFFFF  }
0xc3: {  	_ =	shalt  }
tec
execute0_lowered:
.L_overlay_start_1:
0x0: {  	(tag) =	ssettag $0x1  }
0x1: {  	s5 =	rddreg [dreg:$0x0]  }
0x2: {  	s1 =	srdreg.scid;
	s0 =	stileid.u32  }
0x3: {  	s2 =	rddreg [dreg:$0x1];
	s3 =	simm.s32 $0x0;
	s19 =	simm.s32 $0x4100  }
0x4: {  	s20 =	simm.s32 $0x2;
	s4 =	sand.u32 $0x1, s1;
	s1 =	rddreg [dreg:$0x2]  }
0x5: {  	s21 =	simm.s32 $0x6100;
	s6 =	smul.u32 $0x280, s0;
	[smem:$0x7FF] =	sst s3  }
0x6: {  	s10 =	sadd.s32 $0x6000, s2;
	s17 =	smul.u32 $0x4F00, s0;
	s11 =	sadd.s32 $0x8000, s2  }
0x7: {  	s12 =	sadd.s32 $0xA000, s2;
	s13 =	sadd.s32 $0xC000, s2;
	s7 =	smul.u32 $0x2800, s4  }
0x8: {  	s14 =	sadd.s32 $0xE000, s2;
	s15 =	sadd.s32 $0x10000, s2;
	s30 =	smul.u32 $0x4F000, s4  }
0x9: {  	_ =	strace $0x80000050;
	s8 =	ssub.s32 $0x2, s4;
	s4 =	sadd.s32 $0x1F4E00, s5  }
0xa: {  	s9 =	sshrl.u32 s8, $0x1;
	s6 =	sadd.s32 s6, s7;
	s16 =	sadd.s32 s30, s5  }
0xb: {  	s31 =	ssub.s32 s8, s9;
	s8 =	sadd.s32 $0x2000, s2;
	s9 =	sadd.s32 $0x4000, s2  }
0xc: {  	s6 =	sshll.u32 s6, $0x4;
	s7 =	smax.u32 s31, $0x1;
	s18 =	sadd.s32 s17, s16  }
0xd: {  	s16 =	sadd.s32 $0x12000, s2;
	s6 =	sadd.s32 s6, s5;
	s17 =	sadd.s32 $0x106E00, s18  }
0xe: {  	v0 =	vimm.f32 $0.0e+00;
	s18 =	sadd.s32 $0x68E00, s18;
	s5 =	sadd.s32 $0x18E00, s6;
	s6 =	sadd.s32 $0x21CE00, s6  }
.LBB2_1:
0xf: {  	s22 =	simm.s32 $0x0;
	s23 =	simm.s32 $0x200  }
.LBB2_2:
0x10: {  	p0 =	sne.s32 s23, $0x7E00;
	[tilespmem:s22+$0x4170] =	vst v0  }
0x11: {  	[tilespmem:s22+$0x4100] =	vst v0  }
0x12: {  	[tilespmem:s22+$0x4110] =	vst v0  }
.Ltmp0:
0x13: {  	[tilespmem:s22+$0x4120] =	vst v0;
	(pc) =	sbr.rel @p0 .LBB2_2-.Ltmp0, $4  }
0x14: {  	[tilespmem:s22+$0x4130] =	vst v0  }
0x15: {  	[tilespmem:s22+$0x4140] =	vst v0  }
0x16: {  	[tilespmem:s22+$0x4150] =	vst v0  }
0x17: {  	[tilespmem:s22+$0x4160] =	vst v0;
	s22 =	sshra.s32 s23, $0x2;
	s23 =	sadd.s32 $0x200, s23  }
0x18: {  	[tilespmem:s22+$0x4170] =	vst v0  }
0x19: {  	[tilespmem:s22+$0x4100] =	vst v0  }
0x1a: {  	[tilespmem:s22+$0x4110] =	vst v0  }
0x1b: {  	[tilespmem:s22+$0x4120] =	vst v0  }
0x1c: {  	[tilespmem:s22+$0x4130] =	vst v0  }
0x1d: {  	[tilespmem:s22+$0x4140] =	vst v0  }
0x1e: {  	[tilespmem:s22+$0x4150] =	vst v0  }
0x1f: {  	[tilespmem:s22+$0x4160] =	vst v0  }
0x20: {  	[spmem:s2] =	stream.linear.scatter [tilespmem:s19], [sflag:$0x2], $0x2000, $0x38;
	[tilespmem:$0x1B540] =	vst v63  }
0x21: {  	_ =	swait.ge [sflag:s20], $0x2000  }
0x22: {  	[sflag:s20] =	ssyncset.done $0x0  }
0x23: {  	[sflag:s20] =	ssyncadd.s32 $0xFFFFE000  }
0x24: {  	[spmem:s8] =	stream.linear.scatter [tilespmem:s19], [sflag:$0x2], $0x2000, $0x38;
	[tilespmem:$0x1B540] =	vst v63  }
0x25: {  	_ =	swait.ge [sflag:s20], $0x2000  }
0x26: {  	[sflag:s20] =	ssyncset.done $0x0  }
0x27: {  	[sflag:s20] =	ssyncadd.s32 $0xFFFFE000  }
0x28: {  	[spmem:s9] =	stream.linear.scatter [tilespmem:s19], [sflag:$0x2], $0x2000, $0x38;
	[tilespmem:$0x1B540] =	vst v63  }
0x29: {  	_ =	swait.ge [sflag:s20], $0x2000  }
0x2a: {  	[sflag:s20] =	ssyncset.done $0x0  }
0x2b: {  	[sflag:s20] =	ssyncadd.s32 $0xFFFFE000  }
0x2c: {  	[spmem:s10] =	stream.linear.scatter [tilespmem:s19], [sflag:$0x2], $0x2000, $0x38;
	[tilespmem:$0x1B540] =	vst v63  }
0x2d: {  	_ =	swait.ge [sflag:s20], $0x2000  }
0x2e: {  	[sflag:s20] =	ssyncset.done $0x0  }
0x2f: {  	[sflag:s20] =	ssyncadd.s32 $0xFFFFE000  }
0x30: {  	[spmem:s11] =	stream.linear.scatter [tilespmem:s19], [sflag:$0x2], $0x2000, $0x38;
	[tilespmem:$0x1B540] =	vst v63  }
0x31: {  	_ =	swait.ge [sflag:s20], $0x2000  }
0x32: {  	[sflag:s20] =	ssyncset.done $0x0  }
0x33: {  	[sflag:s20] =	ssyncadd.s32 $0xFFFFE000  }
0x34: {  	[spmem:s12] =	stream.linear.scatter [tilespmem:s19], [sflag:$0x2], $0x2000, $0x38;
	[tilespmem:$0x1B540] =	vst v63  }
0x35: {  	_ =	swait.ge [sflag:s20], $0x2000  }
0x36: {  	[sflag:s20] =	ssyncset.done $0x0  }
0x37: {  	[sflag:s20] =	ssyncadd.s32 $0xFFFFE000  }
0x38: {  	[spmem:s13] =	stream.linear.scatter [tilespmem:s19], [sflag:$0x2], $0x2000, $0x38;
	[tilespmem:$0x1B540] =	vst v63  }
0x39: {  	_ =	swait.ge [sflag:s20], $0x2000  }
0x3a: {  	[sflag:s20] =	ssyncset.done $0x0  }
0x3b: {  	[sflag:s20] =	ssyncadd.s32 $0xFFFFE000  }
0x3c: {  	[spmem:s14] =	stream.linear.scatter [tilespmem:s19], [sflag:$0x2], $0x2000, $0x38;
	[tilespmem:$0x1B540] =	vst v63  }
0x3d: {  	_ =	swait.ge [sflag:s20], $0x2000  }
0x3e: {  	[sflag:s20] =	ssyncset.done $0x0  }
0x3f: {  	[sflag:s20] =	ssyncadd.s32 $0xFFFFE000  }
0x40: {  	[spmem:s15] =	stream.linear.scatter [tilespmem:s19], [sflag:$0x2], $0x2000, $0x38;
	[tilespmem:$0x1B540] =	vst v63  }
0x41: {  	_ =	swait.ge [sflag:s20], $0x2000  }
0x42: {  	[sflag:s20] =	ssyncset.done $0x0  }
0x43: {  	[sflag:s20] =	ssyncadd.s32 $0xFFFFE000  }
0x44: {  	[spmem:s16] =	stream.linear.scatter [tilespmem:s19], [sflag:$0x2], $0x2000, $0x38;
	[tilespmem:$0x1B540] =	vst v63  }
0x45: {  	_ =	swait.ge [sflag:s20], $0x2000  }
0x46: {  	[sflag:s20] =	ssyncset.done $0x0  }
0x47: {  	s31 =	simm.s32 $0x0;
	[sflag:s20] =	ssyncadd.s32 $0xFFFFE000  }
0x48: {  	[tilespmem:s21], [sflag:$0x2] =	stream.linear.gather [hbm4b:s5+s31], $0x14000, $0x38;
	[tilespmem:$0x1B540] =	vst v63  }
0x49: {  	_ =	swait.ge [sflag:s20], $0x14000  }
0x4a: {  	[sflag:s20] =	ssyncset.done $0x0  }
0x4b: {  	s23 =	simm.s32 $0x0;
	[sflag:s20] =	ssyncadd.s32 $0xFFFEC000  }
0x4c: {  	v1 =	vimm.f32 $0.0e+00;
	s22 =	simm.s32 $0x200;
	v2 =	vld [tilespmem:s23+$0x6100]  }
.LBB2_4:
0x4d: {  	p0 =	sne.s32 s22, $0x4FE00  }
.Ltmp1:
0x4e: {  	_ = 	snop;
	(pc) =	sbr.rel @p0 .LBB2_4-.Ltmp1, $3  }
0x4f: {  	_ =	sdelay $0x1  }
0x50: {  	s23 =	sshra.s32 s22, $0x2;
	s22 =	sadd.s32 $0x200, s22;
	v1 =	vadd.f32 v2, v1  }
0x51: {  	v2 =	vld [tilespmem:s23+$0x6100]  }
0x52: {  	_ =	sdelay $0x3  }
0x53: {  	v1 =	vadd.f32 v2, v1;
	_ =	sdelay $0x1  }
0x54: {  	(xrf2) =	vadd.scan.msk.f32 $0xffff, v1;
	_ =	sdelay $0x9  }
0x55: {  	v1, _, _ =	vpop (xrf2)  }
0x56: {  	(v2sf) =	vpush v1, $0xF;
	_ =	sdelay $0xe  }
0x57: {  	s22 =	spop (v2sf)  }
0x58: {  	s22 =	scvt.f32.s32 s22;
	_ =	sdelay $0x1  }
0x59: {  	s22 =	sadd.s32 $0x7F, s22  }
0x5a: {  	s23 =	sand.u32 $0x7F, s22  }
0x5b: {  	s24 =	sshra.s32 s22, $0x1F;
	p0 =	slt.s32 s22, $0x1;
	p1 =	sne.s32 s23, $0x0  }
0x5c: {  	s31 =	sshrl.u32 s24, $0x19;
	p0 =	por !p0, !p1  }
0x5d: {  	s23 =	simm.s32 $0x1;
	s22 =	sadd.s32 s31, s22;
	p0 =	por !p0, !p0  }
0x5e: {  	s22 =	sshra.s32 s22, $0x7;
	s23 =	simm.s32 @!p0 $0x0  }
0x5f: {  	s22 =	ssub.s32 s22, s23  }
0x60: {  	p0 =	sle.s32 s22, $0x0  }
0x61: {  	s23 =	simm.s32 @!p0 $0x0;
	s24 =	simm.s32 @!p0 $0x3  }
0x62: {  	[tilespmem:s23], [sflag:$0x3] =	stream.linear.gather @!p0 [hbm4b:s18+s23], $0x80, $0x38;
	[tilespmem:$0x1B540] =	vst v63  }
0x63: {  	_ =	swait.ge @!p0 [sflag:s24], $0x80  }
0x64: {  	[sflag:s24] =	ssyncset.done @!p0 $0x0;
	p0 =	por p0, p0  }
0x65: {  	[sflag:s24] =	ssyncadd.s32 @!p0 $0xFFFFFF80;
	s25 =	simm.s32 @!p0 $0x80  }
0x66: {  	[tilespmem:s25], [sflag:$0x3] =	stream.linear.gather @!p0 [hbm4b:s17+s23], $0x80, $0x38;
	[tilespmem:$0x1B540] =	vst v63  }
0x67: {  	_ =	swait.ge @!p0 [sflag:s24], $0x80  }
0x68: {  	[sflag:s24] =	ssyncset.done @!p0 $0x0  }
0x69: {  	s26 =	simm.s32 @!p0 $0x1;
	[sflag:s24] =	ssyncadd.s32 @!p0 $0xFFFFFF80;
	s24 =	simm.s32 @!p0 $0x100  }
0x6a: {  	[tilespmem:s24], [sflag:$0x1] =	stream.indirect.gather @!p0 [hbm4b:s4+s25], $0x80, s23, s25, $0xb8;
	[tilespmem:$0x1B540] =	vst v63  }
0x6b: {  	_ =	swait.ge @!p0 [sflag:s26], $0x4000  }
0x6c: {  	[sflag:s26] =	ssyncset.done @!p0 $0x0  }
0x6d: {  	[sflag:s26] =	ssyncadd.s32 @!p0 $0xFFFFC000;
	s26 =	simm.s32 @!p0 $0x2  }
0x6e: {  	[spmem:s2] =	stream.indirect.scatter.add.f32 @!p0 [tilespmem:s24], [sflag:$0x2], $0x80, s25, s25, $0xb8;
	[tilespmem:$0x1B540] =	vst v63  }
0x6f: {  	p2 =	sle.s32 s22, $0x1;
	s23 =	sadd.s32 $0x10, s17;
	_ =	swait.ge @!p0 [sflag:s26], $0x4000  }
0x70: {  	s25 =	simm.s32 $0x2;
	s24 =	sadd.s32 $0x10, s18;
	[sflag:s26] =	ssyncset.done @!p0 $0x0  }
.LBB2_6:
0x71: {  	s28 =	simm.s32 @!p2 $0x0;
	s29 =	simm.s32 @!p2 $0x3;
	[sflag:s26] =	ssyncadd.s32 @!p0 $0xFFFFC000  }
0x72: {  	[tilespmem:s28], [sflag:$0x3] =	stream.linear.gather @!p2 [hbm4b:s24+s28], $0x80, $0x38;
	[tilespmem:$0x1B540] =	vst v63  }
0x73: {  	s30 =	smov.u32 s25;
	s25 =	sadd.s32 $0x1, s25;
	_ =	swait.ge @!p2 [sflag:s29], $0x80  }
0x74: {  	p0 =	por p2, p2;
	p1 =	sne.s32 s25, $0x4F0;
	[sflag:s29] =	ssyncset.done @!p2 $0x0  }
0x75: {  	s31 =	simm.s32 @!p0 $0x80;
	[sflag:s29] =	ssyncadd.s32 @!p0 $0xFFFFFF80  }
0x76: {  	[tilespmem:s31], [sflag:$0x3] =	stream.linear.gather @!p0 [hbm4b:s23+s28], $0x80, $0x38;
	[tilespmem:$0x1B540] =	vst v63  }
0x77: {  	_ =	swait.ge @!p0 [sflag:s29], $0x80  }
0x78: {  	[sflag:s29] =	ssyncset.done @!p0 $0x0  }
0x79: {  	s26 =	simm.s32 @!p0 $0x1;
	[sflag:s29] =	ssyncadd.s32 @!p0 $0xFFFFFF80;
	s29 =	simm.s32 @!p0 $0x100  }
0x7a: {  	[tilespmem:s29], [sflag:$0x1] =	stream.indirect.gather @!p0 [hbm4b:s4+s31], $0x80, s28, s31, $0xb8;
	[tilespmem:$0x1B540] =	vst v63  }
0x7b: {  	_ =	swait.ge @!p0 [sflag:s26], $0x4000  }
.Ltmp2:
0x7c: {  	[sflag:s26] =	ssyncset.done @!p0 $0x0;
	(pc) =	sbr.rel @p1 .LBB2_6-.Ltmp2, $4  }
0x7d: {  	[sflag:s26] =	ssyncadd.s32 @!p0 $0xFFFFC000;
	s26 =	simm.s32 @!p0 $0x2  }
0x7e: {  	[spmem:s2] =	stream.indirect.scatter.add.f32 @!p0 [tilespmem:s29], [sflag:$0x2], $0x80, s31, s31, $0xb8;
	[tilespmem:$0x1B540] =	vst v63  }
0x7f: {  	s24 =	sadd.s32 $0x10, s24;
	_ =	swait.ge @!p0 [sflag:s26], $0x4000  }
0x80: {  	p2 =	sge.s32 s30, s22;
	s23 =	sadd.s32 $0x10, s23;
	[sflag:s26] =	ssyncset.done @!p0 $0x0  }
0x81: {  	s22 =	simm.s32 @!p2 $0x0;
	s25 =	simm.s32 @!p2 $0x3;
	[sflag:s26] =	ssyncadd.s32 @!p0 $0xFFFFC000  }
0x82: {  	[tilespmem:s22], [sflag:$0x3] =	stream.linear.gather @!p2 [hbm4b:s24+s22], $0x80, $0x38;
	[tilespmem:$0x1B540] =	vst v63  }
0x83: {  	_ =	swait.ge @!p2 [sflag:s25], $0x80  }
0x84: {  	p0 =	por p2, p2;
	[sflag:s25] =	ssyncset.done @!p2 $0x0  }
0x85: {  	s24 =	simm.s32 @!p0 $0x80;
	[sflag:s25] =	ssyncadd.s32 @!p0 $0xFFFFFF80  }
0x86: {  	[tilespmem:s24], [sflag:$0x3] =	stream.linear.gather @!p0 [hbm4b:s23+s22], $0x80, $0x38;
	[tilespmem:$0x1B540] =	vst v63  }
0x87: {  	_ =	swait.ge @!p0 [sflag:s25], $0x80  }
0x88: {  	[sflag:s25] =	ssyncset.done @!p0 $0x0  }
0x89: {  	s23 =	simm.s32 @!p0 $0x100;
	[sflag:s25] =	ssyncadd.s32 @!p0 $0xFFFFFF80;
	s25 =	simm.s32 @!p0 $0x1  }
0x8a: {  	[tilespmem:s23], [sflag:$0x1] =	stream.indirect.gather @!p0 [hbm4b:s4+s24], $0x80, s22, s24, $0xb8;
	[tilespmem:$0x1B540] =	vst v63  }
0x8b: {  	_ =	swait.ge @!p0 [sflag:s25], $0x4000  }
0x8c: {  	[sflag:s25] =	ssyncset.done @!p0 $0x0  }
0x8d: {  	s22 =	simm.s32 @!p0 $0x2;
	[sflag:s25] =	ssyncadd.s32 @!p0 $0xFFFFC000  }
0x8e: {  	[spmem:s2] =	stream.indirect.scatter.add.f32 @!p0 [tilespmem:s23], [sflag:$0x2], $0x80, s24, s24, $0xb8;
	[tilespmem:$0x1B540] =	vst v63  }
0x8f: {  	_ =	swait.ge @!p0 [sflag:s22], $0x4000  }
0x90: {  	s3 =	sadd.s32 $0x1, s3;
	[sflag:s22] =	ssyncset.done @!p0 $0x0  }
0x91: {  	s29 =	sshll.u32 s0, $0x6;
	[sflag:s22] =	ssyncadd.s32 @!p0 $0xFFFFC000;
	p0 =	sne.s32 s3, s7  }
.Ltmp3:
0x92: {  	s31 =	sshrl.u32 s2, $0x3;
	s30 =	sor.u32 $0x1C02, s29;
	(pc) =	sbr.rel @p0 .LBB2_1-.Ltmp3, $4  }
0x93: {  	[hbm:s6], [sflag:s30] =	dma.local [spmem:s31], $0x2800  }
0x94: {  	_ =	swait.ge [sflag:s20], $0x2800  }
0x95: {  	[sflag:s20] =	ssyncset.done $0x0  }
0x96: {  	[sflag:s20] =	ssyncadd.s32 $0xFFFFD800  }
0x97: {  	_ =	sfence.sel $0x180000  }
0x98: {  	[bflag:$0x0] =	sbarrier.arrive $0xFFFF  }
0x99: {  	p0 =	sne.s32 s0, $0x0;
	_ =	strace $0x90000050  }
0x9a: {  	s0 =	sadd.s32 @!p0 $0x100000, s1;
	[bflag:$0x2] =	sbarrier.arrive $0xFFFF  }
0x9b: {  	[sflag:s0] =	ssyncadd.tile.s32 @!p0 $0x1;
	_ =	shalt  }
.Lfunc_end2:
_tile_overlayer_lowered:
.L_overlay_start_2:
0x9c: {  	(tag) =	ssettag $0x2  }
0x9d: {  	s0 =	rddreg [dreg:$0x0];
	s2 =	stileid.u32  }
0x9e: {  	s1 =	rddreg [dreg:$0x1];
	p0 =	sne.s32 s2, $0x0  }
0x9f: {  	s3 =	rddreg [dreg:$0x2];
	[bflag:$0x3] =	sbarrier.arrive $0xFFFF;
	s2 =	simm.s32 @!p0 $0x1C02  }
0xa0: {  	[timem:s3], [sflag:s2] =	dma.local @!p0 [hbm:s0], s1  }
0xa1: {  	s0 =	simm.s32 @!p0 $0x2  }
0xa2: {  	_ =	swait.ge @!p0 [sflag:s0], s1  }
0xa3: {  	s1 =	ssub.s32 @!p0 $0x0, s1;
	[sflag:s0] =	ssyncset.done @!p0 $0x0  }
0xa4: {  	[sflag:s0] =	ssyncadd.s32 @!p0 s1  }
0xa5: {  	[bflag:$0x3] =	sbarrier.arrive $0xFFFF  }
0xa6: {  	_ =	shalt  }

</sc_bundles>
